<compile_context>
chip_gen: v7x
topology: tpu7x:2x2x1
jax: 0.10.2.dev20260603
libtpu: 0.0.44.dev20260713+nightly
codegen_flags: <defaults>
</compile_context>

<pallas_src>
import functools

import jax
import jax.numpy as jnp
from jax import lax
from jax.experimental import pallas as pl
from jax.experimental.pallas import tpu as pltpu
from jax.experimental.pallas import tpu_sc as plsc

VOCAB = 100000
D = 128
L = 200
B = 1024
N = B * L

NC = 2
NS = 16
NW = NC * NS
PER_W = N // NW
CHUNK = 64
NCHUNK = PER_W // CHUNK
NSLOT = 4
GRP = 16
COMB_PAD = 608
ROWS_PER_TILE = COMB_PAD // NS

_mesh = plsc.VectorSubcoreMesh(core_axis_name="c", subcore_axis_name="s")


@functools.partial(
    pl.kernel,
    out_type=jax.ShapeDtypeStruct((N, D), jnp.float32),
    mesh=_mesh,
    scratch_types=(
        [pltpu.VMEM_SHARED((COMB_PAD, D), jnp.float32)]
        + [pltpu.VMEM((3 * D,), jnp.float32)]
        + [pltpu.VMEM((L * D,), jnp.float32)]
        + [pltpu.VMEM((ROWS_PER_TILE, D), jnp.float32)]
        + [pltpu.VMEM((CHUNK,), jnp.int32)] * NSLOT
        + [pltpu.VMEM((CHUNK,), jnp.int32)] * NSLOT
        + [pltpu.VMEM((CHUNK,), jnp.int32)] * NSLOT
        + [pltpu.VMEM((CHUNK, D), jnp.float32)] * NSLOT
        + [pltpu.VMEM((CHUNK, D), jnp.float32)] * NSLOT
        + [pltpu.SemaphoreType.DMA]
        + [pltpu.SemaphoreType.DMA]
        + [pltpu.SemaphoreType.DMA] * NSLOT
        + [pltpu.SemaphoreType.DMA] * NSLOT
        + [pltpu.SemaphoreType.DMA] * NSLOT
    ),
)
def _emb_kernel(x_hbm, seg_hbm, tok_hbm, segtab_hbm, pe_hbm, out_hbm,
                comb_sh, segtab_v, pe_v, bld, *rest):
    idx = rest[0:NSLOT]
    sgv = rest[NSLOT:2 * NSLOT]
    cidx = rest[2 * NSLOT:3 * NSLOT]
    tok = rest[3 * NSLOT:4 * NSLOT]
    comb = rest[4 * NSLOT:5 * NSLOT]
    psem = rest[5 * NSLOT]
    isem = rest[5 * NSLOT + 1]
    gsem = rest[5 * NSLOT + 2:6 * NSLOT + 2]
    csem = rest[6 * NSLOT + 2:7 * NSLOT + 2]
    ssem = rest[7 * NSLOT + 2:8 * NSLOT + 2]

    cid = lax.axis_index("c")
    tid = lax.axis_index("s")
    wid = tid * NC + cid
    base_w = wid * PER_W

    def stage_i(c, p):
        base = base_w + c * CHUNK
        pltpu.make_async_copy(x_hbm.at[pl.ds(base, CHUNK)], idx[p], isem).start()
        pltpu.make_async_copy(seg_hbm.at[pl.ds(base, CHUNK)], sgv[p], isem).start()

    def comb_launch(p):
        pltpu.make_async_copy(comb_sh.at[cidx[p]], comb[p], csem[p]).start()

    def stage_g(c, p, wait_store, with_comb=True):
        base = base_w + c * CHUNK
        pltpu.make_async_copy(x_hbm.at[pl.ds(base, CHUNK)], idx[p], isem).wait()
        pltpu.make_async_copy(seg_hbm.at[pl.ds(base, CHUNK)], sgv[p], isem).wait()
        if wait_store:
            pltpu.make_async_copy(tok[p], out_hbm.at[pl.ds(0, CHUNK)],
                                  ssem[p]).wait()
        for g in range(CHUNK // GRP):
            o = g * GRP
            fi = base + o + lax.iota(jnp.int32, GRP)
            cidx[p][pl.ds(o, GRP)] = (
                sgv[p][pl.ds(o, GRP)] * L + lax.rem(fi, L)
            )
        pltpu.make_async_copy(tok_hbm.at[idx[p]], tok[p], gsem[p]).start()
        if with_comb:
            comb_launch(p)

    def stage_f(c, p):
        base = base_w + c * CHUNK
        pltpu.make_async_copy(tok_hbm.at[idx[p]], tok[p], gsem[p]).wait()
        pltpu.make_async_copy(comb_sh.at[cidx[p]], comb[p], csem[p]).wait()

        @plsc.parallel_loop(0, CHUNK, step=1, unroll=4)
        def add_row(r):
            for g in range(D // GRP):
                o = g * GRP
                plsc.addupdate(tok[p].at[r, pl.ds(o, GRP)],
                               comb[p][r, pl.ds(o, GRP)])

        pltpu.make_async_copy(tok[p], out_hbm.at[pl.ds(base, CHUNK)],
                              ssem[p]).start()

    pe_cp = pltpu.make_async_copy(pe_hbm, pe_v, psem)
    pe_cp.start()
    pltpu.sync_copy(segtab_hbm, segtab_v)
    for c in range(NSLOT):
        stage_i(c, c)
        stage_g(c, c, False, with_comb=False)

    pe_cp.wait()

    @plsc.parallel_loop(0, ROWS_PER_TILE, step=1, unroll=2)
    def build_row(j):
        row = tid * ROWS_PER_TILE + j
        s = jnp.minimum(row // L, 2)
        ll = jnp.minimum(row - s * L, L - 1)
        for g in range(D // GRP):
            o = g * GRP
            bld[j, pl.ds(o, GRP)] = (
                pe_v[pl.ds(ll * D + o, GRP)] + segtab_v[pl.ds(s * D + o, GRP)]
            )

    pltpu.sync_copy(
        bld, comb_sh.at[pl.ds(tid * ROWS_PER_TILE, ROWS_PER_TILE), :])
    plsc.subcore_barrier()
    for p in range(NSLOT):
        comb_launch(p)

    stage_f(0, 0)
    stage_f(1, 1)
    stage_i(4, 0)
    stage_g(4, 0, True)
    stage_f(2, 2)
    stage_i(5, 1)
    stage_g(5, 1, True)
    stage_f(3, 3)
    stage_i(6, 2)

    def body(cc, carry):
        c0 = 4 * cc
        for j in range(4):
            c = c0 + j
            stage_g(c + 2, (j + 2) % NSLOT, True)
            stage_f(c, j)
            stage_i(c + 3, (j + 3) % NSLOT)
        return carry

    lax.fori_loop(1, NCHUNK // 4 - 1, body, 0)
    c0 = NCHUNK - 4
    stage_g(c0 + 2, (c0 + 2) % NSLOT, True)
    stage_f(c0, c0 % NSLOT)
    stage_i(c0 + 3, (c0 + 3) % NSLOT)
    stage_g(c0 + 3, (c0 + 3) % NSLOT, True)
    stage_f(c0 + 1, (c0 + 1) % NSLOT)
    stage_f(c0 + 2, (c0 + 2) % NSLOT)
    stage_f(c0 + 3, (c0 + 3) % NSLOT)
    for p in range(NSLOT):
        pltpu.make_async_copy(tok[p], out_hbm.at[pl.ds(0, CHUNK)],
                              ssem[p]).wait()


def kernel(x, seg, tok_table, seg_table, pe):
    x_flat = x.reshape(-1).astype(jnp.int32)
    seg_flat = seg.reshape(-1).astype(jnp.int32)
    pe_flat = pe[0, :L, :].reshape(-1).astype(jnp.float32)
    segtab_flat = seg_table.reshape(-1).astype(jnp.float32)
    out = _emb_kernel(x_flat, seg_flat, tok_table, segtab_flat, pe_flat)
    return out.reshape(B, L, D)

# --- scband reference (transcript-rebuilt; emitter-appended) ---
"""Pipeline reference for scband-bertembedding-30090540876473 (READ-ONLY COPY).

The authoritative reference and input builder live on the scoring server;
editing this copy changes nothing except your own understanding.
"""

import jax, jax.numpy as jnp
import numpy as np

VOCAB = 100000
D = 128
MAX_SEQ_LEN = 512
B = 1024
L = 200


def _make_pe():
    pos = np.arange(MAX_SEQ_LEN, dtype=np.float32)[:, None]
    div = np.exp(np.arange(0, D, 2, dtype=np.float32) * -(np.log(10000.0) / D))
    pe = np.zeros((MAX_SEQ_LEN, D), dtype=np.float32)
    pe[:, 0::2] = np.sin(pos * div)
    pe[:, 1::2] = np.cos(pos * div)
    return jnp.asarray(pe)[None, :, :]  # [1, MAX_SEQ_LEN, D]


def setup_inputs(seed: int = 0) -> dict:
    key = jax.random.key(seed)
    k1, k2, k3, k4 = jax.random.split(key, 4)
    x = jax.random.randint(k1, (B, L), 0, VOCAB)
    seg = jax.random.randint(k2, (B, L), 0, 3)
    # nn.Embedding default init: N(0, 1); padding_idx=0 row zeroed
    tok_table = jax.random.normal(k3, (VOCAB, D), dtype=jnp.float32)
    tok_table = tok_table.at[0].set(0.0)
    seg_table = jax.random.normal(k4, (3, D), dtype=jnp.float32)
    seg_table = seg_table.at[0].set(0.0)
    pe = _make_pe()
    return {"x": x, "seg": seg, "tok_table": tok_table, "seg_table": seg_table, "pe": pe}


def reference(x, seg, tok_table, seg_table, pe):
    # TokenEmbedding lookup (gather)
    tok_emb = jnp.take(tok_table, x, axis=0)          # [B, L, D]
    # SegmentEmbedding lookup (gather)
    seg_emb = jnp.take(seg_table, seg, axis=0)        # [B, L, D]
    # PosEmbedding: fixed sinusoidal buffer sliced to seq len
    pos_emb = pe[:, : x.shape[1]]                     # [1, L, D]
    out = tok_emb + seg_emb + pos_emb
    # dropout(p=0) is identity
    return out

if __name__ == "__main__":
    import jax
    _d = setup_inputs()
    print(jax.jit(kernel)(*tuple(_d.values())))

</pallas_src>

<mosaic_0001>
#map = affine_map<(d0, d1) -> (0)>
#map1 = affine_map<(d0, d1) -> (0, 0)>
module attributes {stable_mosaic.version = 14 : i64} {
  func.func @_emb_kernel(%arg0: i32, %arg1: i32, %arg2: memref<204800xi32, #tpu.memory_space<hbm>>, %arg3: memref<204800xi32, #tpu.memory_space<hbm>>, %arg4: memref<100000x128xf32, #tpu.memory_space<hbm>>, %arg5: memref<384xf32, #tpu.memory_space<hbm>>, %arg6: memref<25600xf32, #tpu.memory_space<hbm>>, %arg7: memref<204800x128xf32, #tpu.memory_space<hbm>>, %arg8: memref<608x128xf32, #tpu.memory_space<vmem_shared>>, %arg9: memref<384xf32, #tpu.memory_space<vmem>>, %arg10: memref<25600xf32, #tpu.memory_space<vmem>>, %arg11: memref<38x128xf32, #tpu.memory_space<vmem>>, %arg12: memref<64xi32, #tpu.memory_space<vmem>>, %arg13: memref<64xi32, #tpu.memory_space<vmem>>, %arg14: memref<64xi32, #tpu.memory_space<vmem>>, %arg15: memref<64xi32, #tpu.memory_space<vmem>>, %arg16: memref<64xi32, #tpu.memory_space<vmem>>, %arg17: memref<64xi32, #tpu.memory_space<vmem>>, %arg18: memref<64xi32, #tpu.memory_space<vmem>>, %arg19: memref<64xi32, #tpu.memory_space<vmem>>, %arg20: memref<64xi32, #tpu.memory_space<vmem>>, %arg21: memref<64xi32, #tpu.memory_space<vmem>>, %arg22: memref<64xi32, #tpu.memory_space<vmem>>, %arg23: memref<64xi32, #tpu.memory_space<vmem>>, %arg24: memref<64x128xf32, #tpu.memory_space<vmem>>, %arg25: memref<64x128xf32, #tpu.memory_space<vmem>>, %arg26: memref<64x128xf32, #tpu.memory_space<vmem>>, %arg27: memref<64x128xf32, #tpu.memory_space<vmem>>, %arg28: memref<64x128xf32, #tpu.memory_space<vmem>>, %arg29: memref<64x128xf32, #tpu.memory_space<vmem>>, %arg30: memref<64x128xf32, #tpu.memory_space<vmem>>, %arg31: memref<64x128xf32, #tpu.memory_space<vmem>>, %arg32: memref<!tpu.dma_semaphore, #tpu.memory_space<semaphore_mem>>, %arg33: memref<!tpu.dma_semaphore, #tpu.memory_space<semaphore_mem>>, %arg34: memref<!tpu.dma_semaphore, #tpu.memory_space<semaphore_mem>>, %arg35: memref<!tpu.dma_semaphore, #tpu.memory_space<semaphore_mem>>, %arg36: memref<!tpu.dma_semaphore, #tpu.memory_space<semaphore_mem>>, %arg37: memref<!tpu.dma_semaphore, #tpu.memory_space<semaphore_mem>>, %arg38: memref<!tpu.dma_semaphore, #tpu.memory_space<semaphore_mem>>, %arg39: memref<!tpu.dma_semaphore, #tpu.memory_space<semaphore_mem>>, %arg40: memref<!tpu.dma_semaphore, #tpu.memory_space<semaphore_mem>>, %arg41: memref<!tpu.dma_semaphore, #tpu.memory_space<semaphore_mem>>, %arg42: memref<!tpu.dma_semaphore, #tpu.memory_space<semaphore_mem>>, %arg43: memref<!tpu.dma_semaphore, #tpu.memory_space<semaphore_mem>>, %arg44: memref<!tpu.dma_semaphore, #tpu.memory_space<semaphore_mem>>, %arg45: memref<!tpu.dma_semaphore, #tpu.memory_space<semaphore_mem>>) attributes {dimension_semantics = [#tpu.dimension_semantics<core_parallel>, #tpu.dimension_semantics<subcore_parallel>], iteration_bounds = array<i64: 2, 16>, scalar_prefetch = 0 : i64, scratch_operands = 38 : i64, tpu.core_type = #tpu.core_type<sc_vector_subcore>, window_params = [{transform_indices = #map}, {transform_indices = #map}, {transform_indices = #map1}, {transform_indices = #map}, {transform_indices = #map}, {transform_indices = #map1}]} {
    %mul3A = arith.constant 2 : i32
    %mul3A_0 = arith.muli %arg1, %mul3A : i32
    %add3A = arith.addi %mul3A_0, %arg0 : i32
    %mul3A_1 = arith.constant 6400 : i32
    %mul3A_2 = arith.muli %add3A, %mul3A_1 : i32
    tpu.enqueue_dma source(%arg6 : memref<25600xf32, #tpu.memory_space<hbm>>) target(%arg10 : memref<25600xf32, #tpu.memory_space<vmem>>) target_semaphore(%arg32 : memref<!tpu.dma_semaphore, #tpu.memory_space<semaphore_mem>>)
    "tpu.region"() ({
      %run_scoped3A = tpu.sem_alloc : memref<!tpu.dma_semaphore, #tpu.memory_space<semaphore_mem>>
      tpu.enqueue_dma source(%arg5 : memref<384xf32, #tpu.memory_space<hbm>>) target(%arg9 : memref<384xf32, #tpu.memory_space<vmem>>) target_semaphore(%run_scoped3A : memref<!tpu.dma_semaphore, #tpu.memory_space<semaphore_mem>>)
      tpu.wait_dma2 semaphore(%run_scoped3A : memref<!tpu.dma_semaphore, #tpu.memory_space<semaphore_mem>>) src(%arg5 : memref<384xf32, #tpu.memory_space<hbm>>) dst(%arg9 : memref<384xf32, #tpu.memory_space<vmem>>)
      tpu.yield
    }) : () -> ()
    %add3A_3 = arith.constant 0 : i32
    %add3A_4 = arith.addi %mul3A_2, %add3A_3 : i32
    %dma_start3A = tpu.memref_slice %arg2[%add3A_4] : memref<204800xi32, #tpu.memory_space<hbm>> -> memref<64xi32, #tpu.memory_space<hbm>>
    %dma_start3A_5 = tpu.memref_slice %arg2[%add3A_4] : memref<204800xi32, #tpu.memory_space<hbm>> -> memref<64xi32, #tpu.memory_space<hbm>>
    tpu.enqueue_dma source(%dma_start3A_5 : memref<64xi32, #tpu.memory_space<hbm>>) target(%arg12 : memref<64xi32, #tpu.memory_space<vmem>>) target_semaphore(%arg33 : memref<!tpu.dma_semaphore, #tpu.memory_space<semaphore_mem>>)
    %dma_start3A_6 = tpu.memref_slice %arg3[%add3A_4] : memref<204800xi32, #tpu.memory_space<hbm>> -> memref<64xi32, #tpu.memory_space<hbm>>
    %dma_start3A_7 = tpu.memref_slice %arg3[%add3A_4] : memref<204800xi32, #tpu.memory_space<hbm>> -> memref<64xi32, #tpu.memory_space<hbm>>
    tpu.enqueue_dma source(%dma_start3A_7 : memref<64xi32, #tpu.memory_space<hbm>>) target(%arg16 : memref<64xi32, #tpu.memory_space<vmem>>) target_semaphore(%arg33 : memref<!tpu.dma_semaphore, #tpu.memory_space<semaphore_mem>>)
    %add3A_8 = arith.constant 0 : i32
    %add3A_9 = arith.addi %mul3A_2, %add3A_8 : i32
    %dma_wait3A = tpu.memref_slice %arg2[%add3A_9] : memref<204800xi32, #tpu.memory_space<hbm>> -> memref<64xi32, #tpu.memory_space<hbm>>
    %dma_wait3A_10 = tpu.memref_slice %arg2[%add3A_9] : memref<204800xi32, #tpu.memory_space<hbm>> -> memref<64xi32, #tpu.memory_space<hbm>>
    tpu.wait_dma2 semaphore(%arg33 : memref<!tpu.dma_semaphore, #tpu.memory_space<semaphore_mem>>) src(%dma_wait3A_10 : memref<64xi32, #tpu.memory_space<hbm>>) dst(%arg12 : memref<64xi32, #tpu.memory_space<vmem>>)
    %dma_wait3A_11 = tpu.memref_slice %arg3[%add3A_9] : memref<204800xi32, #tpu.memory_space<hbm>> -> memref<64xi32, #tpu.memory_space<hbm>>
    %dma_wait3A_12 = tpu.memref_slice %arg3[%add3A_9] : memref<204800xi32, #tpu.memory_space<hbm>> -> memref<64xi32, #tpu.memory_space<hbm>>
    tpu.wait_dma2 semaphore(%arg33 : memref<!tpu.dma_semaphore, #tpu.memory_space<semaphore_mem>>) src(%dma_wait3A_12 : memref<64xi32, #tpu.memory_space<hbm>>) dst(%arg16 : memref<64xi32, #tpu.memory_space<vmem>>)
    %add3A_13 = arith.constant 0 : i32
    %add3A_14 = arith.addi %add3A_9, %add3A_13 : i32
    %iota3A = tpu.iota {dimensions = array<i32: 0>} : vector<16xi32>
    %add3A_15 = vector.broadcast %add3A_14 : i32 to vector<16xi32>
    %add3A_16 = arith.addi %add3A_15, %iota3A : vector<16xi32>
    %get3A = arith.constant 0 : index
    %get3A_17 = tpu.vector_load %arg16[%get3A] {strides = array<i32>} : memref<64xi32, #tpu.memory_space<vmem>>, vector<16xi32>,
    %get3A_18 = vector.shape_cast %get3A_17 : vector<16xi32> to vector<16xi32>
    %mul3A_19 = arith.constant 200 : i32
    %mul3A_20 = vector.broadcast %mul3A_19 : i32 to vector<16xi32>
    %mul3A_21 = arith.muli %get3A_18, %mul3A_20 : vector<16xi32>
    %rem3A = arith.constant 200 : i32
    %rem3A_22 = vector.broadcast %rem3A : i32 to vector<16xi32>
    %rem3A_23 = arith.remsi %add3A_16, %rem3A_22 : vector<16xi32>
    %add3A_24 = arith.addi %mul3A_21, %rem3A_23 : vector<16xi32>
    %swap3A = arith.constant 0 : index
    %swap3A_25 = tpu.vector_load %arg20[%swap3A] {strides = array<i32>} : memref<64xi32, #tpu.memory_space<vmem>>, vector<16xi32>,
    %swap3A_26 = vector.shape_cast %swap3A_25 : vector<16xi32> to vector<16xi32>
    %swap3A_27 = vector.shape_cast %add3A_24 : vector<16xi32> to vector<16xi32>
    tpu.vector_store %arg20[%swap3A], %swap3A_27 {strides = array<i32>} : memref<64xi32, #tpu.memory_space<vmem>>, vector<16xi32>,
    %add3A_28 = arith.constant 16 : i32
    %add3A_29 = arith.addi %add3A_9, %add3A_28 : i32
    %iota3A_30 = tpu.iota {dimensions = array<i32: 0>} : vector<16xi32>
    %add3A_31 = vector.broadcast %add3A_29 : i32 to vector<16xi32>
    %add3A_32 = arith.addi %add3A_31, %iota3A_30 : vector<16xi32>
    %get3A_33 = arith.constant 16 : index
    %get3A_34 = tpu.vector_load %arg16[%get3A_33] {strides = array<i32>} : memref<64xi32, #tpu.memory_space<vmem>>, vector<16xi32>,
    %get3A_35 = vector.shape_cast %get3A_34 : vector<16xi32> to vector<16xi32>
    %mul3A_36 = arith.constant 200 : i32
    %mul3A_37 = vector.broadcast %mul3A_36 : i32 to vector<16xi32>
    %mul3A_38 = arith.muli %get3A_35, %mul3A_37 : vector<16xi32>
    %rem3A_39 = arith.constant 200 : i32
    %rem3A_40 = vector.broadcast %rem3A_39 : i32 to vector<16xi32>
    %rem3A_41 = arith.remsi %add3A_32, %rem3A_40 : vector<16xi32>
    %add3A_42 = arith.addi %mul3A_38, %rem3A_41 : vector<16xi32>
    %swap3A_43 = arith.constant 16 : index
    %swap3A_44 = tpu.vector_load %arg20[%swap3A_43] {strides = array<i32>} : memref<64xi32, #tpu.memory_space<vmem>>, vector<16xi32>,
    %swap3A_45 = vector.shape_cast %swap3A_44 : vector<16xi32> to vector<16xi32>
    %swap3A_46 = vector.shape_cast %add3A_42 : vector<16xi32> to vector<16xi32>
    tpu.vector_store %arg20[%swap3A_43], %swap3A_46 {strides = array<i32>} : memref<64xi32, #tpu.memory_space<vmem>>, vector<16xi32>,
    %add3A_47 = arith.constant 32 : i32
    %add3A_48 = arith.addi %add3A_9, %add3A_47 : i32
    %iota3A_49 = tpu.iota {dimensions = array<i32: 0>} : vector<16xi32>
    %add3A_50 = vector.broadcast %add3A_48 : i32 to vector<16xi32>
    %add3A_51 = arith.addi %add3A_50, %iota3A_49 : vector<16xi32>
    %get3A_52 = arith.constant 32 : index
    %get3A_53 = tpu.vector_load %arg16[%get3A_52] {strides = array<i32>} : memref<64xi32, #tpu.memory_space<vmem>>, vector<16xi32>,
    %get3A_54 = vector.shape_cast %get3A_53 : vector<16xi32> to vector<16xi32>
    %mul3A_55 = arith.constant 200 : i32
    %mul3A_56 = vector.broadcast %mul3A_55 : i32 to vector<16xi32>
    %mul3A_57 = arith.muli %get3A_54, %mul3A_56 : vector<16xi32>
    %rem3A_58 = arith.constant 200 : i32
    %rem3A_59 = vector.broadcast %rem3A_58 : i32 to vector<16xi32>
    %rem3A_60 = arith.remsi %add3A_51, %rem3A_59 : vector<16xi32>
    %add3A_61 = arith.addi %mul3A_57, %rem3A_60 : vector<16xi32>
    %swap3A_62 = arith.constant 32 : index
    %swap3A_63 = tpu.vector_load %arg20[%swap3A_62] {strides = array<i32>} : memref<64xi32, #tpu.memory_space<vmem>>, vector<16xi32>,
    %swap3A_64 = vector.shape_cast %swap3A_63 : vector<16xi32> to vector<16xi32>
    %swap3A_65 = vector.shape_cast %add3A_61 : vector<16xi32> to vector<16xi32>
    tpu.vector_store %arg20[%swap3A_62], %swap3A_65 {strides = array<i32>} : memref<64xi32, #tpu.memory_space<vmem>>, vector<16xi32>,
    %add3A_66 = arith.constant 48 : i32
    %add3A_67 = arith.addi %add3A_9, %add3A_66 : i32
    %iota3A_68 = tpu.iota {dimensions = array<i32: 0>} : vector<16xi32>
    %add3A_69 = vector.broadcast %add3A_67 : i32 to vector<16xi32>
    %add3A_70 = arith.addi %add3A_69, %iota3A_68 : vector<16xi32>
    %get3A_71 = arith.constant 48 : index
    %get3A_72 = tpu.vector_load %arg16[%get3A_71] {strides = array<i32>} : memref<64xi32, #tpu.memory_space<vmem>>, vector<16xi32>,
    %get3A_73 = vector.shape_cast %get3A_72 : vector<16xi32> to vector<16xi32>
    %mul3A_74 = arith.constant 200 : i32
    %mul3A_75 = vector.broadcast %mul3A_74 : i32 to vector<16xi32>
    %mul3A_76 = arith.muli %get3A_73, %mul3A_75 : vector<16xi32>
    %rem3A_77 = arith.constant 200 : i32
    %rem3A_78 = vector.broadcast %rem3A_77 : i32 to vector<16xi32>
    %rem3A_79 = arith.remsi %add3A_70, %rem3A_78 : vector<16xi32>
    %add3A_80 = arith.addi %mul3A_76, %rem3A_79 : vector<16xi32>
    %swap3A_81 = arith.constant 48 : index
    %swap3A_82 = tpu.vector_load %arg20[%swap3A_81] {strides = array<i32>} : memref<64xi32, #tpu.memory_space<vmem>>, vector<16xi32>,
    %swap3A_83 = vector.shape_cast %swap3A_82 : vector<16xi32> to vector<16xi32>
    %swap3A_84 = vector.shape_cast %add3A_80 : vector<16xi32> to vector<16xi32>
    tpu.vector_store %arg20[%swap3A_81], %swap3A_84 {strides = array<i32>} : memref<64xi32, #tpu.memory_space<vmem>>, vector<16xi32>,
    %dma_start3A_85 = arith.constant 0 : i32
    %dma_start3A_86 = arith.constant 0 : i32
    %dma_start3A_87 = tpu.memref_slice %arg4[%dma_start3A_85, %dma_start3A_86] : memref<100000x128xf32, #tpu.memory_space<hbm>> -> memref<100000x128xf32, #tpu.memory_space<hbm>>
    tpu.enqueue_indirect_dma source(%dma_start3A_87 : memref<100000x128xf32, #tpu.memory_space<hbm>>) target(%arg24 : memref<64x128xf32, #tpu.memory_space<vmem>>) offsets(%arg12 : memref<64xi32, #tpu.memory_space<vmem>>) semaphore(%arg34 : memref<!tpu.dma_semaphore, #tpu.memory_space<semaphore_mem>>)
    %add3A_88 = arith.constant 64 : i32
    %add3A_89 = arith.addi %mul3A_2, %add3A_88 : i32
    %dma_start3A_90 = tpu.memref_slice %arg2[%add3A_89] : memref<204800xi32, #tpu.memory_space<hbm>> -> memref<64xi32, #tpu.memory_space<hbm>>
    %dma_start3A_91 = tpu.memref_slice %arg2[%add3A_89] : memref<204800xi32, #tpu.memory_space<hbm>> -> memref<64xi32, #tpu.memory_space<hbm>>
    tpu.enqueue_dma source(%dma_start3A_91 : memref<64xi32, #tpu.memory_space<hbm>>) target(%arg13 : memref<64xi32, #tpu.memory_space<vmem>>) target_semaphore(%arg33 : memref<!tpu.dma_semaphore, #tpu.memory_space<semaphore_mem>>)
    %dma_start3A_92 = tpu.memref_slice %arg3[%add3A_89] : memref<204800xi32, #tpu.memory_space<hbm>> -> memref<64xi32, #tpu.memory_space<hbm>>
    %dma_start3A_93 = tpu.memref_slice %arg3[%add3A_89] : memref<204800xi32, #tpu.memory_space<hbm>> -> memref<64xi32, #tpu.memory_space<hbm>>
    tpu.enqueue_dma source(%dma_start3A_93 : memref<64xi32, #tpu.memory_space<hbm>>) target(%arg17 : memref<64xi32, #tpu.memory_space<vmem>>) target_semaphore(%arg33 : memref<!tpu.dma_semaphore, #tpu.memory_space<semaphore_mem>>)
    %add3A_94 = arith.constant 64 : i32
    %add3A_95 = arith.addi %mul3A_2, %add3A_94 : i32
    %dma_wait3A_96 = tpu.memref_slice %arg2[%add3A_95] : memref<204800xi32, #tpu.memory_space<hbm>> -> memref<64xi32, #tpu.memory_space<hbm>>
    %dma_wait3A_97 = tpu.memref_slice %arg2[%add3A_95] : memref<204800xi32, #tpu.memory_space<hbm>> -> memref<64xi32, #tpu.memory_space<hbm>>
    tpu.wait_dma2 semaphore(%arg33 : memref<!tpu.dma_semaphore, #tpu.memory_space<semaphore_mem>>) src(%dma_wait3A_97 : memref<64xi32, #tpu.memory_space<hbm>>) dst(%arg13 : memref<64xi32, #tpu.memory_space<vmem>>)
    %dma_wait3A_98 = tpu.memref_slice %arg3[%add3A_95] : memref<204800xi32, #tpu.memory_space<hbm>> -> memref<64xi32, #tpu.memory_space<hbm>>
    %dma_wait3A_99 = tpu.memref_slice %arg3[%add3A_95] : memref<204800xi32, #tpu.memory_space<hbm>> -> memref<64xi32, #tpu.memory_space<hbm>>
    tpu.wait_dma2 semaphore(%arg33 : memref<!tpu.dma_semaphore, #tpu.memory_space<semaphore_mem>>) src(%dma_wait3A_99 : memref<64xi32, #tpu.memory_space<hbm>>) dst(%arg17 : memref<64xi32, #tpu.memory_space<vmem>>)
    %add3A_100 = arith.constant 0 : i32
    %add3A_101 = arith.addi %add3A_95, %add3A_100 : i32
    %iota3A_102 = tpu.iota {dimensions = array<i32: 0>} : vector<16xi32>
    %add3A_103 = vector.broadcast %add3A_101 : i32 to vector<16xi32>
    %add3A_104 = arith.addi %add3A_103, %iota3A_102 : vector<16xi32>
    %get3A_105 = arith.constant 0 : index
    %get3A_106 = tpu.vector_load %arg17[%get3A_105] {strides = array<i32>} : memref<64xi32, #tpu.memory_space<vmem>>, vector<16xi32>,
    %get3A_107 = vector.shape_cast %get3A_106 : vector<16xi32> to vector<16xi32>
    %mul3A_108 = arith.constant 200 : i32
    %mul3A_109 = vector.broadcast %mul3A_108 : i32 to vector<16xi32>
    %mul3A_110 = arith.muli %get3A_107, %mul3A_109 : vector<16xi32>
    %rem3A_111 = arith.constant 200 : i32
    %rem3A_112 = vector.broadcast %rem3A_111 : i32 to vector<16xi32>
    %rem3A_113 = arith.remsi %add3A_104, %rem3A_112 : vector<16xi32>
    %add3A_114 = arith.addi %mul3A_110, %rem3A_113 : vector<16xi32>
    %swap3A_115 = arith.constant 0 : index
    %swap3A_116 = tpu.vector_load %arg21[%swap3A_115] {strides = array<i32>} : memref<64xi32, #tpu.memory_space<vmem>>, vector<16xi32>,
    %swap3A_117 = vector.shape_cast %swap3A_116 : vector<16xi32> to vector<16xi32>
    %swap3A_118 = vector.shape_cast %add3A_114 : vector<16xi32> to vector<16xi32>
    tpu.vector_store %arg21[%swap3A_115], %swap3A_118 {strides = array<i32>} : memref<64xi32, #tpu.memory_space<vmem>>, vector<16xi32>,
    %add3A_119 = arith.constant 16 : i32
    %add3A_120 = arith.addi %add3A_95, %add3A_119 : i32
    %iota3A_121 = tpu.iota {dimensions = array<i32: 0>} : vector<16xi32>
    %add3A_122 = vector.broadcast %add3A_120 : i32 to vector<16xi32>
    %add3A_123 = arith.addi %add3A_122, %iota3A_121 : vector<16xi32>
    %get3A_124 = arith.constant 16 : index
    %get3A_125 = tpu.vector_load %arg17[%get3A_124] {strides = array<i32>} : memref<64xi32, #tpu.memory_space<vmem>>, vector<16xi32>,
    %get3A_126 = vector.shape_cast %get3A_125 : vector<16xi32> to vector<16xi32>
    %mul3A_127 = arith.constant 200 : i32
    %mul3A_128 = vector.broadcast %mul3A_127 : i32 to vector<16xi32>
    %mul3A_129 = arith.muli %get3A_126, %mul3A_128 : vector<16xi32>
    %rem3A_130 = arith.constant 200 : i32
    %rem3A_131 = vector.broadcast %rem3A_130 : i32 to vector<16xi32>
    %rem3A_132 = arith.remsi %add3A_123, %rem3A_131 : vector<16xi32>
    %add3A_133 = arith.addi %mul3A_129, %rem3A_132 : vector<16xi32>
    %swap3A_134 = arith.constant 16 : index
    %swap3A_135 = tpu.vector_load %arg21[%swap3A_134] {strides = array<i32>} : memref<64xi32, #tpu.memory_space<vmem>>, vector<16xi32>,
    %swap3A_136 = vector.shape_cast %swap3A_135 : vector<16xi32> to vector<16xi32>
    %swap3A_137 = vector.shape_cast %add3A_133 : vector<16xi32> to vector<16xi32>
    tpu.vector_store %arg21[%swap3A_134], %swap3A_137 {strides = array<i32>} : memref<64xi32, #tpu.memory_space<vmem>>, vector<16xi32>,
    %add3A_138 = arith.constant 32 : i32
    %add3A_139 = arith.addi %add3A_95, %add3A_138 : i32
    %iota3A_140 = tpu.iota {dimensions = array<i32: 0>} : vector<16xi32>
    %add3A_141 = vector.broadcast %add3A_139 : i32 to vector<16xi32>
    %add3A_142 = arith.addi %add3A_141, %iota3A_140 : vector<16xi32>
    %get3A_143 = arith.constant 32 : index
    %get3A_144 = tpu.vector_load %arg17[%get3A_143] {strides = array<i32>} : memref<64xi32, #tpu.memory_space<vmem>>, vector<16xi32>,
    %get3A_145 = vector.shape_cast %get3A_144 : vector<16xi32> to vector<16xi32>
    %mul3A_146 = arith.constant 200 : i32
    %mul3A_147 = vector.broadcast %mul3A_146 : i32 to vector<16xi32>
    %mul3A_148 = arith.muli %get3A_145, %mul3A_147 : vector<16xi32>
    %rem3A_149 = arith.constant 200 : i32
    %rem3A_150 = vector.broadcast %rem3A_149 : i32 to vector<16xi32>
    %rem3A_151 = arith.remsi %add3A_142, %rem3A_150 : vector<16xi32>
    %add3A_152 = arith.addi %mul3A_148, %rem3A_151 : vector<16xi32>
    %swap3A_153 = arith.constant 32 : index
    %swap3A_154 = tpu.vector_load %arg21[%swap3A_153] {strides = array<i32>} : memref<64xi32, #tpu.memory_space<vmem>>, vector<16xi32>,
    %swap3A_155 = vector.shape_cast %swap3A_154 : vector<16xi32> to vector<16xi32>
    %swap3A_156 = vector.shape_cast %add3A_152 : vector<16xi32> to vector<16xi32>
    tpu.vector_store %arg21[%swap3A_153], %swap3A_156 {strides = array<i32>} : memref<64xi32, #tpu.memory_space<vmem>>, vector<16xi32>,
    %add3A_157 = arith.constant 48 : i32
    %add3A_158 = arith.addi %add3A_95, %add3A_157 : i32
    %iota3A_159 = tpu.iota {dimensions = array<i32: 0>} : vector<16xi32>
    %add3A_160 = vector.broadcast %add3A_158 : i32 to vector<16xi32>
    %add3A_161 = arith.addi %add3A_160, %iota3A_159 : vector<16xi32>
    %get3A_162 = arith.constant 48 : index
    %get3A_163 = tpu.vector_load %arg17[%get3A_162] {strides = array<i32>} : memref<64xi32, #tpu.memory_space<vmem>>, vector<16xi32>,
    %get3A_164 = vector.shape_cast %get3A_163 : vector<16xi32> to vector<16xi32>
    %mul3A_165 = arith.constant 200 : i32
    %mul3A_166 = vector.broadcast %mul3A_165 : i32 to vector<16xi32>
    %mul3A_167 = arith.muli %get3A_164, %mul3A_166 : vector<16xi32>
    %rem3A_168 = arith.constant 200 : i32
    %rem3A_169 = vector.broadcast %rem3A_168 : i32 to vector<16xi32>
    %rem3A_170 = arith.remsi %add3A_161, %rem3A_169 : vector<16xi32>
    %add3A_171 = arith.addi %mul3A_167, %rem3A_170 : vector<16xi32>
    %swap3A_172 = arith.constant 48 : index
    %swap3A_173 = tpu.vector_load %arg21[%swap3A_172] {strides = array<i32>} : memref<64xi32, #tpu.memory_space<vmem>>, vector<16xi32>,
    %swap3A_174 = vector.shape_cast %swap3A_173 : vector<16xi32> to vector<16xi32>
    %swap3A_175 = vector.shape_cast %add3A_171 : vector<16xi32> to vector<16xi32>
    tpu.vector_store %arg21[%swap3A_172], %swap3A_175 {strides = array<i32>} : memref<64xi32, #tpu.memory_space<vmem>>, vector<16xi32>,
    %dma_start3A_176 = arith.constant 0 : i32
    %dma_start3A_177 = arith.constant 0 : i32
    %dma_start3A_178 = tpu.memref_slice %arg4[%dma_start3A_176, %dma_start3A_177] : memref<100000x128xf32, #tpu.memory_space<hbm>> -> memref<100000x128xf32, #tpu.memory_space<hbm>>
    tpu.enqueue_indirect_dma source(%dma_start3A_178 : memref<100000x128xf32, #tpu.memory_space<hbm>>) target(%arg25 : memref<64x128xf32, #tpu.memory_space<vmem>>) offsets(%arg13 : memref<64xi32, #tpu.memory_space<vmem>>) semaphore(%arg35 : memref<!tpu.dma_semaphore, #tpu.memory_space<semaphore_mem>>)
    %add3A_179 = arith.constant 128 : i32
    %add3A_180 = arith.addi %mul3A_2, %add3A_179 : i32
    %dma_start3A_181 = tpu.memref_slice %arg2[%add3A_180] : memref<204800xi32, #tpu.memory_space<hbm>> -> memref<64xi32, #tpu.memory_space<hbm>>
    %dma_start3A_182 = tpu.memref_slice %arg2[%add3A_180] : memref<204800xi32, #tpu.memory_space<hbm>> -> memref<64xi32, #tpu.memory_space<hbm>>
    tpu.enqueue_dma source(%dma_start3A_182 : memref<64xi32, #tpu.memory_space<hbm>>) target(%arg14 : memref<64xi32, #tpu.memory_space<vmem>>) target_semaphore(%arg33 : memref<!tpu.dma_semaphore, #tpu.memory_space<semaphore_mem>>)
    %dma_start3A_183 = tpu.memref_slice %arg3[%add3A_180] : memref<204800xi32, #tpu.memory_space<hbm>> -> memref<64xi32, #tpu.memory_space<hbm>>
    %dma_start3A_184 = tpu.memref_slice %arg3[%add3A_180] : memref<204800xi32, #tpu.memory_space<hbm>> -> memref<64xi32, #tpu.memory_space<hbm>>
    tpu.enqueue_dma source(%dma_start3A_184 : memref<64xi32, #tpu.memory_space<hbm>>) target(%arg18 : memref<64xi32, #tpu.memory_space<vmem>>) target_semaphore(%arg33 : memref<!tpu.dma_semaphore, #tpu.memory_space<semaphore_mem>>)
    %add3A_185 = arith.constant 128 : i32
    %add3A_186 = arith.addi %mul3A_2, %add3A_185 : i32
    %dma_wait3A_187 = tpu.memref_slice %arg2[%add3A_186] : memref<204800xi32, #tpu.memory_space<hbm>> -> memref<64xi32, #tpu.memory_space<hbm>>
    %dma_wait3A_188 = tpu.memref_slice %arg2[%add3A_186] : memref<204800xi32, #tpu.memory_space<hbm>> -> memref<64xi32, #tpu.memory_space<hbm>>
    tpu.wait_dma2 semaphore(%arg33 : memref<!tpu.dma_semaphore, #tpu.memory_space<semaphore_mem>>) src(%dma_wait3A_188 : memref<64xi32, #tpu.memory_space<hbm>>) dst(%arg14 : memref<64xi32, #tpu.memory_space<vmem>>)
    %dma_wait3A_189 = tpu.memref_slice %arg3[%add3A_186] : memref<204800xi32, #tpu.memory_space<hbm>> -> memref<64xi32, #tpu.memory_space<hbm>>
    %dma_wait3A_190 = tpu.memref_slice %arg3[%add3A_186] : memref<204800xi32, #tpu.memory_space<hbm>> -> memref<64xi32, #tpu.memory_space<hbm>>
    tpu.wait_dma2 semaphore(%arg33 : memref<!tpu.dma_semaphore, #tpu.memory_space<semaphore_mem>>) src(%dma_wait3A_190 : memref<64xi32, #tpu.memory_space<hbm>>) dst(%arg18 : memref<64xi32, #tpu.memory_space<vmem>>)
    %add3A_191 = arith.constant 0 : i32
    %add3A_192 = arith.addi %add3A_186, %add3A_191 : i32
    %iota3A_193 = tpu.iota {dimensions = array<i32: 0>} : vector<16xi32>
    %add3A_194 = vector.broadcast %add3A_192 : i32 to vector<16xi32>
    %add3A_195 = arith.addi %add3A_194, %iota3A_193 : vector<16xi32>
    %get3A_196 = arith.constant 0 : index
    %get3A_197 = tpu.vector_load %arg18[%get3A_196] {strides = array<i32>} : memref<64xi32, #tpu.memory_space<vmem>>, vector<16xi32>,
    %get3A_198 = vector.shape_cast %get3A_197 : vector<16xi32> to vector<16xi32>
    %mul3A_199 = arith.constant 200 : i32
    %mul3A_200 = vector.broadcast %mul3A_199 : i32 to vector<16xi32>
    %mul3A_201 = arith.muli %get3A_198, %mul3A_200 : vector<16xi32>
    %rem3A_202 = arith.constant 200 : i32
    %rem3A_203 = vector.broadcast %rem3A_202 : i32 to vector<16xi32>
    %rem3A_204 = arith.remsi %add3A_195, %rem3A_203 : vector<16xi32>
    %add3A_205 = arith.addi %mul3A_201, %rem3A_204 : vector<16xi32>
    %swap3A_206 = arith.constant 0 : index
    %swap3A_207 = tpu.vector_load %arg22[%swap3A_206] {strides = array<i32>} : memref<64xi32, #tpu.memory_space<vmem>>, vector<16xi32>,
    %swap3A_208 = vector.shape_cast %swap3A_207 : vector<16xi32> to vector<16xi32>
    %swap3A_209 = vector.shape_cast %add3A_205 : vector<16xi32> to vector<16xi32>
    tpu.vector_store %arg22[%swap3A_206], %swap3A_209 {strides = array<i32>} : memref<64xi32, #tpu.memory_space<vmem>>, vector<16xi32>,
    %add3A_210 = arith.constant 16 : i32
    %add3A_211 = arith.addi %add3A_186, %add3A_210 : i32
    %iota3A_212 = tpu.iota {dimensions = array<i32: 0>} : vector<16xi32>
    %add3A_213 = vector.broadcast %add3A_211 : i32 to vector<16xi32>
    %add3A_214 = arith.addi %add3A_213, %iota3A_212 : vector<16xi32>
    %get3A_215 = arith.constant 16 : index
    %get3A_216 = tpu.vector_load %arg18[%get3A_215] {strides = array<i32>} : memref<64xi32, #tpu.memory_space<vmem>>, vector<16xi32>,
    %get3A_217 = vector.shape_cast %get3A_216 : vector<16xi32> to vector<16xi32>
    %mul3A_218 = arith.constant 200 : i32
    %mul3A_219 = vector.broadcast %mul3A_218 : i32 to vector<16xi32>
    %mul3A_220 = arith.muli %get3A_217, %mul3A_219 : vector<16xi32>
    %rem3A_221 = arith.constant 200 : i32
    %rem3A_222 = vector.broadcast %rem3A_221 : i32 to vector<16xi32>
    %rem3A_223 = arith.remsi %add3A_214, %rem3A_222 : vector<16xi32>
    %add3A_224 = arith.addi %mul3A_220, %rem3A_223 : vector<16xi32>
    %swap3A_225 = arith.constant 16 : index
    %swap3A_226 = tpu.vector_load %arg22[%swap3A_225] {strides = array<i32>} : memref<64xi32, #tpu.memory_space<vmem>>, vector<16xi32>,
    %swap3A_227 = vector.shape_cast %swap3A_226 : vector<16xi32> to vector<16xi32>
    %swap3A_228 = vector.shape_cast %add3A_224 : vector<16xi32> to vector<16xi32>
    tpu.vector_store %arg22[%swap3A_225], %swap3A_228 {strides = array<i32>} : memref<64xi32, #tpu.memory_space<vmem>>, vector<16xi32>,
    %add3A_229 = arith.constant 32 : i32
    %add3A_230 = arith.addi %add3A_186, %add3A_229 : i32
    %iota3A_231 = tpu.iota {dimensions = array<i32: 0>} : vector<16xi32>
    %add3A_232 = vector.broadcast %add3A_230 : i32 to vector<16xi32>
    %add3A_233 = arith.addi %add3A_232, %iota3A_231 : vector<16xi32>
    %get3A_234 = arith.constant 32 : index
    %get3A_235 = tpu.vector_load %arg18[%get3A_234] {strides = array<i32>} : memref<64xi32, #tpu.memory_space<vmem>>, vector<16xi32>,
    %get3A_236 = vector.shape_cast %get3A_235 : vector<16xi32> to vector<16xi32>
    %mul3A_237 = arith.constant 200 : i32
    %mul3A_238 = vector.broadcast %mul3A_237 : i32 to vector<16xi32>
    %mul3A_239 = arith.muli %get3A_236, %mul3A_238 : vector<16xi32>
    %rem3A_240 = arith.constant 200 : i32
    %rem3A_241 = vector.broadcast %rem3A_240 : i32 to vector<16xi32>
    %rem3A_242 = arith.remsi %add3A_233, %rem3A_241 : vector<16xi32>
    %add3A_243 = arith.addi %mul3A_239, %rem3A_242 : vector<16xi32>
    %swap3A_244 = arith.constant 32 : index
    %swap3A_245 = tpu.vector_load %arg22[%swap3A_244] {strides = array<i32>} : memref<64xi32, #tpu.memory_space<vmem>>, vector<16xi32>,
    %swap3A_246 = vector.shape_cast %swap3A_245 : vector<16xi32> to vector<16xi32>
    %swap3A_247 = vector.shape_cast %add3A_243 : vector<16xi32> to vector<16xi32>
    tpu.vector_store %arg22[%swap3A_244], %swap3A_247 {strides = array<i32>} : memref<64xi32, #tpu.memory_space<vmem>>, vector<16xi32>,
    %add3A_248 = arith.constant 48 : i32
    %add3A_249 = arith.addi %add3A_186, %add3A_248 : i32
    %iota3A_250 = tpu.iota {dimensions = array<i32: 0>} : vector<16xi32>
    %add3A_251 = vector.broadcast %add3A_249 : i32 to vector<16xi32>
    %add3A_252 = arith.addi %add3A_251, %iota3A_250 : vector<16xi32>
    %get3A_253 = arith.constant 48 : index
    %get3A_254 = tpu.vector_load %arg18[%get3A_253] {strides = array<i32>} : memref<64xi32, #tpu.memory_space<vmem>>, vector<16xi32>,
    %get3A_255 = vector.shape_cast %get3A_254 : vector<16xi32> to vector<16xi32>
    %mul3A_256 = arith.constant 200 : i32
    %mul3A_257 = vector.broadcast %mul3A_256 : i32 to vector<16xi32>
    %mul3A_258 = arith.muli %get3A_255, %mul3A_257 : vector<16xi32>
    %rem3A_259 = arith.constant 200 : i32
    %rem3A_260 = vector.broadcast %rem3A_259 : i32 to vector<16xi32>
    %rem3A_261 = arith.remsi %add3A_252, %rem3A_260 : vector<16xi32>
    %add3A_262 = arith.addi %mul3A_258, %rem3A_261 : vector<16xi32>
    %swap3A_263 = arith.constant 48 : index
    %swap3A_264 = tpu.vector_load %arg22[%swap3A_263] {strides = array<i32>} : memref<64xi32, #tpu.memory_space<vmem>>, vector<16xi32>,
    %swap3A_265 = vector.shape_cast %swap3A_264 : vector<16xi32> to vector<16xi32>
    %swap3A_266 = vector.shape_cast %add3A_262 : vector<16xi32> to vector<16xi32>
    tpu.vector_store %arg22[%swap3A_263], %swap3A_266 {strides = array<i32>} : memref<64xi32, #tpu.memory_space<vmem>>, vector<16xi32>,
    %dma_start3A_267 = arith.constant 0 : i32
    %dma_start3A_268 = arith.constant 0 : i32
    %dma_start3A_269 = tpu.memref_slice %arg4[%dma_start3A_267, %dma_start3A_268] : memref<100000x128xf32, #tpu.memory_space<hbm>> -> memref<100000x128xf32, #tpu.memory_space<hbm>>
    tpu.enqueue_indirect_dma source(%dma_start3A_269 : memref<100000x128xf32, #tpu.memory_space<hbm>>) target(%arg26 : memref<64x128xf32, #tpu.memory_space<vmem>>) offsets(%arg14 : memref<64xi32, #tpu.memory_space<vmem>>) semaphore(%arg36 : memref<!tpu.dma_semaphore, #tpu.memory_space<semaphore_mem>>)
    %add3A_270 = arith.constant 192 : i32
    %add3A_271 = arith.addi %mul3A_2, %add3A_270 : i32
    %dma_start3A_272 = tpu.memref_slice %arg2[%add3A_271] : memref<204800xi32, #tpu.memory_space<hbm>> -> memref<64xi32, #tpu.memory_space<hbm>>
    %dma_start3A_273 = tpu.memref_slice %arg2[%add3A_271] : memref<204800xi32, #tpu.memory_space<hbm>> -> memref<64xi32, #tpu.memory_space<hbm>>
    tpu.enqueue_dma source(%dma_start3A_273 : memref<64xi32, #tpu.memory_space<hbm>>) target(%arg15 : memref<64xi32, #tpu.memory_space<vmem>>) target_semaphore(%arg33 : memref<!tpu.dma_semaphore, #tpu.memory_space<semaphore_mem>>)
    %dma_start3A_274 = tpu.memref_slice %arg3[%add3A_271] : memref<204800xi32, #tpu.memory_space<hbm>> -> memref<64xi32, #tpu.memory_space<hbm>>
    %dma_start3A_275 = tpu.memref_slice %arg3[%add3A_271] : memref<204800xi32, #tpu.memory_space<hbm>> -> memref<64xi32, #tpu.memory_space<hbm>>
    tpu.enqueue_dma source(%dma_start3A_275 : memref<64xi32, #tpu.memory_space<hbm>>) target(%arg19 : memref<64xi32, #tpu.memory_space<vmem>>) target_semaphore(%arg33 : memref<!tpu.dma_semaphore, #tpu.memory_space<semaphore_mem>>)
    %add3A_276 = arith.constant 192 : i32
    %add3A_277 = arith.addi %mul3A_2, %add3A_276 : i32
    %dma_wait3A_278 = tpu.memref_slice %arg2[%add3A_277] : memref<204800xi32, #tpu.memory_space<hbm>> -> memref<64xi32, #tpu.memory_space<hbm>>
    %dma_wait3A_279 = tpu.memref_slice %arg2[%add3A_277] : memref<204800xi32, #tpu.memory_space<hbm>> -> memref<64xi32, #tpu.memory_space<hbm>>
    tpu.wait_dma2 semaphore(%arg33 : memref<!tpu.dma_semaphore, #tpu.memory_space<semaphore_mem>>) src(%dma_wait3A_279 : memref<64xi32, #tpu.memory_space<hbm>>) dst(%arg15 : memref<64xi32, #tpu.memory_space<vmem>>)
    %dma_wait3A_280 = tpu.memref_slice %arg3[%add3A_277] : memref<204800xi32, #tpu.memory_space<hbm>> -> memref<64xi32, #tpu.memory_space<hbm>>
    %dma_wait3A_281 = tpu.memref_slice %arg3[%add3A_277] : memref<204800xi32, #tpu.memory_space<hbm>> -> memref<64xi32, #tpu.memory_space<hbm>>
    tpu.wait_dma2 semaphore(%arg33 : memref<!tpu.dma_semaphore, #tpu.memory_space<semaphore_mem>>) src(%dma_wait3A_281 : memref<64xi32, #tpu.memory_space<hbm>>) dst(%arg19 : memref<64xi32, #tpu.memory_space<vmem>>)
    %add3A_282 = arith.constant 0 : i32
    %add3A_283 = arith.addi %add3A_277, %add3A_282 : i32
    %iota3A_284 = tpu.iota {dimensions = array<i32: 0>} : vector<16xi32>
    %add3A_285 = vector.broadcast %add3A_283 : i32 to vector<16xi32>
    %add3A_286 = arith.addi %add3A_285, %iota3A_284 : vector<16xi32>
    %get3A_287 = arith.constant 0 : index
    %get3A_288 = tpu.vector_load %arg19[%get3A_287] {strides = array<i32>} : memref<64xi32, #tpu.memory_space<vmem>>, vector<16xi32>,
    %get3A_289 = vector.shape_cast %get3A_288 : vector<16xi32> to vector<16xi32>
    %mul3A_290 = arith.constant 200 : i32
    %mul3A_291 = vector.broadcast %mul3A_290 : i32 to vector<16xi32>
    %mul3A_292 = arith.muli %get3A_289, %mul3A_291 : vector<16xi32>
    %rem3A_293 = arith.constant 200 : i32
    %rem3A_294 = vector.broadcast %rem3A_293 : i32 to vector<16xi32>
    %rem3A_295 = arith.remsi %add3A_286, %rem3A_294 : vector<16xi32>
    %add3A_296 = arith.addi %mul3A_292, %rem3A_295 : vector<16xi32>
    %swap3A_297 = arith.constant 0 : index
    %swap3A_298 = tpu.vector_load %arg23[%swap3A_297] {strides = array<i32>} : memref<64xi32, #tpu.memory_space<vmem>>, vector<16xi32>,
    %swap3A_299 = vector.shape_cast %swap3A_298 : vector<16xi32> to vector<16xi32>
    %swap3A_300 = vector.shape_cast %add3A_296 : vector<16xi32> to vector<16xi32>
    tpu.vector_store %arg23[%swap3A_297], %swap3A_300 {strides = array<i32>} : memref<64xi32, #tpu.memory_space<vmem>>, vector<16xi32>,
    %add3A_301 = arith.constant 16 : i32
    %add3A_302 = arith.addi %add3A_277, %add3A_301 : i32
    %iota3A_303 = tpu.iota {dimensions = array<i32: 0>} : vector<16xi32>
    %add3A_304 = vector.broadcast %add3A_302 : i32 to vector<16xi32>
    %add3A_305 = arith.addi %add3A_304, %iota3A_303 : vector<16xi32>
    %get3A_306 = arith.constant 16 : index
    %get3A_307 = tpu.vector_load %arg19[%get3A_306] {strides = array<i32>} : memref<64xi32, #tpu.memory_space<vmem>>, vector<16xi32>,
    %get3A_308 = vector.shape_cast %get3A_307 : vector<16xi32> to vector<16xi32>
    %mul3A_309 = arith.constant 200 : i32
    %mul3A_310 = vector.broadcast %mul3A_309 : i32 to vector<16xi32>
    %mul3A_311 = arith.muli %get3A_308, %mul3A_310 : vector<16xi32>
    %rem3A_312 = arith.constant 200 : i32
    %rem3A_313 = vector.broadcast %rem3A_312 : i32 to vector<16xi32>
    %rem3A_314 = arith.remsi %add3A_305, %rem3A_313 : vector<16xi32>
    %add3A_315 = arith.addi %mul3A_311, %rem3A_314 : vector<16xi32>
    %swap3A_316 = arith.constant 16 : index
    %swap3A_317 = tpu.vector_load %arg23[%swap3A_316] {strides = array<i32>} : memref<64xi32, #tpu.memory_space<vmem>>, vector<16xi32>,
    %swap3A_318 = vector.shape_cast %swap3A_317 : vector<16xi32> to vector<16xi32>
    %swap3A_319 = vector.shape_cast %add3A_315 : vector<16xi32> to vector<16xi32>
    tpu.vector_store %arg23[%swap3A_316], %swap3A_319 {strides = array<i32>} : memref<64xi32, #tpu.memory_space<vmem>>, vector<16xi32>,
    %add3A_320 = arith.constant 32 : i32
    %add3A_321 = arith.addi %add3A_277, %add3A_320 : i32
    %iota3A_322 = tpu.iota {dimensions = array<i32: 0>} : vector<16xi32>
    %add3A_323 = vector.broadcast %add3A_321 : i32 to vector<16xi32>
    %add3A_324 = arith.addi %add3A_323, %iota3A_322 : vector<16xi32>
    %get3A_325 = arith.constant 32 : index
    %get3A_326 = tpu.vector_load %arg19[%get3A_325] {strides = array<i32>} : memref<64xi32, #tpu.memory_space<vmem>>, vector<16xi32>,
    %get3A_327 = vector.shape_cast %get3A_326 : vector<16xi32> to vector<16xi32>
    %mul3A_328 = arith.constant 200 : i32
    %mul3A_329 = vector.broadcast %mul3A_328 : i32 to vector<16xi32>
    %mul3A_330 = arith.muli %get3A_327, %mul3A_329 : vector<16xi32>
    %rem3A_331 = arith.constant 200 : i32
    %rem3A_332 = vector.broadcast %rem3A_331 : i32 to vector<16xi32>
    %rem3A_333 = arith.remsi %add3A_324, %rem3A_332 : vector<16xi32>
    %add3A_334 = arith.addi %mul3A_330, %rem3A_333 : vector<16xi32>
    %swap3A_335 = arith.constant 32 : index
    %swap3A_336 = tpu.vector_load %arg23[%swap3A_335] {strides = array<i32>} : memref<64xi32, #tpu.memory_space<vmem>>, vector<16xi32>,
    %swap3A_337 = vector.shape_cast %swap3A_336 : vector<16xi32> to vector<16xi32>
    %swap3A_338 = vector.shape_cast %add3A_334 : vector<16xi32> to vector<16xi32>
    tpu.vector_store %arg23[%swap3A_335], %swap3A_338 {strides = array<i32>} : memref<64xi32, #tpu.memory_space<vmem>>, vector<16xi32>,
    %add3A_339 = arith.constant 48 : i32
    %add3A_340 = arith.addi %add3A_277, %add3A_339 : i32
    %iota3A_341 = tpu.iota {dimensions = array<i32: 0>} : vector<16xi32>
    %add3A_342 = vector.broadcast %add3A_340 : i32 to vector<16xi32>
    %add3A_343 = arith.addi %add3A_342, %iota3A_341 : vector<16xi32>
    %get3A_344 = arith.constant 48 : index
    %get3A_345 = tpu.vector_load %arg19[%get3A_344] {strides = array<i32>} : memref<64xi32, #tpu.memory_space<vmem>>, vector<16xi32>,
    %get3A_346 = vector.shape_cast %get3A_345 : vector<16xi32> to vector<16xi32>
    %mul3A_347 = arith.constant 200 : i32
    %mul3A_348 = vector.broadcast %mul3A_347 : i32 to vector<16xi32>
    %mul3A_349 = arith.muli %get3A_346, %mul3A_348 : vector<16xi32>
    %rem3A_350 = arith.constant 200 : i32
    %rem3A_351 = vector.broadcast %rem3A_350 : i32 to vector<16xi32>
    %rem3A_352 = arith.remsi %add3A_343, %rem3A_351 : vector<16xi32>
    %add3A_353 = arith.addi %mul3A_349, %rem3A_352 : vector<16xi32>
    %swap3A_354 = arith.constant 48 : index
    %swap3A_355 = tpu.vector_load %arg23[%swap3A_354] {strides = array<i32>} : memref<64xi32, #tpu.memory_space<vmem>>, vector<16xi32>,
    %swap3A_356 = vector.shape_cast %swap3A_355 : vector<16xi32> to vector<16xi32>
    %swap3A_357 = vector.shape_cast %add3A_353 : vector<16xi32> to vector<16xi32>
    tpu.vector_store %arg23[%swap3A_354], %swap3A_357 {strides = array<i32>} : memref<64xi32, #tpu.memory_space<vmem>>, vector<16xi32>,
    %dma_start3A_358 = arith.constant 0 : i32
    %dma_start3A_359 = arith.constant 0 : i32
    %dma_start3A_360 = tpu.memref_slice %arg4[%dma_start3A_358, %dma_start3A_359] : memref<100000x128xf32, #tpu.memory_space<hbm>> -> memref<100000x128xf32, #tpu.memory_space<hbm>>
    tpu.enqueue_indirect_dma source(%dma_start3A_360 : memref<100000x128xf32, #tpu.memory_space<hbm>>) target(%arg27 : memref<64x128xf32, #tpu.memory_space<vmem>>) offsets(%arg15 : memref<64xi32, #tpu.memory_space<vmem>>) semaphore(%arg37 : memref<!tpu.dma_semaphore, #tpu.memory_space<semaphore_mem>>)
    tpu.wait_dma2 semaphore(%arg32 : memref<!tpu.dma_semaphore, #tpu.memory_space<semaphore_mem>>) src(%arg6 : memref<25600xf32, #tpu.memory_space<hbm>>) dst(%arg10 : memref<25600xf32, #tpu.memory_space<vmem>>)
    %parallel_loop3A = arith.constant 0 : i32
    %parallel_loop3A_361 = arith.constant 38 : i32
    %parallel_loop3A_362 = arith.constant 1 : i32
    scf.for %parallel_loop3A_926 = %parallel_loop3A to %parallel_loop3A_361 step %parallel_loop3A_362  : i32 {
      %parallel_loop3A_927 = arith.constant 38 : i32
      %parallel_loop3A_928 = arith.muli %arg1, %parallel_loop3A_927 : i32
      %parallel_loop3A_929 = arith.addi %parallel_loop3A_928, %parallel_loop3A_926 : i32
      %parallel_loop3A_930 = arith.constant 200 : i32
      %parallel_loop3A_931 = arith.divsi %parallel_loop3A_929, %parallel_loop3A_930 : i32
      %parallel_loop3A_932 = arith.constant 0 : i32
      %parallel_loop3A_933 = arith.cmpi sgt, %parallel_loop3A_929, %parallel_loop3A_932 : i32
      %parallel_loop3A_934 = arith.extui %parallel_loop3A_933 : i1 to i32
      %parallel_loop3A_935 = arith.constant 0 : i32
      %parallel_loop3A_936 = arith.cmpi slt, %parallel_loop3A_929, %parallel_loop3A_935 : i32
      %parallel_loop3A_937 = arith.extui %parallel_loop3A_936 : i1 to i32
      %parallel_loop3A_938 = arith.subi %parallel_loop3A_934, %parallel_loop3A_937 : i32
      %parallel_loop3A_939 = arith.constant 0 : i32
      %parallel_loop3A_940 = arith.cmpi sgt, %parallel_loop3A_930, %parallel_loop3A_939 : i32
      %parallel_loop3A_941 = arith.extui %parallel_loop3A_940 : i1 to i32
      %parallel_loop3A_942 = arith.constant 0 : i32
      %parallel_loop3A_943 = arith.cmpi slt, %parallel_loop3A_930, %parallel_loop3A_942 : i32
      %parallel_loop3A_944 = arith.extui %parallel_loop3A_943 : i1 to i32
      %parallel_loop3A_945 = arith.subi %parallel_loop3A_941, %parallel_loop3A_944 : i32
      %parallel_loop3A_946 = arith.cmpi ne, %parallel_loop3A_938, %parallel_loop3A_945 : i32
      %parallel_loop3A_947 = arith.remsi %parallel_loop3A_929, %parallel_loop3A_930 : i32
      %parallel_loop3A_948 = arith.constant 0 : i32
      %parallel_loop3A_949 = arith.cmpi ne, %parallel_loop3A_947, %parallel_loop3A_948 : i32
      %parallel_loop3A_950 = arith.andi %parallel_loop3A_946, %parallel_loop3A_949 : i1
      %parallel_loop3A_951 = arith.constant 1 : i32
      %parallel_loop3A_952 = arith.subi %parallel_loop3A_931, %parallel_loop3A_951 : i32
      %parallel_loop3A_953 = arith.select %parallel_loop3A_950, %parallel_loop3A_952, %parallel_loop3A_931 : i32
      %parallel_loop3A_954 = arith.constant 2 : i32
      %parallel_loop3A_955 = arith.minsi %parallel_loop3A_953, %parallel_loop3A_954 : i32
      %parallel_loop3A_956 = arith.constant 200 : i32
      %parallel_loop3A_957 = arith.muli %parallel_loop3A_955, %parallel_loop3A_956 : i32
      %parallel_loop3A_958 = arith.subi %parallel_loop3A_929, %parallel_loop3A_957 : i32
      %parallel_loop3A_959 = arith.constant 199 : i32
      %parallel_loop3A_960 = arith.minsi %parallel_loop3A_958, %parallel_loop3A_959 : i32
      %parallel_loop3A_961 = arith.constant 128 : i32
      %parallel_loop3A_962 = arith.muli %parallel_loop3A_960, %parallel_loop3A_961 : i32
      %parallel_loop3A_963 = arith.constant 0 : i32
      %parallel_loop3A_964 = arith.addi %parallel_loop3A_962, %parallel_loop3A_963 : i32
      %parallel_loop3A_965 = arith.index_cast %parallel_loop3A_964 : i32 to index
      %parallel_loop3A_966 = tpu.vector_load %arg10[%parallel_loop3A_965] {strides = array<i32>} : memref<25600xf32, #tpu.memory_space<vmem>>, vector<16xf32>,
      %parallel_loop3A_967 = vector.shape_cast %parallel_loop3A_966 : vector<16xf32> to vector<16xf32>
      %parallel_loop3A_968 = arith.constant 128 : i32
      %parallel_loop3A_969 = arith.muli %parallel_loop3A_955, %parallel_loop3A_968 : i32
      %parallel_loop3A_970 = arith.constant 0 : i32
      %parallel_loop3A_971 = arith.addi %parallel_loop3A_969, %parallel_loop3A_970 : i32
      %parallel_loop3A_972 = arith.index_cast %parallel_loop3A_971 : i32 to index
      %parallel_loop3A_973 = tpu.vector_load %arg9[%parallel_loop3A_972] {strides = array<i32>} : memref<384xf32, #tpu.memory_space<vmem>>, vector<16xf32>,
      %parallel_loop3A_974 = vector.shape_cast %parallel_loop3A_973 : vector<16xf32> to vector<16xf32>
      %parallel_loop3A_975 = arith.addf %parallel_loop3A_967, %parallel_loop3A_974 : vector<16xf32>
      %parallel_loop3A_976 = arith.index_cast %parallel_loop3A_926 : i32 to index
      %parallel_loop3A_977 = arith.constant 0 : index
      %parallel_loop3A_978 = tpu.vector_load %arg11[%parallel_loop3A_976, %parallel_loop3A_977] {strides = array<i32>} : memref<38x128xf32, #tpu.memory_space<vmem>>, vector<1x16xf32>,
      %parallel_loop3A_979 = vector.shape_cast %parallel_loop3A_978 : vector<1x16xf32> to vector<16xf32>
      %parallel_loop3A_980 = vector.shape_cast %parallel_loop3A_975 : vector<16xf32> to vector<1x16xf32>
      tpu.vector_store %arg11[%parallel_loop3A_976, %parallel_loop3A_977], %parallel_loop3A_980 {strides = array<i32>} : memref<38x128xf32, #tpu.memory_space<vmem>>, vector<1x16xf32>,
      %parallel_loop3A_981 = arith.constant 128 : i32
      %parallel_loop3A_982 = arith.muli %parallel_loop3A_960, %parallel_loop3A_981 : i32
      %parallel_loop3A_983 = arith.constant 16 : i32
      %parallel_loop3A_984 = arith.addi %parallel_loop3A_982, %parallel_loop3A_983 : i32
      %parallel_loop3A_985 = arith.index_cast %parallel_loop3A_984 : i32 to index
      %parallel_loop3A_986 = tpu.vector_load %arg10[%parallel_loop3A_985] {strides = array<i32>} : memref<25600xf32, #tpu.memory_space<vmem>>, vector<16xf32>,
      %parallel_loop3A_987 = vector.shape_cast %parallel_loop3A_986 : vector<16xf32> to vector<16xf32>
      %parallel_loop3A_988 = arith.constant 128 : i32
      %parallel_loop3A_989 = arith.muli %parallel_loop3A_955, %parallel_loop3A_988 : i32
      %parallel_loop3A_990 = arith.constant 16 : i32
      %parallel_loop3A_991 = arith.addi %parallel_loop3A_989, %parallel_loop3A_990 : i32
      %parallel_loop3A_992 = arith.index_cast %parallel_loop3A_991 : i32 to index
      %parallel_loop3A_993 = tpu.vector_load %arg9[%parallel_loop3A_992] {strides = array<i32>} : memref<384xf32, #tpu.memory_space<vmem>>, vector<16xf32>,
      %parallel_loop3A_994 = vector.shape_cast %parallel_loop3A_993 : vector<16xf32> to vector<16xf32>
      %parallel_loop3A_995 = arith.addf %parallel_loop3A_987, %parallel_loop3A_994 : vector<16xf32>
      %parallel_loop3A_996 = arith.index_cast %parallel_loop3A_926 : i32 to index
      %parallel_loop3A_997 = arith.constant 16 : index
      %parallel_loop3A_998 = tpu.vector_load %arg11[%parallel_loop3A_996, %parallel_loop3A_997] {strides = array<i32>} : memref<38x128xf32, #tpu.memory_space<vmem>>, vector<1x16xf32>,
      %parallel_loop3A_999 = vector.shape_cast %parallel_loop3A_998 : vector<1x16xf32> to vector<16xf32>
      %parallel_loop3A_1000 = vector.shape_cast %parallel_loop3A_995 : vector<16xf32> to vector<1x16xf32>
      tpu.vector_store %arg11[%parallel_loop3A_996, %parallel_loop3A_997], %parallel_loop3A_1000 {strides = array<i32>} : memref<38x128xf32, #tpu.memory_space<vmem>>, vector<1x16xf32>,
      %parallel_loop3A_1001 = arith.constant 128 : i32
      %parallel_loop3A_1002 = arith.muli %parallel_loop3A_960, %parallel_loop3A_1001 : i32
      %parallel_loop3A_1003 = arith.constant 32 : i32
      %parallel_loop3A_1004 = arith.addi %parallel_loop3A_1002, %parallel_loop3A_1003 : i32
      %parallel_loop3A_1005 = arith.index_cast %parallel_loop3A_1004 : i32 to index
      %parallel_loop3A_1006 = tpu.vector_load %arg10[%parallel_loop3A_1005] {strides = array<i32>} : memref<25600xf32, #tpu.memory_space<vmem>>, vector<16xf32>,
      %parallel_loop3A_1007 = vector.shape_cast %parallel_loop3A_1006 : vector<16xf32> to vector<16xf32>
      %parallel_loop3A_1008 = arith.constant 128 : i32
      %parallel_loop3A_1009 = arith.muli %parallel_loop3A_955, %parallel_loop3A_1008 : i32
      %parallel_loop3A_1010 = arith.constant 32 : i32
      %parallel_loop3A_1011 = arith.addi %parallel_loop3A_1009, %parallel_loop3A_1010 : i32
      %parallel_loop3A_1012 = arith.index_cast %parallel_loop3A_1011 : i32 to index
      %parallel_loop3A_1013 = tpu.vector_load %arg9[%parallel_loop3A_1012] {strides = array<i32>} : memref<384xf32, #tpu.memory_space<vmem>>, vector<16xf32>,
      %parallel_loop3A_1014 = vector.shape_cast %parallel_loop3A_1013 : vector<16xf32> to vector<16xf32>
      %parallel_loop3A_1015 = arith.addf %parallel_loop3A_1007, %parallel_loop3A_1014 : vector<16xf32>
      %parallel_loop3A_1016 = arith.index_cast %parallel_loop3A_926 : i32 to index
      %parallel_loop3A_1017 = arith.constant 32 : index
      %parallel_loop3A_1018 = tpu.vector_load %arg11[%parallel_loop3A_1016, %parallel_loop3A_1017] {strides = array<i32>} : memref<38x128xf32, #tpu.memory_space<vmem>>, vector<1x16xf32>,
      %parallel_loop3A_1019 = vector.shape_cast %parallel_loop3A_1018 : vector<1x16xf32> to vector<16xf32>
      %parallel_loop3A_1020 = vector.shape_cast %parallel_loop3A_1015 : vector<16xf32> to vector<1x16xf32>
      tpu.vector_store %arg11[%parallel_loop3A_1016, %parallel_loop3A_1017], %parallel_loop3A_1020 {strides = array<i32>} : memref<38x128xf32, #tpu.memory_space<vmem>>, vector<1x16xf32>,
      %parallel_loop3A_1021 = arith.constant 128 : i32
      %parallel_loop3A_1022 = arith.muli %parallel_loop3A_960, %parallel_loop3A_1021 : i32
      %parallel_loop3A_1023 = arith.constant 48 : i32
      %parallel_loop3A_1024 = arith.addi %parallel_loop3A_1022, %parallel_loop3A_1023 : i32
      %parallel_loop3A_1025 = arith.index_cast %parallel_loop3A_1024 : i32 to index
      %parallel_loop3A_1026 = tpu.vector_load %arg10[%parallel_loop3A_1025] {strides = array<i32>} : memref<25600xf32, #tpu.memory_space<vmem>>, vector<16xf32>,
      %parallel_loop3A_1027 = vector.shape_cast %parallel_loop3A_1026 : vector<16xf32> to vector<16xf32>
      %parallel_loop3A_1028 = arith.constant 128 : i32
      %parallel_loop3A_1029 = arith.muli %parallel_loop3A_955, %parallel_loop3A_1028 : i32
      %parallel_loop3A_1030 = arith.constant 48 : i32
      %parallel_loop3A_1031 = arith.addi %parallel_loop3A_1029, %parallel_loop3A_1030 : i32
      %parallel_loop3A_1032 = arith.index_cast %parallel_loop3A_1031 : i32 to index
      %parallel_loop3A_1033 = tpu.vector_load %arg9[%parallel_loop3A_1032] {strides = array<i32>} : memref<384xf32, #tpu.memory_space<vmem>>, vector<16xf32>,
      %parallel_loop3A_1034 = vector.shape_cast %parallel_loop3A_1033 : vector<16xf32> to vector<16xf32>
      %parallel_loop3A_1035 = arith.addf %parallel_loop3A_1027, %parallel_loop3A_1034 : vector<16xf32>
      %parallel_loop3A_1036 = arith.index_cast %parallel_loop3A_926 : i32 to index
      %parallel_loop3A_1037 = arith.constant 48 : index
      %parallel_loop3A_1038 = tpu.vector_load %arg11[%parallel_loop3A_1036, %parallel_loop3A_1037] {strides = array<i32>} : memref<38x128xf32, #tpu.memory_space<vmem>>, vector<1x16xf32>,
      %parallel_loop3A_1039 = vector.shape_cast %parallel_loop3A_1038 : vector<1x16xf32> to vector<16xf32>
      %parallel_loop3A_1040 = vector.shape_cast %parallel_loop3A_1035 : vector<16xf32> to vector<1x16xf32>
      tpu.vector_store %arg11[%parallel_loop3A_1036, %parallel_loop3A_1037], %parallel_loop3A_1040 {strides = array<i32>} : memref<38x128xf32, #tpu.memory_space<vmem>>, vector<1x16xf32>,
      %parallel_loop3A_1041 = arith.constant 128 : i32
      %parallel_loop3A_1042 = arith.muli %parallel_loop3A_960, %parallel_loop3A_1041 : i32
      %parallel_loop3A_1043 = arith.constant 64 : i32
      %parallel_loop3A_1044 = arith.addi %parallel_loop3A_1042, %parallel_loop3A_1043 : i32
      %parallel_loop3A_1045 = arith.index_cast %parallel_loop3A_1044 : i32 to index
      %parallel_loop3A_1046 = tpu.vector_load %arg10[%parallel_loop3A_1045] {strides = array<i32>} : memref<25600xf32, #tpu.memory_space<vmem>>, vector<16xf32>,
      %parallel_loop3A_1047 = vector.shape_cast %parallel_loop3A_1046 : vector<16xf32> to vector<16xf32>
      %parallel_loop3A_1048 = arith.constant 128 : i32
      %parallel_loop3A_1049 = arith.muli %parallel_loop3A_955, %parallel_loop3A_1048 : i32
      %parallel_loop3A_1050 = arith.constant 64 : i32
      %parallel_loop3A_1051 = arith.addi %parallel_loop3A_1049, %parallel_loop3A_1050 : i32
      %parallel_loop3A_1052 = arith.index_cast %parallel_loop3A_1051 : i32 to index
      %parallel_loop3A_1053 = tpu.vector_load %arg9[%parallel_loop3A_1052] {strides = array<i32>} : memref<384xf32, #tpu.memory_space<vmem>>, vector<16xf32>,
      %parallel_loop3A_1054 = vector.shape_cast %parallel_loop3A_1053 : vector<16xf32> to vector<16xf32>
      %parallel_loop3A_1055 = arith.addf %parallel_loop3A_1047, %parallel_loop3A_1054 : vector<16xf32>
      %parallel_loop3A_1056 = arith.index_cast %parallel_loop3A_926 : i32 to index
      %parallel_loop3A_1057 = arith.constant 64 : index
      %parallel_loop3A_1058 = tpu.vector_load %arg11[%parallel_loop3A_1056, %parallel_loop3A_1057] {strides = array<i32>} : memref<38x128xf32, #tpu.memory_space<vmem>>, vector<1x16xf32>,
      %parallel_loop3A_1059 = vector.shape_cast %parallel_loop3A_1058 : vector<1x16xf32> to vector<16xf32>
      %parallel_loop3A_1060 = vector.shape_cast %parallel_loop3A_1055 : vector<16xf32> to vector<1x16xf32>
      tpu.vector_store %arg11[%parallel_loop3A_1056, %parallel_loop3A_1057], %parallel_loop3A_1060 {strides = array<i32>} : memref<38x128xf32, #tpu.memory_space<vmem>>, vector<1x16xf32>,
      %parallel_loop3A_1061 = arith.constant 128 : i32
      %parallel_loop3A_1062 = arith.muli %parallel_loop3A_960, %parallel_loop3A_1061 : i32
      %parallel_loop3A_1063 = arith.constant 80 : i32
      %parallel_loop3A_1064 = arith.addi %parallel_loop3A_1062, %parallel_loop3A_1063 : i32
      %parallel_loop3A_1065 = arith.index_cast %parallel_loop3A_1064 : i32 to index
      %parallel_loop3A_1066 = tpu.vector_load %arg10[%parallel_loop3A_1065] {strides = array<i32>} : memref<25600xf32, #tpu.memory_space<vmem>>, vector<16xf32>,
      %parallel_loop3A_1067 = vector.shape_cast %parallel_loop3A_1066 : vector<16xf32> to vector<16xf32>
      %parallel_loop3A_1068 = arith.constant 128 : i32
      %parallel_loop3A_1069 = arith.muli %parallel_loop3A_955, %parallel_loop3A_1068 : i32
      %parallel_loop3A_1070 = arith.constant 80 : i32
      %parallel_loop3A_1071 = arith.addi %parallel_loop3A_1069, %parallel_loop3A_1070 : i32
      %parallel_loop3A_1072 = arith.index_cast %parallel_loop3A_1071 : i32 to index
      %parallel_loop3A_1073 = tpu.vector_load %arg9[%parallel_loop3A_1072] {strides = array<i32>} : memref<384xf32, #tpu.memory_space<vmem>>, vector<16xf32>,
      %parallel_loop3A_1074 = vector.shape_cast %parallel_loop3A_1073 : vector<16xf32> to vector<16xf32>
      %parallel_loop3A_1075 = arith.addf %parallel_loop3A_1067, %parallel_loop3A_1074 : vector<16xf32>
      %parallel_loop3A_1076 = arith.index_cast %parallel_loop3A_926 : i32 to index
      %parallel_loop3A_1077 = arith.constant 80 : index
      %parallel_loop3A_1078 = tpu.vector_load %arg11[%parallel_loop3A_1076, %parallel_loop3A_1077] {strides = array<i32>} : memref<38x128xf32, #tpu.memory_space<vmem>>, vector<1x16xf32>,
      %parallel_loop3A_1079 = vector.shape_cast %parallel_loop3A_1078 : vector<1x16xf32> to vector<16xf32>
      %parallel_loop3A_1080 = vector.shape_cast %parallel_loop3A_1075 : vector<16xf32> to vector<1x16xf32>
      tpu.vector_store %arg11[%parallel_loop3A_1076, %parallel_loop3A_1077], %parallel_loop3A_1080 {strides = array<i32>} : memref<38x128xf32, #tpu.memory_space<vmem>>, vector<1x16xf32>,
      %parallel_loop3A_1081 = arith.constant 128 : i32
      %parallel_loop3A_1082 = arith.muli %parallel_loop3A_960, %parallel_loop3A_1081 : i32
      %parallel_loop3A_1083 = arith.constant 96 : i32
      %parallel_loop3A_1084 = arith.addi %parallel_loop3A_1082, %parallel_loop3A_1083 : i32
      %parallel_loop3A_1085 = arith.index_cast %parallel_loop3A_1084 : i32 to index
      %parallel_loop3A_1086 = tpu.vector_load %arg10[%parallel_loop3A_1085] {strides = array<i32>} : memref<25600xf32, #tpu.memory_space<vmem>>, vector<16xf32>,
      %parallel_loop3A_1087 = vector.shape_cast %parallel_loop3A_1086 : vector<16xf32> to vector<16xf32>
      %parallel_loop3A_1088 = arith.constant 128 : i32
      %parallel_loop3A_1089 = arith.muli %parallel_loop3A_955, %parallel_loop3A_1088 : i32
      %parallel_loop3A_1090 = arith.constant 96 : i32
      %parallel_loop3A_1091 = arith.addi %parallel_loop3A_1089, %parallel_loop3A_1090 : i32
      %parallel_loop3A_1092 = arith.index_cast %parallel_loop3A_1091 : i32 to index
      %parallel_loop3A_1093 = tpu.vector_load %arg9[%parallel_loop3A_1092] {strides = array<i32>} : memref<384xf32, #tpu.memory_space<vmem>>, vector<16xf32>,
      %parallel_loop3A_1094 = vector.shape_cast %parallel_loop3A_1093 : vector<16xf32> to vector<16xf32>
      %parallel_loop3A_1095 = arith.addf %parallel_loop3A_1087, %parallel_loop3A_1094 : vector<16xf32>
      %parallel_loop3A_1096 = arith.index_cast %parallel_loop3A_926 : i32 to index
      %parallel_loop3A_1097 = arith.constant 96 : index
      %parallel_loop3A_1098 = tpu.vector_load %arg11[%parallel_loop3A_1096, %parallel_loop3A_1097] {strides = array<i32>} : memref<38x128xf32, #tpu.memory_space<vmem>>, vector<1x16xf32>,
      %parallel_loop3A_1099 = vector.shape_cast %parallel_loop3A_1098 : vector<1x16xf32> to vector<16xf32>
      %parallel_loop3A_1100 = vector.shape_cast %parallel_loop3A_1095 : vector<16xf32> to vector<1x16xf32>
      tpu.vector_store %arg11[%parallel_loop3A_1096, %parallel_loop3A_1097], %parallel_loop3A_1100 {strides = array<i32>} : memref<38x128xf32, #tpu.memory_space<vmem>>, vector<1x16xf32>,
      %parallel_loop3A_1101 = arith.constant 128 : i32
      %parallel_loop3A_1102 = arith.muli %parallel_loop3A_960, %parallel_loop3A_1101 : i32
      %parallel_loop3A_1103 = arith.constant 112 : i32
      %parallel_loop3A_1104 = arith.addi %parallel_loop3A_1102, %parallel_loop3A_1103 : i32
      %parallel_loop3A_1105 = arith.index_cast %parallel_loop3A_1104 : i32 to index
      %parallel_loop3A_1106 = tpu.vector_load %arg10[%parallel_loop3A_1105] {strides = array<i32>} : memref<25600xf32, #tpu.memory_space<vmem>>, vector<16xf32>,
      %parallel_loop3A_1107 = vector.shape_cast %parallel_loop3A_1106 : vector<16xf32> to vector<16xf32>
      %parallel_loop3A_1108 = arith.constant 128 : i32
      %parallel_loop3A_1109 = arith.muli %parallel_loop3A_955, %parallel_loop3A_1108 : i32
      %parallel_loop3A_1110 = arith.constant 112 : i32
      %parallel_loop3A_1111 = arith.addi %parallel_loop3A_1109, %parallel_loop3A_1110 : i32
      %parallel_loop3A_1112 = arith.index_cast %parallel_loop3A_1111 : i32 to index
      %parallel_loop3A_1113 = tpu.vector_load %arg9[%parallel_loop3A_1112] {strides = array<i32>} : memref<384xf32, #tpu.memory_space<vmem>>, vector<16xf32>,
      %parallel_loop3A_1114 = vector.shape_cast %parallel_loop3A_1113 : vector<16xf32> to vector<16xf32>
      %parallel_loop3A_1115 = arith.addf %parallel_loop3A_1107, %parallel_loop3A_1114 : vector<16xf32>
      %parallel_loop3A_1116 = arith.index_cast %parallel_loop3A_926 : i32 to index
      %parallel_loop3A_1117 = arith.constant 112 : index
      %parallel_loop3A_1118 = tpu.vector_load %arg11[%parallel_loop3A_1116, %parallel_loop3A_1117] {strides = array<i32>} : memref<38x128xf32, #tpu.memory_space<vmem>>, vector<1x16xf32>,
      %parallel_loop3A_1119 = vector.shape_cast %parallel_loop3A_1118 : vector<1x16xf32> to vector<16xf32>
      %parallel_loop3A_1120 = vector.shape_cast %parallel_loop3A_1115 : vector<16xf32> to vector<1x16xf32>
      tpu.vector_store %arg11[%parallel_loop3A_1116, %parallel_loop3A_1117], %parallel_loop3A_1120 {strides = array<i32>} : memref<38x128xf32, #tpu.memory_space<vmem>>, vector<1x16xf32>,
    } {sc.loop_unroll_factor = 2 : i64, sc.parallel_access}
    %mul3A_363 = arith.constant 38 : i32
    %mul3A_364 = arith.muli %arg1, %mul3A_363 : i32
    "tpu.region"() ({
      %run_scoped3A = tpu.sem_alloc : memref<!tpu.dma_semaphore, #tpu.memory_space<semaphore_mem>>
      %dma_start3A_926 = arith.constant 0 : i32
      %dma_start3A_927 = tpu.memref_slice %arg8[%mul3A_364, %dma_start3A_926] : memref<608x128xf32, #tpu.memory_space<vmem_shared>> -> memref<38x128xf32, #tpu.memory_space<vmem_shared>>
      %dma_start3A_928 = arith.constant 0 : i32
      %dma_start3A_929 = tpu.memref_slice %arg8[%mul3A_364, %dma_start3A_928] : memref<608x128xf32, #tpu.memory_space<vmem_shared>> -> memref<38x128xf32, #tpu.memory_space<vmem_shared>>
      tpu.enqueue_dma source(%arg11 : memref<38x128xf32, #tpu.memory_space<vmem>>) target(%dma_start3A_929 : memref<38x128xf32, #tpu.memory_space<vmem_shared>>) target_semaphore(%run_scoped3A : memref<!tpu.dma_semaphore, #tpu.memory_space<semaphore_mem>>)
      %dma_wait3A_930 = arith.constant 0 : i32
      %dma_wait3A_931 = tpu.memref_slice %arg8[%mul3A_364, %dma_wait3A_930] : memref<608x128xf32, #tpu.memory_space<vmem_shared>> -> memref<38x128xf32, #tpu.memory_space<vmem_shared>>
      %dma_wait3A_932 = arith.constant 0 : i32
      %dma_wait3A_933 = tpu.memref_slice %arg8[%mul3A_364, %dma_wait3A_932] : memref<608x128xf32, #tpu.memory_space<vmem_shared>> -> memref<38x128xf32, #tpu.memory_space<vmem_shared>>
      tpu.wait_dma2 semaphore(%run_scoped3A : memref<!tpu.dma_semaphore, #tpu.memory_space<semaphore_mem>>) src(%arg11 : memref<38x128xf32, #tpu.memory_space<vmem>>) dst(%dma_wait3A_933 : memref<38x128xf32, #tpu.memory_space<vmem_shared>>)
      tpu.yield
    }) : () -> ()
    %barrier3A = arith.constant 0 : index
    tpu.barrier barrier_id(%barrier3A)
    %dma_start3A_365 = arith.constant 0 : i32
    %dma_start3A_366 = arith.constant 0 : i32
    %dma_start3A_367 = tpu.memref_slice %arg8[%dma_start3A_365, %dma_start3A_366] : memref<608x128xf32, #tpu.memory_space<vmem_shared>> -> memref<608x128xf32, #tpu.memory_space<vmem_shared>>
    tpu.enqueue_indirect_dma source(%dma_start3A_367 : memref<608x128xf32, #tpu.memory_space<vmem_shared>>) target(%arg28 : memref<64x128xf32, #tpu.memory_space<vmem>>) offsets(%arg20 : memref<64xi32, #tpu.memory_space<vmem>>) semaphore(%arg38 : memref<!tpu.dma_semaphore, #tpu.memory_space<semaphore_mem>>)
    %dma_start3A_368 = arith.constant 0 : i32
    %dma_start3A_369 = arith.constant 0 : i32
    %dma_start3A_370 = tpu.memref_slice %arg8[%dma_start3A_368, %dma_start3A_369] : memref<608x128xf32, #tpu.memory_space<vmem_shared>> -> memref<608x128xf32, #tpu.memory_space<vmem_shared>>
    tpu.enqueue_indirect_dma source(%dma_start3A_370 : memref<608x128xf32, #tpu.memory_space<vmem_shared>>) target(%arg29 : memref<64x128xf32, #tpu.memory_space<vmem>>) offsets(%arg21 : memref<64xi32, #tpu.memory_space<vmem>>) semaphore(%arg39 : memref<!tpu.dma_semaphore, #tpu.memory_space<semaphore_mem>>)
    %dma_start3A_371 = arith.constant 0 : i32
    %dma_start3A_372 = arith.constant 0 : i32
    %dma_start3A_373 = tpu.memref_slice %arg8[%dma_start3A_371, %dma_start3A_372] : memref<608x128xf32, #tpu.memory_space<vmem_shared>> -> memref<608x128xf32, #tpu.memory_space<vmem_shared>>
    tpu.enqueue_indirect_dma source(%dma_start3A_373 : memref<608x128xf32, #tpu.memory_space<vmem_shared>>) target(%arg30 : memref<64x128xf32, #tpu.memory_space<vmem>>) offsets(%arg22 : memref<64xi32, #tpu.memory_space<vmem>>) semaphore(%arg40 : memref<!tpu.dma_semaphore, #tpu.memory_space<semaphore_mem>>)
    %dma_start3A_374 = arith.constant 0 : i32
    %dma_start3A_375 = arith.constant 0 : i32
    %dma_start3A_376 = tpu.memref_slice %arg8[%dma_start3A_374, %dma_start3A_375] : memref<608x128xf32, #tpu.memory_space<vmem_shared>> -> memref<608x128xf32, #tpu.memory_space<vmem_shared>>
    tpu.enqueue_indirect_dma source(%dma_start3A_376 : memref<608x128xf32, #tpu.memory_space<vmem_shared>>) target(%arg31 : memref<64x128xf32, #tpu.memory_space<vmem>>) offsets(%arg23 : memref<64xi32, #tpu.memory_space<vmem>>) semaphore(%arg41 : memref<!tpu.dma_semaphore, #tpu.memory_space<semaphore_mem>>)
    %add3A_377 = arith.constant 0 : i32
    %add3A_378 = arith.addi %mul3A_2, %add3A_377 : i32
    %dma_wait3A_379 = arith.constant 0 : i32
    %dma_wait3A_380 = arith.constant 0 : i32
    %dma_wait3A_381 = tpu.memref_slice %arg4[%dma_wait3A_379, %dma_wait3A_380] : memref<100000x128xf32, #tpu.memory_space<hbm>> -> memref<100000x128xf32, #tpu.memory_space<hbm>>
    tpu.wait_indirect_dma semaphore(%arg34 : memref<!tpu.dma_semaphore, #tpu.memory_space<semaphore_mem>>) src(%dma_wait3A_381 : memref<100000x128xf32, #tpu.memory_space<hbm>>) dst(%arg24 : memref<64x128xf32, #tpu.memory_space<vmem>>)
    %dma_wait3A_382 = arith.constant 0 : i32
    %dma_wait3A_383 = arith.constant 0 : i32
    %dma_wait3A_384 = tpu.memref_slice %arg8[%dma_wait3A_382, %dma_wait3A_383] : memref<608x128xf32, #tpu.memory_space<vmem_shared>> -> memref<608x128xf32, #tpu.memory_space<vmem_shared>>
    tpu.wait_indirect_dma semaphore(%arg38 : memref<!tpu.dma_semaphore, #tpu.memory_space<semaphore_mem>>) src(%dma_wait3A_384 : memref<608x128xf32, #tpu.memory_space<vmem_shared>>) dst(%arg28 : memref<64x128xf32, #tpu.memory_space<vmem>>)
    %parallel_loop3A_385 = arith.constant 0 : i32
    %parallel_loop3A_386 = arith.constant 64 : i32
    %parallel_loop3A_387 = arith.constant 1 : i32
    scf.for %parallel_loop3A_926 = %parallel_loop3A_385 to %parallel_loop3A_386 step %parallel_loop3A_387  : i32 {
      %parallel_loop3A_927 = arith.index_cast %parallel_loop3A_926 : i32 to index
      %parallel_loop3A_928 = arith.constant 0 : index
      %parallel_loop3A_929 = tpu.vector_load %arg28[%parallel_loop3A_927, %parallel_loop3A_928] {strides = array<i32>} : memref<64x128xf32, #tpu.memory_space<vmem>>, vector<1x16xf32>,
      %parallel_loop3A_930 = vector.shape_cast %parallel_loop3A_929 : vector<1x16xf32> to vector<16xf32>
      %parallel_loop3A_931 = arith.index_cast %parallel_loop3A_926 : i32 to index
      %parallel_loop3A_932 = arith.constant 0 : index
      %parallel_loop3A_933 = tpu.vector_load %arg24[%parallel_loop3A_931, %parallel_loop3A_932] {strides = array<i32>} : memref<64x128xf32, #tpu.memory_space<vmem>>, vector<1x16xf32>,
      %parallel_loop3A_934 = vector.shape_cast %parallel_loop3A_933 : vector<1x16xf32> to vector<16xf32>
      %parallel_loop3A_935 = vector.shape_cast %parallel_loop3A_930 : vector<16xf32> to vector<1x16xf32>
      tpu.vector_store %arg24[%parallel_loop3A_931, %parallel_loop3A_932], %parallel_loop3A_935 {add = true, strides = array<i32>} : memref<64x128xf32, #tpu.memory_space<vmem>>, vector<1x16xf32>,
      %parallel_loop3A_936 = arith.index_cast %parallel_loop3A_926 : i32 to index
      %parallel_loop3A_937 = arith.constant 16 : index
      %parallel_loop3A_938 = tpu.vector_load %arg28[%parallel_loop3A_936, %parallel_loop3A_937] {strides = array<i32>} : memref<64x128xf32, #tpu.memory_space<vmem>>, vector<1x16xf32>,
      %parallel_loop3A_939 = vector.shape_cast %parallel_loop3A_938 : vector<1x16xf32> to vector<16xf32>
      %parallel_loop3A_940 = arith.index_cast %parallel_loop3A_926 : i32 to index
      %parallel_loop3A_941 = arith.constant 16 : index
      %parallel_loop3A_942 = tpu.vector_load %arg24[%parallel_loop3A_940, %parallel_loop3A_941] {strides = array<i32>} : memref<64x128xf32, #tpu.memory_space<vmem>>, vector<1x16xf32>,
      %parallel_loop3A_943 = vector.shape_cast %parallel_loop3A_942 : vector<1x16xf32> to vector<16xf32>
      %parallel_loop3A_944 = vector.shape_cast %parallel_loop3A_939 : vector<16xf32> to vector<1x16xf32>
      tpu.vector_store %arg24[%parallel_loop3A_940, %parallel_loop3A_941], %parallel_loop3A_944 {add = true, strides = array<i32>} : memref<64x128xf32, #tpu.memory_space<vmem>>, vector<1x16xf32>,
      %parallel_loop3A_945 = arith.index_cast %parallel_loop3A_926 : i32 to index
      %parallel_loop3A_946 = arith.constant 32 : index
      %parallel_loop3A_947 = tpu.vector_load %arg28[%parallel_loop3A_945, %parallel_loop3A_946] {strides = array<i32>} : memref<64x128xf32, #tpu.memory_space<vmem>>, vector<1x16xf32>,
      %parallel_loop3A_948 = vector.shape_cast %parallel_loop3A_947 : vector<1x16xf32> to vector<16xf32>
      %parallel_loop3A_949 = arith.index_cast %parallel_loop3A_926 : i32 to index
      %parallel_loop3A_950 = arith.constant 32 : index
      %parallel_loop3A_951 = tpu.vector_load %arg24[%parallel_loop3A_949, %parallel_loop3A_950] {strides = array<i32>} : memref<64x128xf32, #tpu.memory_space<vmem>>, vector<1x16xf32>,
      %parallel_loop3A_952 = vector.shape_cast %parallel_loop3A_951 : vector<1x16xf32> to vector<16xf32>
      %parallel_loop3A_953 = vector.shape_cast %parallel_loop3A_948 : vector<16xf32> to vector<1x16xf32>
      tpu.vector_store %arg24[%parallel_loop3A_949, %parallel_loop3A_950], %parallel_loop3A_953 {add = true, strides = array<i32>} : memref<64x128xf32, #tpu.memory_space<vmem>>, vector<1x16xf32>,
      %parallel_loop3A_954 = arith.index_cast %parallel_loop3A_926 : i32 to index
      %parallel_loop3A_955 = arith.constant 48 : index
      %parallel_loop3A_956 = tpu.vector_load %arg28[%parallel_loop3A_954, %parallel_loop3A_955] {strides = array<i32>} : memref<64x128xf32, #tpu.memory_space<vmem>>, vector<1x16xf32>,
      %parallel_loop3A_957 = vector.shape_cast %parallel_loop3A_956 : vector<1x16xf32> to vector<16xf32>
      %parallel_loop3A_958 = arith.index_cast %parallel_loop3A_926 : i32 to index
      %parallel_loop3A_959 = arith.constant 48 : index
      %parallel_loop3A_960 = tpu.vector_load %arg24[%parallel_loop3A_958, %parallel_loop3A_959] {strides = array<i32>} : memref<64x128xf32, #tpu.memory_space<vmem>>, vector<1x16xf32>,
      %parallel_loop3A_961 = vector.shape_cast %parallel_loop3A_960 : vector<1x16xf32> to vector<16xf32>
      %parallel_loop3A_962 = vector.shape_cast %parallel_loop3A_957 : vector<16xf32> to vector<1x16xf32>
      tpu.vector_store %arg24[%parallel_loop3A_958, %parallel_loop3A_959], %parallel_loop3A_962 {add = true, strides = array<i32>} : memref<64x128xf32, #tpu.memory_space<vmem>>, vector<1x16xf32>,
      %parallel_loop3A_963 = arith.index_cast %parallel_loop3A_926 : i32 to index
      %parallel_loop3A_964 = arith.constant 64 : index
      %parallel_loop3A_965 = tpu.vector_load %arg28[%parallel_loop3A_963, %parallel_loop3A_964] {strides = array<i32>} : memref<64x128xf32, #tpu.memory_space<vmem>>, vector<1x16xf32>,
      %parallel_loop3A_966 = vector.shape_cast %parallel_loop3A_965 : vector<1x16xf32> to vector<16xf32>
      %parallel_loop3A_967 = arith.index_cast %parallel_loop3A_926 : i32 to index
      %parallel_loop3A_968 = arith.constant 64 : index
      %parallel_loop3A_969 = tpu.vector_load %arg24[%parallel_loop3A_967, %parallel_loop3A_968] {strides = array<i32>} : memref<64x128xf32, #tpu.memory_space<vmem>>, vector<1x16xf32>,
      %parallel_loop3A_970 = vector.shape_cast %parallel_loop3A_969 : vector<1x16xf32> to vector<16xf32>
      %parallel_loop3A_971 = vector.shape_cast %parallel_loop3A_966 : vector<16xf32> to vector<1x16xf32>
      tpu.vector_store %arg24[%parallel_loop3A_967, %parallel_loop3A_968], %parallel_loop3A_971 {add = true, strides = array<i32>} : memref<64x128xf32, #tpu.memory_space<vmem>>, vector<1x16xf32>,
      %parallel_loop3A_972 = arith.index_cast %parallel_loop3A_926 : i32 to index
      %parallel_loop3A_973 = arith.constant 80 : index
      %parallel_loop3A_974 = tpu.vector_load %arg28[%parallel_loop3A_972, %parallel_loop3A_973] {strides = array<i32>} : memref<64x128xf32, #tpu.memory_space<vmem>>, vector<1x16xf32>,
      %parallel_loop3A_975 = vector.shape_cast %parallel_loop3A_974 : vector<1x16xf32> to vector<16xf32>
      %parallel_loop3A_976 = arith.index_cast %parallel_loop3A_926 : i32 to index
      %parallel_loop3A_977 = arith.constant 80 : index
      %parallel_loop3A_978 = tpu.vector_load %arg24[%parallel_loop3A_976, %parallel_loop3A_977] {strides = array<i32>} : memref<64x128xf32, #tpu.memory_space<vmem>>, vector<1x16xf32>,
      %parallel_loop3A_979 = vector.shape_cast %parallel_loop3A_978 : vector<1x16xf32> to vector<16xf32>
      %parallel_loop3A_980 = vector.shape_cast %parallel_loop3A_975 : vector<16xf32> to vector<1x16xf32>
      tpu.vector_store %arg24[%parallel_loop3A_976, %parallel_loop3A_977], %parallel_loop3A_980 {add = true, strides = array<i32>} : memref<64x128xf32, #tpu.memory_space<vmem>>, vector<1x16xf32>,
      %parallel_loop3A_981 = arith.index_cast %parallel_loop3A_926 : i32 to index
      %parallel_loop3A_982 = arith.constant 96 : index
      %parallel_loop3A_983 = tpu.vector_load %arg28[%parallel_loop3A_981, %parallel_loop3A_982] {strides = array<i32>} : memref<64x128xf32, #tpu.memory_space<vmem>>, vector<1x16xf32>,
      %parallel_loop3A_984 = vector.shape_cast %parallel_loop3A_983 : vector<1x16xf32> to vector<16xf32>
      %parallel_loop3A_985 = arith.index_cast %parallel_loop3A_926 : i32 to index
      %parallel_loop3A_986 = arith.constant 96 : index
      %parallel_loop3A_987 = tpu.vector_load %arg24[%parallel_loop3A_985, %parallel_loop3A_986] {strides = array<i32>} : memref<64x128xf32, #tpu.memory_space<vmem>>, vector<1x16xf32>,
      %parallel_loop3A_988 = vector.shape_cast %parallel_loop3A_987 : vector<1x16xf32> to vector<16xf32>
      %parallel_loop3A_989 = vector.shape_cast %parallel_loop3A_984 : vector<16xf32> to vector<1x16xf32>
      tpu.vector_store %arg24[%parallel_loop3A_985, %parallel_loop3A_986], %parallel_loop3A_989 {add = true, strides = array<i32>} : memref<64x128xf32, #tpu.memory_space<vmem>>, vector<1x16xf32>,
      %parallel_loop3A_990 = arith.index_cast %parallel_loop3A_926 : i32 to index
      %parallel_loop3A_991 = arith.constant 112 : index
      %parallel_loop3A_992 = tpu.vector_load %arg28[%parallel_loop3A_990, %parallel_loop3A_991] {strides = array<i32>} : memref<64x128xf32, #tpu.memory_space<vmem>>, vector<1x16xf32>,
      %parallel_loop3A_993 = vector.shape_cast %parallel_loop3A_992 : vector<1x16xf32> to vector<16xf32>
      %parallel_loop3A_994 = arith.index_cast %parallel_loop3A_926 : i32 to index
      %parallel_loop3A_995 = arith.constant 112 : index
      %parallel_loop3A_996 = tpu.vector_load %arg24[%parallel_loop3A_994, %parallel_loop3A_995] {strides = array<i32>} : memref<64x128xf32, #tpu.memory_space<vmem>>, vector<1x16xf32>,
      %parallel_loop3A_997 = vector.shape_cast %parallel_loop3A_996 : vector<1x16xf32> to vector<16xf32>
      %parallel_loop3A_998 = vector.shape_cast %parallel_loop3A_993 : vector<16xf32> to vector<1x16xf32>
      tpu.vector_store %arg24[%parallel_loop3A_994, %parallel_loop3A_995], %parallel_loop3A_998 {add = true, strides = array<i32>} : memref<64x128xf32, #tpu.memory_space<vmem>>, vector<1x16xf32>,
    } {sc.loop_unroll_factor = 4 : i64, sc.parallel_access}
    %dma_start3A_388 = arith.constant 0 : i32
    %dma_start3A_389 = tpu.memref_slice %arg7[%add3A_378, %dma_start3A_388] : memref<204800x128xf32, #tpu.memory_space<hbm>> -> memref<64x128xf32, #tpu.memory_space<hbm>>
    %dma_start3A_390 = arith.constant 0 : i32
    %dma_start3A_391 = tpu.memref_slice %arg7[%add3A_378, %dma_start3A_390] : memref<204800x128xf32, #tpu.memory_space<hbm>> -> memref<64x128xf32, #tpu.memory_space<hbm>>
    tpu.enqueue_dma source(%arg24 : memref<64x128xf32, #tpu.memory_space<vmem>>) target(%dma_start3A_391 : memref<64x128xf32, #tpu.memory_space<hbm>>) target_semaphore(%arg42 : memref<!tpu.dma_semaphore, #tpu.memory_space<semaphore_mem>>)
    %add3A_392 = arith.constant 64 : i32
    %add3A_393 = arith.addi %mul3A_2, %add3A_392 : i32
    %dma_wait3A_394 = arith.constant 0 : i32
    %dma_wait3A_395 = arith.constant 0 : i32
    %dma_wait3A_396 = tpu.memref_slice %arg4[%dma_wait3A_394, %dma_wait3A_395] : memref<100000x128xf32, #tpu.memory_space<hbm>> -> memref<100000x128xf32, #tpu.memory_space<hbm>>
    tpu.wait_indirect_dma semaphore(%arg35 : memref<!tpu.dma_semaphore, #tpu.memory_space<semaphore_mem>>) src(%dma_wait3A_396 : memref<100000x128xf32, #tpu.memory_space<hbm>>) dst(%arg25 : memref<64x128xf32, #tpu.memory_space<vmem>>)
    %dma_wait3A_397 = arith.constant 0 : i32
    %dma_wait3A_398 = arith.constant 0 : i32
    %dma_wait3A_399 = tpu.memref_slice %arg8[%dma_wait3A_397, %dma_wait3A_398] : memref<608x128xf32, #tpu.memory_space<vmem_shared>> -> memref<608x128xf32, #tpu.memory_space<vmem_shared>>
    tpu.wait_indirect_dma semaphore(%arg39 : memref<!tpu.dma_semaphore, #tpu.memory_space<semaphore_mem>>) src(%dma_wait3A_399 : memref<608x128xf32, #tpu.memory_space<vmem_shared>>) dst(%arg29 : memref<64x128xf32, #tpu.memory_space<vmem>>)
    %parallel_loop3A_400 = arith.constant 0 : i32
    %parallel_loop3A_401 = arith.constant 64 : i32
    %parallel_loop3A_402 = arith.constant 1 : i32
    scf.for %parallel_loop3A_926 = %parallel_loop3A_400 to %parallel_loop3A_401 step %parallel_loop3A_402  : i32 {
      %parallel_loop3A_927 = arith.index_cast %parallel_loop3A_926 : i32 to index
      %parallel_loop3A_928 = arith.constant 0 : index
      %parallel_loop3A_929 = tpu.vector_load %arg29[%parallel_loop3A_927, %parallel_loop3A_928] {strides = array<i32>} : memref<64x128xf32, #tpu.memory_space<vmem>>, vector<1x16xf32>,
      %parallel_loop3A_930 = vector.shape_cast %parallel_loop3A_929 : vector<1x16xf32> to vector<16xf32>
      %parallel_loop3A_931 = arith.index_cast %parallel_loop3A_926 : i32 to index
      %parallel_loop3A_932 = arith.constant 0 : index
      %parallel_loop3A_933 = tpu.vector_load %arg25[%parallel_loop3A_931, %parallel_loop3A_932] {strides = array<i32>} : memref<64x128xf32, #tpu.memory_space<vmem>>, vector<1x16xf32>,
      %parallel_loop3A_934 = vector.shape_cast %parallel_loop3A_933 : vector<1x16xf32> to vector<16xf32>
      %parallel_loop3A_935 = vector.shape_cast %parallel_loop3A_930 : vector<16xf32> to vector<1x16xf32>
      tpu.vector_store %arg25[%parallel_loop3A_931, %parallel_loop3A_932], %parallel_loop3A_935 {add = true, strides = array<i32>} : memref<64x128xf32, #tpu.memory_space<vmem>>, vector<1x16xf32>,
      %parallel_loop3A_936 = arith.index_cast %parallel_loop3A_926 : i32 to index
      %parallel_loop3A_937 = arith.constant 16 : index
      %parallel_loop3A_938 = tpu.vector_load %arg29[%parallel_loop3A_936, %parallel_loop3A_937] {strides = array<i32>} : memref<64x128xf32, #tpu.memory_space<vmem>>, vector<1x16xf32>,
      %parallel_loop3A_939 = vector.shape_cast %parallel_loop3A_938 : vector<1x16xf32> to vector<16xf32>
      %parallel_loop3A_940 = arith.index_cast %parallel_loop3A_926 : i32 to index
      %parallel_loop3A_941 = arith.constant 16 : index
      %parallel_loop3A_942 = tpu.vector_load %arg25[%parallel_loop3A_940, %parallel_loop3A_941] {strides = array<i32>} : memref<64x128xf32, #tpu.memory_space<vmem>>, vector<1x16xf32>,
      %parallel_loop3A_943 = vector.shape_cast %parallel_loop3A_942 : vector<1x16xf32> to vector<16xf32>
      %parallel_loop3A_944 = vector.shape_cast %parallel_loop3A_939 : vector<16xf32> to vector<1x16xf32>
      tpu.vector_store %arg25[%parallel_loop3A_940, %parallel_loop3A_941], %parallel_loop3A_944 {add = true, strides = array<i32>} : memref<64x128xf32, #tpu.memory_space<vmem>>, vector<1x16xf32>,
      %parallel_loop3A_945 = arith.index_cast %parallel_loop3A_926 : i32 to index
      %parallel_loop3A_946 = arith.constant 32 : index
      %parallel_loop3A_947 = tpu.vector_load %arg29[%parallel_loop3A_945, %parallel_loop3A_946] {strides = array<i32>} : memref<64x128xf32, #tpu.memory_space<vmem>>, vector<1x16xf32>,
      %parallel_loop3A_948 = vector.shape_cast %parallel_loop3A_947 : vector<1x16xf32> to vector<16xf32>
      %parallel_loop3A_949 = arith.index_cast %parallel_loop3A_926 : i32 to index
      %parallel_loop3A_950 = arith.constant 32 : index
      %parallel_loop3A_951 = tpu.vector_load %arg25[%parallel_loop3A_949, %parallel_loop3A_950] {strides = array<i32>} : memref<64x128xf32, #tpu.memory_space<vmem>>, vector<1x16xf32>,
      %parallel_loop3A_952 = vector.shape_cast %parallel_loop3A_951 : vector<1x16xf32> to vector<16xf32>
      %parallel_loop3A_953 = vector.shape_cast %parallel_loop3A_948 : vector<16xf32> to vector<1x16xf32>
      tpu.vector_store %arg25[%parallel_loop3A_949, %parallel_loop3A_950], %parallel_loop3A_953 {add = true, strides = array<i32>} : memref<64x128xf32, #tpu.memory_space<vmem>>, vector<1x16xf32>,
      %parallel_loop3A_954 = arith.index_cast %parallel_loop3A_926 : i32 to index
      %parallel_loop3A_955 = arith.constant 48 : index
      %parallel_loop3A_956 = tpu.vector_load %arg29[%parallel_loop3A_954, %parallel_loop3A_955] {strides = array<i32>} : memref<64x128xf32, #tpu.memory_space<vmem>>, vector<1x16xf32>,
      %parallel_loop3A_957 = vector.shape_cast %parallel_loop3A_956 : vector<1x16xf32> to vector<16xf32>
      %parallel_loop3A_958 = arith.index_cast %parallel_loop3A_926 : i32 to index
      %parallel_loop3A_959 = arith.constant 48 : index
      %parallel_loop3A_960 = tpu.vector_load %arg25[%parallel_loop3A_958, %parallel_loop3A_959] {strides = array<i32>} : memref<64x128xf32, #tpu.memory_space<vmem>>, vector<1x16xf32>,
      %parallel_loop3A_961 = vector.shape_cast %parallel_loop3A_960 : vector<1x16xf32> to vector<16xf32>
      %parallel_loop3A_962 = vector.shape_cast %parallel_loop3A_957 : vector<16xf32> to vector<1x16xf32>
      tpu.vector_store %arg25[%parallel_loop3A_958, %parallel_loop3A_959], %parallel_loop3A_962 {add = true, strides = array<i32>} : memref<64x128xf32, #tpu.memory_space<vmem>>, vector<1x16xf32>,
      %parallel_loop3A_963 = arith.index_cast %parallel_loop3A_926 : i32 to index
      %parallel_loop3A_964 = arith.constant 64 : index
      %parallel_loop3A_965 = tpu.vector_load %arg29[%parallel_loop3A_963, %parallel_loop3A_964] {strides = array<i32>} : memref<64x128xf32, #tpu.memory_space<vmem>>, vector<1x16xf32>,
      %parallel_loop3A_966 = vector.shape_cast %parallel_loop3A_965 : vector<1x16xf32> to vector<16xf32>
      %parallel_loop3A_967 = arith.index_cast %parallel_loop3A_926 : i32 to index
      %parallel_loop3A_968 = arith.constant 64 : index
      %parallel_loop3A_969 = tpu.vector_load %arg25[%parallel_loop3A_967, %parallel_loop3A_968] {strides = array<i32>} : memref<64x128xf32, #tpu.memory_space<vmem>>, vector<1x16xf32>,
      %parallel_loop3A_970 = vector.shape_cast %parallel_loop3A_969 : vector<1x16xf32> to vector<16xf32>
      %parallel_loop3A_971 = vector.shape_cast %parallel_loop3A_966 : vector<16xf32> to vector<1x16xf32>
      tpu.vector_store %arg25[%parallel_loop3A_967, %parallel_loop3A_968], %parallel_loop3A_971 {add = true, strides = array<i32>} : memref<64x128xf32, #tpu.memory_space<vmem>>, vector<1x16xf32>,
      %parallel_loop3A_972 = arith.index_cast %parallel_loop3A_926 : i32 to index
      %parallel_loop3A_973 = arith.constant 80 : index
      %parallel_loop3A_974 = tpu.vector_load %arg29[%parallel_loop3A_972, %parallel_loop3A_973] {strides = array<i32>} : memref<64x128xf32, #tpu.memory_space<vmem>>, vector<1x16xf32>,
      %parallel_loop3A_975 = vector.shape_cast %parallel_loop3A_974 : vector<1x16xf32> to vector<16xf32>
      %parallel_loop3A_976 = arith.index_cast %parallel_loop3A_926 : i32 to index
      %parallel_loop3A_977 = arith.constant 80 : index
      %parallel_loop3A_978 = tpu.vector_load %arg25[%parallel_loop3A_976, %parallel_loop3A_977] {strides = array<i32>} : memref<64x128xf32, #tpu.memory_space<vmem>>, vector<1x16xf32>,
      %parallel_loop3A_979 = vector.shape_cast %parallel_loop3A_978 : vector<1x16xf32> to vector<16xf32>
      %parallel_loop3A_980 = vector.shape_cast %parallel_loop3A_975 : vector<16xf32> to vector<1x16xf32>
      tpu.vector_store %arg25[%parallel_loop3A_976, %parallel_loop3A_977], %parallel_loop3A_980 {add = true, strides = array<i32>} : memref<64x128xf32, #tpu.memory_space<vmem>>, vector<1x16xf32>,
      %parallel_loop3A_981 = arith.index_cast %parallel_loop3A_926 : i32 to index
      %parallel_loop3A_982 = arith.constant 96 : index
      %parallel_loop3A_983 = tpu.vector_load %arg29[%parallel_loop3A_981, %parallel_loop3A_982] {strides = array<i32>} : memref<64x128xf32, #tpu.memory_space<vmem>>, vector<1x16xf32>,
      %parallel_loop3A_984 = vector.shape_cast %parallel_loop3A_983 : vector<1x16xf32> to vector<16xf32>
      %parallel_loop3A_985 = arith.index_cast %parallel_loop3A_926 : i32 to index
      %parallel_loop3A_986 = arith.constant 96 : index
      %parallel_loop3A_987 = tpu.vector_load %arg25[%parallel_loop3A_985, %parallel_loop3A_986] {strides = array<i32>} : memref<64x128xf32, #tpu.memory_space<vmem>>, vector<1x16xf32>,
      %parallel_loop3A_988 = vector.shape_cast %parallel_loop3A_987 : vector<1x16xf32> to vector<16xf32>
      %parallel_loop3A_989 = vector.shape_cast %parallel_loop3A_984 : vector<16xf32> to vector<1x16xf32>
      tpu.vector_store %arg25[%parallel_loop3A_985, %parallel_loop3A_986], %parallel_loop3A_989 {add = true, strides = array<i32>} : memref<64x128xf32, #tpu.memory_space<vmem>>, vector<1x16xf32>,
      %parallel_loop3A_990 = arith.index_cast %parallel_loop3A_926 : i32 to index
      %parallel_loop3A_991 = arith.constant 112 : index
      %parallel_loop3A_992 = tpu.vector_load %arg29[%parallel_loop3A_990, %parallel_loop3A_991] {strides = array<i32>} : memref<64x128xf32, #tpu.memory_space<vmem>>, vector<1x16xf32>,
      %parallel_loop3A_993 = vector.shape_cast %parallel_loop3A_992 : vector<1x16xf32> to vector<16xf32>
      %parallel_loop3A_994 = arith.index_cast %parallel_loop3A_926 : i32 to index
      %parallel_loop3A_995 = arith.constant 112 : index
      %parallel_loop3A_996 = tpu.vector_load %arg25[%parallel_loop3A_994, %parallel_loop3A_995] {strides = array<i32>} : memref<64x128xf32, #tpu.memory_space<vmem>>, vector<1x16xf32>,
      %parallel_loop3A_997 = vector.shape_cast %parallel_loop3A_996 : vector<1x16xf32> to vector<16xf32>
      %parallel_loop3A_998 = vector.shape_cast %parallel_loop3A_993 : vector<16xf32> to vector<1x16xf32>
      tpu.vector_store %arg25[%parallel_loop3A_994, %parallel_loop3A_995], %parallel_loop3A_998 {add = true, strides = array<i32>} : memref<64x128xf32, #tpu.memory_space<vmem>>, vector<1x16xf32>,
    } {sc.loop_unroll_factor = 4 : i64, sc.parallel_access}
    %dma_start3A_403 = arith.constant 0 : i32
    %dma_start3A_404 = tpu.memref_slice %arg7[%add3A_393, %dma_start3A_403] : memref<204800x128xf32, #tpu.memory_space<hbm>> -> memref<64x128xf32, #tpu.memory_space<hbm>>
    %dma_start3A_405 = arith.constant 0 : i32
    %dma_start3A_406 = tpu.memref_slice %arg7[%add3A_393, %dma_start3A_405] : memref<204800x128xf32, #tpu.memory_space<hbm>> -> memref<64x128xf32, #tpu.memory_space<hbm>>
    tpu.enqueue_dma source(%arg25 : memref<64x128xf32, #tpu.memory_space<vmem>>) target(%dma_start3A_406 : memref<64x128xf32, #tpu.memory_space<hbm>>) target_semaphore(%arg43 : memref<!tpu.dma_semaphore, #tpu.memory_space<semaphore_mem>>)
    %add3A_407 = arith.constant 256 : i32
    %add3A_408 = arith.addi %mul3A_2, %add3A_407 : i32
    %dma_start3A_409 = tpu.memref_slice %arg2[%add3A_408] : memref<204800xi32, #tpu.memory_space<hbm>> -> memref<64xi32, #tpu.memory_space<hbm>>
    %dma_start3A_410 = tpu.memref_slice %arg2[%add3A_408] : memref<204800xi32, #tpu.memory_space<hbm>> -> memref<64xi32, #tpu.memory_space<hbm>>
    tpu.enqueue_dma source(%dma_start3A_410 : memref<64xi32, #tpu.memory_space<hbm>>) target(%arg12 : memref<64xi32, #tpu.memory_space<vmem>>) target_semaphore(%arg33 : memref<!tpu.dma_semaphore, #tpu.memory_space<semaphore_mem>>)
    %dma_start3A_411 = tpu.memref_slice %arg3[%add3A_408] : memref<204800xi32, #tpu.memory_space<hbm>> -> memref<64xi32, #tpu.memory_space<hbm>>
    %dma_start3A_412 = tpu.memref_slice %arg3[%add3A_408] : memref<204800xi32, #tpu.memory_space<hbm>> -> memref<64xi32, #tpu.memory_space<hbm>>
    tpu.enqueue_dma source(%dma_start3A_412 : memref<64xi32, #tpu.memory_space<hbm>>) target(%arg16 : memref<64xi32, #tpu.memory_space<vmem>>) target_semaphore(%arg33 : memref<!tpu.dma_semaphore, #tpu.memory_space<semaphore_mem>>)
    %add3A_413 = arith.constant 256 : i32
    %add3A_414 = arith.addi %mul3A_2, %add3A_413 : i32
    %dma_wait3A_415 = tpu.memref_slice %arg2[%add3A_414] : memref<204800xi32, #tpu.memory_space<hbm>> -> memref<64xi32, #tpu.memory_space<hbm>>
    %dma_wait3A_416 = tpu.memref_slice %arg2[%add3A_414] : memref<204800xi32, #tpu.memory_space<hbm>> -> memref<64xi32, #tpu.memory_space<hbm>>
    tpu.wait_dma2 semaphore(%arg33 : memref<!tpu.dma_semaphore, #tpu.memory_space<semaphore_mem>>) src(%dma_wait3A_416 : memref<64xi32, #tpu.memory_space<hbm>>) dst(%arg12 : memref<64xi32, #tpu.memory_space<vmem>>)
    %dma_wait3A_417 = tpu.memref_slice %arg3[%add3A_414] : memref<204800xi32, #tpu.memory_space<hbm>> -> memref<64xi32, #tpu.memory_space<hbm>>
    %dma_wait3A_418 = tpu.memref_slice %arg3[%add3A_414] : memref<204800xi32, #tpu.memory_space<hbm>> -> memref<64xi32, #tpu.memory_space<hbm>>
    tpu.wait_dma2 semaphore(%arg33 : memref<!tpu.dma_semaphore, #tpu.memory_space<semaphore_mem>>) src(%dma_wait3A_418 : memref<64xi32, #tpu.memory_space<hbm>>) dst(%arg16 : memref<64xi32, #tpu.memory_space<vmem>>)
    %dma_wait3A_419 = arith.constant 0 : i32
    %dma_wait3A_420 = arith.constant 0 : i32
    %dma_wait3A_421 = tpu.memref_slice %arg7[%dma_wait3A_419, %dma_wait3A_420] : memref<204800x128xf32, #tpu.memory_space<hbm>> -> memref<64x128xf32, #tpu.memory_space<hbm>>
    %dma_wait3A_422 = arith.constant 0 : i32
    %dma_wait3A_423 = arith.constant 0 : i32
    %dma_wait3A_424 = tpu.memref_slice %arg7[%dma_wait3A_422, %dma_wait3A_423] : memref<204800x128xf32, #tpu.memory_space<hbm>> -> memref<64x128xf32, #tpu.memory_space<hbm>>
    tpu.wait_dma2 semaphore(%arg42 : memref<!tpu.dma_semaphore, #tpu.memory_space<semaphore_mem>>) src(%arg24 : memref<64x128xf32, #tpu.memory_space<vmem>>) dst(%dma_wait3A_424 : memref<64x128xf32, #tpu.memory_space<hbm>>)
    %add3A_425 = arith.constant 0 : i32
    %add3A_426 = arith.addi %add3A_414, %add3A_425 : i32
    %iota3A_427 = tpu.iota {dimensions = array<i32: 0>} : vector<16xi32>
    %add3A_428 = vector.broadcast %add3A_426 : i32 to vector<16xi32>
    %add3A_429 = arith.addi %add3A_428, %iota3A_427 : vector<16xi32>
    %get3A_430 = arith.constant 0 : index
    %get3A_431 = tpu.vector_load %arg16[%get3A_430] {strides = array<i32>} : memref<64xi32, #tpu.memory_space<vmem>>, vector<16xi32>,
    %get3A_432 = vector.shape_cast %get3A_431 : vector<16xi32> to vector<16xi32>
    %mul3A_433 = arith.constant 200 : i32
    %mul3A_434 = vector.broadcast %mul3A_433 : i32 to vector<16xi32>
    %mul3A_435 = arith.muli %get3A_432, %mul3A_434 : vector<16xi32>
    %rem3A_436 = arith.constant 200 : i32
    %rem3A_437 = vector.broadcast %rem3A_436 : i32 to vector<16xi32>
    %rem3A_438 = arith.remsi %add3A_429, %rem3A_437 : vector<16xi32>
    %add3A_439 = arith.addi %mul3A_435, %rem3A_438 : vector<16xi32>
    %swap3A_440 = arith.constant 0 : index
    %swap3A_441 = tpu.vector_load %arg20[%swap3A_440] {strides = array<i32>} : memref<64xi32, #tpu.memory_space<vmem>>, vector<16xi32>,
    %swap3A_442 = vector.shape_cast %swap3A_441 : vector<16xi32> to vector<16xi32>
    %swap3A_443 = vector.shape_cast %add3A_439 : vector<16xi32> to vector<16xi32>
    tpu.vector_store %arg20[%swap3A_440], %swap3A_443 {strides = array<i32>} : memref<64xi32, #tpu.memory_space<vmem>>, vector<16xi32>,
    %add3A_444 = arith.constant 16 : i32
    %add3A_445 = arith.addi %add3A_414, %add3A_444 : i32
    %iota3A_446 = tpu.iota {dimensions = array<i32: 0>} : vector<16xi32>
    %add3A_447 = vector.broadcast %add3A_445 : i32 to vector<16xi32>
    %add3A_448 = arith.addi %add3A_447, %iota3A_446 : vector<16xi32>
    %get3A_449 = arith.constant 16 : index
    %get3A_450 = tpu.vector_load %arg16[%get3A_449] {strides = array<i32>} : memref<64xi32, #tpu.memory_space<vmem>>, vector<16xi32>,
    %get3A_451 = vector.shape_cast %get3A_450 : vector<16xi32> to vector<16xi32>
    %mul3A_452 = arith.constant 200 : i32
    %mul3A_453 = vector.broadcast %mul3A_452 : i32 to vector<16xi32>
    %mul3A_454 = arith.muli %get3A_451, %mul3A_453 : vector<16xi32>
    %rem3A_455 = arith.constant 200 : i32
    %rem3A_456 = vector.broadcast %rem3A_455 : i32 to vector<16xi32>
    %rem3A_457 = arith.remsi %add3A_448, %rem3A_456 : vector<16xi32>
    %add3A_458 = arith.addi %mul3A_454, %rem3A_457 : vector<16xi32>
    %swap3A_459 = arith.constant 16 : index
    %swap3A_460 = tpu.vector_load %arg20[%swap3A_459] {strides = array<i32>} : memref<64xi32, #tpu.memory_space<vmem>>, vector<16xi32>,
    %swap3A_461 = vector.shape_cast %swap3A_460 : vector<16xi32> to vector<16xi32>
    %swap3A_462 = vector.shape_cast %add3A_458 : vector<16xi32> to vector<16xi32>
    tpu.vector_store %arg20[%swap3A_459], %swap3A_462 {strides = array<i32>} : memref<64xi32, #tpu.memory_space<vmem>>, vector<16xi32>,
    %add3A_463 = arith.constant 32 : i32
    %add3A_464 = arith.addi %add3A_414, %add3A_463 : i32
    %iota3A_465 = tpu.iota {dimensions = array<i32: 0>} : vector<16xi32>
    %add3A_466 = vector.broadcast %add3A_464 : i32 to vector<16xi32>
    %add3A_467 = arith.addi %add3A_466, %iota3A_465 : vector<16xi32>
    %get3A_468 = arith.constant 32 : index
    %get3A_469 = tpu.vector_load %arg16[%get3A_468] {strides = array<i32>} : memref<64xi32, #tpu.memory_space<vmem>>, vector<16xi32>,
    %get3A_470 = vector.shape_cast %get3A_469 : vector<16xi32> to vector<16xi32>
    %mul3A_471 = arith.constant 200 : i32
    %mul3A_472 = vector.broadcast %mul3A_471 : i32 to vector<16xi32>
    %mul3A_473 = arith.muli %get3A_470, %mul3A_472 : vector<16xi32>
    %rem3A_474 = arith.constant 200 : i32
    %rem3A_475 = vector.broadcast %rem3A_474 : i32 to vector<16xi32>
    %rem3A_476 = arith.remsi %add3A_467, %rem3A_475 : vector<16xi32>
    %add3A_477 = arith.addi %mul3A_473, %rem3A_476 : vector<16xi32>
    %swap3A_478 = arith.constant 32 : index
    %swap3A_479 = tpu.vector_load %arg20[%swap3A_478] {strides = array<i32>} : memref<64xi32, #tpu.memory_space<vmem>>, vector<16xi32>,
    %swap3A_480 = vector.shape_cast %swap3A_479 : vector<16xi32> to vector<16xi32>
    %swap3A_481 = vector.shape_cast %add3A_477 : vector<16xi32> to vector<16xi32>
    tpu.vector_store %arg20[%swap3A_478], %swap3A_481 {strides = array<i32>} : memref<64xi32, #tpu.memory_space<vmem>>, vector<16xi32>,
    %add3A_482 = arith.constant 48 : i32
    %add3A_483 = arith.addi %add3A_414, %add3A_482 : i32
    %iota3A_484 = tpu.iota {dimensions = array<i32: 0>} : vector<16xi32>
    %add3A_485 = vector.broadcast %add3A_483 : i32 to vector<16xi32>
    %add3A_486 = arith.addi %add3A_485, %iota3A_484 : vector<16xi32>
    %get3A_487 = arith.constant 48 : index
    %get3A_488 = tpu.vector_load %arg16[%get3A_487] {strides = array<i32>} : memref<64xi32, #tpu.memory_space<vmem>>, vector<16xi32>,
    %get3A_489 = vector.shape_cast %get3A_488 : vector<16xi32> to vector<16xi32>
    %mul3A_490 = arith.constant 200 : i32
    %mul3A_491 = vector.broadcast %mul3A_490 : i32 to vector<16xi32>
    %mul3A_492 = arith.muli %get3A_489, %mul3A_491 : vector<16xi32>
    %rem3A_493 = arith.constant 200 : i32
    %rem3A_494 = vector.broadcast %rem3A_493 : i32 to vector<16xi32>
    %rem3A_495 = arith.remsi %add3A_486, %rem3A_494 : vector<16xi32>
    %add3A_496 = arith.addi %mul3A_492, %rem3A_495 : vector<16xi32>
    %swap3A_497 = arith.constant 48 : index
    %swap3A_498 = tpu.vector_load %arg20[%swap3A_497] {strides = array<i32>} : memref<64xi32, #tpu.memory_space<vmem>>, vector<16xi32>,
    %swap3A_499 = vector.shape_cast %swap3A_498 : vector<16xi32> to vector<16xi32>
    %swap3A_500 = vector.shape_cast %add3A_496 : vector<16xi32> to vector<16xi32>
    tpu.vector_store %arg20[%swap3A_497], %swap3A_500 {strides = array<i32>} : memref<64xi32, #tpu.memory_space<vmem>>, vector<16xi32>,
    %dma_start3A_501 = arith.constant 0 : i32
    %dma_start3A_502 = arith.constant 0 : i32
    %dma_start3A_503 = tpu.memref_slice %arg4[%dma_start3A_501, %dma_start3A_502] : memref<100000x128xf32, #tpu.memory_space<hbm>> -> memref<100000x128xf32, #tpu.memory_space<hbm>>
    tpu.enqueue_indirect_dma source(%dma_start3A_503 : memref<100000x128xf32, #tpu.memory_space<hbm>>) target(%arg24 : memref<64x128xf32, #tpu.memory_space<vmem>>) offsets(%arg12 : memref<64xi32, #tpu.memory_space<vmem>>) semaphore(%arg34 : memref<!tpu.dma_semaphore, #tpu.memory_space<semaphore_mem>>)
    %dma_start3A_504 = arith.constant 0 : i32
    %dma_start3A_505 = arith.constant 0 : i32
    %dma_start3A_506 = tpu.memref_slice %arg8[%dma_start3A_504, %dma_start3A_505] : memref<608x128xf32, #tpu.memory_space<vmem_shared>> -> memref<608x128xf32, #tpu.memory_space<vmem_shared>>
    tpu.enqueue_indirect_dma source(%dma_start3A_506 : memref<608x128xf32, #tpu.memory_space<vmem_shared>>) target(%arg28 : memref<64x128xf32, #tpu.memory_space<vmem>>) offsets(%arg20 : memref<64xi32, #tpu.memory_space<vmem>>) semaphore(%arg38 : memref<!tpu.dma_semaphore, #tpu.memory_space<semaphore_mem>>)
    %add3A_507 = arith.constant 128 : i32
    %add3A_508 = arith.addi %mul3A_2, %add3A_507 : i32
    %dma_wait3A_509 = arith.constant 0 : i32
    %dma_wait3A_510 = arith.constant 0 : i32
    %dma_wait3A_511 = tpu.memref_slice %arg4[%dma_wait3A_509, %dma_wait3A_510] : memref<100000x128xf32, #tpu.memory_space<hbm>> -> memref<100000x128xf32, #tpu.memory_space<hbm>>
    tpu.wait_indirect_dma semaphore(%arg36 : memref<!tpu.dma_semaphore, #tpu.memory_space<semaphore_mem>>) src(%dma_wait3A_511 : memref<100000x128xf32, #tpu.memory_space<hbm>>) dst(%arg26 : memref<64x128xf32, #tpu.memory_space<vmem>>)
    %dma_wait3A_512 = arith.constant 0 : i32
    %dma_wait3A_513 = arith.constant 0 : i32
    %dma_wait3A_514 = tpu.memref_slice %arg8[%dma_wait3A_512, %dma_wait3A_513] : memref<608x128xf32, #tpu.memory_space<vmem_shared>> -> memref<608x128xf32, #tpu.memory_space<vmem_shared>>
    tpu.wait_indirect_dma semaphore(%arg40 : memref<!tpu.dma_semaphore, #tpu.memory_space<semaphore_mem>>) src(%dma_wait3A_514 : memref<608x128xf32, #tpu.memory_space<vmem_shared>>) dst(%arg30 : memref<64x128xf32, #tpu.memory_space<vmem>>)
    %parallel_loop3A_515 = arith.constant 0 : i32
    %parallel_loop3A_516 = arith.constant 64 : i32
    %parallel_loop3A_517 = arith.constant 1 : i32
    scf.for %parallel_loop3A_926 = %parallel_loop3A_515 to %parallel_loop3A_516 step %parallel_loop3A_517  : i32 {
      %parallel_loop3A_927 = arith.index_cast %parallel_loop3A_926 : i32 to index
      %parallel_loop3A_928 = arith.constant 0 : index
      %parallel_loop3A_929 = tpu.vector_load %arg30[%parallel_loop3A_927, %parallel_loop3A_928] {strides = array<i32>} : memref<64x128xf32, #tpu.memory_space<vmem>>, vector<1x16xf32>,
      %parallel_loop3A_930 = vector.shape_cast %parallel_loop3A_929 : vector<1x16xf32> to vector<16xf32>
      %parallel_loop3A_931 = arith.index_cast %parallel_loop3A_926 : i32 to index
      %parallel_loop3A_932 = arith.constant 0 : index
      %parallel_loop3A_933 = tpu.vector_load %arg26[%parallel_loop3A_931, %parallel_loop3A_932] {strides = array<i32>} : memref<64x128xf32, #tpu.memory_space<vmem>>, vector<1x16xf32>,
      %parallel_loop3A_934 = vector.shape_cast %parallel_loop3A_933 : vector<1x16xf32> to vector<16xf32>
      %parallel_loop3A_935 = vector.shape_cast %parallel_loop3A_930 : vector<16xf32> to vector<1x16xf32>
      tpu.vector_store %arg26[%parallel_loop3A_931, %parallel_loop3A_932], %parallel_loop3A_935 {add = true, strides = array<i32>} : memref<64x128xf32, #tpu.memory_space<vmem>>, vector<1x16xf32>,
      %parallel_loop3A_936 = arith.index_cast %parallel_loop3A_926 : i32 to index
      %parallel_loop3A_937 = arith.constant 16 : index
      %parallel_loop3A_938 = tpu.vector_load %arg30[%parallel_loop3A_936, %parallel_loop3A_937] {strides = array<i32>} : memref<64x128xf32, #tpu.memory_space<vmem>>, vector<1x16xf32>,
      %parallel_loop3A_939 = vector.shape_cast %parallel_loop3A_938 : vector<1x16xf32> to vector<16xf32>
      %parallel_loop3A_940 = arith.index_cast %parallel_loop3A_926 : i32 to index
      %parallel_loop3A_941 = arith.constant 16 : index
      %parallel_loop3A_942 = tpu.vector_load %arg26[%parallel_loop3A_940, %parallel_loop3A_941] {strides = array<i32>} : memref<64x128xf32, #tpu.memory_space<vmem>>, vector<1x16xf32>,
      %parallel_loop3A_943 = vector.shape_cast %parallel_loop3A_942 : vector<1x16xf32> to vector<16xf32>
      %parallel_loop3A_944 = vector.shape_cast %parallel_loop3A_939 : vector<16xf32> to vector<1x16xf32>
      tpu.vector_store %arg26[%parallel_loop3A_940, %parallel_loop3A_941], %parallel_loop3A_944 {add = true, strides = array<i32>} : memref<64x128xf32, #tpu.memory_space<vmem>>, vector<1x16xf32>,
      %parallel_loop3A_945 = arith.index_cast %parallel_loop3A_926 : i32 to index
      %parallel_loop3A_946 = arith.constant 32 : index
      %parallel_loop3A_947 = tpu.vector_load %arg30[%parallel_loop3A_945, %parallel_loop3A_946] {strides = array<i32>} : memref<64x128xf32, #tpu.memory_space<vmem>>, vector<1x16xf32>,
      %parallel_loop3A_948 = vector.shape_cast %parallel_loop3A_947 : vector<1x16xf32> to vector<16xf32>
      %parallel_loop3A_949 = arith.index_cast %parallel_loop3A_926 : i32 to index
      %parallel_loop3A_950 = arith.constant 32 : index
      %parallel_loop3A_951 = tpu.vector_load %arg26[%parallel_loop3A_949, %parallel_loop3A_950] {strides = array<i32>} : memref<64x128xf32, #tpu.memory_space<vmem>>, vector<1x16xf32>,
      %parallel_loop3A_952 = vector.shape_cast %parallel_loop3A_951 : vector<1x16xf32> to vector<16xf32>
      %parallel_loop3A_953 = vector.shape_cast %parallel_loop3A_948 : vector<16xf32> to vector<1x16xf32>
      tpu.vector_store %arg26[%parallel_loop3A_949, %parallel_loop3A_950], %parallel_loop3A_953 {add = true, strides = array<i32>} : memref<64x128xf32, #tpu.memory_space<vmem>>, vector<1x16xf32>,
      %parallel_loop3A_954 = arith.index_cast %parallel_loop3A_926 : i32 to index
      %parallel_loop3A_955 = arith.constant 48 : index
      %parallel_loop3A_956 = tpu.vector_load %arg30[%parallel_loop3A_954, %parallel_loop3A_955] {strides = array<i32>} : memref<64x128xf32, #tpu.memory_space<vmem>>, vector<1x16xf32>,
      %parallel_loop3A_957 = vector.shape_cast %parallel_loop3A_956 : vector<1x16xf32> to vector<16xf32>
      %parallel_loop3A_958 = arith.index_cast %parallel_loop3A_926 : i32 to index
      %parallel_loop3A_959 = arith.constant 48 : index
      %parallel_loop3A_960 = tpu.vector_load %arg26[%parallel_loop3A_958, %parallel_loop3A_959] {strides = array<i32>} : memref<64x128xf32, #tpu.memory_space<vmem>>, vector<1x16xf32>,
      %parallel_loop3A_961 = vector.shape_cast %parallel_loop3A_960 : vector<1x16xf32> to vector<16xf32>
      %parallel_loop3A_962 = vector.shape_cast %parallel_loop3A_957 : vector<16xf32> to vector<1x16xf32>
      tpu.vector_store %arg26[%parallel_loop3A_958, %parallel_loop3A_959], %parallel_loop3A_962 {add = true, strides = array<i32>} : memref<64x128xf32, #tpu.memory_space<vmem>>, vector<1x16xf32>,
      %parallel_loop3A_963 = arith.index_cast %parallel_loop3A_926 : i32 to index
      %parallel_loop3A_964 = arith.constant 64 : index
      %parallel_loop3A_965 = tpu.vector_load %arg30[%parallel_loop3A_963, %parallel_loop3A_964] {strides = array<i32>} : memref<64x128xf32, #tpu.memory_space<vmem>>, vector<1x16xf32>,
      %parallel_loop3A_966 = vector.shape_cast %parallel_loop3A_965 : vector<1x16xf32> to vector<16xf32>
      %parallel_loop3A_967 = arith.index_cast %parallel_loop3A_926 : i32 to index
      %parallel_loop3A_968 = arith.constant 64 : index
      %parallel_loop3A_969 = tpu.vector_load %arg26[%parallel_loop3A_967, %parallel_loop3A_968] {strides = array<i32>} : memref<64x128xf32, #tpu.memory_space<vmem>>, vector<1x16xf32>,
      %parallel_loop3A_970 = vector.shape_cast %parallel_loop3A_969 : vector<1x16xf32> to vector<16xf32>
      %parallel_loop3A_971 = vector.shape_cast %parallel_loop3A_966 : vector<16xf32> to vector<1x16xf32>
      tpu.vector_store %arg26[%parallel_loop3A_967, %parallel_loop3A_968], %parallel_loop3A_971 {add = true, strides = array<i32>} : memref<64x128xf32, #tpu.memory_space<vmem>>, vector<1x16xf32>,
      %parallel_loop3A_972 = arith.index_cast %parallel_loop3A_926 : i32 to index
      %parallel_loop3A_973 = arith.constant 80 : index
      %parallel_loop3A_974 = tpu.vector_load %arg30[%parallel_loop3A_972, %parallel_loop3A_973] {strides = array<i32>} : memref<64x128xf32, #tpu.memory_space<vmem>>, vector<1x16xf32>,
      %parallel_loop3A_975 = vector.shape_cast %parallel_loop3A_974 : vector<1x16xf32> to vector<16xf32>
      %parallel_loop3A_976 = arith.index_cast %parallel_loop3A_926 : i32 to index
      %parallel_loop3A_977 = arith.constant 80 : index
      %parallel_loop3A_978 = tpu.vector_load %arg26[%parallel_loop3A_976, %parallel_loop3A_977] {strides = array<i32>} : memref<64x128xf32, #tpu.memory_space<vmem>>, vector<1x16xf32>,
      %parallel_loop3A_979 = vector.shape_cast %parallel_loop3A_978 : vector<1x16xf32> to vector<16xf32>
      %parallel_loop3A_980 = vector.shape_cast %parallel_loop3A_975 : vector<16xf32> to vector<1x16xf32>
      tpu.vector_store %arg26[%parallel_loop3A_976, %parallel_loop3A_977], %parallel_loop3A_980 {add = true, strides = array<i32>} : memref<64x128xf32, #tpu.memory_space<vmem>>, vector<1x16xf32>,
      %parallel_loop3A_981 = arith.index_cast %parallel_loop3A_926 : i32 to index
      %parallel_loop3A_982 = arith.constant 96 : index
      %parallel_loop3A_983 = tpu.vector_load %arg30[%parallel_loop3A_981, %parallel_loop3A_982] {strides = array<i32>} : memref<64x128xf32, #tpu.memory_space<vmem>>, vector<1x16xf32>,
      %parallel_loop3A_984 = vector.shape_cast %parallel_loop3A_983 : vector<1x16xf32> to vector<16xf32>
      %parallel_loop3A_985 = arith.index_cast %parallel_loop3A_926 : i32 to index
      %parallel_loop3A_986 = arith.constant 96 : index
      %parallel_loop3A_987 = tpu.vector_load %arg26[%parallel_loop3A_985, %parallel_loop3A_986] {strides = array<i32>} : memref<64x128xf32, #tpu.memory_space<vmem>>, vector<1x16xf32>,
      %parallel_loop3A_988 = vector.shape_cast %parallel_loop3A_987 : vector<1x16xf32> to vector<16xf32>
      %parallel_loop3A_989 = vector.shape_cast %parallel_loop3A_984 : vector<16xf32> to vector<1x16xf32>
      tpu.vector_store %arg26[%parallel_loop3A_985, %parallel_loop3A_986], %parallel_loop3A_989 {add = true, strides = array<i32>} : memref<64x128xf32, #tpu.memory_space<vmem>>, vector<1x16xf32>,
      %parallel_loop3A_990 = arith.index_cast %parallel_loop3A_926 : i32 to index
      %parallel_loop3A_991 = arith.constant 112 : index
      %parallel_loop3A_992 = tpu.vector_load %arg30[%parallel_loop3A_990, %parallel_loop3A_991] {strides = array<i32>} : memref<64x128xf32, #tpu.memory_space<vmem>>, vector<1x16xf32>,
      %parallel_loop3A_993 = vector.shape_cast %parallel_loop3A_992 : vector<1x16xf32> to vector<16xf32>
      %parallel_loop3A_994 = arith.index_cast %parallel_loop3A_926 : i32 to index
      %parallel_loop3A_995 = arith.constant 112 : index
      %parallel_loop3A_996 = tpu.vector_load %arg26[%parallel_loop3A_994, %parallel_loop3A_995] {strides = array<i32>} : memref<64x128xf32, #tpu.memory_space<vmem>>, vector<1x16xf32>,
      %parallel_loop3A_997 = vector.shape_cast %parallel_loop3A_996 : vector<1x16xf32> to vector<16xf32>
      %parallel_loop3A_998 = vector.shape_cast %parallel_loop3A_993 : vector<16xf32> to vector<1x16xf32>
      tpu.vector_store %arg26[%parallel_loop3A_994, %parallel_loop3A_995], %parallel_loop3A_998 {add = true, strides = array<i32>} : memref<64x128xf32, #tpu.memory_space<vmem>>, vector<1x16xf32>,
    } {sc.loop_unroll_factor = 4 : i64, sc.parallel_access}
    %dma_start3A_518 = arith.constant 0 : i32
    %dma_start3A_519 = tpu.memref_slice %arg7[%add3A_508, %dma_start3A_518] : memref<204800x128xf32, #tpu.memory_space<hbm>> -> memref<64x128xf32, #tpu.memory_space<hbm>>
    %dma_start3A_520 = arith.constant 0 : i32
    %dma_start3A_521 = tpu.memref_slice %arg7[%add3A_508, %dma_start3A_520] : memref<204800x128xf32, #tpu.memory_space<hbm>> -> memref<64x128xf32, #tpu.memory_space<hbm>>
    tpu.enqueue_dma source(%arg26 : memref<64x128xf32, #tpu.memory_space<vmem>>) target(%dma_start3A_521 : memref<64x128xf32, #tpu.memory_space<hbm>>) target_semaphore(%arg44 : memref<!tpu.dma_semaphore, #tpu.memory_space<semaphore_mem>>)
    %add3A_522 = arith.constant 320 : i32
    %add3A_523 = arith.addi %mul3A_2, %add3A_522 : i32
    %dma_start3A_524 = tpu.memref_slice %arg2[%add3A_523] : memref<204800xi32, #tpu.memory_space<hbm>> -> memref<64xi32, #tpu.memory_space<hbm>>
    %dma_start3A_525 = tpu.memref_slice %arg2[%add3A_523] : memref<204800xi32, #tpu.memory_space<hbm>> -> memref<64xi32, #tpu.memory_space<hbm>>
    tpu.enqueue_dma source(%dma_start3A_525 : memref<64xi32, #tpu.memory_space<hbm>>) target(%arg13 : memref<64xi32, #tpu.memory_space<vmem>>) target_semaphore(%arg33 : memref<!tpu.dma_semaphore, #tpu.memory_space<semaphore_mem>>)
    %dma_start3A_526 = tpu.memref_slice %arg3[%add3A_523] : memref<204800xi32, #tpu.memory_space<hbm>> -> memref<64xi32, #tpu.memory_space<hbm>>
    %dma_start3A_527 = tpu.memref_slice %arg3[%add3A_523] : memref<204800xi32, #tpu.memory_space<hbm>> -> memref<64xi32, #tpu.memory_space<hbm>>
    tpu.enqueue_dma source(%dma_start3A_527 : memref<64xi32, #tpu.memory_space<hbm>>) target(%arg17 : memref<64xi32, #tpu.memory_space<vmem>>) target_semaphore(%arg33 : memref<!tpu.dma_semaphore, #tpu.memory_space<semaphore_mem>>)
    %add3A_528 = arith.constant 320 : i32
    %add3A_529 = arith.addi %mul3A_2, %add3A_528 : i32
    %dma_wait3A_530 = tpu.memref_slice %arg2[%add3A_529] : memref<204800xi32, #tpu.memory_space<hbm>> -> memref<64xi32, #tpu.memory_space<hbm>>
    %dma_wait3A_531 = tpu.memref_slice %arg2[%add3A_529] : memref<204800xi32, #tpu.memory_space<hbm>> -> memref<64xi32, #tpu.memory_space<hbm>>
    tpu.wait_dma2 semaphore(%arg33 : memref<!tpu.dma_semaphore, #tpu.memory_space<semaphore_mem>>) src(%dma_wait3A_531 : memref<64xi32, #tpu.memory_space<hbm>>) dst(%arg13 : memref<64xi32, #tpu.memory_space<vmem>>)
    %dma_wait3A_532 = tpu.memref_slice %arg3[%add3A_529] : memref<204800xi32, #tpu.memory_space<hbm>> -> memref<64xi32, #tpu.memory_space<hbm>>
    %dma_wait3A_533 = tpu.memref_slice %arg3[%add3A_529] : memref<204800xi32, #tpu.memory_space<hbm>> -> memref<64xi32, #tpu.memory_space<hbm>>
    tpu.wait_dma2 semaphore(%arg33 : memref<!tpu.dma_semaphore, #tpu.memory_space<semaphore_mem>>) src(%dma_wait3A_533 : memref<64xi32, #tpu.memory_space<hbm>>) dst(%arg17 : memref<64xi32, #tpu.memory_space<vmem>>)
    %dma_wait3A_534 = arith.constant 0 : i32
    %dma_wait3A_535 = arith.constant 0 : i32
    %dma_wait3A_536 = tpu.memref_slice %arg7[%dma_wait3A_534, %dma_wait3A_535] : memref<204800x128xf32, #tpu.memory_space<hbm>> -> memref<64x128xf32, #tpu.memory_space<hbm>>
    %dma_wait3A_537 = arith.constant 0 : i32
    %dma_wait3A_538 = arith.constant 0 : i32
    %dma_wait3A_539 = tpu.memref_slice %arg7[%dma_wait3A_537, %dma_wait3A_538] : memref<204800x128xf32, #tpu.memory_space<hbm>> -> memref<64x128xf32, #tpu.memory_space<hbm>>
    tpu.wait_dma2 semaphore(%arg43 : memref<!tpu.dma_semaphore, #tpu.memory_space<semaphore_mem>>) src(%arg25 : memref<64x128xf32, #tpu.memory_space<vmem>>) dst(%dma_wait3A_539 : memref<64x128xf32, #tpu.memory_space<hbm>>)
    %add3A_540 = arith.constant 0 : i32
    %add3A_541 = arith.addi %add3A_529, %add3A_540 : i32
    %iota3A_542 = tpu.iota {dimensions = array<i32: 0>} : vector<16xi32>
    %add3A_543 = vector.broadcast %add3A_541 : i32 to vector<16xi32>
    %add3A_544 = arith.addi %add3A_543, %iota3A_542 : vector<16xi32>
    %get3A_545 = arith.constant 0 : index
    %get3A_546 = tpu.vector_load %arg17[%get3A_545] {strides = array<i32>} : memref<64xi32, #tpu.memory_space<vmem>>, vector<16xi32>,
    %get3A_547 = vector.shape_cast %get3A_546 : vector<16xi32> to vector<16xi32>
    %mul3A_548 = arith.constant 200 : i32
    %mul3A_549 = vector.broadcast %mul3A_548 : i32 to vector<16xi32>
    %mul3A_550 = arith.muli %get3A_547, %mul3A_549 : vector<16xi32>
    %rem3A_551 = arith.constant 200 : i32
    %rem3A_552 = vector.broadcast %rem3A_551 : i32 to vector<16xi32>
    %rem3A_553 = arith.remsi %add3A_544, %rem3A_552 : vector<16xi32>
    %add3A_554 = arith.addi %mul3A_550, %rem3A_553 : vector<16xi32>
    %swap3A_555 = arith.constant 0 : index
    %swap3A_556 = tpu.vector_load %arg21[%swap3A_555] {strides = array<i32>} : memref<64xi32, #tpu.memory_space<vmem>>, vector<16xi32>,
    %swap3A_557 = vector.shape_cast %swap3A_556 : vector<16xi32> to vector<16xi32>
    %swap3A_558 = vector.shape_cast %add3A_554 : vector<16xi32> to vector<16xi32>
    tpu.vector_store %arg21[%swap3A_555], %swap3A_558 {strides = array<i32>} : memref<64xi32, #tpu.memory_space<vmem>>, vector<16xi32>,
    %add3A_559 = arith.constant 16 : i32
    %add3A_560 = arith.addi %add3A_529, %add3A_559 : i32
    %iota3A_561 = tpu.iota {dimensions = array<i32: 0>} : vector<16xi32>
    %add3A_562 = vector.broadcast %add3A_560 : i32 to vector<16xi32>
    %add3A_563 = arith.addi %add3A_562, %iota3A_561 : vector<16xi32>
    %get3A_564 = arith.constant 16 : index
    %get3A_565 = tpu.vector_load %arg17[%get3A_564] {strides = array<i32>} : memref<64xi32, #tpu.memory_space<vmem>>, vector<16xi32>,
    %get3A_566 = vector.shape_cast %get3A_565 : vector<16xi32> to vector<16xi32>
    %mul3A_567 = arith.constant 200 : i32
    %mul3A_568 = vector.broadcast %mul3A_567 : i32 to vector<16xi32>
    %mul3A_569 = arith.muli %get3A_566, %mul3A_568 : vector<16xi32>
    %rem3A_570 = arith.constant 200 : i32
    %rem3A_571 = vector.broadcast %rem3A_570 : i32 to vector<16xi32>
    %rem3A_572 = arith.remsi %add3A_563, %rem3A_571 : vector<16xi32>
    %add3A_573 = arith.addi %mul3A_569, %rem3A_572 : vector<16xi32>
    %swap3A_574 = arith.constant 16 : index
    %swap3A_575 = tpu.vector_load %arg21[%swap3A_574] {strides = array<i32>} : memref<64xi32, #tpu.memory_space<vmem>>, vector<16xi32>,
    %swap3A_576 = vector.shape_cast %swap3A_575 : vector<16xi32> to vector<16xi32>
    %swap3A_577 = vector.shape_cast %add3A_573 : vector<16xi32> to vector<16xi32>
    tpu.vector_store %arg21[%swap3A_574], %swap3A_577 {strides = array<i32>} : memref<64xi32, #tpu.memory_space<vmem>>, vector<16xi32>,
    %add3A_578 = arith.constant 32 : i32
    %add3A_579 = arith.addi %add3A_529, %add3A_578 : i32
    %iota3A_580 = tpu.iota {dimensions = array<i32: 0>} : vector<16xi32>
    %add3A_581 = vector.broadcast %add3A_579 : i32 to vector<16xi32>
    %add3A_582 = arith.addi %add3A_581, %iota3A_580 : vector<16xi32>
    %get3A_583 = arith.constant 32 : index
    %get3A_584 = tpu.vector_load %arg17[%get3A_583] {strides = array<i32>} : memref<64xi32, #tpu.memory_space<vmem>>, vector<16xi32>,
    %get3A_585 = vector.shape_cast %get3A_584 : vector<16xi32> to vector<16xi32>
    %mul3A_586 = arith.constant 200 : i32
    %mul3A_587 = vector.broadcast %mul3A_586 : i32 to vector<16xi32>
    %mul3A_588 = arith.muli %get3A_585, %mul3A_587 : vector<16xi32>
    %rem3A_589 = arith.constant 200 : i32
    %rem3A_590 = vector.broadcast %rem3A_589 : i32 to vector<16xi32>
    %rem3A_591 = arith.remsi %add3A_582, %rem3A_590 : vector<16xi32>
    %add3A_592 = arith.addi %mul3A_588, %rem3A_591 : vector<16xi32>
    %swap3A_593 = arith.constant 32 : index
    %swap3A_594 = tpu.vector_load %arg21[%swap3A_593] {strides = array<i32>} : memref<64xi32, #tpu.memory_space<vmem>>, vector<16xi32>,
    %swap3A_595 = vector.shape_cast %swap3A_594 : vector<16xi32> to vector<16xi32>
    %swap3A_596 = vector.shape_cast %add3A_592 : vector<16xi32> to vector<16xi32>
    tpu.vector_store %arg21[%swap3A_593], %swap3A_596 {strides = array<i32>} : memref<64xi32, #tpu.memory_space<vmem>>, vector<16xi32>,
    %add3A_597 = arith.constant 48 : i32
    %add3A_598 = arith.addi %add3A_529, %add3A_597 : i32
    %iota3A_599 = tpu.iota {dimensions = array<i32: 0>} : vector<16xi32>
    %add3A_600 = vector.broadcast %add3A_598 : i32 to vector<16xi32>
    %add3A_601 = arith.addi %add3A_600, %iota3A_599 : vector<16xi32>
    %get3A_602 = arith.constant 48 : index
    %get3A_603 = tpu.vector_load %arg17[%get3A_602] {strides = array<i32>} : memref<64xi32, #tpu.memory_space<vmem>>, vector<16xi32>,
    %get3A_604 = vector.shape_cast %get3A_603 : vector<16xi32> to vector<16xi32>
    %mul3A_605 = arith.constant 200 : i32
    %mul3A_606 = vector.broadcast %mul3A_605 : i32 to vector<16xi32>
    %mul3A_607 = arith.muli %get3A_604, %mul3A_606 : vector<16xi32>
    %rem3A_608 = arith.constant 200 : i32
    %rem3A_609 = vector.broadcast %rem3A_608 : i32 to vector<16xi32>
    %rem3A_610 = arith.remsi %add3A_601, %rem3A_609 : vector<16xi32>
    %add3A_611 = arith.addi %mul3A_607, %rem3A_610 : vector<16xi32>
    %swap3A_612 = arith.constant 48 : index
    %swap3A_613 = tpu.vector_load %arg21[%swap3A_612] {strides = array<i32>} : memref<64xi32, #tpu.memory_space<vmem>>, vector<16xi32>,
    %swap3A_614 = vector.shape_cast %swap3A_613 : vector<16xi32> to vector<16xi32>
    %swap3A_615 = vector.shape_cast %add3A_611 : vector<16xi32> to vector<16xi32>
    tpu.vector_store %arg21[%swap3A_612], %swap3A_615 {strides = array<i32>} : memref<64xi32, #tpu.memory_space<vmem>>, vector<16xi32>,
    %dma_start3A_616 = arith.constant 0 : i32
    %dma_start3A_617 = arith.constant 0 : i32
    %dma_start3A_618 = tpu.memref_slice %arg4[%dma_start3A_616, %dma_start3A_617] : memref<100000x128xf32, #tpu.memory_space<hbm>> -> memref<100000x128xf32, #tpu.memory_space<hbm>>
    tpu.enqueue_indirect_dma source(%dma_start3A_618 : memref<100000x128xf32, #tpu.memory_space<hbm>>) target(%arg25 : memref<64x128xf32, #tpu.memory_space<vmem>>) offsets(%arg13 : memref<64xi32, #tpu.memory_space<vmem>>) semaphore(%arg35 : memref<!tpu.dma_semaphore, #tpu.memory_space<semaphore_mem>>)
    %dma_start3A_619 = arith.constant 0 : i32
    %dma_start3A_620 = arith.constant 0 : i32
    %dma_start3A_621 = tpu.memref_slice %arg8[%dma_start3A_619, %dma_start3A_620] : memref<608x128xf32, #tpu.memory_space<vmem_shared>> -> memref<608x128xf32, #tpu.memory_space<vmem_shared>>
    tpu.enqueue_indirect_dma source(%dma_start3A_621 : memref<608x128xf32, #tpu.memory_space<vmem_shared>>) target(%arg29 : memref<64x128xf32, #tpu.memory_space<vmem>>) offsets(%arg21 : memref<64xi32, #tpu.memory_space<vmem>>) semaphore(%arg39 : memref<!tpu.dma_semaphore, #tpu.memory_space<semaphore_mem>>)
    %add3A_622 = arith.constant 192 : i32
    %add3A_623 = arith.addi %mul3A_2, %add3A_622 : i32
    %dma_wait3A_624 = arith.constant 0 : i32
    %dma_wait3A_625 = arith.constant 0 : i32
    %dma_wait3A_626 = tpu.memref_slice %arg4[%dma_wait3A_624, %dma_wait3A_625] : memref<100000x128xf32, #tpu.memory_space<hbm>> -> memref<100000x128xf32, #tpu.memory_space<hbm>>
    tpu.wait_indirect_dma semaphore(%arg37 : memref<!tpu.dma_semaphore, #tpu.memory_space<semaphore_mem>>) src(%dma_wait3A_626 : memref<100000x128xf32, #tpu.memory_space<hbm>>) dst(%arg27 : memref<64x128xf32, #tpu.memory_space<vmem>>)
    %dma_wait3A_627 = arith.constant 0 : i32
    %dma_wait3A_628 = arith.constant 0 : i32
    %dma_wait3A_629 = tpu.memref_slice %arg8[%dma_wait3A_627, %dma_wait3A_628] : memref<608x128xf32, #tpu.memory_space<vmem_shared>> -> memref<608x128xf32, #tpu.memory_space<vmem_shared>>
    tpu.wait_indirect_dma semaphore(%arg41 : memref<!tpu.dma_semaphore, #tpu.memory_space<semaphore_mem>>) src(%dma_wait3A_629 : memref<608x128xf32, #tpu.memory_space<vmem_shared>>) dst(%arg31 : memref<64x128xf32, #tpu.memory_space<vmem>>)
    %parallel_loop3A_630 = arith.constant 0 : i32
    %parallel_loop3A_631 = arith.constant 64 : i32
    %parallel_loop3A_632 = arith.constant 1 : i32
    scf.for %parallel_loop3A_926 = %parallel_loop3A_630 to %parallel_loop3A_631 step %parallel_loop3A_632  : i32 {
      %parallel_loop3A_927 = arith.index_cast %parallel_loop3A_926 : i32 to index
      %parallel_loop3A_928 = arith.constant 0 : index
      %parallel_loop3A_929 = tpu.vector_load %arg31[%parallel_loop3A_927, %parallel_loop3A_928] {strides = array<i32>} : memref<64x128xf32, #tpu.memory_space<vmem>>, vector<1x16xf32>,
      %parallel_loop3A_930 = vector.shape_cast %parallel_loop3A_929 : vector<1x16xf32> to vector<16xf32>
      %parallel_loop3A_931 = arith.index_cast %parallel_loop3A_926 : i32 to index
      %parallel_loop3A_932 = arith.constant 0 : index
      %parallel_loop3A_933 = tpu.vector_load %arg27[%parallel_loop3A_931, %parallel_loop3A_932] {strides = array<i32>} : memref<64x128xf32, #tpu.memory_space<vmem>>, vector<1x16xf32>,
      %parallel_loop3A_934 = vector.shape_cast %parallel_loop3A_933 : vector<1x16xf32> to vector<16xf32>
      %parallel_loop3A_935 = vector.shape_cast %parallel_loop3A_930 : vector<16xf32> to vector<1x16xf32>
      tpu.vector_store %arg27[%parallel_loop3A_931, %parallel_loop3A_932], %parallel_loop3A_935 {add = true, strides = array<i32>} : memref<64x128xf32, #tpu.memory_space<vmem>>, vector<1x16xf32>,
      %parallel_loop3A_936 = arith.index_cast %parallel_loop3A_926 : i32 to index
      %parallel_loop3A_937 = arith.constant 16 : index
      %parallel_loop3A_938 = tpu.vector_load %arg31[%parallel_loop3A_936, %parallel_loop3A_937] {strides = array<i32>} : memref<64x128xf32, #tpu.memory_space<vmem>>, vector<1x16xf32>,
      %parallel_loop3A_939 = vector.shape_cast %parallel_loop3A_938 : vector<1x16xf32> to vector<16xf32>
      %parallel_loop3A_940 = arith.index_cast %parallel_loop3A_926 : i32 to index
      %parallel_loop3A_941 = arith.constant 16 : index
      %parallel_loop3A_942 = tpu.vector_load %arg27[%parallel_loop3A_940, %parallel_loop3A_941] {strides = array<i32>} : memref<64x128xf32, #tpu.memory_space<vmem>>, vector<1x16xf32>,
      %parallel_loop3A_943 = vector.shape_cast %parallel_loop3A_942 : vector<1x16xf32> to vector<16xf32>
      %parallel_loop3A_944 = vector.shape_cast %parallel_loop3A_939 : vector<16xf32> to vector<1x16xf32>
      tpu.vector_store %arg27[%parallel_loop3A_940, %parallel_loop3A_941], %parallel_loop3A_944 {add = true, strides = array<i32>} : memref<64x128xf32, #tpu.memory_space<vmem>>, vector<1x16xf32>,
      %parallel_loop3A_945 = arith.index_cast %parallel_loop3A_926 : i32 to index
      %parallel_loop3A_946 = arith.constant 32 : index
      %parallel_loop3A_947 = tpu.vector_load %arg31[%parallel_loop3A_945, %parallel_loop3A_946] {strides = array<i32>} : memref<64x128xf32, #tpu.memory_space<vmem>>, vector<1x16xf32>,
      %parallel_loop3A_948 = vector.shape_cast %parallel_loop3A_947 : vector<1x16xf32> to vector<16xf32>
      %parallel_loop3A_949 = arith.index_cast %parallel_loop3A_926 : i32 to index
      %parallel_loop3A_950 = arith.constant 32 : index
      %parallel_loop3A_951 = tpu.vector_load %arg27[%parallel_loop3A_949, %parallel_loop3A_950] {strides = array<i32>} : memref<64x128xf32, #tpu.memory_space<vmem>>, vector<1x16xf32>,
      %parallel_loop3A_952 = vector.shape_cast %parallel_loop3A_951 : vector<1x16xf32> to vector<16xf32>
      %parallel_loop3A_953 = vector.shape_cast %parallel_loop3A_948 : vector<16xf32> to vector<1x16xf32>
      tpu.vector_store %arg27[%parallel_loop3A_949, %parallel_loop3A_950], %parallel_loop3A_953 {add = true, strides = array<i32>} : memref<64x128xf32, #tpu.memory_space<vmem>>, vector<1x16xf32>,
      %parallel_loop3A_954 = arith.index_cast %parallel_loop3A_926 : i32 to index
      %parallel_loop3A_955 = arith.constant 48 : index
      %parallel_loop3A_956 = tpu.vector_load %arg31[%parallel_loop3A_954, %parallel_loop3A_955] {strides = array<i32>} : memref<64x128xf32, #tpu.memory_space<vmem>>, vector<1x16xf32>,
      %parallel_loop3A_957 = vector.shape_cast %parallel_loop3A_956 : vector<1x16xf32> to vector<16xf32>
      %parallel_loop3A_958 = arith.index_cast %parallel_loop3A_926 : i32 to index
      %parallel_loop3A_959 = arith.constant 48 : index
      %parallel_loop3A_960 = tpu.vector_load %arg27[%parallel_loop3A_958, %parallel_loop3A_959] {strides = array<i32>} : memref<64x128xf32, #tpu.memory_space<vmem>>, vector<1x16xf32>,
      %parallel_loop3A_961 = vector.shape_cast %parallel_loop3A_960 : vector<1x16xf32> to vector<16xf32>
      %parallel_loop3A_962 = vector.shape_cast %parallel_loop3A_957 : vector<16xf32> to vector<1x16xf32>
      tpu.vector_store %arg27[%parallel_loop3A_958, %parallel_loop3A_959], %parallel_loop3A_962 {add = true, strides = array<i32>} : memref<64x128xf32, #tpu.memory_space<vmem>>, vector<1x16xf32>,
      %parallel_loop3A_963 = arith.index_cast %parallel_loop3A_926 : i32 to index
      %parallel_loop3A_964 = arith.constant 64 : index
      %parallel_loop3A_965 = tpu.vector_load %arg31[%parallel_loop3A_963, %parallel_loop3A_964] {strides = array<i32>} : memref<64x128xf32, #tpu.memory_space<vmem>>, vector<1x16xf32>,
      %parallel_loop3A_966 = vector.shape_cast %parallel_loop3A_965 : vector<1x16xf32> to vector<16xf32>
      %parallel_loop3A_967 = arith.index_cast %parallel_loop3A_926 : i32 to index
      %parallel_loop3A_968 = arith.constant 64 : index
      %parallel_loop3A_969 = tpu.vector_load %arg27[%parallel_loop3A_967, %parallel_loop3A_968] {strides = array<i32>} : memref<64x128xf32, #tpu.memory_space<vmem>>, vector<1x16xf32>,
      %parallel_loop3A_970 = vector.shape_cast %parallel_loop3A_969 : vector<1x16xf32> to vector<16xf32>
      %parallel_loop3A_971 = vector.shape_cast %parallel_loop3A_966 : vector<16xf32> to vector<1x16xf32>
      tpu.vector_store %arg27[%parallel_loop3A_967, %parallel_loop3A_968], %parallel_loop3A_971 {add = true, strides = array<i32>} : memref<64x128xf32, #tpu.memory_space<vmem>>, vector<1x16xf32>,
      %parallel_loop3A_972 = arith.index_cast %parallel_loop3A_926 : i32 to index
      %parallel_loop3A_973 = arith.constant 80 : index
      %parallel_loop3A_974 = tpu.vector_load %arg31[%parallel_loop3A_972, %parallel_loop3A_973] {strides = array<i32>} : memref<64x128xf32, #tpu.memory_space<vmem>>, vector<1x16xf32>,
      %parallel_loop3A_975 = vector.shape_cast %parallel_loop3A_974 : vector<1x16xf32> to vector<16xf32>
      %parallel_loop3A_976 = arith.index_cast %parallel_loop3A_926 : i32 to index
      %parallel_loop3A_977 = arith.constant 80 : index
      %parallel_loop3A_978 = tpu.vector_load %arg27[%parallel_loop3A_976, %parallel_loop3A_977] {strides = array<i32>} : memref<64x128xf32, #tpu.memory_space<vmem>>, vector<1x16xf32>,
      %parallel_loop3A_979 = vector.shape_cast %parallel_loop3A_978 : vector<1x16xf32> to vector<16xf32>
      %parallel_loop3A_980 = vector.shape_cast %parallel_loop3A_975 : vector<16xf32> to vector<1x16xf32>
      tpu.vector_store %arg27[%parallel_loop3A_976, %parallel_loop3A_977], %parallel_loop3A_980 {add = true, strides = array<i32>} : memref<64x128xf32, #tpu.memory_space<vmem>>, vector<1x16xf32>,
      %parallel_loop3A_981 = arith.index_cast %parallel_loop3A_926 : i32 to index
      %parallel_loop3A_982 = arith.constant 96 : index
      %parallel_loop3A_983 = tpu.vector_load %arg31[%parallel_loop3A_981, %parallel_loop3A_982] {strides = array<i32>} : memref<64x128xf32, #tpu.memory_space<vmem>>, vector<1x16xf32>,
      %parallel_loop3A_984 = vector.shape_cast %parallel_loop3A_983 : vector<1x16xf32> to vector<16xf32>
      %parallel_loop3A_985 = arith.index_cast %parallel_loop3A_926 : i32 to index
      %parallel_loop3A_986 = arith.constant 96 : index
      %parallel_loop3A_987 = tpu.vector_load %arg27[%parallel_loop3A_985, %parallel_loop3A_986] {strides = array<i32>} : memref<64x128xf32, #tpu.memory_space<vmem>>, vector<1x16xf32>,
      %parallel_loop3A_988 = vector.shape_cast %parallel_loop3A_987 : vector<1x16xf32> to vector<16xf32>
      %parallel_loop3A_989 = vector.shape_cast %parallel_loop3A_984 : vector<16xf32> to vector<1x16xf32>
      tpu.vector_store %arg27[%parallel_loop3A_985, %parallel_loop3A_986], %parallel_loop3A_989 {add = true, strides = array<i32>} : memref<64x128xf32, #tpu.memory_space<vmem>>, vector<1x16xf32>,
      %parallel_loop3A_990 = arith.index_cast %parallel_loop3A_926 : i32 to index
      %parallel_loop3A_991 = arith.constant 112 : index
      %parallel_loop3A_992 = tpu.vector_load %arg31[%parallel_loop3A_990, %parallel_loop3A_991] {strides = array<i32>} : memref<64x128xf32, #tpu.memory_space<vmem>>, vector<1x16xf32>,
      %parallel_loop3A_993 = vector.shape_cast %parallel_loop3A_992 : vector<1x16xf32> to vector<16xf32>
      %parallel_loop3A_994 = arith.index_cast %parallel_loop3A_926 : i32 to index
      %parallel_loop3A_995 = arith.constant 112 : index
      %parallel_loop3A_996 = tpu.vector_load %arg27[%parallel_loop3A_994, %parallel_loop3A_995] {strides = array<i32>} : memref<64x128xf32, #tpu.memory_space<vmem>>, vector<1x16xf32>,
      %parallel_loop3A_997 = vector.shape_cast %parallel_loop3A_996 : vector<1x16xf32> to vector<16xf32>
      %parallel_loop3A_998 = vector.shape_cast %parallel_loop3A_993 : vector<16xf32> to vector<1x16xf32>
      tpu.vector_store %arg27[%parallel_loop3A_994, %parallel_loop3A_995], %parallel_loop3A_998 {add = true, strides = array<i32>} : memref<64x128xf32, #tpu.memory_space<vmem>>, vector<1x16xf32>,
    } {sc.loop_unroll_factor = 4 : i64, sc.parallel_access}
    %dma_start3A_633 = arith.constant 0 : i32
    %dma_start3A_634 = tpu.memref_slice %arg7[%add3A_623, %dma_start3A_633] : memref<204800x128xf32, #tpu.memory_space<hbm>> -> memref<64x128xf32, #tpu.memory_space<hbm>>
    %dma_start3A_635 = arith.constant 0 : i32
    %dma_start3A_636 = tpu.memref_slice %arg7[%add3A_623, %dma_start3A_635] : memref<204800x128xf32, #tpu.memory_space<hbm>> -> memref<64x128xf32, #tpu.memory_space<hbm>>
    tpu.enqueue_dma source(%arg27 : memref<64x128xf32, #tpu.memory_space<vmem>>) target(%dma_start3A_636 : memref<64x128xf32, #tpu.memory_space<hbm>>) target_semaphore(%arg45 : memref<!tpu.dma_semaphore, #tpu.memory_space<semaphore_mem>>)
    %add3A_637 = arith.constant 384 : i32
    %add3A_638 = arith.addi %mul3A_2, %add3A_637 : i32
    %dma_start3A_639 = tpu.memref_slice %arg2[%add3A_638] : memref<204800xi32, #tpu.memory_space<hbm>> -> memref<64xi32, #tpu.memory_space<hbm>>
    %dma_start3A_640 = tpu.memref_slice %arg2[%add3A_638] : memref<204800xi32, #tpu.memory_space<hbm>> -> memref<64xi32, #tpu.memory_space<hbm>>
    tpu.enqueue_dma source(%dma_start3A_640 : memref<64xi32, #tpu.memory_space<hbm>>) target(%arg14 : memref<64xi32, #tpu.memory_space<vmem>>) target_semaphore(%arg33 : memref<!tpu.dma_semaphore, #tpu.memory_space<semaphore_mem>>)
    %dma_start3A_641 = tpu.memref_slice %arg3[%add3A_638] : memref<204800xi32, #tpu.memory_space<hbm>> -> memref<64xi32, #tpu.memory_space<hbm>>
    %dma_start3A_642 = tpu.memref_slice %arg3[%add3A_638] : memref<204800xi32, #tpu.memory_space<hbm>> -> memref<64xi32, #tpu.memory_space<hbm>>
    tpu.enqueue_dma source(%dma_start3A_642 : memref<64xi32, #tpu.memory_space<hbm>>) target(%arg18 : memref<64xi32, #tpu.memory_space<vmem>>) target_semaphore(%arg33 : memref<!tpu.dma_semaphore, #tpu.memory_space<semaphore_mem>>)
    %scan3A = arith.constant 0 : i32
    %scan3A_643 = arith.constant 1 : i32
    %scan3A_644 = arith.constant 23 : i32
    %scan3A_645 = arith.addi %scan3A_643, %scan3A_644 : i32
    %scan3A_646 = arith.constant 1 : i32
    scf.for %scan3A_926 = %scan3A_643 to %scan3A_645 step %scan3A_646  : i32 {
      %mul3A_927 = arith.constant 4 : i32
      %mul3A_928 = arith.muli %mul3A_927, %scan3A_926 : i32
      %add3A_929 = arith.constant 0 : i32
      %add3A_930 = arith.addi %mul3A_928, %add3A_929 : i32
      %add3A_931 = arith.constant 2 : i32
      %add3A_932 = arith.addi %add3A_930, %add3A_931 : i32
      %mul3A_933 = arith.constant 64 : i32
      %mul3A_934 = arith.muli %add3A_932, %mul3A_933 : i32
      %add3A_935 = arith.addi %mul3A_2, %mul3A_934 : i32
      %dma_wait3A_936 = tpu.memref_slice %arg2[%add3A_935] : memref<204800xi32, #tpu.memory_space<hbm>> -> memref<64xi32, #tpu.memory_space<hbm>>
      %dma_wait3A_937 = tpu.memref_slice %arg2[%add3A_935] : memref<204800xi32, #tpu.memory_space<hbm>> -> memref<64xi32, #tpu.memory_space<hbm>>
      tpu.wait_dma2 semaphore(%arg33 : memref<!tpu.dma_semaphore, #tpu.memory_space<semaphore_mem>>) src(%dma_wait3A_937 : memref<64xi32, #tpu.memory_space<hbm>>) dst(%arg14 : memref<64xi32, #tpu.memory_space<vmem>>)
      %dma_wait3A_938 = tpu.memref_slice %arg3[%add3A_935] : memref<204800xi32, #tpu.memory_space<hbm>> -> memref<64xi32, #tpu.memory_space<hbm>>
      %dma_wait3A_939 = tpu.memref_slice %arg3[%add3A_935] : memref<204800xi32, #tpu.memory_space<hbm>> -> memref<64xi32, #tpu.memory_space<hbm>>
      tpu.wait_dma2 semaphore(%arg33 : memref<!tpu.dma_semaphore, #tpu.memory_space<semaphore_mem>>) src(%dma_wait3A_939 : memref<64xi32, #tpu.memory_space<hbm>>) dst(%arg18 : memref<64xi32, #tpu.memory_space<vmem>>)
      %dma_wait3A_940 = arith.constant 0 : i32
      %dma_wait3A_941 = arith.constant 0 : i32
      %dma_wait3A_942 = tpu.memref_slice %arg7[%dma_wait3A_940, %dma_wait3A_941] : memref<204800x128xf32, #tpu.memory_space<hbm>> -> memref<64x128xf32, #tpu.memory_space<hbm>>
      %dma_wait3A_943 = arith.constant 0 : i32
      %dma_wait3A_944 = arith.constant 0 : i32
      %dma_wait3A_945 = tpu.memref_slice %arg7[%dma_wait3A_943, %dma_wait3A_944] : memref<204800x128xf32, #tpu.memory_space<hbm>> -> memref<64x128xf32, #tpu.memory_space<hbm>>
      tpu.wait_dma2 semaphore(%arg44 : memref<!tpu.dma_semaphore, #tpu.memory_space<semaphore_mem>>) src(%arg26 : memref<64x128xf32, #tpu.memory_space<vmem>>) dst(%dma_wait3A_945 : memref<64x128xf32, #tpu.memory_space<hbm>>)
      %add3A_946 = arith.constant 0 : i32
      %add3A_947 = arith.addi %add3A_935, %add3A_946 : i32
      %iota3A_948 = tpu.iota {dimensions = array<i32: 0>} : vector<16xi32>
      %add3A_949 = vector.broadcast %add3A_947 : i32 to vector<16xi32>
      %add3A_950 = arith.addi %add3A_949, %iota3A_948 : vector<16xi32>
      %get3A_951 = arith.constant 0 : index
      %get3A_952 = tpu.vector_load %arg18[%get3A_951] {strides = array<i32>} : memref<64xi32, #tpu.memory_space<vmem>>, vector<16xi32>,
      %get3A_953 = vector.shape_cast %get3A_952 : vector<16xi32> to vector<16xi32>
      %mul3A_954 = arith.constant 200 : i32
      %mul3A_955 = vector.broadcast %mul3A_954 : i32 to vector<16xi32>
      %mul3A_956 = arith.muli %get3A_953, %mul3A_955 : vector<16xi32>
      %rem3A_957 = arith.constant 200 : i32
      %rem3A_958 = vector.broadcast %rem3A_957 : i32 to vector<16xi32>
      %rem3A_959 = arith.remsi %add3A_950, %rem3A_958 : vector<16xi32>
      %add3A_960 = arith.addi %mul3A_956, %rem3A_959 : vector<16xi32>
      %swap3A_961 = arith.constant 0 : index
      %swap3A_962 = tpu.vector_load %arg22[%swap3A_961] {strides = array<i32>} : memref<64xi32, #tpu.memory_space<vmem>>, vector<16xi32>,
      %swap3A_963 = vector.shape_cast %swap3A_962 : vector<16xi32> to vector<16xi32>
      %swap3A_964 = vector.shape_cast %add3A_960 : vector<16xi32> to vector<16xi32>
      tpu.vector_store %arg22[%swap3A_961], %swap3A_964 {strides = array<i32>} : memref<64xi32, #tpu.memory_space<vmem>>, vector<16xi32>,
      %add3A_965 = arith.constant 16 : i32
      %add3A_966 = arith.addi %add3A_935, %add3A_965 : i32
      %iota3A_967 = tpu.iota {dimensions = array<i32: 0>} : vector<16xi32>
      %add3A_968 = vector.broadcast %add3A_966 : i32 to vector<16xi32>
      %add3A_969 = arith.addi %add3A_968, %iota3A_967 : vector<16xi32>
      %get3A_970 = arith.constant 16 : index
      %get3A_971 = tpu.vector_load %arg18[%get3A_970] {strides = array<i32>} : memref<64xi32, #tpu.memory_space<vmem>>, vector<16xi32>,
      %get3A_972 = vector.shape_cast %get3A_971 : vector<16xi32> to vector<16xi32>
      %mul3A_973 = arith.constant 200 : i32
      %mul3A_974 = vector.broadcast %mul3A_973 : i32 to vector<16xi32>
      %mul3A_975 = arith.muli %get3A_972, %mul3A_974 : vector<16xi32>
      %rem3A_976 = arith.constant 200 : i32
      %rem3A_977 = vector.broadcast %rem3A_976 : i32 to vector<16xi32>
      %rem3A_978 = arith.remsi %add3A_969, %rem3A_977 : vector<16xi32>
      %add3A_979 = arith.addi %mul3A_975, %rem3A_978 : vector<16xi32>
      %swap3A_980 = arith.constant 16 : index
      %swap3A_981 = tpu.vector_load %arg22[%swap3A_980] {strides = array<i32>} : memref<64xi32, #tpu.memory_space<vmem>>, vector<16xi32>,
      %swap3A_982 = vector.shape_cast %swap3A_981 : vector<16xi32> to vector<16xi32>
      %swap3A_983 = vector.shape_cast %add3A_979 : vector<16xi32> to vector<16xi32>
      tpu.vector_store %arg22[%swap3A_980], %swap3A_983 {strides = array<i32>} : memref<64xi32, #tpu.memory_space<vmem>>, vector<16xi32>,
      %add3A_984 = arith.constant 32 : i32
      %add3A_985 = arith.addi %add3A_935, %add3A_984 : i32
      %iota3A_986 = tpu.iota {dimensions = array<i32: 0>} : vector<16xi32>
      %add3A_987 = vector.broadcast %add3A_985 : i32 to vector<16xi32>
      %add3A_988 = arith.addi %add3A_987, %iota3A_986 : vector<16xi32>
      %get3A_989 = arith.constant 32 : index
      %get3A_990 = tpu.vector_load %arg18[%get3A_989] {strides = array<i32>} : memref<64xi32, #tpu.memory_space<vmem>>, vector<16xi32>,
      %get3A_991 = vector.shape_cast %get3A_990 : vector<16xi32> to vector<16xi32>
      %mul3A_992 = arith.constant 200 : i32
      %mul3A_993 = vector.broadcast %mul3A_992 : i32 to vector<16xi32>
      %mul3A_994 = arith.muli %get3A_991, %mul3A_993 : vector<16xi32>
      %rem3A_995 = arith.constant 200 : i32
      %rem3A_996 = vector.broadcast %rem3A_995 : i32 to vector<16xi32>
      %rem3A_997 = arith.remsi %add3A_988, %rem3A_996 : vector<16xi32>
      %add3A_998 = arith.addi %mul3A_994, %rem3A_997 : vector<16xi32>
      %swap3A_999 = arith.constant 32 : index
      %swap3A_1000 = tpu.vector_load %arg22[%swap3A_999] {strides = array<i32>} : memref<64xi32, #tpu.memory_space<vmem>>, vector<16xi32>,
      %swap3A_1001 = vector.shape_cast %swap3A_1000 : vector<16xi32> to vector<16xi32>
      %swap3A_1002 = vector.shape_cast %add3A_998 : vector<16xi32> to vector<16xi32>
      tpu.vector_store %arg22[%swap3A_999], %swap3A_1002 {strides = array<i32>} : memref<64xi32, #tpu.memory_space<vmem>>, vector<16xi32>,
      %add3A_1003 = arith.constant 48 : i32
      %add3A_1004 = arith.addi %add3A_935, %add3A_1003 : i32
      %iota3A_1005 = tpu.iota {dimensions = array<i32: 0>} : vector<16xi32>
      %add3A_1006 = vector.broadcast %add3A_1004 : i32 to vector<16xi32>
      %add3A_1007 = arith.addi %add3A_1006, %iota3A_1005 : vector<16xi32>
      %get3A_1008 = arith.constant 48 : index
      %get3A_1009 = tpu.vector_load %arg18[%get3A_1008] {strides = array<i32>} : memref<64xi32, #tpu.memory_space<vmem>>, vector<16xi32>,
      %get3A_1010 = vector.shape_cast %get3A_1009 : vector<16xi32> to vector<16xi32>
      %mul3A_1011 = arith.constant 200 : i32
      %mul3A_1012 = vector.broadcast %mul3A_1011 : i32 to vector<16xi32>
      %mul3A_1013 = arith.muli %get3A_1010, %mul3A_1012 : vector<16xi32>
      %rem3A_1014 = arith.constant 200 : i32
      %rem3A_1015 = vector.broadcast %rem3A_1014 : i32 to vector<16xi32>
      %rem3A_1016 = arith.remsi %add3A_1007, %rem3A_1015 : vector<16xi32>
      %add3A_1017 = arith.addi %mul3A_1013, %rem3A_1016 : vector<16xi32>
      %swap3A_1018 = arith.constant 48 : index
      %swap3A_1019 = tpu.vector_load %arg22[%swap3A_1018] {strides = array<i32>} : memref<64xi32, #tpu.memory_space<vmem>>, vector<16xi32>,
      %swap3A_1020 = vector.shape_cast %swap3A_1019 : vector<16xi32> to vector<16xi32>
      %swap3A_1021 = vector.shape_cast %add3A_1017 : vector<16xi32> to vector<16xi32>
      tpu.vector_store %arg22[%swap3A_1018], %swap3A_1021 {strides = array<i32>} : memref<64xi32, #tpu.memory_space<vmem>>, vector<16xi32>,
      %dma_start3A_1022 = arith.constant 0 : i32
      %dma_start3A_1023 = arith.constant 0 : i32
      %dma_start3A_1024 = tpu.memref_slice %arg4[%dma_start3A_1022, %dma_start3A_1023] : memref<100000x128xf32, #tpu.memory_space<hbm>> -> memref<100000x128xf32, #tpu.memory_space<hbm>>
      tpu.enqueue_indirect_dma source(%dma_start3A_1024 : memref<100000x128xf32, #tpu.memory_space<hbm>>) target(%arg26 : memref<64x128xf32, #tpu.memory_space<vmem>>) offsets(%arg14 : memref<64xi32, #tpu.memory_space<vmem>>) semaphore(%arg36 : memref<!tpu.dma_semaphore, #tpu.memory_space<semaphore_mem>>)
      %dma_start3A_1025 = arith.constant 0 : i32
      %dma_start3A_1026 = arith.constant 0 : i32
      %dma_start3A_1027 = tpu.memref_slice %arg8[%dma_start3A_1025, %dma_start3A_1026] : memref<608x128xf32, #tpu.memory_space<vmem_shared>> -> memref<608x128xf32, #tpu.memory_space<vmem_shared>>
      tpu.enqueue_indirect_dma source(%dma_start3A_1027 : memref<608x128xf32, #tpu.memory_space<vmem_shared>>) target(%arg30 : memref<64x128xf32, #tpu.memory_space<vmem>>) offsets(%arg22 : memref<64xi32, #tpu.memory_space<vmem>>) semaphore(%arg40 : memref<!tpu.dma_semaphore, #tpu.memory_space<semaphore_mem>>)
      %mul3A_1028 = arith.constant 64 : i32
      %mul3A_1029 = arith.muli %add3A_930, %mul3A_1028 : i32
      %add3A_1030 = arith.addi %mul3A_2, %mul3A_1029 : i32
      %dma_wait3A_1031 = arith.constant 0 : i32
      %dma_wait3A_1032 = arith.constant 0 : i32
      %dma_wait3A_1033 = tpu.memref_slice %arg4[%dma_wait3A_1031, %dma_wait3A_1032] : memref<100000x128xf32, #tpu.memory_space<hbm>> -> memref<100000x128xf32, #tpu.memory_space<hbm>>
      tpu.wait_indirect_dma semaphore(%arg34 : memref<!tpu.dma_semaphore, #tpu.memory_space<semaphore_mem>>) src(%dma_wait3A_1033 : memref<100000x128xf32, #tpu.memory_space<hbm>>) dst(%arg24 : memref<64x128xf32, #tpu.memory_space<vmem>>)
      %dma_wait3A_1034 = arith.constant 0 : i32
      %dma_wait3A_1035 = arith.constant 0 : i32
      %dma_wait3A_1036 = tpu.memref_slice %arg8[%dma_wait3A_1034, %dma_wait3A_1035] : memref<608x128xf32, #tpu.memory_space<vmem_shared>> -> memref<608x128xf32, #tpu.memory_space<vmem_shared>>
      tpu.wait_indirect_dma semaphore(%arg38 : memref<!tpu.dma_semaphore, #tpu.memory_space<semaphore_mem>>) src(%dma_wait3A_1036 : memref<608x128xf32, #tpu.memory_space<vmem_shared>>) dst(%arg28 : memref<64x128xf32, #tpu.memory_space<vmem>>)
      %parallel_loop3A_1037 = arith.constant 0 : i32
      %parallel_loop3A_1038 = arith.constant 64 : i32
      %parallel_loop3A_1039 = arith.constant 1 : i32
      scf.for %parallel_loop3A_1425 = %parallel_loop3A_1037 to %parallel_loop3A_1038 step %parallel_loop3A_1039  : i32 {
        %parallel_loop3A_1426 = arith.index_cast %parallel_loop3A_1425 : i32 to index
        %parallel_loop3A_1427 = arith.constant 0 : index
        %parallel_loop3A_1428 = tpu.vector_load %arg28[%parallel_loop3A_1426, %parallel_loop3A_1427] {strides = array<i32>} : memref<64x128xf32, #tpu.memory_space<vmem>>, vector<1x16xf32>,
        %parallel_loop3A_1429 = vector.shape_cast %parallel_loop3A_1428 : vector<1x16xf32> to vector<16xf32>
        %parallel_loop3A_1430 = arith.index_cast %parallel_loop3A_1425 : i32 to index
        %parallel_loop3A_1431 = arith.constant 0 : index
        %parallel_loop3A_1432 = tpu.vector_load %arg24[%parallel_loop3A_1430, %parallel_loop3A_1431] {strides = array<i32>} : memref<64x128xf32, #tpu.memory_space<vmem>>, vector<1x16xf32>,
        %parallel_loop3A_1433 = vector.shape_cast %parallel_loop3A_1432 : vector<1x16xf32> to vector<16xf32>
        %parallel_loop3A_1434 = vector.shape_cast %parallel_loop3A_1429 : vector<16xf32> to vector<1x16xf32>
        tpu.vector_store %arg24[%parallel_loop3A_1430, %parallel_loop3A_1431], %parallel_loop3A_1434 {add = true, strides = array<i32>} : memref<64x128xf32, #tpu.memory_space<vmem>>, vector<1x16xf32>,
        %parallel_loop3A_1435 = arith.index_cast %parallel_loop3A_1425 : i32 to index
        %parallel_loop3A_1436 = arith.constant 16 : index
        %parallel_loop3A_1437 = tpu.vector_load %arg28[%parallel_loop3A_1435, %parallel_loop3A_1436] {strides = array<i32>} : memref<64x128xf32, #tpu.memory_space<vmem>>, vector<1x16xf32>,
        %parallel_loop3A_1438 = vector.shape_cast %parallel_loop3A_1437 : vector<1x16xf32> to vector<16xf32>
        %parallel_loop3A_1439 = arith.index_cast %parallel_loop3A_1425 : i32 to index
        %parallel_loop3A_1440 = arith.constant 16 : index
        %parallel_loop3A_1441 = tpu.vector_load %arg24[%parallel_loop3A_1439, %parallel_loop3A_1440] {strides = array<i32>} : memref<64x128xf32, #tpu.memory_space<vmem>>, vector<1x16xf32>,
        %parallel_loop3A_1442 = vector.shape_cast %parallel_loop3A_1441 : vector<1x16xf32> to vector<16xf32>
        %parallel_loop3A_1443 = vector.shape_cast %parallel_loop3A_1438 : vector<16xf32> to vector<1x16xf32>
        tpu.vector_store %arg24[%parallel_loop3A_1439, %parallel_loop3A_1440], %parallel_loop3A_1443 {add = true, strides = array<i32>} : memref<64x128xf32, #tpu.memory_space<vmem>>, vector<1x16xf32>,
        %parallel_loop3A_1444 = arith.index_cast %parallel_loop3A_1425 : i32 to index
        %parallel_loop3A_1445 = arith.constant 32 : index
        %parallel_loop3A_1446 = tpu.vector_load %arg28[%parallel_loop3A_1444, %parallel_loop3A_1445] {strides = array<i32>} : memref<64x128xf32, #tpu.memory_space<vmem>>, vector<1x16xf32>,
        %parallel_loop3A_1447 = vector.shape_cast %parallel_loop3A_1446 : vector<1x16xf32> to vector<16xf32>
        %parallel_loop3A_1448 = arith.index_cast %parallel_loop3A_1425 : i32 to index
        %parallel_loop3A_1449 = arith.constant 32 : index
        %parallel_loop3A_1450 = tpu.vector_load %arg24[%parallel_loop3A_1448, %parallel_loop3A_1449] {strides = array<i32>} : memref<64x128xf32, #tpu.memory_space<vmem>>, vector<1x16xf32>,
        %parallel_loop3A_1451 = vector.shape_cast %parallel_loop3A_1450 : vector<1x16xf32> to vector<16xf32>
        %parallel_loop3A_1452 = vector.shape_cast %parallel_loop3A_1447 : vector<16xf32> to vector<1x16xf32>
        tpu.vector_store %arg24[%parallel_loop3A_1448, %parallel_loop3A_1449], %parallel_loop3A_1452 {add = true, strides = array<i32>} : memref<64x128xf32, #tpu.memory_space<vmem>>, vector<1x16xf32>,
        %parallel_loop3A_1453 = arith.index_cast %parallel_loop3A_1425 : i32 to index
        %parallel_loop3A_1454 = arith.constant 48 : index
        %parallel_loop3A_1455 = tpu.vector_load %arg28[%parallel_loop3A_1453, %parallel_loop3A_1454] {strides = array<i32>} : memref<64x128xf32, #tpu.memory_space<vmem>>, vector<1x16xf32>,
        %parallel_loop3A_1456 = vector.shape_cast %parallel_loop3A_1455 : vector<1x16xf32> to vector<16xf32>
        %parallel_loop3A_1457 = arith.index_cast %parallel_loop3A_1425 : i32 to index
        %parallel_loop3A_1458 = arith.constant 48 : index
        %parallel_loop3A_1459 = tpu.vector_load %arg24[%parallel_loop3A_1457, %parallel_loop3A_1458] {strides = array<i32>} : memref<64x128xf32, #tpu.memory_space<vmem>>, vector<1x16xf32>,
        %parallel_loop3A_1460 = vector.shape_cast %parallel_loop3A_1459 : vector<1x16xf32> to vector<16xf32>
        %parallel_loop3A_1461 = vector.shape_cast %parallel_loop3A_1456 : vector<16xf32> to vector<1x16xf32>
        tpu.vector_store %arg24[%parallel_loop3A_1457, %parallel_loop3A_1458], %parallel_loop3A_1461 {add = true, strides = array<i32>} : memref<64x128xf32, #tpu.memory_space<vmem>>, vector<1x16xf32>,
        %parallel_loop3A_1462 = arith.index_cast %parallel_loop3A_1425 : i32 to index
        %parallel_loop3A_1463 = arith.constant 64 : index
        %parallel_loop3A_1464 = tpu.vector_load %arg28[%parallel_loop3A_1462, %parallel_loop3A_1463] {strides = array<i32>} : memref<64x128xf32, #tpu.memory_space<vmem>>, vector<1x16xf32>,
        %parallel_loop3A_1465 = vector.shape_cast %parallel_loop3A_1464 : vector<1x16xf32> to vector<16xf32>
        %parallel_loop3A_1466 = arith.index_cast %parallel_loop3A_1425 : i32 to index
        %parallel_loop3A_1467 = arith.constant 64 : index
        %parallel_loop3A_1468 = tpu.vector_load %arg24[%parallel_loop3A_1466, %parallel_loop3A_1467] {strides = array<i32>} : memref<64x128xf32, #tpu.memory_space<vmem>>, vector<1x16xf32>,
        %parallel_loop3A_1469 = vector.shape_cast %parallel_loop3A_1468 : vector<1x16xf32> to vector<16xf32>
        %parallel_loop3A_1470 = vector.shape_cast %parallel_loop3A_1465 : vector<16xf32> to vector<1x16xf32>
        tpu.vector_store %arg24[%parallel_loop3A_1466, %parallel_loop3A_1467], %parallel_loop3A_1470 {add = true, strides = array<i32>} : memref<64x128xf32, #tpu.memory_space<vmem>>, vector<1x16xf32>,
        %parallel_loop3A_1471 = arith.index_cast %parallel_loop3A_1425 : i32 to index
        %parallel_loop3A_1472 = arith.constant 80 : index
        %parallel_loop3A_1473 = tpu.vector_load %arg28[%parallel_loop3A_1471, %parallel_loop3A_1472] {strides = array<i32>} : memref<64x128xf32, #tpu.memory_space<vmem>>, vector<1x16xf32>,
        %parallel_loop3A_1474 = vector.shape_cast %parallel_loop3A_1473 : vector<1x16xf32> to vector<16xf32>
        %parallel_loop3A_1475 = arith.index_cast %parallel_loop3A_1425 : i32 to index
        %parallel_loop3A_1476 = arith.constant 80 : index
        %parallel_loop3A_1477 = tpu.vector_load %arg24[%parallel_loop3A_1475, %parallel_loop3A_1476] {strides = array<i32>} : memref<64x128xf32, #tpu.memory_space<vmem>>, vector<1x16xf32>,
        %parallel_loop3A_1478 = vector.shape_cast %parallel_loop3A_1477 : vector<1x16xf32> to vector<16xf32>
        %parallel_loop3A_1479 = vector.shape_cast %parallel_loop3A_1474 : vector<16xf32> to vector<1x16xf32>
        tpu.vector_store %arg24[%parallel_loop3A_1475, %parallel_loop3A_1476], %parallel_loop3A_1479 {add = true, strides = array<i32>} : memref<64x128xf32, #tpu.memory_space<vmem>>, vector<1x16xf32>,
        %parallel_loop3A_1480 = arith.index_cast %parallel_loop3A_1425 : i32 to index
        %parallel_loop3A_1481 = arith.constant 96 : index
        %parallel_loop3A_1482 = tpu.vector_load %arg28[%parallel_loop3A_1480, %parallel_loop3A_1481] {strides = array<i32>} : memref<64x128xf32, #tpu.memory_space<vmem>>, vector<1x16xf32>,
        %parallel_loop3A_1483 = vector.shape_cast %parallel_loop3A_1482 : vector<1x16xf32> to vector<16xf32>
        %parallel_loop3A_1484 = arith.index_cast %parallel_loop3A_1425 : i32 to index
        %parallel_loop3A_1485 = arith.constant 96 : index
        %parallel_loop3A_1486 = tpu.vector_load %arg24[%parallel_loop3A_1484, %parallel_loop3A_1485] {strides = array<i32>} : memref<64x128xf32, #tpu.memory_space<vmem>>, vector<1x16xf32>,
        %parallel_loop3A_1487 = vector.shape_cast %parallel_loop3A_1486 : vector<1x16xf32> to vector<16xf32>
        %parallel_loop3A_1488 = vector.shape_cast %parallel_loop3A_1483 : vector<16xf32> to vector<1x16xf32>
        tpu.vector_store %arg24[%parallel_loop3A_1484, %parallel_loop3A_1485], %parallel_loop3A_1488 {add = true, strides = array<i32>} : memref<64x128xf32, #tpu.memory_space<vmem>>, vector<1x16xf32>,
        %parallel_loop3A_1489 = arith.index_cast %parallel_loop3A_1425 : i32 to index
        %parallel_loop3A_1490 = arith.constant 112 : index
        %parallel_loop3A_1491 = tpu.vector_load %arg28[%parallel_loop3A_1489, %parallel_loop3A_1490] {strides = array<i32>} : memref<64x128xf32, #tpu.memory_space<vmem>>, vector<1x16xf32>,
        %parallel_loop3A_1492 = vector.shape_cast %parallel_loop3A_1491 : vector<1x16xf32> to vector<16xf32>
        %parallel_loop3A_1493 = arith.index_cast %parallel_loop3A_1425 : i32 to index
        %parallel_loop3A_1494 = arith.constant 112 : index
        %parallel_loop3A_1495 = tpu.vector_load %arg24[%parallel_loop3A_1493, %parallel_loop3A_1494] {strides = array<i32>} : memref<64x128xf32, #tpu.memory_space<vmem>>, vector<1x16xf32>,
        %parallel_loop3A_1496 = vector.shape_cast %parallel_loop3A_1495 : vector<1x16xf32> to vector<16xf32>
        %parallel_loop3A_1497 = vector.shape_cast %parallel_loop3A_1492 : vector<16xf32> to vector<1x16xf32>
        tpu.vector_store %arg24[%parallel_loop3A_1493, %parallel_loop3A_1494], %parallel_loop3A_1497 {add = true, strides = array<i32>} : memref<64x128xf32, #tpu.memory_space<vmem>>, vector<1x16xf32>,
      } {sc.loop_unroll_factor = 4 : i64, sc.parallel_access}
      %dma_start3A_1040 = arith.constant 0 : i32
      %dma_start3A_1041 = tpu.memref_slice %arg7[%add3A_1030, %dma_start3A_1040] : memref<204800x128xf32, #tpu.memory_space<hbm>> -> memref<64x128xf32, #tpu.memory_space<hbm>>
      %dma_start3A_1042 = arith.constant 0 : i32
      %dma_start3A_1043 = tpu.memref_slice %arg7[%add3A_1030, %dma_start3A_1042] : memref<204800x128xf32, #tpu.memory_space<hbm>> -> memref<64x128xf32, #tpu.memory_space<hbm>>
      tpu.enqueue_dma source(%arg24 : memref<64x128xf32, #tpu.memory_space<vmem>>) target(%dma_start3A_1043 : memref<64x128xf32, #tpu.memory_space<hbm>>) target_semaphore(%arg42 : memref<!tpu.dma_semaphore, #tpu.memory_space<semaphore_mem>>)
      %add3A_1044 = arith.constant 3 : i32
      %add3A_1045 = arith.addi %add3A_930, %add3A_1044 : i32
      %mul3A_1046 = arith.constant 64 : i32
      %mul3A_1047 = arith.muli %add3A_1045, %mul3A_1046 : i32
      %add3A_1048 = arith.addi %mul3A_2, %mul3A_1047 : i32
      %dma_start3A_1049 = tpu.memref_slice %arg2[%add3A_1048] : memref<204800xi32, #tpu.memory_space<hbm>> -> memref<64xi32, #tpu.memory_space<hbm>>
      %dma_start3A_1050 = tpu.memref_slice %arg2[%add3A_1048] : memref<204800xi32, #tpu.memory_space<hbm>> -> memref<64xi32, #tpu.memory_space<hbm>>
      tpu.enqueue_dma source(%dma_start3A_1050 : memref<64xi32, #tpu.memory_space<hbm>>) target(%arg15 : memref<64xi32, #tpu.memory_space<vmem>>) target_semaphore(%arg33 : memref<!tpu.dma_semaphore, #tpu.memory_space<semaphore_mem>>)
      %dma_start3A_1051 = tpu.memref_slice %arg3[%add3A_1048] : memref<204800xi32, #tpu.memory_space<hbm>> -> memref<64xi32, #tpu.memory_space<hbm>>
      %dma_start3A_1052 = tpu.memref_slice %arg3[%add3A_1048] : memref<204800xi32, #tpu.memory_space<hbm>> -> memref<64xi32, #tpu.memory_space<hbm>>
      tpu.enqueue_dma source(%dma_start3A_1052 : memref<64xi32, #tpu.memory_space<hbm>>) target(%arg19 : memref<64xi32, #tpu.memory_space<vmem>>) target_semaphore(%arg33 : memref<!tpu.dma_semaphore, #tpu.memory_space<semaphore_mem>>)
      %add3A_1053 = arith.constant 1 : i32
      %add3A_1054 = arith.addi %mul3A_928, %add3A_1053 : i32
      %add3A_1055 = arith.constant 2 : i32
      %add3A_1056 = arith.addi %add3A_1054, %add3A_1055 : i32
      %mul3A_1057 = arith.constant 64 : i32
      %mul3A_1058 = arith.muli %add3A_1056, %mul3A_1057 : i32
      %add3A_1059 = arith.addi %mul3A_2, %mul3A_1058 : i32
      %dma_wait3A_1060 = tpu.memref_slice %arg2[%add3A_1059] : memref<204800xi32, #tpu.memory_space<hbm>> -> memref<64xi32, #tpu.memory_space<hbm>>
      %dma_wait3A_1061 = tpu.memref_slice %arg2[%add3A_1059] : memref<204800xi32, #tpu.memory_space<hbm>> -> memref<64xi32, #tpu.memory_space<hbm>>
      tpu.wait_dma2 semaphore(%arg33 : memref<!tpu.dma_semaphore, #tpu.memory_space<semaphore_mem>>) src(%dma_wait3A_1061 : memref<64xi32, #tpu.memory_space<hbm>>) dst(%arg15 : memref<64xi32, #tpu.memory_space<vmem>>)
      %dma_wait3A_1062 = tpu.memref_slice %arg3[%add3A_1059] : memref<204800xi32, #tpu.memory_space<hbm>> -> memref<64xi32, #tpu.memory_space<hbm>>
      %dma_wait3A_1063 = tpu.memref_slice %arg3[%add3A_1059] : memref<204800xi32, #tpu.memory_space<hbm>> -> memref<64xi32, #tpu.memory_space<hbm>>
      tpu.wait_dma2 semaphore(%arg33 : memref<!tpu.dma_semaphore, #tpu.memory_space<semaphore_mem>>) src(%dma_wait3A_1063 : memref<64xi32, #tpu.memory_space<hbm>>) dst(%arg19 : memref<64xi32, #tpu.memory_space<vmem>>)
      %dma_wait3A_1064 = arith.constant 0 : i32
      %dma_wait3A_1065 = arith.constant 0 : i32
      %dma_wait3A_1066 = tpu.memref_slice %arg7[%dma_wait3A_1064, %dma_wait3A_1065] : memref<204800x128xf32, #tpu.memory_space<hbm>> -> memref<64x128xf32, #tpu.memory_space<hbm>>
      %dma_wait3A_1067 = arith.constant 0 : i32
      %dma_wait3A_1068 = arith.constant 0 : i32
      %dma_wait3A_1069 = tpu.memref_slice %arg7[%dma_wait3A_1067, %dma_wait3A_1068] : memref<204800x128xf32, #tpu.memory_space<hbm>> -> memref<64x128xf32, #tpu.memory_space<hbm>>
      tpu.wait_dma2 semaphore(%arg45 : memref<!tpu.dma_semaphore, #tpu.memory_space<semaphore_mem>>) src(%arg27 : memref<64x128xf32, #tpu.memory_space<vmem>>) dst(%dma_wait3A_1069 : memref<64x128xf32, #tpu.memory_space<hbm>>)
      %add3A_1070 = arith.constant 0 : i32
      %add3A_1071 = arith.addi %add3A_1059, %add3A_1070 : i32
      %iota3A_1072 = tpu.iota {dimensions = array<i32: 0>} : vector<16xi32>
      %add3A_1073 = vector.broadcast %add3A_1071 : i32 to vector<16xi32>
      %add3A_1074 = arith.addi %add3A_1073, %iota3A_1072 : vector<16xi32>
      %get3A_1075 = arith.constant 0 : index
      %get3A_1076 = tpu.vector_load %arg19[%get3A_1075] {strides = array<i32>} : memref<64xi32, #tpu.memory_space<vmem>>, vector<16xi32>,
      %get3A_1077 = vector.shape_cast %get3A_1076 : vector<16xi32> to vector<16xi32>
      %mul3A_1078 = arith.constant 200 : i32
      %mul3A_1079 = vector.broadcast %mul3A_1078 : i32 to vector<16xi32>
      %mul3A_1080 = arith.muli %get3A_1077, %mul3A_1079 : vector<16xi32>
      %rem3A_1081 = arith.constant 200 : i32
      %rem3A_1082 = vector.broadcast %rem3A_1081 : i32 to vector<16xi32>
      %rem3A_1083 = arith.remsi %add3A_1074, %rem3A_1082 : vector<16xi32>
      %add3A_1084 = arith.addi %mul3A_1080, %rem3A_1083 : vector<16xi32>
      %swap3A_1085 = arith.constant 0 : index
      %swap3A_1086 = tpu.vector_load %arg23[%swap3A_1085] {strides = array<i32>} : memref<64xi32, #tpu.memory_space<vmem>>, vector<16xi32>,
      %swap3A_1087 = vector.shape_cast %swap3A_1086 : vector<16xi32> to vector<16xi32>
      %swap3A_1088 = vector.shape_cast %add3A_1084 : vector<16xi32> to vector<16xi32>
      tpu.vector_store %arg23[%swap3A_1085], %swap3A_1088 {strides = array<i32>} : memref<64xi32, #tpu.memory_space<vmem>>, vector<16xi32>,
      %add3A_1089 = arith.constant 16 : i32
      %add3A_1090 = arith.addi %add3A_1059, %add3A_1089 : i32
      %iota3A_1091 = tpu.iota {dimensions = array<i32: 0>} : vector<16xi32>
      %add3A_1092 = vector.broadcast %add3A_1090 : i32 to vector<16xi32>
      %add3A_1093 = arith.addi %add3A_1092, %iota3A_1091 : vector<16xi32>
      %get3A_1094 = arith.constant 16 : index
      %get3A_1095 = tpu.vector_load %arg19[%get3A_1094] {strides = array<i32>} : memref<64xi32, #tpu.memory_space<vmem>>, vector<16xi32>,
      %get3A_1096 = vector.shape_cast %get3A_1095 : vector<16xi32> to vector<16xi32>
      %mul3A_1097 = arith.constant 200 : i32
      %mul3A_1098 = vector.broadcast %mul3A_1097 : i32 to vector<16xi32>
      %mul3A_1099 = arith.muli %get3A_1096, %mul3A_1098 : vector<16xi32>
      %rem3A_1100 = arith.constant 200 : i32
      %rem3A_1101 = vector.broadcast %rem3A_1100 : i32 to vector<16xi32>
      %rem3A_1102 = arith.remsi %add3A_1093, %rem3A_1101 : vector<16xi32>
      %add3A_1103 = arith.addi %mul3A_1099, %rem3A_1102 : vector<16xi32>
      %swap3A_1104 = arith.constant 16 : index
      %swap3A_1105 = tpu.vector_load %arg23[%swap3A_1104] {strides = array<i32>} : memref<64xi32, #tpu.memory_space<vmem>>, vector<16xi32>,
      %swap3A_1106 = vector.shape_cast %swap3A_1105 : vector<16xi32> to vector<16xi32>
      %swap3A_1107 = vector.shape_cast %add3A_1103 : vector<16xi32> to vector<16xi32>
      tpu.vector_store %arg23[%swap3A_1104], %swap3A_1107 {strides = array<i32>} : memref<64xi32, #tpu.memory_space<vmem>>, vector<16xi32>,
      %add3A_1108 = arith.constant 32 : i32
      %add3A_1109 = arith.addi %add3A_1059, %add3A_1108 : i32
      %iota3A_1110 = tpu.iota {dimensions = array<i32: 0>} : vector<16xi32>
      %add3A_1111 = vector.broadcast %add3A_1109 : i32 to vector<16xi32>
      %add3A_1112 = arith.addi %add3A_1111, %iota3A_1110 : vector<16xi32>
      %get3A_1113 = arith.constant 32 : index
      %get3A_1114 = tpu.vector_load %arg19[%get3A_1113] {strides = array<i32>} : memref<64xi32, #tpu.memory_space<vmem>>, vector<16xi32>,
      %get3A_1115 = vector.shape_cast %get3A_1114 : vector<16xi32> to vector<16xi32>
      %mul3A_1116 = arith.constant 200 : i32
      %mul3A_1117 = vector.broadcast %mul3A_1116 : i32 to vector<16xi32>
      %mul3A_1118 = arith.muli %get3A_1115, %mul3A_1117 : vector<16xi32>
      %rem3A_1119 = arith.constant 200 : i32
      %rem3A_1120 = vector.broadcast %rem3A_1119 : i32 to vector<16xi32>
      %rem3A_1121 = arith.remsi %add3A_1112, %rem3A_1120 : vector<16xi32>
      %add3A_1122 = arith.addi %mul3A_1118, %rem3A_1121 : vector<16xi32>
      %swap3A_1123 = arith.constant 32 : index
      %swap3A_1124 = tpu.vector_load %arg23[%swap3A_1123] {strides = array<i32>} : memref<64xi32, #tpu.memory_space<vmem>>, vector<16xi32>,
      %swap3A_1125 = vector.shape_cast %swap3A_1124 : vector<16xi32> to vector<16xi32>
      %swap3A_1126 = vector.shape_cast %add3A_1122 : vector<16xi32> to vector<16xi32>
      tpu.vector_store %arg23[%swap3A_1123], %swap3A_1126 {strides = array<i32>} : memref<64xi32, #tpu.memory_space<vmem>>, vector<16xi32>,
      %add3A_1127 = arith.constant 48 : i32
      %add3A_1128 = arith.addi %add3A_1059, %add3A_1127 : i32
      %iota3A_1129 = tpu.iota {dimensions = array<i32: 0>} : vector<16xi32>
      %add3A_1130 = vector.broadcast %add3A_1128 : i32 to vector<16xi32>
      %add3A_1131 = arith.addi %add3A_1130, %iota3A_1129 : vector<16xi32>
      %get3A_1132 = arith.constant 48 : index
      %get3A_1133 = tpu.vector_load %arg19[%get3A_1132] {strides = array<i32>} : memref<64xi32, #tpu.memory_space<vmem>>, vector<16xi32>,
      %get3A_1134 = vector.shape_cast %get3A_1133 : vector<16xi32> to vector<16xi32>
      %mul3A_1135 = arith.constant 200 : i32
      %mul3A_1136 = vector.broadcast %mul3A_1135 : i32 to vector<16xi32>
      %mul3A_1137 = arith.muli %get3A_1134, %mul3A_1136 : vector<16xi32>
      %rem3A_1138 = arith.constant 200 : i32
      %rem3A_1139 = vector.broadcast %rem3A_1138 : i32 to vector<16xi32>
      %rem3A_1140 = arith.remsi %add3A_1131, %rem3A_1139 : vector<16xi32>
      %add3A_1141 = arith.addi %mul3A_1137, %rem3A_1140 : vector<16xi32>
      %swap3A_1142 = arith.constant 48 : index
      %swap3A_1143 = tpu.vector_load %arg23[%swap3A_1142] {strides = array<i32>} : memref<64xi32, #tpu.memory_space<vmem>>, vector<16xi32>,
      %swap3A_1144 = vector.shape_cast %swap3A_1143 : vector<16xi32> to vector<16xi32>
      %swap3A_1145 = vector.shape_cast %add3A_1141 : vector<16xi32> to vector<16xi32>
      tpu.vector_store %arg23[%swap3A_1142], %swap3A_1145 {strides = array<i32>} : memref<64xi32, #tpu.memory_space<vmem>>, vector<16xi32>,
      %dma_start3A_1146 = arith.constant 0 : i32
      %dma_start3A_1147 = arith.constant 0 : i32
      %dma_start3A_1148 = tpu.memref_slice %arg4[%dma_start3A_1146, %dma_start3A_1147] : memref<100000x128xf32, #tpu.memory_space<hbm>> -> memref<100000x128xf32, #tpu.memory_space<hbm>>
      tpu.enqueue_indirect_dma source(%dma_start3A_1148 : memref<100000x128xf32, #tpu.memory_space<hbm>>) target(%arg27 : memref<64x128xf32, #tpu.memory_space<vmem>>) offsets(%arg15 : memref<64xi32, #tpu.memory_space<vmem>>) semaphore(%arg37 : memref<!tpu.dma_semaphore, #tpu.memory_space<semaphore_mem>>)
      %dma_start3A_1149 = arith.constant 0 : i32
      %dma_start3A_1150 = arith.constant 0 : i32
      %dma_start3A_1151 = tpu.memref_slice %arg8[%dma_start3A_1149, %dma_start3A_1150] : memref<608x128xf32, #tpu.memory_space<vmem_shared>> -> memref<608x128xf32, #tpu.memory_space<vmem_shared>>
      tpu.enqueue_indirect_dma source(%dma_start3A_1151 : memref<608x128xf32, #tpu.memory_space<vmem_shared>>) target(%arg31 : memref<64x128xf32, #tpu.memory_space<vmem>>) offsets(%arg23 : memref<64xi32, #tpu.memory_space<vmem>>) semaphore(%arg41 : memref<!tpu.dma_semaphore, #tpu.memory_space<semaphore_mem>>)
      %mul3A_1152 = arith.constant 64 : i32
      %mul3A_1153 = arith.muli %add3A_1054, %mul3A_1152 : i32
      %add3A_1154 = arith.addi %mul3A_2, %mul3A_1153 : i32
      %dma_wait3A_1155 = arith.constant 0 : i32
      %dma_wait3A_1156 = arith.constant 0 : i32
      %dma_wait3A_1157 = tpu.memref_slice %arg4[%dma_wait3A_1155, %dma_wait3A_1156] : memref<100000x128xf32, #tpu.memory_space<hbm>> -> memref<100000x128xf32, #tpu.memory_space<hbm>>
      tpu.wait_indirect_dma semaphore(%arg35 : memref<!tpu.dma_semaphore, #tpu.memory_space<semaphore_mem>>) src(%dma_wait3A_1157 : memref<100000x128xf32, #tpu.memory_space<hbm>>) dst(%arg25 : memref<64x128xf32, #tpu.memory_space<vmem>>)
      %dma_wait3A_1158 = arith.constant 0 : i32
      %dma_wait3A_1159 = arith.constant 0 : i32
      %dma_wait3A_1160 = tpu.memref_slice %arg8[%dma_wait3A_1158, %dma_wait3A_1159] : memref<608x128xf32, #tpu.memory_space<vmem_shared>> -> memref<608x128xf32, #tpu.memory_space<vmem_shared>>
      tpu.wait_indirect_dma semaphore(%arg39 : memref<!tpu.dma_semaphore, #tpu.memory_space<semaphore_mem>>) src(%dma_wait3A_1160 : memref<608x128xf32, #tpu.memory_space<vmem_shared>>) dst(%arg29 : memref<64x128xf32, #tpu.memory_space<vmem>>)
      %parallel_loop3A_1161 = arith.constant 0 : i32
      %parallel_loop3A_1162 = arith.constant 64 : i32
      %parallel_loop3A_1163 = arith.constant 1 : i32
      scf.for %parallel_loop3A_1425 = %parallel_loop3A_1161 to %parallel_loop3A_1162 step %parallel_loop3A_1163  : i32 {
        %parallel_loop3A_1426 = arith.index_cast %parallel_loop3A_1425 : i32 to index
        %parallel_loop3A_1427 = arith.constant 0 : index
        %parallel_loop3A_1428 = tpu.vector_load %arg29[%parallel_loop3A_1426, %parallel_loop3A_1427] {strides = array<i32>} : memref<64x128xf32, #tpu.memory_space<vmem>>, vector<1x16xf32>,
        %parallel_loop3A_1429 = vector.shape_cast %parallel_loop3A_1428 : vector<1x16xf32> to vector<16xf32>
        %parallel_loop3A_1430 = arith.index_cast %parallel_loop3A_1425 : i32 to index
        %parallel_loop3A_1431 = arith.constant 0 : index
        %parallel_loop3A_1432 = tpu.vector_load %arg25[%parallel_loop3A_1430, %parallel_loop3A_1431] {strides = array<i32>} : memref<64x128xf32, #tpu.memory_space<vmem>>, vector<1x16xf32>,
        %parallel_loop3A_1433 = vector.shape_cast %parallel_loop3A_1432 : vector<1x16xf32> to vector<16xf32>
        %parallel_loop3A_1434 = vector.shape_cast %parallel_loop3A_1429 : vector<16xf32> to vector<1x16xf32>
        tpu.vector_store %arg25[%parallel_loop3A_1430, %parallel_loop3A_1431], %parallel_loop3A_1434 {add = true, strides = array<i32>} : memref<64x128xf32, #tpu.memory_space<vmem>>, vector<1x16xf32>,
        %parallel_loop3A_1435 = arith.index_cast %parallel_loop3A_1425 : i32 to index
        %parallel_loop3A_1436 = arith.constant 16 : index
        %parallel_loop3A_1437 = tpu.vector_load %arg29[%parallel_loop3A_1435, %parallel_loop3A_1436] {strides = array<i32>} : memref<64x128xf32, #tpu.memory_space<vmem>>, vector<1x16xf32>,
        %parallel_loop3A_1438 = vector.shape_cast %parallel_loop3A_1437 : vector<1x16xf32> to vector<16xf32>
        %parallel_loop3A_1439 = arith.index_cast %parallel_loop3A_1425 : i32 to index
        %parallel_loop3A_1440 = arith.constant 16 : index
        %parallel_loop3A_1441 = tpu.vector_load %arg25[%parallel_loop3A_1439, %parallel_loop3A_1440] {strides = array<i32>} : memref<64x128xf32, #tpu.memory_space<vmem>>, vector<1x16xf32>,
        %parallel_loop3A_1442 = vector.shape_cast %parallel_loop3A_1441 : vector<1x16xf32> to vector<16xf32>
        %parallel_loop3A_1443 = vector.shape_cast %parallel_loop3A_1438 : vector<16xf32> to vector<1x16xf32>
        tpu.vector_store %arg25[%parallel_loop3A_1439, %parallel_loop3A_1440], %parallel_loop3A_1443 {add = true, strides = array<i32>} : memref<64x128xf32, #tpu.memory_space<vmem>>, vector<1x16xf32>,
        %parallel_loop3A_1444 = arith.index_cast %parallel_loop3A_1425 : i32 to index
        %parallel_loop3A_1445 = arith.constant 32 : index
        %parallel_loop3A_1446 = tpu.vector_load %arg29[%parallel_loop3A_1444, %parallel_loop3A_1445] {strides = array<i32>} : memref<64x128xf32, #tpu.memory_space<vmem>>, vector<1x16xf32>,
        %parallel_loop3A_1447 = vector.shape_cast %parallel_loop3A_1446 : vector<1x16xf32> to vector<16xf32>
        %parallel_loop3A_1448 = arith.index_cast %parallel_loop3A_1425 : i32 to index
        %parallel_loop3A_1449 = arith.constant 32 : index
        %parallel_loop3A_1450 = tpu.vector_load %arg25[%parallel_loop3A_1448, %parallel_loop3A_1449] {strides = array<i32>} : memref<64x128xf32, #tpu.memory_space<vmem>>, vector<1x16xf32>,
        %parallel_loop3A_1451 = vector.shape_cast %parallel_loop3A_1450 : vector<1x16xf32> to vector<16xf32>
        %parallel_loop3A_1452 = vector.shape_cast %parallel_loop3A_1447 : vector<16xf32> to vector<1x16xf32>
        tpu.vector_store %arg25[%parallel_loop3A_1448, %parallel_loop3A_1449], %parallel_loop3A_1452 {add = true, strides = array<i32>} : memref<64x128xf32, #tpu.memory_space<vmem>>, vector<1x16xf32>,
        %parallel_loop3A_1453 = arith.index_cast %parallel_loop3A_1425 : i32 to index
        %parallel_loop3A_1454 = arith.constant 48 : index
        %parallel_loop3A_1455 = tpu.vector_load %arg29[%parallel_loop3A_1453, %parallel_loop3A_1454] {strides = array<i32>} : memref<64x128xf32, #tpu.memory_space<vmem>>, vector<1x16xf32>,
        %parallel_loop3A_1456 = vector.shape_cast %parallel_loop3A_1455 : vector<1x16xf32> to vector<16xf32>
        %parallel_loop3A_1457 = arith.index_cast %parallel_loop3A_1425 : i32 to index
        %parallel_loop3A_1458 = arith.constant 48 : index
        %parallel_loop3A_1459 = tpu.vector_load %arg25[%parallel_loop3A_1457, %parallel_loop3A_1458] {strides = array<i32>} : memref<64x128xf32, #tpu.memory_space<vmem>>, vector<1x16xf32>,
        %parallel_loop3A_1460 = vector.shape_cast %parallel_loop3A_1459 : vector<1x16xf32> to vector<16xf32>
        %parallel_loop3A_1461 = vector.shape_cast %parallel_loop3A_1456 : vector<16xf32> to vector<1x16xf32>
        tpu.vector_store %arg25[%parallel_loop3A_1457, %parallel_loop3A_1458], %parallel_loop3A_1461 {add = true, strides = array<i32>} : memref<64x128xf32, #tpu.memory_space<vmem>>, vector<1x16xf32>,
        %parallel_loop3A_1462 = arith.index_cast %parallel_loop3A_1425 : i32 to index
        %parallel_loop3A_1463 = arith.constant 64 : index
        %parallel_loop3A_1464 = tpu.vector_load %arg29[%parallel_loop3A_1462, %parallel_loop3A_1463] {strides = array<i32>} : memref<64x128xf32, #tpu.memory_space<vmem>>, vector<1x16xf32>,
        %parallel_loop3A_1465 = vector.shape_cast %parallel_loop3A_1464 : vector<1x16xf32> to vector<16xf32>
        %parallel_loop3A_1466 = arith.index_cast %parallel_loop3A_1425 : i32 to index
        %parallel_loop3A_1467 = arith.constant 64 : index
        %parallel_loop3A_1468 = tpu.vector_load %arg25[%parallel_loop3A_1466, %parallel_loop3A_1467] {strides = array<i32>} : memref<64x128xf32, #tpu.memory_space<vmem>>, vector<1x16xf32>,
        %parallel_loop3A_1469 = vector.shape_cast %parallel_loop3A_1468 : vector<1x16xf32> to vector<16xf32>
        %parallel_loop3A_1470 = vector.shape_cast %parallel_loop3A_1465 : vector<16xf32> to vector<1x16xf32>
        tpu.vector_store %arg25[%parallel_loop3A_1466, %parallel_loop3A_1467], %parallel_loop3A_1470 {add = true, strides = array<i32>} : memref<64x128xf32, #tpu.memory_space<vmem>>, vector<1x16xf32>,
        %parallel_loop3A_1471 = arith.index_cast %parallel_loop3A_1425 : i32 to index
        %parallel_loop3A_1472 = arith.constant 80 : index
        %parallel_loop3A_1473 = tpu.vector_load %arg29[%parallel_loop3A_1471, %parallel_loop3A_1472] {strides = array<i32>} : memref<64x128xf32, #tpu.memory_space<vmem>>, vector<1x16xf32>,
        %parallel_loop3A_1474 = vector.shape_cast %parallel_loop3A_1473 : vector<1x16xf32> to vector<16xf32>
        %parallel_loop3A_1475 = arith.index_cast %parallel_loop3A_1425 : i32 to index
        %parallel_loop3A_1476 = arith.constant 80 : index
        %parallel_loop3A_1477 = tpu.vector_load %arg25[%parallel_loop3A_1475, %parallel_loop3A_1476] {strides = array<i32>} : memref<64x128xf32, #tpu.memory_space<vmem>>, vector<1x16xf32>,
        %parallel_loop3A_1478 = vector.shape_cast %parallel_loop3A_1477 : vector<1x16xf32> to vector<16xf32>
        %parallel_loop3A_1479 = vector.shape_cast %parallel_loop3A_1474 : vector<16xf32> to vector<1x16xf32>
        tpu.vector_store %arg25[%parallel_loop3A_1475, %parallel_loop3A_1476], %parallel_loop3A_1479 {add = true, strides = array<i32>} : memref<64x128xf32, #tpu.memory_space<vmem>>, vector<1x16xf32>,
        %parallel_loop3A_1480 = arith.index_cast %parallel_loop3A_1425 : i32 to index
        %parallel_loop3A_1481 = arith.constant 96 : index
        %parallel_loop3A_1482 = tpu.vector_load %arg29[%parallel_loop3A_1480, %parallel_loop3A_1481] {strides = array<i32>} : memref<64x128xf32, #tpu.memory_space<vmem>>, vector<1x16xf32>,
        %parallel_loop3A_1483 = vector.shape_cast %parallel_loop3A_1482 : vector<1x16xf32> to vector<16xf32>
        %parallel_loop3A_1484 = arith.index_cast %parallel_loop3A_1425 : i32 to index
        %parallel_loop3A_1485 = arith.constant 96 : index
        %parallel_loop3A_1486 = tpu.vector_load %arg25[%parallel_loop3A_1484, %parallel_loop3A_1485] {strides = array<i32>} : memref<64x128xf32, #tpu.memory_space<vmem>>, vector<1x16xf32>,
        %parallel_loop3A_1487 = vector.shape_cast %parallel_loop3A_1486 : vector<1x16xf32> to vector<16xf32>
        %parallel_loop3A_1488 = vector.shape_cast %parallel_loop3A_1483 : vector<16xf32> to vector<1x16xf32>
        tpu.vector_store %arg25[%parallel_loop3A_1484, %parallel_loop3A_1485], %parallel_loop3A_1488 {add = true, strides = array<i32>} : memref<64x128xf32, #tpu.memory_space<vmem>>, vector<1x16xf32>,
        %parallel_loop3A_1489 = arith.index_cast %parallel_loop3A_1425 : i32 to index
        %parallel_loop3A_1490 = arith.constant 112 : index
        %parallel_loop3A_1491 = tpu.vector_load %arg29[%parallel_loop3A_1489, %parallel_loop3A_1490] {strides = array<i32>} : memref<64x128xf32, #tpu.memory_space<vmem>>, vector<1x16xf32>,
        %parallel_loop3A_1492 = vector.shape_cast %parallel_loop3A_1491 : vector<1x16xf32> to vector<16xf32>
        %parallel_loop3A_1493 = arith.index_cast %parallel_loop3A_1425 : i32 to index
        %parallel_loop3A_1494 = arith.constant 112 : index
        %parallel_loop3A_1495 = tpu.vector_load %arg25[%parallel_loop3A_1493, %parallel_loop3A_1494] {strides = array<i32>} : memref<64x128xf32, #tpu.memory_space<vmem>>, vector<1x16xf32>,
        %parallel_loop3A_1496 = vector.shape_cast %parallel_loop3A_1495 : vector<1x16xf32> to vector<16xf32>
        %parallel_loop3A_1497 = vector.shape_cast %parallel_loop3A_1492 : vector<16xf32> to vector<1x16xf32>
        tpu.vector_store %arg25[%parallel_loop3A_1493, %parallel_loop3A_1494], %parallel_loop3A_1497 {add = true, strides = array<i32>} : memref<64x128xf32, #tpu.memory_space<vmem>>, vector<1x16xf32>,
      } {sc.loop_unroll_factor = 4 : i64, sc.parallel_access}
      %dma_start3A_1164 = arith.constant 0 : i32
      %dma_start3A_1165 = tpu.memref_slice %arg7[%add3A_1154, %dma_start3A_1164] : memref<204800x128xf32, #tpu.memory_space<hbm>> -> memref<64x128xf32, #tpu.memory_space<hbm>>
      %dma_start3A_1166 = arith.constant 0 : i32
      %dma_start3A_1167 = tpu.memref_slice %arg7[%add3A_1154, %dma_start3A_1166] : memref<204800x128xf32, #tpu.memory_space<hbm>> -> memref<64x128xf32, #tpu.memory_space<hbm>>
      tpu.enqueue_dma source(%arg25 : memref<64x128xf32, #tpu.memory_space<vmem>>) target(%dma_start3A_1167 : memref<64x128xf32, #tpu.memory_space<hbm>>) target_semaphore(%arg43 : memref<!tpu.dma_semaphore, #tpu.memory_space<semaphore_mem>>)
      %add3A_1168 = arith.constant 3 : i32
      %add3A_1169 = arith.addi %add3A_1054, %add3A_1168 : i32
      %mul3A_1170 = arith.constant 64 : i32
      %mul3A_1171 = arith.muli %add3A_1169, %mul3A_1170 : i32
      %add3A_1172 = arith.addi %mul3A_2, %mul3A_1171 : i32
      %dma_start3A_1173 = tpu.memref_slice %arg2[%add3A_1172] : memref<204800xi32, #tpu.memory_space<hbm>> -> memref<64xi32, #tpu.memory_space<hbm>>
      %dma_start3A_1174 = tpu.memref_slice %arg2[%add3A_1172] : memref<204800xi32, #tpu.memory_space<hbm>> -> memref<64xi32, #tpu.memory_space<hbm>>
      tpu.enqueue_dma source(%dma_start3A_1174 : memref<64xi32, #tpu.memory_space<hbm>>) target(%arg12 : memref<64xi32, #tpu.memory_space<vmem>>) target_semaphore(%arg33 : memref<!tpu.dma_semaphore, #tpu.memory_space<semaphore_mem>>)
      %dma_start3A_1175 = tpu.memref_slice %arg3[%add3A_1172] : memref<204800xi32, #tpu.memory_space<hbm>> -> memref<64xi32, #tpu.memory_space<hbm>>
      %dma_start3A_1176 = tpu.memref_slice %arg3[%add3A_1172] : memref<204800xi32, #tpu.memory_space<hbm>> -> memref<64xi32, #tpu.memory_space<hbm>>
      tpu.enqueue_dma source(%dma_start3A_1176 : memref<64xi32, #tpu.memory_space<hbm>>) target(%arg16 : memref<64xi32, #tpu.memory_space<vmem>>) target_semaphore(%arg33 : memref<!tpu.dma_semaphore, #tpu.memory_space<semaphore_mem>>)
      %add3A_1177 = arith.constant 2 : i32
      %add3A_1178 = arith.addi %mul3A_928, %add3A_1177 : i32
      %add3A_1179 = arith.constant 2 : i32
      %add3A_1180 = arith.addi %add3A_1178, %add3A_1179 : i32
      %mul3A_1181 = arith.constant 64 : i32
      %mul3A_1182 = arith.muli %add3A_1180, %mul3A_1181 : i32
      %add3A_1183 = arith.addi %mul3A_2, %mul3A_1182 : i32
      %dma_wait3A_1184 = tpu.memref_slice %arg2[%add3A_1183] : memref<204800xi32, #tpu.memory_space<hbm>> -> memref<64xi32, #tpu.memory_space<hbm>>
      %dma_wait3A_1185 = tpu.memref_slice %arg2[%add3A_1183] : memref<204800xi32, #tpu.memory_space<hbm>> -> memref<64xi32, #tpu.memory_space<hbm>>
      tpu.wait_dma2 semaphore(%arg33 : memref<!tpu.dma_semaphore, #tpu.memory_space<semaphore_mem>>) src(%dma_wait3A_1185 : memref<64xi32, #tpu.memory_space<hbm>>) dst(%arg12 : memref<64xi32, #tpu.memory_space<vmem>>)
      %dma_wait3A_1186 = tpu.memref_slice %arg3[%add3A_1183] : memref<204800xi32, #tpu.memory_space<hbm>> -> memref<64xi32, #tpu.memory_space<hbm>>
      %dma_wait3A_1187 = tpu.memref_slice %arg3[%add3A_1183] : memref<204800xi32, #tpu.memory_space<hbm>> -> memref<64xi32, #tpu.memory_space<hbm>>
      tpu.wait_dma2 semaphore(%arg33 : memref<!tpu.dma_semaphore, #tpu.memory_space<semaphore_mem>>) src(%dma_wait3A_1187 : memref<64xi32, #tpu.memory_space<hbm>>) dst(%arg16 : memref<64xi32, #tpu.memory_space<vmem>>)
      %dma_wait3A_1188 = arith.constant 0 : i32
      %dma_wait3A_1189 = arith.constant 0 : i32
      %dma_wait3A_1190 = tpu.memref_slice %arg7[%dma_wait3A_1188, %dma_wait3A_1189] : memref<204800x128xf32, #tpu.memory_space<hbm>> -> memref<64x128xf32, #tpu.memory_space<hbm>>
      %dma_wait3A_1191 = arith.constant 0 : i32
      %dma_wait3A_1192 = arith.constant 0 : i32
      %dma_wait3A_1193 = tpu.memref_slice %arg7[%dma_wait3A_1191, %dma_wait3A_1192] : memref<204800x128xf32, #tpu.memory_space<hbm>> -> memref<64x128xf32, #tpu.memory_space<hbm>>
      tpu.wait_dma2 semaphore(%arg42 : memref<!tpu.dma_semaphore, #tpu.memory_space<semaphore_mem>>) src(%arg24 : memref<64x128xf32, #tpu.memory_space<vmem>>) dst(%dma_wait3A_1193 : memref<64x128xf32, #tpu.memory_space<hbm>>)
      %add3A_1194 = arith.constant 0 : i32
      %add3A_1195 = arith.addi %add3A_1183, %add3A_1194 : i32
      %iota3A_1196 = tpu.iota {dimensions = array<i32: 0>} : vector<16xi32>
      %add3A_1197 = vector.broadcast %add3A_1195 : i32 to vector<16xi32>
      %add3A_1198 = arith.addi %add3A_1197, %iota3A_1196 : vector<16xi32>
      %get3A_1199 = arith.constant 0 : index
      %get3A_1200 = tpu.vector_load %arg16[%get3A_1199] {strides = array<i32>} : memref<64xi32, #tpu.memory_space<vmem>>, vector<16xi32>,
      %get3A_1201 = vector.shape_cast %get3A_1200 : vector<16xi32> to vector<16xi32>
      %mul3A_1202 = arith.constant 200 : i32
      %mul3A_1203 = vector.broadcast %mul3A_1202 : i32 to vector<16xi32>
      %mul3A_1204 = arith.muli %get3A_1201, %mul3A_1203 : vector<16xi32>
      %rem3A_1205 = arith.constant 200 : i32
      %rem3A_1206 = vector.broadcast %rem3A_1205 : i32 to vector<16xi32>
      %rem3A_1207 = arith.remsi %add3A_1198, %rem3A_1206 : vector<16xi32>
      %add3A_1208 = arith.addi %mul3A_1204, %rem3A_1207 : vector<16xi32>
      %swap3A_1209 = arith.constant 0 : index
      %swap3A_1210 = tpu.vector_load %arg20[%swap3A_1209] {strides = array<i32>} : memref<64xi32, #tpu.memory_space<vmem>>, vector<16xi32>,
      %swap3A_1211 = vector.shape_cast %swap3A_1210 : vector<16xi32> to vector<16xi32>
      %swap3A_1212 = vector.shape_cast %add3A_1208 : vector<16xi32> to vector<16xi32>
      tpu.vector_store %arg20[%swap3A_1209], %swap3A_1212 {strides = array<i32>} : memref<64xi32, #tpu.memory_space<vmem>>, vector<16xi32>,
      %add3A_1213 = arith.constant 16 : i32
      %add3A_1214 = arith.addi %add3A_1183, %add3A_1213 : i32
      %iota3A_1215 = tpu.iota {dimensions = array<i32: 0>} : vector<16xi32>
      %add3A_1216 = vector.broadcast %add3A_1214 : i32 to vector<16xi32>
      %add3A_1217 = arith.addi %add3A_1216, %iota3A_1215 : vector<16xi32>
      %get3A_1218 = arith.constant 16 : index
      %get3A_1219 = tpu.vector_load %arg16[%get3A_1218] {strides = array<i32>} : memref<64xi32, #tpu.memory_space<vmem>>, vector<16xi32>,
      %get3A_1220 = vector.shape_cast %get3A_1219 : vector<16xi32> to vector<16xi32>
      %mul3A_1221 = arith.constant 200 : i32
      %mul3A_1222 = vector.broadcast %mul3A_1221 : i32 to vector<16xi32>
      %mul3A_1223 = arith.muli %get3A_1220, %mul3A_1222 : vector<16xi32>
      %rem3A_1224 = arith.constant 200 : i32
      %rem3A_1225 = vector.broadcast %rem3A_1224 : i32 to vector<16xi32>
      %rem3A_1226 = arith.remsi %add3A_1217, %rem3A_1225 : vector<16xi32>
      %add3A_1227 = arith.addi %mul3A_1223, %rem3A_1226 : vector<16xi32>
      %swap3A_1228 = arith.constant 16 : index
      %swap3A_1229 = tpu.vector_load %arg20[%swap3A_1228] {strides = array<i32>} : memref<64xi32, #tpu.memory_space<vmem>>, vector<16xi32>,
      %swap3A_1230 = vector.shape_cast %swap3A_1229 : vector<16xi32> to vector<16xi32>
      %swap3A_1231 = vector.shape_cast %add3A_1227 : vector<16xi32> to vector<16xi32>
      tpu.vector_store %arg20[%swap3A_1228], %swap3A_1231 {strides = array<i32>} : memref<64xi32, #tpu.memory_space<vmem>>, vector<16xi32>,
      %add3A_1232 = arith.constant 32 : i32
      %add3A_1233 = arith.addi %add3A_1183, %add3A_1232 : i32
      %iota3A_1234 = tpu.iota {dimensions = array<i32: 0>} : vector<16xi32>
      %add3A_1235 = vector.broadcast %add3A_1233 : i32 to vector<16xi32>
      %add3A_1236 = arith.addi %add3A_1235, %iota3A_1234 : vector<16xi32>
      %get3A_1237 = arith.constant 32 : index
      %get3A_1238 = tpu.vector_load %arg16[%get3A_1237] {strides = array<i32>} : memref<64xi32, #tpu.memory_space<vmem>>, vector<16xi32>,
      %get3A_1239 = vector.shape_cast %get3A_1238 : vector<16xi32> to vector<16xi32>
      %mul3A_1240 = arith.constant 200 : i32
      %mul3A_1241 = vector.broadcast %mul3A_1240 : i32 to vector<16xi32>
      %mul3A_1242 = arith.muli %get3A_1239, %mul3A_1241 : vector<16xi32>
      %rem3A_1243 = arith.constant 200 : i32
      %rem3A_1244 = vector.broadcast %rem3A_1243 : i32 to vector<16xi32>
      %rem3A_1245 = arith.remsi %add3A_1236, %rem3A_1244 : vector<16xi32>
      %add3A_1246 = arith.addi %mul3A_1242, %rem3A_1245 : vector<16xi32>
      %swap3A_1247 = arith.constant 32 : index
      %swap3A_1248 = tpu.vector_load %arg20[%swap3A_1247] {strides = array<i32>} : memref<64xi32, #tpu.memory_space<vmem>>, vector<16xi32>,
      %swap3A_1249 = vector.shape_cast %swap3A_1248 : vector<16xi32> to vector<16xi32>
      %swap3A_1250 = vector.shape_cast %add3A_1246 : vector<16xi32> to vector<16xi32>
      tpu.vector_store %arg20[%swap3A_1247], %swap3A_1250 {strides = array<i32>} : memref<64xi32, #tpu.memory_space<vmem>>, vector<16xi32>,
      %add3A_1251 = arith.constant 48 : i32
      %add3A_1252 = arith.addi %add3A_1183, %add3A_1251 : i32
      %iota3A_1253 = tpu.iota {dimensions = array<i32: 0>} : vector<16xi32>
      %add3A_1254 = vector.broadcast %add3A_1252 : i32 to vector<16xi32>
      %add3A_1255 = arith.addi %add3A_1254, %iota3A_1253 : vector<16xi32>
      %get3A_1256 = arith.constant 48 : index
      %get3A_1257 = tpu.vector_load %arg16[%get3A_1256] {strides = array<i32>} : memref<64xi32, #tpu.memory_space<vmem>>, vector<16xi32>,
      %get3A_1258 = vector.shape_cast %get3A_1257 : vector<16xi32> to vector<16xi32>
      %mul3A_1259 = arith.constant 200 : i32
      %mul3A_1260 = vector.broadcast %mul3A_1259 : i32 to vector<16xi32>
      %mul3A_1261 = arith.muli %get3A_1258, %mul3A_1260 : vector<16xi32>
      %rem3A_1262 = arith.constant 200 : i32
      %rem3A_1263 = vector.broadcast %rem3A_1262 : i32 to vector<16xi32>
      %rem3A_1264 = arith.remsi %add3A_1255, %rem3A_1263 : vector<16xi32>
      %add3A_1265 = arith.addi %mul3A_1261, %rem3A_1264 : vector<16xi32>
      %swap3A_1266 = arith.constant 48 : index
      %swap3A_1267 = tpu.vector_load %arg20[%swap3A_1266] {strides = array<i32>} : memref<64xi32, #tpu.memory_space<vmem>>, vector<16xi32>,
      %swap3A_1268 = vector.shape_cast %swap3A_1267 : vector<16xi32> to vector<16xi32>
      %swap3A_1269 = vector.shape_cast %add3A_1265 : vector<16xi32> to vector<16xi32>
      tpu.vector_store %arg20[%swap3A_1266], %swap3A_1269 {strides = array<i32>} : memref<64xi32, #tpu.memory_space<vmem>>, vector<16xi32>,
      %dma_start3A_1270 = arith.constant 0 : i32
      %dma_start3A_1271 = arith.constant 0 : i32
      %dma_start3A_1272 = tpu.memref_slice %arg4[%dma_start3A_1270, %dma_start3A_1271] : memref<100000x128xf32, #tpu.memory_space<hbm>> -> memref<100000x128xf32, #tpu.memory_space<hbm>>
      tpu.enqueue_indirect_dma source(%dma_start3A_1272 : memref<100000x128xf32, #tpu.memory_space<hbm>>) target(%arg24 : memref<64x128xf32, #tpu.memory_space<vmem>>) offsets(%arg12 : memref<64xi32, #tpu.memory_space<vmem>>) semaphore(%arg34 : memref<!tpu.dma_semaphore, #tpu.memory_space<semaphore_mem>>)
      %dma_start3A_1273 = arith.constant 0 : i32
      %dma_start3A_1274 = arith.constant 0 : i32
      %dma_start3A_1275 = tpu.memref_slice %arg8[%dma_start3A_1273, %dma_start3A_1274] : memref<608x128xf32, #tpu.memory_space<vmem_shared>> -> memref<608x128xf32, #tpu.memory_space<vmem_shared>>
      tpu.enqueue_indirect_dma source(%dma_start3A_1275 : memref<608x128xf32, #tpu.memory_space<vmem_shared>>) target(%arg28 : memref<64x128xf32, #tpu.memory_space<vmem>>) offsets(%arg20 : memref<64xi32, #tpu.memory_space<vmem>>) semaphore(%arg38 : memref<!tpu.dma_semaphore, #tpu.memory_space<semaphore_mem>>)
      %mul3A_1276 = arith.constant 64 : i32
      %mul3A_1277 = arith.muli %add3A_1178, %mul3A_1276 : i32
      %add3A_1278 = arith.addi %mul3A_2, %mul3A_1277 : i32
      %dma_wait3A_1279 = arith.constant 0 : i32
      %dma_wait3A_1280 = arith.constant 0 : i32
      %dma_wait3A_1281 = tpu.memref_slice %arg4[%dma_wait3A_1279, %dma_wait3A_1280] : memref<100000x128xf32, #tpu.memory_space<hbm>> -> memref<100000x128xf32, #tpu.memory_space<hbm>>
      tpu.wait_indirect_dma semaphore(%arg36 : memref<!tpu.dma_semaphore, #tpu.memory_space<semaphore_mem>>) src(%dma_wait3A_1281 : memref<100000x128xf32, #tpu.memory_space<hbm>>) dst(%arg26 : memref<64x128xf32, #tpu.memory_space<vmem>>)
      %dma_wait3A_1282 = arith.constant 0 : i32
      %dma_wait3A_1283 = arith.constant 0 : i32
      %dma_wait3A_1284 = tpu.memref_slice %arg8[%dma_wait3A_1282, %dma_wait3A_1283] : memref<608x128xf32, #tpu.memory_space<vmem_shared>> -> memref<608x128xf32, #tpu.memory_space<vmem_shared>>
      tpu.wait_indirect_dma semaphore(%arg40 : memref<!tpu.dma_semaphore, #tpu.memory_space<semaphore_mem>>) src(%dma_wait3A_1284 : memref<608x128xf32, #tpu.memory_space<vmem_shared>>) dst(%arg30 : memref<64x128xf32, #tpu.memory_space<vmem>>)
      %parallel_loop3A_1285 = arith.constant 0 : i32
      %parallel_loop3A_1286 = arith.constant 64 : i32
      %parallel_loop3A_1287 = arith.constant 1 : i32
      scf.for %parallel_loop3A_1425 = %parallel_loop3A_1285 to %parallel_loop3A_1286 step %parallel_loop3A_1287  : i32 {
        %parallel_loop3A_1426 = arith.index_cast %parallel_loop3A_1425 : i32 to index
        %parallel_loop3A_1427 = arith.constant 0 : index
        %parallel_loop3A_1428 = tpu.vector_load %arg30[%parallel_loop3A_1426, %parallel_loop3A_1427] {strides = array<i32>} : memref<64x128xf32, #tpu.memory_space<vmem>>, vector<1x16xf32>,
        %parallel_loop3A_1429 = vector.shape_cast %parallel_loop3A_1428 : vector<1x16xf32> to vector<16xf32>
        %parallel_loop3A_1430 = arith.index_cast %parallel_loop3A_1425 : i32 to index
        %parallel_loop3A_1431 = arith.constant 0 : index
        %parallel_loop3A_1432 = tpu.vector_load %arg26[%parallel_loop3A_1430, %parallel_loop3A_1431] {strides = array<i32>} : memref<64x128xf32, #tpu.memory_space<vmem>>, vector<1x16xf32>,
        %parallel_loop3A_1433 = vector.shape_cast %parallel_loop3A_1432 : vector<1x16xf32> to vector<16xf32>
        %parallel_loop3A_1434 = vector.shape_cast %parallel_loop3A_1429 : vector<16xf32> to vector<1x16xf32>
        tpu.vector_store %arg26[%parallel_loop3A_1430, %parallel_loop3A_1431], %parallel_loop3A_1434 {add = true, strides = array<i32>} : memref<64x128xf32, #tpu.memory_space<vmem>>, vector<1x16xf32>,
        %parallel_loop3A_1435 = arith.index_cast %parallel_loop3A_1425 : i32 to index
        %parallel_loop3A_1436 = arith.constant 16 : index
        %parallel_loop3A_1437 = tpu.vector_load %arg30[%parallel_loop3A_1435, %parallel_loop3A_1436] {strides = array<i32>} : memref<64x128xf32, #tpu.memory_space<vmem>>, vector<1x16xf32>,
        %parallel_loop3A_1438 = vector.shape_cast %parallel_loop3A_1437 : vector<1x16xf32> to vector<16xf32>
        %parallel_loop3A_1439 = arith.index_cast %parallel_loop3A_1425 : i32 to index
        %parallel_loop3A_1440 = arith.constant 16 : index
        %parallel_loop3A_1441 = tpu.vector_load %arg26[%parallel_loop3A_1439, %parallel_loop3A_1440] {strides = array<i32>} : memref<64x128xf32, #tpu.memory_space<vmem>>, vector<1x16xf32>,
        %parallel_loop3A_1442 = vector.shape_cast %parallel_loop3A_1441 : vector<1x16xf32> to vector<16xf32>
        %parallel_loop3A_1443 = vector.shape_cast %parallel_loop3A_1438 : vector<16xf32> to vector<1x16xf32>
        tpu.vector_store %arg26[%parallel_loop3A_1439, %parallel_loop3A_1440], %parallel_loop3A_1443 {add = true, strides = array<i32>} : memref<64x128xf32, #tpu.memory_space<vmem>>, vector<1x16xf32>,
        %parallel_loop3A_1444 = arith.index_cast %parallel_loop3A_1425 : i32 to index
        %parallel_loop3A_1445 = arith.constant 32 : index
        %parallel_loop3A_1446 = tpu.vector_load %arg30[%parallel_loop3A_1444, %parallel_loop3A_1445] {strides = array<i32>} : memref<64x128xf32, #tpu.memory_space<vmem>>, vector<1x16xf32>,
        %parallel_loop3A_1447 = vector.shape_cast %parallel_loop3A_1446 : vector<1x16xf32> to vector<16xf32>
        %parallel_loop3A_1448 = arith.index_cast %parallel_loop3A_1425 : i32 to index
        %parallel_loop3A_1449 = arith.constant 32 : index
        %parallel_loop3A_1450 = tpu.vector_load %arg26[%parallel_loop3A_1448, %parallel_loop3A_1449] {strides = array<i32>} : memref<64x128xf32, #tpu.memory_space<vmem>>, vector<1x16xf32>,
        %parallel_loop3A_1451 = vector.shape_cast %parallel_loop3A_1450 : vector<1x16xf32> to vector<16xf32>
        %parallel_loop3A_1452 = vector.shape_cast %parallel_loop3A_1447 : vector<16xf32> to vector<1x16xf32>
        tpu.vector_store %arg26[%parallel_loop3A_1448, %parallel_loop3A_1449], %parallel_loop3A_1452 {add = true, strides = array<i32>} : memref<64x128xf32, #tpu.memory_space<vmem>>, vector<1x16xf32>,
        %parallel_loop3A_1453 = arith.index_cast %parallel_loop3A_1425 : i32 to index
        %parallel_loop3A_1454 = arith.constant 48 : index
        %parallel_loop3A_1455 = tpu.vector_load %arg30[%parallel_loop3A_1453, %parallel_loop3A_1454] {strides = array<i32>} : memref<64x128xf32, #tpu.memory_space<vmem>>, vector<1x16xf32>,
        %parallel_loop3A_1456 = vector.shape_cast %parallel_loop3A_1455 : vector<1x16xf32> to vector<16xf32>
        %parallel_loop3A_1457 = arith.index_cast %parallel_loop3A_1425 : i32 to index
        %parallel_loop3A_1458 = arith.constant 48 : index
        %parallel_loop3A_1459 = tpu.vector_load %arg26[%parallel_loop3A_1457, %parallel_loop3A_1458] {strides = array<i32>} : memref<64x128xf32, #tpu.memory_space<vmem>>, vector<1x16xf32>,
        %parallel_loop3A_1460 = vector.shape_cast %parallel_loop3A_1459 : vector<1x16xf32> to vector<16xf32>
        %parallel_loop3A_1461 = vector.shape_cast %parallel_loop3A_1456 : vector<16xf32> to vector<1x16xf32>
        tpu.vector_store %arg26[%parallel_loop3A_1457, %parallel_loop3A_1458], %parallel_loop3A_1461 {add = true, strides = array<i32>} : memref<64x128xf32, #tpu.memory_space<vmem>>, vector<1x16xf32>,
        %parallel_loop3A_1462 = arith.index_cast %parallel_loop3A_1425 : i32 to index
        %parallel_loop3A_1463 = arith.constant 64 : index
        %parallel_loop3A_1464 = tpu.vector_load %arg30[%parallel_loop3A_1462, %parallel_loop3A_1463] {strides = array<i32>} : memref<64x128xf32, #tpu.memory_space<vmem>>, vector<1x16xf32>,
        %parallel_loop3A_1465 = vector.shape_cast %parallel_loop3A_1464 : vector<1x16xf32> to vector<16xf32>
        %parallel_loop3A_1466 = arith.index_cast %parallel_loop3A_1425 : i32 to index
        %parallel_loop3A_1467 = arith.constant 64 : index
        %parallel_loop3A_1468 = tpu.vector_load %arg26[%parallel_loop3A_1466, %parallel_loop3A_1467] {strides = array<i32>} : memref<64x128xf32, #tpu.memory_space<vmem>>, vector<1x16xf32>,
        %parallel_loop3A_1469 = vector.shape_cast %parallel_loop3A_1468 : vector<1x16xf32> to vector<16xf32>
        %parallel_loop3A_1470 = vector.shape_cast %parallel_loop3A_1465 : vector<16xf32> to vector<1x16xf32>
        tpu.vector_store %arg26[%parallel_loop3A_1466, %parallel_loop3A_1467], %parallel_loop3A_1470 {add = true, strides = array<i32>} : memref<64x128xf32, #tpu.memory_space<vmem>>, vector<1x16xf32>,
        %parallel_loop3A_1471 = arith.index_cast %parallel_loop3A_1425 : i32 to index
        %parallel_loop3A_1472 = arith.constant 80 : index
        %parallel_loop3A_1473 = tpu.vector_load %arg30[%parallel_loop3A_1471, %parallel_loop3A_1472] {strides = array<i32>} : memref<64x128xf32, #tpu.memory_space<vmem>>, vector<1x16xf32>,
        %parallel_loop3A_1474 = vector.shape_cast %parallel_loop3A_1473 : vector<1x16xf32> to vector<16xf32>
        %parallel_loop3A_1475 = arith.index_cast %parallel_loop3A_1425 : i32 to index
        %parallel_loop3A_1476 = arith.constant 80 : index
        %parallel_loop3A_1477 = tpu.vector_load %arg26[%parallel_loop3A_1475, %parallel_loop3A_1476] {strides = array<i32>} : memref<64x128xf32, #tpu.memory_space<vmem>>, vector<1x16xf32>,
        %parallel_loop3A_1478 = vector.shape_cast %parallel_loop3A_1477 : vector<1x16xf32> to vector<16xf32>
        %parallel_loop3A_1479 = vector.shape_cast %parallel_loop3A_1474 : vector<16xf32> to vector<1x16xf32>
        tpu.vector_store %arg26[%parallel_loop3A_1475, %parallel_loop3A_1476], %parallel_loop3A_1479 {add = true, strides = array<i32>} : memref<64x128xf32, #tpu.memory_space<vmem>>, vector<1x16xf32>,
        %parallel_loop3A_1480 = arith.index_cast %parallel_loop3A_1425 : i32 to index
        %parallel_loop3A_1481 = arith.constant 96 : index
        %parallel_loop3A_1482 = tpu.vector_load %arg30[%parallel_loop3A_1480, %parallel_loop3A_1481] {strides = array<i32>} : memref<64x128xf32, #tpu.memory_space<vmem>>, vector<1x16xf32>,
        %parallel_loop3A_1483 = vector.shape_cast %parallel_loop3A_1482 : vector<1x16xf32> to vector<16xf32>
        %parallel_loop3A_1484 = arith.index_cast %parallel_loop3A_1425 : i32 to index
        %parallel_loop3A_1485 = arith.constant 96 : index
        %parallel_loop3A_1486 = tpu.vector_load %arg26[%parallel_loop3A_1484, %parallel_loop3A_1485] {strides = array<i32>} : memref<64x128xf32, #tpu.memory_space<vmem>>, vector<1x16xf32>,
        %parallel_loop3A_1487 = vector.shape_cast %parallel_loop3A_1486 : vector<1x16xf32> to vector<16xf32>
        %parallel_loop3A_1488 = vector.shape_cast %parallel_loop3A_1483 : vector<16xf32> to vector<1x16xf32>
        tpu.vector_store %arg26[%parallel_loop3A_1484, %parallel_loop3A_1485], %parallel_loop3A_1488 {add = true, strides = array<i32>} : memref<64x128xf32, #tpu.memory_space<vmem>>, vector<1x16xf32>,
        %parallel_loop3A_1489 = arith.index_cast %parallel_loop3A_1425 : i32 to index
        %parallel_loop3A_1490 = arith.constant 112 : index
        %parallel_loop3A_1491 = tpu.vector_load %arg30[%parallel_loop3A_1489, %parallel_loop3A_1490] {strides = array<i32>} : memref<64x128xf32, #tpu.memory_space<vmem>>, vector<1x16xf32>,
        %parallel_loop3A_1492 = vector.shape_cast %parallel_loop3A_1491 : vector<1x16xf32> to vector<16xf32>
        %parallel_loop3A_1493 = arith.index_cast %parallel_loop3A_1425 : i32 to index
        %parallel_loop3A_1494 = arith.constant 112 : index
        %parallel_loop3A_1495 = tpu.vector_load %arg26[%parallel_loop3A_1493, %parallel_loop3A_1494] {strides = array<i32>} : memref<64x128xf32, #tpu.memory_space<vmem>>, vector<1x16xf32>,
        %parallel_loop3A_1496 = vector.shape_cast %parallel_loop3A_1495 : vector<1x16xf32> to vector<16xf32>
        %parallel_loop3A_1497 = vector.shape_cast %parallel_loop3A_1492 : vector<16xf32> to vector<1x16xf32>
        tpu.vector_store %arg26[%parallel_loop3A_1493, %parallel_loop3A_1494], %parallel_loop3A_1497 {add = true, strides = array<i32>} : memref<64x128xf32, #tpu.memory_space<vmem>>, vector<1x16xf32>,
      } {sc.loop_unroll_factor = 4 : i64, sc.parallel_access}
      %dma_start3A_1288 = arith.constant 0 : i32
      %dma_start3A_1289 = tpu.memref_slice %arg7[%add3A_1278, %dma_start3A_1288] : memref<204800x128xf32, #tpu.memory_space<hbm>> -> memref<64x128xf32, #tpu.memory_space<hbm>>
      %dma_start3A_1290 = arith.constant 0 : i32
      %dma_start3A_1291 = tpu.memref_slice %arg7[%add3A_1278, %dma_start3A_1290] : memref<204800x128xf32, #tpu.memory_space<hbm>> -> memref<64x128xf32, #tpu.memory_space<hbm>>
      tpu.enqueue_dma source(%arg26 : memref<64x128xf32, #tpu.memory_space<vmem>>) target(%dma_start3A_1291 : memref<64x128xf32, #tpu.memory_space<hbm>>) target_semaphore(%arg44 : memref<!tpu.dma_semaphore, #tpu.memory_space<semaphore_mem>>)
      %add3A_1292 = arith.constant 3 : i32
      %add3A_1293 = arith.addi %add3A_1178, %add3A_1292 : i32
      %mul3A_1294 = arith.constant 64 : i32
      %mul3A_1295 = arith.muli %add3A_1293, %mul3A_1294 : i32
      %add3A_1296 = arith.addi %mul3A_2, %mul3A_1295 : i32
      %dma_start3A_1297 = tpu.memref_slice %arg2[%add3A_1296] : memref<204800xi32, #tpu.memory_space<hbm>> -> memref<64xi32, #tpu.memory_space<hbm>>
      %dma_start3A_1298 = tpu.memref_slice %arg2[%add3A_1296] : memref<204800xi32, #tpu.memory_space<hbm>> -> memref<64xi32, #tpu.memory_space<hbm>>
      tpu.enqueue_dma source(%dma_start3A_1298 : memref<64xi32, #tpu.memory_space<hbm>>) target(%arg13 : memref<64xi32, #tpu.memory_space<vmem>>) target_semaphore(%arg33 : memref<!tpu.dma_semaphore, #tpu.memory_space<semaphore_mem>>)
      %dma_start3A_1299 = tpu.memref_slice %arg3[%add3A_1296] : memref<204800xi32, #tpu.memory_space<hbm>> -> memref<64xi32, #tpu.memory_space<hbm>>
      %dma_start3A_1300 = tpu.memref_slice %arg3[%add3A_1296] : memref<204800xi32, #tpu.memory_space<hbm>> -> memref<64xi32, #tpu.memory_space<hbm>>
      tpu.enqueue_dma source(%dma_start3A_1300 : memref<64xi32, #tpu.memory_space<hbm>>) target(%arg17 : memref<64xi32, #tpu.memory_space<vmem>>) target_semaphore(%arg33 : memref<!tpu.dma_semaphore, #tpu.memory_space<semaphore_mem>>)
      %add3A_1301 = arith.constant 3 : i32
      %add3A_1302 = arith.addi %mul3A_928, %add3A_1301 : i32
      %add3A_1303 = arith.constant 2 : i32
      %add3A_1304 = arith.addi %add3A_1302, %add3A_1303 : i32
      %mul3A_1305 = arith.constant 64 : i32
      %mul3A_1306 = arith.muli %add3A_1304, %mul3A_1305 : i32
      %add3A_1307 = arith.addi %mul3A_2, %mul3A_1306 : i32
      %dma_wait3A_1308 = tpu.memref_slice %arg2[%add3A_1307] : memref<204800xi32, #tpu.memory_space<hbm>> -> memref<64xi32, #tpu.memory_space<hbm>>
      %dma_wait3A_1309 = tpu.memref_slice %arg2[%add3A_1307] : memref<204800xi32, #tpu.memory_space<hbm>> -> memref<64xi32, #tpu.memory_space<hbm>>
      tpu.wait_dma2 semaphore(%arg33 : memref<!tpu.dma_semaphore, #tpu.memory_space<semaphore_mem>>) src(%dma_wait3A_1309 : memref<64xi32, #tpu.memory_space<hbm>>) dst(%arg13 : memref<64xi32, #tpu.memory_space<vmem>>)
      %dma_wait3A_1310 = tpu.memref_slice %arg3[%add3A_1307] : memref<204800xi32, #tpu.memory_space<hbm>> -> memref<64xi32, #tpu.memory_space<hbm>>
      %dma_wait3A_1311 = tpu.memref_slice %arg3[%add3A_1307] : memref<204800xi32, #tpu.memory_space<hbm>> -> memref<64xi32, #tpu.memory_space<hbm>>
      tpu.wait_dma2 semaphore(%arg33 : memref<!tpu.dma_semaphore, #tpu.memory_space<semaphore_mem>>) src(%dma_wait3A_1311 : memref<64xi32, #tpu.memory_space<hbm>>) dst(%arg17 : memref<64xi32, #tpu.memory_space<vmem>>)
      %dma_wait3A_1312 = arith.constant 0 : i32
      %dma_wait3A_1313 = arith.constant 0 : i32
      %dma_wait3A_1314 = tpu.memref_slice %arg7[%dma_wait3A_1312, %dma_wait3A_1313] : memref<204800x128xf32, #tpu.memory_space<hbm>> -> memref<64x128xf32, #tpu.memory_space<hbm>>
      %dma_wait3A_1315 = arith.constant 0 : i32
      %dma_wait3A_1316 = arith.constant 0 : i32
      %dma_wait3A_1317 = tpu.memref_slice %arg7[%dma_wait3A_1315, %dma_wait3A_1316] : memref<204800x128xf32, #tpu.memory_space<hbm>> -> memref<64x128xf32, #tpu.memory_space<hbm>>
      tpu.wait_dma2 semaphore(%arg43 : memref<!tpu.dma_semaphore, #tpu.memory_space<semaphore_mem>>) src(%arg25 : memref<64x128xf32, #tpu.memory_space<vmem>>) dst(%dma_wait3A_1317 : memref<64x128xf32, #tpu.memory_space<hbm>>)
      %add3A_1318 = arith.constant 0 : i32
      %add3A_1319 = arith.addi %add3A_1307, %add3A_1318 : i32
      %iota3A_1320 = tpu.iota {dimensions = array<i32: 0>} : vector<16xi32>
      %add3A_1321 = vector.broadcast %add3A_1319 : i32 to vector<16xi32>
      %add3A_1322 = arith.addi %add3A_1321, %iota3A_1320 : vector<16xi32>
      %get3A_1323 = arith.constant 0 : index
      %get3A_1324 = tpu.vector_load %arg17[%get3A_1323] {strides = array<i32>} : memref<64xi32, #tpu.memory_space<vmem>>, vector<16xi32>,
      %get3A_1325 = vector.shape_cast %get3A_1324 : vector<16xi32> to vector<16xi32>
      %mul3A_1326 = arith.constant 200 : i32
      %mul3A_1327 = vector.broadcast %mul3A_1326 : i32 to vector<16xi32>
      %mul3A_1328 = arith.muli %get3A_1325, %mul3A_1327 : vector<16xi32>
      %rem3A_1329 = arith.constant 200 : i32
      %rem3A_1330 = vector.broadcast %rem3A_1329 : i32 to vector<16xi32>
      %rem3A_1331 = arith.remsi %add3A_1322, %rem3A_1330 : vector<16xi32>
      %add3A_1332 = arith.addi %mul3A_1328, %rem3A_1331 : vector<16xi32>
      %swap3A_1333 = arith.constant 0 : index
      %swap3A_1334 = tpu.vector_load %arg21[%swap3A_1333] {strides = array<i32>} : memref<64xi32, #tpu.memory_space<vmem>>, vector<16xi32>,
      %swap3A_1335 = vector.shape_cast %swap3A_1334 : vector<16xi32> to vector<16xi32>
      %swap3A_1336 = vector.shape_cast %add3A_1332 : vector<16xi32> to vector<16xi32>
      tpu.vector_store %arg21[%swap3A_1333], %swap3A_1336 {strides = array<i32>} : memref<64xi32, #tpu.memory_space<vmem>>, vector<16xi32>,
      %add3A_1337 = arith.constant 16 : i32
      %add3A_1338 = arith.addi %add3A_1307, %add3A_1337 : i32
      %iota3A_1339 = tpu.iota {dimensions = array<i32: 0>} : vector<16xi32>
      %add3A_1340 = vector.broadcast %add3A_1338 : i32 to vector<16xi32>
      %add3A_1341 = arith.addi %add3A_1340, %iota3A_1339 : vector<16xi32>
      %get3A_1342 = arith.constant 16 : index
      %get3A_1343 = tpu.vector_load %arg17[%get3A_1342] {strides = array<i32>} : memref<64xi32, #tpu.memory_space<vmem>>, vector<16xi32>,
      %get3A_1344 = vector.shape_cast %get3A_1343 : vector<16xi32> to vector<16xi32>
      %mul3A_1345 = arith.constant 200 : i32
      %mul3A_1346 = vector.broadcast %mul3A_1345 : i32 to vector<16xi32>
      %mul3A_1347 = arith.muli %get3A_1344, %mul3A_1346 : vector<16xi32>
      %rem3A_1348 = arith.constant 200 : i32
      %rem3A_1349 = vector.broadcast %rem3A_1348 : i32 to vector<16xi32>
      %rem3A_1350 = arith.remsi %add3A_1341, %rem3A_1349 : vector<16xi32>
      %add3A_1351 = arith.addi %mul3A_1347, %rem3A_1350 : vector<16xi32>
      %swap3A_1352 = arith.constant 16 : index
      %swap3A_1353 = tpu.vector_load %arg21[%swap3A_1352] {strides = array<i32>} : memref<64xi32, #tpu.memory_space<vmem>>, vector<16xi32>,
      %swap3A_1354 = vector.shape_cast %swap3A_1353 : vector<16xi32> to vector<16xi32>
      %swap3A_1355 = vector.shape_cast %add3A_1351 : vector<16xi32> to vector<16xi32>
      tpu.vector_store %arg21[%swap3A_1352], %swap3A_1355 {strides = array<i32>} : memref<64xi32, #tpu.memory_space<vmem>>, vector<16xi32>,
      %add3A_1356 = arith.constant 32 : i32
      %add3A_1357 = arith.addi %add3A_1307, %add3A_1356 : i32
      %iota3A_1358 = tpu.iota {dimensions = array<i32: 0>} : vector<16xi32>
      %add3A_1359 = vector.broadcast %add3A_1357 : i32 to vector<16xi32>
      %add3A_1360 = arith.addi %add3A_1359, %iota3A_1358 : vector<16xi32>
      %get3A_1361 = arith.constant 32 : index
      %get3A_1362 = tpu.vector_load %arg17[%get3A_1361] {strides = array<i32>} : memref<64xi32, #tpu.memory_space<vmem>>, vector<16xi32>,
      %get3A_1363 = vector.shape_cast %get3A_1362 : vector<16xi32> to vector<16xi32>
      %mul3A_1364 = arith.constant 200 : i32
      %mul3A_1365 = vector.broadcast %mul3A_1364 : i32 to vector<16xi32>
      %mul3A_1366 = arith.muli %get3A_1363, %mul3A_1365 : vector<16xi32>
      %rem3A_1367 = arith.constant 200 : i32
      %rem3A_1368 = vector.broadcast %rem3A_1367 : i32 to vector<16xi32>
      %rem3A_1369 = arith.remsi %add3A_1360, %rem3A_1368 : vector<16xi32>
      %add3A_1370 = arith.addi %mul3A_1366, %rem3A_1369 : vector<16xi32>
      %swap3A_1371 = arith.constant 32 : index
      %swap3A_1372 = tpu.vector_load %arg21[%swap3A_1371] {strides = array<i32>} : memref<64xi32, #tpu.memory_space<vmem>>, vector<16xi32>,
      %swap3A_1373 = vector.shape_cast %swap3A_1372 : vector<16xi32> to vector<16xi32>
      %swap3A_1374 = vector.shape_cast %add3A_1370 : vector<16xi32> to vector<16xi32>
      tpu.vector_store %arg21[%swap3A_1371], %swap3A_1374 {strides = array<i32>} : memref<64xi32, #tpu.memory_space<vmem>>, vector<16xi32>,
      %add3A_1375 = arith.constant 48 : i32
      %add3A_1376 = arith.addi %add3A_1307, %add3A_1375 : i32
      %iota3A_1377 = tpu.iota {dimensions = array<i32: 0>} : vector<16xi32>
      %add3A_1378 = vector.broadcast %add3A_1376 : i32 to vector<16xi32>
      %add3A_1379 = arith.addi %add3A_1378, %iota3A_1377 : vector<16xi32>
      %get3A_1380 = arith.constant 48 : index
      %get3A_1381 = tpu.vector_load %arg17[%get3A_1380] {strides = array<i32>} : memref<64xi32, #tpu.memory_space<vmem>>, vector<16xi32>,
      %get3A_1382 = vector.shape_cast %get3A_1381 : vector<16xi32> to vector<16xi32>
      %mul3A_1383 = arith.constant 200 : i32
      %mul3A_1384 = vector.broadcast %mul3A_1383 : i32 to vector<16xi32>
      %mul3A_1385 = arith.muli %get3A_1382, %mul3A_1384 : vector<16xi32>
      %rem3A_1386 = arith.constant 200 : i32
      %rem3A_1387 = vector.broadcast %rem3A_1386 : i32 to vector<16xi32>
      %rem3A_1388 = arith.remsi %add3A_1379, %rem3A_1387 : vector<16xi32>
      %add3A_1389 = arith.addi %mul3A_1385, %rem3A_1388 : vector<16xi32>
      %swap3A_1390 = arith.constant 48 : index
      %swap3A_1391 = tpu.vector_load %arg21[%swap3A_1390] {strides = array<i32>} : memref<64xi32, #tpu.memory_space<vmem>>, vector<16xi32>,
      %swap3A_1392 = vector.shape_cast %swap3A_1391 : vector<16xi32> to vector<16xi32>
      %swap3A_1393 = vector.shape_cast %add3A_1389 : vector<16xi32> to vector<16xi32>
      tpu.vector_store %arg21[%swap3A_1390], %swap3A_1393 {strides = array<i32>} : memref<64xi32, #tpu.memory_space<vmem>>, vector<16xi32>,
      %dma_start3A_1394 = arith.constant 0 : i32
      %dma_start3A_1395 = arith.constant 0 : i32
      %dma_start3A_1396 = tpu.memref_slice %arg4[%dma_start3A_1394, %dma_start3A_1395] : memref<100000x128xf32, #tpu.memory_space<hbm>> -> memref<100000x128xf32, #tpu.memory_space<hbm>>
      tpu.enqueue_indirect_dma source(%dma_start3A_1396 : memref<100000x128xf32, #tpu.memory_space<hbm>>) target(%arg25 : memref<64x128xf32, #tpu.memory_space<vmem>>) offsets(%arg13 : memref<64xi32, #tpu.memory_space<vmem>>) semaphore(%arg35 : memref<!tpu.dma_semaphore, #tpu.memory_space<semaphore_mem>>)
      %dma_start3A_1397 = arith.constant 0 : i32
      %dma_start3A_1398 = arith.constant 0 : i32
      %dma_start3A_1399 = tpu.memref_slice %arg8[%dma_start3A_1397, %dma_start3A_1398] : memref<608x128xf32, #tpu.memory_space<vmem_shared>> -> memref<608x128xf32, #tpu.memory_space<vmem_shared>>
      tpu.enqueue_indirect_dma source(%dma_start3A_1399 : memref<608x128xf32, #tpu.memory_space<vmem_shared>>) target(%arg29 : memref<64x128xf32, #tpu.memory_space<vmem>>) offsets(%arg21 : memref<64xi32, #tpu.memory_space<vmem>>) semaphore(%arg39 : memref<!tpu.dma_semaphore, #tpu.memory_space<semaphore_mem>>)
      %mul3A_1400 = arith.constant 64 : i32
      %mul3A_1401 = arith.muli %add3A_1302, %mul3A_1400 : i32
      %add3A_1402 = arith.addi %mul3A_2, %mul3A_1401 : i32
      %dma_wait3A_1403 = arith.constant 0 : i32
      %dma_wait3A_1404 = arith.constant 0 : i32
      %dma_wait3A_1405 = tpu.memref_slice %arg4[%dma_wait3A_1403, %dma_wait3A_1404] : memref<100000x128xf32, #tpu.memory_space<hbm>> -> memref<100000x128xf32, #tpu.memory_space<hbm>>
      tpu.wait_indirect_dma semaphore(%arg37 : memref<!tpu.dma_semaphore, #tpu.memory_space<semaphore_mem>>) src(%dma_wait3A_1405 : memref<100000x128xf32, #tpu.memory_space<hbm>>) dst(%arg27 : memref<64x128xf32, #tpu.memory_space<vmem>>)
      %dma_wait3A_1406 = arith.constant 0 : i32
      %dma_wait3A_1407 = arith.constant 0 : i32
      %dma_wait3A_1408 = tpu.memref_slice %arg8[%dma_wait3A_1406, %dma_wait3A_1407] : memref<608x128xf32, #tpu.memory_space<vmem_shared>> -> memref<608x128xf32, #tpu.memory_space<vmem_shared>>
      tpu.wait_indirect_dma semaphore(%arg41 : memref<!tpu.dma_semaphore, #tpu.memory_space<semaphore_mem>>) src(%dma_wait3A_1408 : memref<608x128xf32, #tpu.memory_space<vmem_shared>>) dst(%arg31 : memref<64x128xf32, #tpu.memory_space<vmem>>)
      %parallel_loop3A_1409 = arith.constant 0 : i32
      %parallel_loop3A_1410 = arith.constant 64 : i32
      %parallel_loop3A_1411 = arith.constant 1 : i32
      scf.for %parallel_loop3A_1425 = %parallel_loop3A_1409 to %parallel_loop3A_1410 step %parallel_loop3A_1411  : i32 {
        %parallel_loop3A_1426 = arith.index_cast %parallel_loop3A_1425 : i32 to index
        %parallel_loop3A_1427 = arith.constant 0 : index
        %parallel_loop3A_1428 = tpu.vector_load %arg31[%parallel_loop3A_1426, %parallel_loop3A_1427] {strides = array<i32>} : memref<64x128xf32, #tpu.memory_space<vmem>>, vector<1x16xf32>,
        %parallel_loop3A_1429 = vector.shape_cast %parallel_loop3A_1428 : vector<1x16xf32> to vector<16xf32>
        %parallel_loop3A_1430 = arith.index_cast %parallel_loop3A_1425 : i32 to index
        %parallel_loop3A_1431 = arith.constant 0 : index
        %parallel_loop3A_1432 = tpu.vector_load %arg27[%parallel_loop3A_1430, %parallel_loop3A_1431] {strides = array<i32>} : memref<64x128xf32, #tpu.memory_space<vmem>>, vector<1x16xf32>,
        %parallel_loop3A_1433 = vector.shape_cast %parallel_loop3A_1432 : vector<1x16xf32> to vector<16xf32>
        %parallel_loop3A_1434 = vector.shape_cast %parallel_loop3A_1429 : vector<16xf32> to vector<1x16xf32>
        tpu.vector_store %arg27[%parallel_loop3A_1430, %parallel_loop3A_1431], %parallel_loop3A_1434 {add = true, strides = array<i32>} : memref<64x128xf32, #tpu.memory_space<vmem>>, vector<1x16xf32>,
        %parallel_loop3A_1435 = arith.index_cast %parallel_loop3A_1425 : i32 to index
        %parallel_loop3A_1436 = arith.constant 16 : index
        %parallel_loop3A_1437 = tpu.vector_load %arg31[%parallel_loop3A_1435, %parallel_loop3A_1436] {strides = array<i32>} : memref<64x128xf32, #tpu.memory_space<vmem>>, vector<1x16xf32>,
        %parallel_loop3A_1438 = vector.shape_cast %parallel_loop3A_1437 : vector<1x16xf32> to vector<16xf32>
        %parallel_loop3A_1439 = arith.index_cast %parallel_loop3A_1425 : i32 to index
        %parallel_loop3A_1440 = arith.constant 16 : index
        %parallel_loop3A_1441 = tpu.vector_load %arg27[%parallel_loop3A_1439, %parallel_loop3A_1440] {strides = array<i32>} : memref<64x128xf32, #tpu.memory_space<vmem>>, vector<1x16xf32>,
        %parallel_loop3A_1442 = vector.shape_cast %parallel_loop3A_1441 : vector<1x16xf32> to vector<16xf32>
        %parallel_loop3A_1443 = vector.shape_cast %parallel_loop3A_1438 : vector<16xf32> to vector<1x16xf32>
        tpu.vector_store %arg27[%parallel_loop3A_1439, %parallel_loop3A_1440], %parallel_loop3A_1443 {add = true, strides = array<i32>} : memref<64x128xf32, #tpu.memory_space<vmem>>, vector<1x16xf32>,
        %parallel_loop3A_1444 = arith.index_cast %parallel_loop3A_1425 : i32 to index
        %parallel_loop3A_1445 = arith.constant 32 : index
        %parallel_loop3A_1446 = tpu.vector_load %arg31[%parallel_loop3A_1444, %parallel_loop3A_1445] {strides = array<i32>} : memref<64x128xf32, #tpu.memory_space<vmem>>, vector<1x16xf32>,
        %parallel_loop3A_1447 = vector.shape_cast %parallel_loop3A_1446 : vector<1x16xf32> to vector<16xf32>
        %parallel_loop3A_1448 = arith.index_cast %parallel_loop3A_1425 : i32 to index
        %parallel_loop3A_1449 = arith.constant 32 : index
        %parallel_loop3A_1450 = tpu.vector_load %arg27[%parallel_loop3A_1448, %parallel_loop3A_1449] {strides = array<i32>} : memref<64x128xf32, #tpu.memory_space<vmem>>, vector<1x16xf32>,
        %parallel_loop3A_1451 = vector.shape_cast %parallel_loop3A_1450 : vector<1x16xf32> to vector<16xf32>
        %parallel_loop3A_1452 = vector.shape_cast %parallel_loop3A_1447 : vector<16xf32> to vector<1x16xf32>
        tpu.vector_store %arg27[%parallel_loop3A_1448, %parallel_loop3A_1449], %parallel_loop3A_1452 {add = true, strides = array<i32>} : memref<64x128xf32, #tpu.memory_space<vmem>>, vector<1x16xf32>,
        %parallel_loop3A_1453 = arith.index_cast %parallel_loop3A_1425 : i32 to index
        %parallel_loop3A_1454 = arith.constant 48 : index
        %parallel_loop3A_1455 = tpu.vector_load %arg31[%parallel_loop3A_1453, %parallel_loop3A_1454] {strides = array<i32>} : memref<64x128xf32, #tpu.memory_space<vmem>>, vector<1x16xf32>,
        %parallel_loop3A_1456 = vector.shape_cast %parallel_loop3A_1455 : vector<1x16xf32> to vector<16xf32>
        %parallel_loop3A_1457 = arith.index_cast %parallel_loop3A_1425 : i32 to index
        %parallel_loop3A_1458 = arith.constant 48 : index
        %parallel_loop3A_1459 = tpu.vector_load %arg27[%parallel_loop3A_1457, %parallel_loop3A_1458] {strides = array<i32>} : memref<64x128xf32, #tpu.memory_space<vmem>>, vector<1x16xf32>,
        %parallel_loop3A_1460 = vector.shape_cast %parallel_loop3A_1459 : vector<1x16xf32> to vector<16xf32>
        %parallel_loop3A_1461 = vector.shape_cast %parallel_loop3A_1456 : vector<16xf32> to vector<1x16xf32>
        tpu.vector_store %arg27[%parallel_loop3A_1457, %parallel_loop3A_1458], %parallel_loop3A_1461 {add = true, strides = array<i32>} : memref<64x128xf32, #tpu.memory_space<vmem>>, vector<1x16xf32>,
        %parallel_loop3A_1462 = arith.index_cast %parallel_loop3A_1425 : i32 to index
        %parallel_loop3A_1463 = arith.constant 64 : index
        %parallel_loop3A_1464 = tpu.vector_load %arg31[%parallel_loop3A_1462, %parallel_loop3A_1463] {strides = array<i32>} : memref<64x128xf32, #tpu.memory_space<vmem>>, vector<1x16xf32>,
        %parallel_loop3A_1465 = vector.shape_cast %parallel_loop3A_1464 : vector<1x16xf32> to vector<16xf32>
        %parallel_loop3A_1466 = arith.index_cast %parallel_loop3A_1425 : i32 to index
        %parallel_loop3A_1467 = arith.constant 64 : index
        %parallel_loop3A_1468 = tpu.vector_load %arg27[%parallel_loop3A_1466, %parallel_loop3A_1467] {strides = array<i32>} : memref<64x128xf32, #tpu.memory_space<vmem>>, vector<1x16xf32>,
        %parallel_loop3A_1469 = vector.shape_cast %parallel_loop3A_1468 : vector<1x16xf32> to vector<16xf32>
        %parallel_loop3A_1470 = vector.shape_cast %parallel_loop3A_1465 : vector<16xf32> to vector<1x16xf32>
        tpu.vector_store %arg27[%parallel_loop3A_1466, %parallel_loop3A_1467], %parallel_loop3A_1470 {add = true, strides = array<i32>} : memref<64x128xf32, #tpu.memory_space<vmem>>, vector<1x16xf32>,
        %parallel_loop3A_1471 = arith.index_cast %parallel_loop3A_1425 : i32 to index
        %parallel_loop3A_1472 = arith.constant 80 : index
        %parallel_loop3A_1473 = tpu.vector_load %arg31[%parallel_loop3A_1471, %parallel_loop3A_1472] {strides = array<i32>} : memref<64x128xf32, #tpu.memory_space<vmem>>, vector<1x16xf32>,
        %parallel_loop3A_1474 = vector.shape_cast %parallel_loop3A_1473 : vector<1x16xf32> to vector<16xf32>
        %parallel_loop3A_1475 = arith.index_cast %parallel_loop3A_1425 : i32 to index
        %parallel_loop3A_1476 = arith.constant 80 : index
        %parallel_loop3A_1477 = tpu.vector_load %arg27[%parallel_loop3A_1475, %parallel_loop3A_1476] {strides = array<i32>} : memref<64x128xf32, #tpu.memory_space<vmem>>, vector<1x16xf32>,
        %parallel_loop3A_1478 = vector.shape_cast %parallel_loop3A_1477 : vector<1x16xf32> to vector<16xf32>
        %parallel_loop3A_1479 = vector.shape_cast %parallel_loop3A_1474 : vector<16xf32> to vector<1x16xf32>
        tpu.vector_store %arg27[%parallel_loop3A_1475, %parallel_loop3A_1476], %parallel_loop3A_1479 {add = true, strides = array<i32>} : memref<64x128xf32, #tpu.memory_space<vmem>>, vector<1x16xf32>,
        %parallel_loop3A_1480 = arith.index_cast %parallel_loop3A_1425 : i32 to index
        %parallel_loop3A_1481 = arith.constant 96 : index
        %parallel_loop3A_1482 = tpu.vector_load %arg31[%parallel_loop3A_1480, %parallel_loop3A_1481] {strides = array<i32>} : memref<64x128xf32, #tpu.memory_space<vmem>>, vector<1x16xf32>,
        %parallel_loop3A_1483 = vector.shape_cast %parallel_loop3A_1482 : vector<1x16xf32> to vector<16xf32>
        %parallel_loop3A_1484 = arith.index_cast %parallel_loop3A_1425 : i32 to index
        %parallel_loop3A_1485 = arith.constant 96 : index
        %parallel_loop3A_1486 = tpu.vector_load %arg27[%parallel_loop3A_1484, %parallel_loop3A_1485] {strides = array<i32>} : memref<64x128xf32, #tpu.memory_space<vmem>>, vector<1x16xf32>,
        %parallel_loop3A_1487 = vector.shape_cast %parallel_loop3A_1486 : vector<1x16xf32> to vector<16xf32>
        %parallel_loop3A_1488 = vector.shape_cast %parallel_loop3A_1483 : vector<16xf32> to vector<1x16xf32>
        tpu.vector_store %arg27[%parallel_loop3A_1484, %parallel_loop3A_1485], %parallel_loop3A_1488 {add = true, strides = array<i32>} : memref<64x128xf32, #tpu.memory_space<vmem>>, vector<1x16xf32>,
        %parallel_loop3A_1489 = arith.index_cast %parallel_loop3A_1425 : i32 to index
        %parallel_loop3A_1490 = arith.constant 112 : index
        %parallel_loop3A_1491 = tpu.vector_load %arg31[%parallel_loop3A_1489, %parallel_loop3A_1490] {strides = array<i32>} : memref<64x128xf32, #tpu.memory_space<vmem>>, vector<1x16xf32>,
        %parallel_loop3A_1492 = vector.shape_cast %parallel_loop3A_1491 : vector<1x16xf32> to vector<16xf32>
        %parallel_loop3A_1493 = arith.index_cast %parallel_loop3A_1425 : i32 to index
        %parallel_loop3A_1494 = arith.constant 112 : index
        %parallel_loop3A_1495 = tpu.vector_load %arg27[%parallel_loop3A_1493, %parallel_loop3A_1494] {strides = array<i32>} : memref<64x128xf32, #tpu.memory_space<vmem>>, vector<1x16xf32>,
        %parallel_loop3A_1496 = vector.shape_cast %parallel_loop3A_1495 : vector<1x16xf32> to vector<16xf32>
        %parallel_loop3A_1497 = vector.shape_cast %parallel_loop3A_1492 : vector<16xf32> to vector<1x16xf32>
        tpu.vector_store %arg27[%parallel_loop3A_1493, %parallel_loop3A_1494], %parallel_loop3A_1497 {add = true, strides = array<i32>} : memref<64x128xf32, #tpu.memory_space<vmem>>, vector<1x16xf32>,
      } {sc.loop_unroll_factor = 4 : i64, sc.parallel_access}
      %dma_start3A_1412 = arith.constant 0 : i32
      %dma_start3A_1413 = tpu.memref_slice %arg7[%add3A_1402, %dma_start3A_1412] : memref<204800x128xf32, #tpu.memory_space<hbm>> -> memref<64x128xf32, #tpu.memory_space<hbm>>
      %dma_start3A_1414 = arith.constant 0 : i32
      %dma_start3A_1415 = tpu.memref_slice %arg7[%add3A_1402, %dma_start3A_1414] : memref<204800x128xf32, #tpu.memory_space<hbm>> -> memref<64x128xf32, #tpu.memory_space<hbm>>
      tpu.enqueue_dma source(%arg27 : memref<64x128xf32, #tpu.memory_space<vmem>>) target(%dma_start3A_1415 : memref<64x128xf32, #tpu.memory_space<hbm>>) target_semaphore(%arg45 : memref<!tpu.dma_semaphore, #tpu.memory_space<semaphore_mem>>)
      %add3A_1416 = arith.constant 3 : i32
      %add3A_1417 = arith.addi %add3A_1302, %add3A_1416 : i32
      %mul3A_1418 = arith.constant 64 : i32
      %mul3A_1419 = arith.muli %add3A_1417, %mul3A_1418 : i32
      %add3A_1420 = arith.addi %mul3A_2, %mul3A_1419 : i32
      %dma_start3A_1421 = tpu.memref_slice %arg2[%add3A_1420] : memref<204800xi32, #tpu.memory_space<hbm>> -> memref<64xi32, #tpu.memory_space<hbm>>
      %dma_start3A_1422 = tpu.memref_slice %arg2[%add3A_1420] : memref<204800xi32, #tpu.memory_space<hbm>> -> memref<64xi32, #tpu.memory_space<hbm>>
      tpu.enqueue_dma source(%dma_start3A_1422 : memref<64xi32, #tpu.memory_space<hbm>>) target(%arg14 : memref<64xi32, #tpu.memory_space<vmem>>) target_semaphore(%arg33 : memref<!tpu.dma_semaphore, #tpu.memory_space<semaphore_mem>>)
      %dma_start3A_1423 = tpu.memref_slice %arg3[%add3A_1420] : memref<204800xi32, #tpu.memory_space<hbm>> -> memref<64xi32, #tpu.memory_space<hbm>>
      %dma_start3A_1424 = tpu.memref_slice %arg3[%add3A_1420] : memref<204800xi32, #tpu.memory_space<hbm>> -> memref<64xi32, #tpu.memory_space<hbm>>
      tpu.enqueue_dma source(%dma_start3A_1424 : memref<64xi32, #tpu.memory_space<hbm>>) target(%arg18 : memref<64xi32, #tpu.memory_space<vmem>>) target_semaphore(%arg33 : memref<!tpu.dma_semaphore, #tpu.memory_space<semaphore_mem>>)
    }
    %scan3A_647 = arith.constant 23 : i32
    %add3A_648 = arith.constant 6272 : i32
    %add3A_649 = arith.addi %mul3A_2, %add3A_648 : i32
    %dma_wait3A_650 = tpu.memref_slice %arg2[%add3A_649] : memref<204800xi32, #tpu.memory_space<hbm>> -> memref<64xi32, #tpu.memory_space<hbm>>
    %dma_wait3A_651 = tpu.memref_slice %arg2[%add3A_649] : memref<204800xi32, #tpu.memory_space<hbm>> -> memref<64xi32, #tpu.memory_space<hbm>>
    tpu.wait_dma2 semaphore(%arg33 : memref<!tpu.dma_semaphore, #tpu.memory_space<semaphore_mem>>) src(%dma_wait3A_651 : memref<64xi32, #tpu.memory_space<hbm>>) dst(%arg14 : memref<64xi32, #tpu.memory_space<vmem>>)
    %dma_wait3A_652 = tpu.memref_slice %arg3[%add3A_649] : memref<204800xi32, #tpu.memory_space<hbm>> -> memref<64xi32, #tpu.memory_space<hbm>>
    %dma_wait3A_653 = tpu.memref_slice %arg3[%add3A_649] : memref<204800xi32, #tpu.memory_space<hbm>> -> memref<64xi32, #tpu.memory_space<hbm>>
    tpu.wait_dma2 semaphore(%arg33 : memref<!tpu.dma_semaphore, #tpu.memory_space<semaphore_mem>>) src(%dma_wait3A_653 : memref<64xi32, #tpu.memory_space<hbm>>) dst(%arg18 : memref<64xi32, #tpu.memory_space<vmem>>)
    %dma_wait3A_654 = arith.constant 0 : i32
    %dma_wait3A_655 = arith.constant 0 : i32
    %dma_wait3A_656 = tpu.memref_slice %arg7[%dma_wait3A_654, %dma_wait3A_655] : memref<204800x128xf32, #tpu.memory_space<hbm>> -> memref<64x128xf32, #tpu.memory_space<hbm>>
    %dma_wait3A_657 = arith.constant 0 : i32
    %dma_wait3A_658 = arith.constant 0 : i32
    %dma_wait3A_659 = tpu.memref_slice %arg7[%dma_wait3A_657, %dma_wait3A_658] : memref<204800x128xf32, #tpu.memory_space<hbm>> -> memref<64x128xf32, #tpu.memory_space<hbm>>
    tpu.wait_dma2 semaphore(%arg44 : memref<!tpu.dma_semaphore, #tpu.memory_space<semaphore_mem>>) src(%arg26 : memref<64x128xf32, #tpu.memory_space<vmem>>) dst(%dma_wait3A_659 : memref<64x128xf32, #tpu.memory_space<hbm>>)
    %add3A_660 = arith.constant 0 : i32
    %add3A_661 = arith.addi %add3A_649, %add3A_660 : i32
    %iota3A_662 = tpu.iota {dimensions = array<i32: 0>} : vector<16xi32>
    %add3A_663 = vector.broadcast %add3A_661 : i32 to vector<16xi32>
    %add3A_664 = arith.addi %add3A_663, %iota3A_662 : vector<16xi32>
    %get3A_665 = arith.constant 0 : index
    %get3A_666 = tpu.vector_load %arg18[%get3A_665] {strides = array<i32>} : memref<64xi32, #tpu.memory_space<vmem>>, vector<16xi32>,
    %get3A_667 = vector.shape_cast %get3A_666 : vector<16xi32> to vector<16xi32>
    %mul3A_668 = arith.constant 200 : i32
    %mul3A_669 = vector.broadcast %mul3A_668 : i32 to vector<16xi32>
    %mul3A_670 = arith.muli %get3A_667, %mul3A_669 : vector<16xi32>
    %rem3A_671 = arith.constant 200 : i32
    %rem3A_672 = vector.broadcast %rem3A_671 : i32 to vector<16xi32>
    %rem3A_673 = arith.remsi %add3A_664, %rem3A_672 : vector<16xi32>
    %add3A_674 = arith.addi %mul3A_670, %rem3A_673 : vector<16xi32>
    %swap3A_675 = arith.constant 0 : index
    %swap3A_676 = tpu.vector_load %arg22[%swap3A_675] {strides = array<i32>} : memref<64xi32, #tpu.memory_space<vmem>>, vector<16xi32>,
    %swap3A_677 = vector.shape_cast %swap3A_676 : vector<16xi32> to vector<16xi32>
    %swap3A_678 = vector.shape_cast %add3A_674 : vector<16xi32> to vector<16xi32>
    tpu.vector_store %arg22[%swap3A_675], %swap3A_678 {strides = array<i32>} : memref<64xi32, #tpu.memory_space<vmem>>, vector<16xi32>,
    %add3A_679 = arith.constant 16 : i32
    %add3A_680 = arith.addi %add3A_649, %add3A_679 : i32
    %iota3A_681 = tpu.iota {dimensions = array<i32: 0>} : vector<16xi32>
    %add3A_682 = vector.broadcast %add3A_680 : i32 to vector<16xi32>
    %add3A_683 = arith.addi %add3A_682, %iota3A_681 : vector<16xi32>
    %get3A_684 = arith.constant 16 : index
    %get3A_685 = tpu.vector_load %arg18[%get3A_684] {strides = array<i32>} : memref<64xi32, #tpu.memory_space<vmem>>, vector<16xi32>,
    %get3A_686 = vector.shape_cast %get3A_685 : vector<16xi32> to vector<16xi32>
    %mul3A_687 = arith.constant 200 : i32
    %mul3A_688 = vector.broadcast %mul3A_687 : i32 to vector<16xi32>
    %mul3A_689 = arith.muli %get3A_686, %mul3A_688 : vector<16xi32>
    %rem3A_690 = arith.constant 200 : i32
    %rem3A_691 = vector.broadcast %rem3A_690 : i32 to vector<16xi32>
    %rem3A_692 = arith.remsi %add3A_683, %rem3A_691 : vector<16xi32>
    %add3A_693 = arith.addi %mul3A_689, %rem3A_692 : vector<16xi32>
    %swap3A_694 = arith.constant 16 : index
    %swap3A_695 = tpu.vector_load %arg22[%swap3A_694] {strides = array<i32>} : memref<64xi32, #tpu.memory_space<vmem>>, vector<16xi32>,
    %swap3A_696 = vector.shape_cast %swap3A_695 : vector<16xi32> to vector<16xi32>
    %swap3A_697 = vector.shape_cast %add3A_693 : vector<16xi32> to vector<16xi32>
    tpu.vector_store %arg22[%swap3A_694], %swap3A_697 {strides = array<i32>} : memref<64xi32, #tpu.memory_space<vmem>>, vector<16xi32>,
    %add3A_698 = arith.constant 32 : i32
    %add3A_699 = arith.addi %add3A_649, %add3A_698 : i32
    %iota3A_700 = tpu.iota {dimensions = array<i32: 0>} : vector<16xi32>
    %add3A_701 = vector.broadcast %add3A_699 : i32 to vector<16xi32>
    %add3A_702 = arith.addi %add3A_701, %iota3A_700 : vector<16xi32>
    %get3A_703 = arith.constant 32 : index
    %get3A_704 = tpu.vector_load %arg18[%get3A_703] {strides = array<i32>} : memref<64xi32, #tpu.memory_space<vmem>>, vector<16xi32>,
    %get3A_705 = vector.shape_cast %get3A_704 : vector<16xi32> to vector<16xi32>
    %mul3A_706 = arith.constant 200 : i32
    %mul3A_707 = vector.broadcast %mul3A_706 : i32 to vector<16xi32>
    %mul3A_708 = arith.muli %get3A_705, %mul3A_707 : vector<16xi32>
    %rem3A_709 = arith.constant 200 : i32
    %rem3A_710 = vector.broadcast %rem3A_709 : i32 to vector<16xi32>
    %rem3A_711 = arith.remsi %add3A_702, %rem3A_710 : vector<16xi32>
    %add3A_712 = arith.addi %mul3A_708, %rem3A_711 : vector<16xi32>
    %swap3A_713 = arith.constant 32 : index
    %swap3A_714 = tpu.vector_load %arg22[%swap3A_713] {strides = array<i32>} : memref<64xi32, #tpu.memory_space<vmem>>, vector<16xi32>,
    %swap3A_715 = vector.shape_cast %swap3A_714 : vector<16xi32> to vector<16xi32>
    %swap3A_716 = vector.shape_cast %add3A_712 : vector<16xi32> to vector<16xi32>
    tpu.vector_store %arg22[%swap3A_713], %swap3A_716 {strides = array<i32>} : memref<64xi32, #tpu.memory_space<vmem>>, vector<16xi32>,
    %add3A_717 = arith.constant 48 : i32
    %add3A_718 = arith.addi %add3A_649, %add3A_717 : i32
    %iota3A_719 = tpu.iota {dimensions = array<i32: 0>} : vector<16xi32>
    %add3A_720 = vector.broadcast %add3A_718 : i32 to vector<16xi32>
    %add3A_721 = arith.addi %add3A_720, %iota3A_719 : vector<16xi32>
    %get3A_722 = arith.constant 48 : index
    %get3A_723 = tpu.vector_load %arg18[%get3A_722] {strides = array<i32>} : memref<64xi32, #tpu.memory_space<vmem>>, vector<16xi32>,
    %get3A_724 = vector.shape_cast %get3A_723 : vector<16xi32> to vector<16xi32>
    %mul3A_725 = arith.constant 200 : i32
    %mul3A_726 = vector.broadcast %mul3A_725 : i32 to vector<16xi32>
    %mul3A_727 = arith.muli %get3A_724, %mul3A_726 : vector<16xi32>
    %rem3A_728 = arith.constant 200 : i32
    %rem3A_729 = vector.broadcast %rem3A_728 : i32 to vector<16xi32>
    %rem3A_730 = arith.remsi %add3A_721, %rem3A_729 : vector<16xi32>
    %add3A_731 = arith.addi %mul3A_727, %rem3A_730 : vector<16xi32>
    %swap3A_732 = arith.constant 48 : index
    %swap3A_733 = tpu.vector_load %arg22[%swap3A_732] {strides = array<i32>} : memref<64xi32, #tpu.memory_space<vmem>>, vector<16xi32>,
    %swap3A_734 = vector.shape_cast %swap3A_733 : vector<16xi32> to vector<16xi32>
    %swap3A_735 = vector.shape_cast %add3A_731 : vector<16xi32> to vector<16xi32>
    tpu.vector_store %arg22[%swap3A_732], %swap3A_735 {strides = array<i32>} : memref<64xi32, #tpu.memory_space<vmem>>, vector<16xi32>,
    %dma_start3A_736 = arith.constant 0 : i32
    %dma_start3A_737 = arith.constant 0 : i32
    %dma_start3A_738 = tpu.memref_slice %arg4[%dma_start3A_736, %dma_start3A_737] : memref<100000x128xf32, #tpu.memory_space<hbm>> -> memref<100000x128xf32, #tpu.memory_space<hbm>>
    tpu.enqueue_indirect_dma source(%dma_start3A_738 : memref<100000x128xf32, #tpu.memory_space<hbm>>) target(%arg26 : memref<64x128xf32, #tpu.memory_space<vmem>>) offsets(%arg14 : memref<64xi32, #tpu.memory_space<vmem>>) semaphore(%arg36 : memref<!tpu.dma_semaphore, #tpu.memory_space<semaphore_mem>>)
    %dma_start3A_739 = arith.constant 0 : i32
    %dma_start3A_740 = arith.constant 0 : i32
    %dma_start3A_741 = tpu.memref_slice %arg8[%dma_start3A_739, %dma_start3A_740] : memref<608x128xf32, #tpu.memory_space<vmem_shared>> -> memref<608x128xf32, #tpu.memory_space<vmem_shared>>
    tpu.enqueue_indirect_dma source(%dma_start3A_741 : memref<608x128xf32, #tpu.memory_space<vmem_shared>>) target(%arg30 : memref<64x128xf32, #tpu.memory_space<vmem>>) offsets(%arg22 : memref<64xi32, #tpu.memory_space<vmem>>) semaphore(%arg40 : memref<!tpu.dma_semaphore, #tpu.memory_space<semaphore_mem>>)
    %add3A_742 = arith.constant 6144 : i32
    %add3A_743 = arith.addi %mul3A_2, %add3A_742 : i32
    %dma_wait3A_744 = arith.constant 0 : i32
    %dma_wait3A_745 = arith.constant 0 : i32
    %dma_wait3A_746 = tpu.memref_slice %arg4[%dma_wait3A_744, %dma_wait3A_745] : memref<100000x128xf32, #tpu.memory_space<hbm>> -> memref<100000x128xf32, #tpu.memory_space<hbm>>
    tpu.wait_indirect_dma semaphore(%arg34 : memref<!tpu.dma_semaphore, #tpu.memory_space<semaphore_mem>>) src(%dma_wait3A_746 : memref<100000x128xf32, #tpu.memory_space<hbm>>) dst(%arg24 : memref<64x128xf32, #tpu.memory_space<vmem>>)
    %dma_wait3A_747 = arith.constant 0 : i32
    %dma_wait3A_748 = arith.constant 0 : i32
    %dma_wait3A_749 = tpu.memref_slice %arg8[%dma_wait3A_747, %dma_wait3A_748] : memref<608x128xf32, #tpu.memory_space<vmem_shared>> -> memref<608x128xf32, #tpu.memory_space<vmem_shared>>
    tpu.wait_indirect_dma semaphore(%arg38 : memref<!tpu.dma_semaphore, #tpu.memory_space<semaphore_mem>>) src(%dma_wait3A_749 : memref<608x128xf32, #tpu.memory_space<vmem_shared>>) dst(%arg28 : memref<64x128xf32, #tpu.memory_space<vmem>>)
    %parallel_loop3A_750 = arith.constant 0 : i32
    %parallel_loop3A_751 = arith.constant 64 : i32
    %parallel_loop3A_752 = arith.constant 1 : i32
    scf.for %parallel_loop3A_926 = %parallel_loop3A_750 to %parallel_loop3A_751 step %parallel_loop3A_752  : i32 {
      %parallel_loop3A_927 = arith.index_cast %parallel_loop3A_926 : i32 to index
      %parallel_loop3A_928 = arith.constant 0 : index
      %parallel_loop3A_929 = tpu.vector_load %arg28[%parallel_loop3A_927, %parallel_loop3A_928] {strides = array<i32>} : memref<64x128xf32, #tpu.memory_space<vmem>>, vector<1x16xf32>,
      %parallel_loop3A_930 = vector.shape_cast %parallel_loop3A_929 : vector<1x16xf32> to vector<16xf32>
      %parallel_loop3A_931 = arith.index_cast %parallel_loop3A_926 : i32 to index
      %parallel_loop3A_932 = arith.constant 0 : index
      %parallel_loop3A_933 = tpu.vector_load %arg24[%parallel_loop3A_931, %parallel_loop3A_932] {strides = array<i32>} : memref<64x128xf32, #tpu.memory_space<vmem>>, vector<1x16xf32>,
      %parallel_loop3A_934 = vector.shape_cast %parallel_loop3A_933 : vector<1x16xf32> to vector<16xf32>
      %parallel_loop3A_935 = vector.shape_cast %parallel_loop3A_930 : vector<16xf32> to vector<1x16xf32>
      tpu.vector_store %arg24[%parallel_loop3A_931, %parallel_loop3A_932], %parallel_loop3A_935 {add = true, strides = array<i32>} : memref<64x128xf32, #tpu.memory_space<vmem>>, vector<1x16xf32>,
      %parallel_loop3A_936 = arith.index_cast %parallel_loop3A_926 : i32 to index
      %parallel_loop3A_937 = arith.constant 16 : index
      %parallel_loop3A_938 = tpu.vector_load %arg28[%parallel_loop3A_936, %parallel_loop3A_937] {strides = array<i32>} : memref<64x128xf32, #tpu.memory_space<vmem>>, vector<1x16xf32>,
      %parallel_loop3A_939 = vector.shape_cast %parallel_loop3A_938 : vector<1x16xf32> to vector<16xf32>
      %parallel_loop3A_940 = arith.index_cast %parallel_loop3A_926 : i32 to index
      %parallel_loop3A_941 = arith.constant 16 : index
      %parallel_loop3A_942 = tpu.vector_load %arg24[%parallel_loop3A_940, %parallel_loop3A_941] {strides = array<i32>} : memref<64x128xf32, #tpu.memory_space<vmem>>, vector<1x16xf32>,
      %parallel_loop3A_943 = vector.shape_cast %parallel_loop3A_942 : vector<1x16xf32> to vector<16xf32>
      %parallel_loop3A_944 = vector.shape_cast %parallel_loop3A_939 : vector<16xf32> to vector<1x16xf32>
      tpu.vector_store %arg24[%parallel_loop3A_940, %parallel_loop3A_941], %parallel_loop3A_944 {add = true, strides = array<i32>} : memref<64x128xf32, #tpu.memory_space<vmem>>, vector<1x16xf32>,
      %parallel_loop3A_945 = arith.index_cast %parallel_loop3A_926 : i32 to index
      %parallel_loop3A_946 = arith.constant 32 : index
      %parallel_loop3A_947 = tpu.vector_load %arg28[%parallel_loop3A_945, %parallel_loop3A_946] {strides = array<i32>} : memref<64x128xf32, #tpu.memory_space<vmem>>, vector<1x16xf32>,
      %parallel_loop3A_948 = vector.shape_cast %parallel_loop3A_947 : vector<1x16xf32> to vector<16xf32>
      %parallel_loop3A_949 = arith.index_cast %parallel_loop3A_926 : i32 to index
      %parallel_loop3A_950 = arith.constant 32 : index
      %parallel_loop3A_951 = tpu.vector_load %arg24[%parallel_loop3A_949, %parallel_loop3A_950] {strides = array<i32>} : memref<64x128xf32, #tpu.memory_space<vmem>>, vector<1x16xf32>,
      %parallel_loop3A_952 = vector.shape_cast %parallel_loop3A_951 : vector<1x16xf32> to vector<16xf32>
      %parallel_loop3A_953 = vector.shape_cast %parallel_loop3A_948 : vector<16xf32> to vector<1x16xf32>
      tpu.vector_store %arg24[%parallel_loop3A_949, %parallel_loop3A_950], %parallel_loop3A_953 {add = true, strides = array<i32>} : memref<64x128xf32, #tpu.memory_space<vmem>>, vector<1x16xf32>,
      %parallel_loop3A_954 = arith.index_cast %parallel_loop3A_926 : i32 to index
      %parallel_loop3A_955 = arith.constant 48 : index
      %parallel_loop3A_956 = tpu.vector_load %arg28[%parallel_loop3A_954, %parallel_loop3A_955] {strides = array<i32>} : memref<64x128xf32, #tpu.memory_space<vmem>>, vector<1x16xf32>,
      %parallel_loop3A_957 = vector.shape_cast %parallel_loop3A_956 : vector<1x16xf32> to vector<16xf32>
      %parallel_loop3A_958 = arith.index_cast %parallel_loop3A_926 : i32 to index
      %parallel_loop3A_959 = arith.constant 48 : index
      %parallel_loop3A_960 = tpu.vector_load %arg24[%parallel_loop3A_958, %parallel_loop3A_959] {strides = array<i32>} : memref<64x128xf32, #tpu.memory_space<vmem>>, vector<1x16xf32>,
      %parallel_loop3A_961 = vector.shape_cast %parallel_loop3A_960 : vector<1x16xf32> to vector<16xf32>
      %parallel_loop3A_962 = vector.shape_cast %parallel_loop3A_957 : vector<16xf32> to vector<1x16xf32>
      tpu.vector_store %arg24[%parallel_loop3A_958, %parallel_loop3A_959], %parallel_loop3A_962 {add = true, strides = array<i32>} : memref<64x128xf32, #tpu.memory_space<vmem>>, vector<1x16xf32>,
      %parallel_loop3A_963 = arith.index_cast %parallel_loop3A_926 : i32 to index
      %parallel_loop3A_964 = arith.constant 64 : index
      %parallel_loop3A_965 = tpu.vector_load %arg28[%parallel_loop3A_963, %parallel_loop3A_964] {strides = array<i32>} : memref<64x128xf32, #tpu.memory_space<vmem>>, vector<1x16xf32>,
      %parallel_loop3A_966 = vector.shape_cast %parallel_loop3A_965 : vector<1x16xf32> to vector<16xf32>
      %parallel_loop3A_967 = arith.index_cast %parallel_loop3A_926 : i32 to index
      %parallel_loop3A_968 = arith.constant 64 : index
      %parallel_loop3A_969 = tpu.vector_load %arg24[%parallel_loop3A_967, %parallel_loop3A_968] {strides = array<i32>} : memref<64x128xf32, #tpu.memory_space<vmem>>, vector<1x16xf32>,
      %parallel_loop3A_970 = vector.shape_cast %parallel_loop3A_969 : vector<1x16xf32> to vector<16xf32>
      %parallel_loop3A_971 = vector.shape_cast %parallel_loop3A_966 : vector<16xf32> to vector<1x16xf32>
      tpu.vector_store %arg24[%parallel_loop3A_967, %parallel_loop3A_968], %parallel_loop3A_971 {add = true, strides = array<i32>} : memref<64x128xf32, #tpu.memory_space<vmem>>, vector<1x16xf32>,
      %parallel_loop3A_972 = arith.index_cast %parallel_loop3A_926 : i32 to index
      %parallel_loop3A_973 = arith.constant 80 : index
      %parallel_loop3A_974 = tpu.vector_load %arg28[%parallel_loop3A_972, %parallel_loop3A_973] {strides = array<i32>} : memref<64x128xf32, #tpu.memory_space<vmem>>, vector<1x16xf32>,
      %parallel_loop3A_975 = vector.shape_cast %parallel_loop3A_974 : vector<1x16xf32> to vector<16xf32>
      %parallel_loop3A_976 = arith.index_cast %parallel_loop3A_926 : i32 to index
      %parallel_loop3A_977 = arith.constant 80 : index
      %parallel_loop3A_978 = tpu.vector_load %arg24[%parallel_loop3A_976, %parallel_loop3A_977] {strides = array<i32>} : memref<64x128xf32, #tpu.memory_space<vmem>>, vector<1x16xf32>,
      %parallel_loop3A_979 = vector.shape_cast %parallel_loop3A_978 : vector<1x16xf32> to vector<16xf32>
      %parallel_loop3A_980 = vector.shape_cast %parallel_loop3A_975 : vector<16xf32> to vector<1x16xf32>
      tpu.vector_store %arg24[%parallel_loop3A_976, %parallel_loop3A_977], %parallel_loop3A_980 {add = true, strides = array<i32>} : memref<64x128xf32, #tpu.memory_space<vmem>>, vector<1x16xf32>,
      %parallel_loop3A_981 = arith.index_cast %parallel_loop3A_926 : i32 to index
      %parallel_loop3A_982 = arith.constant 96 : index
      %parallel_loop3A_983 = tpu.vector_load %arg28[%parallel_loop3A_981, %parallel_loop3A_982] {strides = array<i32>} : memref<64x128xf32, #tpu.memory_space<vmem>>, vector<1x16xf32>,
      %parallel_loop3A_984 = vector.shape_cast %parallel_loop3A_983 : vector<1x16xf32> to vector<16xf32>
      %parallel_loop3A_985 = arith.index_cast %parallel_loop3A_926 : i32 to index
      %parallel_loop3A_986 = arith.constant 96 : index
      %parallel_loop3A_987 = tpu.vector_load %arg24[%parallel_loop3A_985, %parallel_loop3A_986] {strides = array<i32>} : memref<64x128xf32, #tpu.memory_space<vmem>>, vector<1x16xf32>,
      %parallel_loop3A_988 = vector.shape_cast %parallel_loop3A_987 : vector<1x16xf32> to vector<16xf32>
      %parallel_loop3A_989 = vector.shape_cast %parallel_loop3A_984 : vector<16xf32> to vector<1x16xf32>
      tpu.vector_store %arg24[%parallel_loop3A_985, %parallel_loop3A_986], %parallel_loop3A_989 {add = true, strides = array<i32>} : memref<64x128xf32, #tpu.memory_space<vmem>>, vector<1x16xf32>,
      %parallel_loop3A_990 = arith.index_cast %parallel_loop3A_926 : i32 to index
      %parallel_loop3A_991 = arith.constant 112 : index
      %parallel_loop3A_992 = tpu.vector_load %arg28[%parallel_loop3A_990, %parallel_loop3A_991] {strides = array<i32>} : memref<64x128xf32, #tpu.memory_space<vmem>>, vector<1x16xf32>,
      %parallel_loop3A_993 = vector.shape_cast %parallel_loop3A_992 : vector<1x16xf32> to vector<16xf32>
      %parallel_loop3A_994 = arith.index_cast %parallel_loop3A_926 : i32 to index
      %parallel_loop3A_995 = arith.constant 112 : index
      %parallel_loop3A_996 = tpu.vector_load %arg24[%parallel_loop3A_994, %parallel_loop3A_995] {strides = array<i32>} : memref<64x128xf32, #tpu.memory_space<vmem>>, vector<1x16xf32>,
      %parallel_loop3A_997 = vector.shape_cast %parallel_loop3A_996 : vector<1x16xf32> to vector<16xf32>
      %parallel_loop3A_998 = vector.shape_cast %parallel_loop3A_993 : vector<16xf32> to vector<1x16xf32>
      tpu.vector_store %arg24[%parallel_loop3A_994, %parallel_loop3A_995], %parallel_loop3A_998 {add = true, strides = array<i32>} : memref<64x128xf32, #tpu.memory_space<vmem>>, vector<1x16xf32>,
    } {sc.loop_unroll_factor = 4 : i64, sc.parallel_access}
    %dma_start3A_753 = arith.constant 0 : i32
    %dma_start3A_754 = tpu.memref_slice %arg7[%add3A_743, %dma_start3A_753] : memref<204800x128xf32, #tpu.memory_space<hbm>> -> memref<64x128xf32, #tpu.memory_space<hbm>>
    %dma_start3A_755 = arith.constant 0 : i32
    %dma_start3A_756 = tpu.memref_slice %arg7[%add3A_743, %dma_start3A_755] : memref<204800x128xf32, #tpu.memory_space<hbm>> -> memref<64x128xf32, #tpu.memory_space<hbm>>
    tpu.enqueue_dma source(%arg24 : memref<64x128xf32, #tpu.memory_space<vmem>>) target(%dma_start3A_756 : memref<64x128xf32, #tpu.memory_space<hbm>>) target_semaphore(%arg42 : memref<!tpu.dma_semaphore, #tpu.memory_space<semaphore_mem>>)
    %add3A_757 = arith.constant 6336 : i32
    %add3A_758 = arith.addi %mul3A_2, %add3A_757 : i32
    %dma_start3A_759 = tpu.memref_slice %arg2[%add3A_758] : memref<204800xi32, #tpu.memory_space<hbm>> -> memref<64xi32, #tpu.memory_space<hbm>>
    %dma_start3A_760 = tpu.memref_slice %arg2[%add3A_758] : memref<204800xi32, #tpu.memory_space<hbm>> -> memref<64xi32, #tpu.memory_space<hbm>>
    tpu.enqueue_dma source(%dma_start3A_760 : memref<64xi32, #tpu.memory_space<hbm>>) target(%arg15 : memref<64xi32, #tpu.memory_space<vmem>>) target_semaphore(%arg33 : memref<!tpu.dma_semaphore, #tpu.memory_space<semaphore_mem>>)
    %dma_start3A_761 = tpu.memref_slice %arg3[%add3A_758] : memref<204800xi32, #tpu.memory_space<hbm>> -> memref<64xi32, #tpu.memory_space<hbm>>
    %dma_start3A_762 = tpu.memref_slice %arg3[%add3A_758] : memref<204800xi32, #tpu.memory_space<hbm>> -> memref<64xi32, #tpu.memory_space<hbm>>
    tpu.enqueue_dma source(%dma_start3A_762 : memref<64xi32, #tpu.memory_space<hbm>>) target(%arg19 : memref<64xi32, #tpu.memory_space<vmem>>) target_semaphore(%arg33 : memref<!tpu.dma_semaphore, #tpu.memory_space<semaphore_mem>>)
    %add3A_763 = arith.constant 6336 : i32
    %add3A_764 = arith.addi %mul3A_2, %add3A_763 : i32
    %dma_wait3A_765 = tpu.memref_slice %arg2[%add3A_764] : memref<204800xi32, #tpu.memory_space<hbm>> -> memref<64xi32, #tpu.memory_space<hbm>>
    %dma_wait3A_766 = tpu.memref_slice %arg2[%add3A_764] : memref<204800xi32, #tpu.memory_space<hbm>> -> memref<64xi32, #tpu.memory_space<hbm>>
    tpu.wait_dma2 semaphore(%arg33 : memref<!tpu.dma_semaphore, #tpu.memory_space<semaphore_mem>>) src(%dma_wait3A_766 : memref<64xi32, #tpu.memory_space<hbm>>) dst(%arg15 : memref<64xi32, #tpu.memory_space<vmem>>)
    %dma_wait3A_767 = tpu.memref_slice %arg3[%add3A_764] : memref<204800xi32, #tpu.memory_space<hbm>> -> memref<64xi32, #tpu.memory_space<hbm>>
    %dma_wait3A_768 = tpu.memref_slice %arg3[%add3A_764] : memref<204800xi32, #tpu.memory_space<hbm>> -> memref<64xi32, #tpu.memory_space<hbm>>
    tpu.wait_dma2 semaphore(%arg33 : memref<!tpu.dma_semaphore, #tpu.memory_space<semaphore_mem>>) src(%dma_wait3A_768 : memref<64xi32, #tpu.memory_space<hbm>>) dst(%arg19 : memref<64xi32, #tpu.memory_space<vmem>>)
    %dma_wait3A_769 = arith.constant 0 : i32
    %dma_wait3A_770 = arith.constant 0 : i32
    %dma_wait3A_771 = tpu.memref_slice %arg7[%dma_wait3A_769, %dma_wait3A_770] : memref<204800x128xf32, #tpu.memory_space<hbm>> -> memref<64x128xf32, #tpu.memory_space<hbm>>
    %dma_wait3A_772 = arith.constant 0 : i32
    %dma_wait3A_773 = arith.constant 0 : i32
    %dma_wait3A_774 = tpu.memref_slice %arg7[%dma_wait3A_772, %dma_wait3A_773] : memref<204800x128xf32, #tpu.memory_space<hbm>> -> memref<64x128xf32, #tpu.memory_space<hbm>>
    tpu.wait_dma2 semaphore(%arg45 : memref<!tpu.dma_semaphore, #tpu.memory_space<semaphore_mem>>) src(%arg27 : memref<64x128xf32, #tpu.memory_space<vmem>>) dst(%dma_wait3A_774 : memref<64x128xf32, #tpu.memory_space<hbm>>)
    %add3A_775 = arith.constant 0 : i32
    %add3A_776 = arith.addi %add3A_764, %add3A_775 : i32
    %iota3A_777 = tpu.iota {dimensions = array<i32: 0>} : vector<16xi32>
    %add3A_778 = vector.broadcast %add3A_776 : i32 to vector<16xi32>
    %add3A_779 = arith.addi %add3A_778, %iota3A_777 : vector<16xi32>
    %get3A_780 = arith.constant 0 : index
    %get3A_781 = tpu.vector_load %arg19[%get3A_780] {strides = array<i32>} : memref<64xi32, #tpu.memory_space<vmem>>, vector<16xi32>,
    %get3A_782 = vector.shape_cast %get3A_781 : vector<16xi32> to vector<16xi32>
    %mul3A_783 = arith.constant 200 : i32
    %mul3A_784 = vector.broadcast %mul3A_783 : i32 to vector<16xi32>
    %mul3A_785 = arith.muli %get3A_782, %mul3A_784 : vector<16xi32>
    %rem3A_786 = arith.constant 200 : i32
    %rem3A_787 = vector.broadcast %rem3A_786 : i32 to vector<16xi32>
    %rem3A_788 = arith.remsi %add3A_779, %rem3A_787 : vector<16xi32>
    %add3A_789 = arith.addi %mul3A_785, %rem3A_788 : vector<16xi32>
    %swap3A_790 = arith.constant 0 : index
    %swap3A_791 = tpu.vector_load %arg23[%swap3A_790] {strides = array<i32>} : memref<64xi32, #tpu.memory_space<vmem>>, vector<16xi32>,
    %swap3A_792 = vector.shape_cast %swap3A_791 : vector<16xi32> to vector<16xi32>
    %swap3A_793 = vector.shape_cast %add3A_789 : vector<16xi32> to vector<16xi32>
    tpu.vector_store %arg23[%swap3A_790], %swap3A_793 {strides = array<i32>} : memref<64xi32, #tpu.memory_space<vmem>>, vector<16xi32>,
    %add3A_794 = arith.constant 16 : i32
    %add3A_795 = arith.addi %add3A_764, %add3A_794 : i32
    %iota3A_796 = tpu.iota {dimensions = array<i32: 0>} : vector<16xi32>
    %add3A_797 = vector.broadcast %add3A_795 : i32 to vector<16xi32>
    %add3A_798 = arith.addi %add3A_797, %iota3A_796 : vector<16xi32>
    %get3A_799 = arith.constant 16 : index
    %get3A_800 = tpu.vector_load %arg19[%get3A_799] {strides = array<i32>} : memref<64xi32, #tpu.memory_space<vmem>>, vector<16xi32>,
    %get3A_801 = vector.shape_cast %get3A_800 : vector<16xi32> to vector<16xi32>
    %mul3A_802 = arith.constant 200 : i32
    %mul3A_803 = vector.broadcast %mul3A_802 : i32 to vector<16xi32>
    %mul3A_804 = arith.muli %get3A_801, %mul3A_803 : vector<16xi32>
    %rem3A_805 = arith.constant 200 : i32
    %rem3A_806 = vector.broadcast %rem3A_805 : i32 to vector<16xi32>
    %rem3A_807 = arith.remsi %add3A_798, %rem3A_806 : vector<16xi32>
    %add3A_808 = arith.addi %mul3A_804, %rem3A_807 : vector<16xi32>
    %swap3A_809 = arith.constant 16 : index
    %swap3A_810 = tpu.vector_load %arg23[%swap3A_809] {strides = array<i32>} : memref<64xi32, #tpu.memory_space<vmem>>, vector<16xi32>,
    %swap3A_811 = vector.shape_cast %swap3A_810 : vector<16xi32> to vector<16xi32>
    %swap3A_812 = vector.shape_cast %add3A_808 : vector<16xi32> to vector<16xi32>
    tpu.vector_store %arg23[%swap3A_809], %swap3A_812 {strides = array<i32>} : memref<64xi32, #tpu.memory_space<vmem>>, vector<16xi32>,
    %add3A_813 = arith.constant 32 : i32
    %add3A_814 = arith.addi %add3A_764, %add3A_813 : i32
    %iota3A_815 = tpu.iota {dimensions = array<i32: 0>} : vector<16xi32>
    %add3A_816 = vector.broadcast %add3A_814 : i32 to vector<16xi32>
    %add3A_817 = arith.addi %add3A_816, %iota3A_815 : vector<16xi32>
    %get3A_818 = arith.constant 32 : index
    %get3A_819 = tpu.vector_load %arg19[%get3A_818] {strides = array<i32>} : memref<64xi32, #tpu.memory_space<vmem>>, vector<16xi32>,
    %get3A_820 = vector.shape_cast %get3A_819 : vector<16xi32> to vector<16xi32>
    %mul3A_821 = arith.constant 200 : i32
    %mul3A_822 = vector.broadcast %mul3A_821 : i32 to vector<16xi32>
    %mul3A_823 = arith.muli %get3A_820, %mul3A_822 : vector<16xi32>
    %rem3A_824 = arith.constant 200 : i32
    %rem3A_825 = vector.broadcast %rem3A_824 : i32 to vector<16xi32>
    %rem3A_826 = arith.remsi %add3A_817, %rem3A_825 : vector<16xi32>
    %add3A_827 = arith.addi %mul3A_823, %rem3A_826 : vector<16xi32>
    %swap3A_828 = arith.constant 32 : index
    %swap3A_829 = tpu.vector_load %arg23[%swap3A_828] {strides = array<i32>} : memref<64xi32, #tpu.memory_space<vmem>>, vector<16xi32>,
    %swap3A_830 = vector.shape_cast %swap3A_829 : vector<16xi32> to vector<16xi32>
    %swap3A_831 = vector.shape_cast %add3A_827 : vector<16xi32> to vector<16xi32>
    tpu.vector_store %arg23[%swap3A_828], %swap3A_831 {strides = array<i32>} : memref<64xi32, #tpu.memory_space<vmem>>, vector<16xi32>,
    %add3A_832 = arith.constant 48 : i32
    %add3A_833 = arith.addi %add3A_764, %add3A_832 : i32
    %iota3A_834 = tpu.iota {dimensions = array<i32: 0>} : vector<16xi32>
    %add3A_835 = vector.broadcast %add3A_833 : i32 to vector<16xi32>
    %add3A_836 = arith.addi %add3A_835, %iota3A_834 : vector<16xi32>
    %get3A_837 = arith.constant 48 : index
    %get3A_838 = tpu.vector_load %arg19[%get3A_837] {strides = array<i32>} : memref<64xi32, #tpu.memory_space<vmem>>, vector<16xi32>,
    %get3A_839 = vector.shape_cast %get3A_838 : vector<16xi32> to vector<16xi32>
    %mul3A_840 = arith.constant 200 : i32
    %mul3A_841 = vector.broadcast %mul3A_840 : i32 to vector<16xi32>
    %mul3A_842 = arith.muli %get3A_839, %mul3A_841 : vector<16xi32>
    %rem3A_843 = arith.constant 200 : i32
    %rem3A_844 = vector.broadcast %rem3A_843 : i32 to vector<16xi32>
    %rem3A_845 = arith.remsi %add3A_836, %rem3A_844 : vector<16xi32>
    %add3A_846 = arith.addi %mul3A_842, %rem3A_845 : vector<16xi32>
    %swap3A_847 = arith.constant 48 : index
    %swap3A_848 = tpu.vector_load %arg23[%swap3A_847] {strides = array<i32>} : memref<64xi32, #tpu.memory_space<vmem>>, vector<16xi32>,
    %swap3A_849 = vector.shape_cast %swap3A_848 : vector<16xi32> to vector<16xi32>
    %swap3A_850 = vector.shape_cast %add3A_846 : vector<16xi32> to vector<16xi32>
    tpu.vector_store %arg23[%swap3A_847], %swap3A_850 {strides = array<i32>} : memref<64xi32, #tpu.memory_space<vmem>>, vector<16xi32>,
    %dma_start3A_851 = arith.constant 0 : i32
    %dma_start3A_852 = arith.constant 0 : i32
    %dma_start3A_853 = tpu.memref_slice %arg4[%dma_start3A_851, %dma_start3A_852] : memref<100000x128xf32, #tpu.memory_space<hbm>> -> memref<100000x128xf32, #tpu.memory_space<hbm>>
    tpu.enqueue_indirect_dma source(%dma_start3A_853 : memref<100000x128xf32, #tpu.memory_space<hbm>>) target(%arg27 : memref<64x128xf32, #tpu.memory_space<vmem>>) offsets(%arg15 : memref<64xi32, #tpu.memory_space<vmem>>) semaphore(%arg37 : memref<!tpu.dma_semaphore, #tpu.memory_space<semaphore_mem>>)
    %dma_start3A_854 = arith.constant 0 : i32
    %dma_start3A_855 = arith.constant 0 : i32
    %dma_start3A_856 = tpu.memref_slice %arg8[%dma_start3A_854, %dma_start3A_855] : memref<608x128xf32, #tpu.memory_space<vmem_shared>> -> memref<608x128xf32, #tpu.memory_space<vmem_shared>>
    tpu.enqueue_indirect_dma source(%dma_start3A_856 : memref<608x128xf32, #tpu.memory_space<vmem_shared>>) target(%arg31 : memref<64x128xf32, #tpu.memory_space<vmem>>) offsets(%arg23 : memref<64xi32, #tpu.memory_space<vmem>>) semaphore(%arg41 : memref<!tpu.dma_semaphore, #tpu.memory_space<semaphore_mem>>)
    %add3A_857 = arith.constant 6208 : i32
    %add3A_858 = arith.addi %mul3A_2, %add3A_857 : i32
    %dma_wait3A_859 = arith.constant 0 : i32
    %dma_wait3A_860 = arith.constant 0 : i32
    %dma_wait3A_861 = tpu.memref_slice %arg4[%dma_wait3A_859, %dma_wait3A_860] : memref<100000x128xf32, #tpu.memory_space<hbm>> -> memref<100000x128xf32, #tpu.memory_space<hbm>>
    tpu.wait_indirect_dma semaphore(%arg35 : memref<!tpu.dma_semaphore, #tpu.memory_space<semaphore_mem>>) src(%dma_wait3A_861 : memref<100000x128xf32, #tpu.memory_space<hbm>>) dst(%arg25 : memref<64x128xf32, #tpu.memory_space<vmem>>)
    %dma_wait3A_862 = arith.constant 0 : i32
    %dma_wait3A_863 = arith.constant 0 : i32
    %dma_wait3A_864 = tpu.memref_slice %arg8[%dma_wait3A_862, %dma_wait3A_863] : memref<608x128xf32, #tpu.memory_space<vmem_shared>> -> memref<608x128xf32, #tpu.memory_space<vmem_shared>>
    tpu.wait_indirect_dma semaphore(%arg39 : memref<!tpu.dma_semaphore, #tpu.memory_space<semaphore_mem>>) src(%dma_wait3A_864 : memref<608x128xf32, #tpu.memory_space<vmem_shared>>) dst(%arg29 : memref<64x128xf32, #tpu.memory_space<vmem>>)
    %parallel_loop3A_865 = arith.constant 0 : i32
    %parallel_loop3A_866 = arith.constant 64 : i32
    %parallel_loop3A_867 = arith.constant 1 : i32
    scf.for %parallel_loop3A_926 = %parallel_loop3A_865 to %parallel_loop3A_866 step %parallel_loop3A_867  : i32 {
      %parallel_loop3A_927 = arith.index_cast %parallel_loop3A_926 : i32 to index
      %parallel_loop3A_928 = arith.constant 0 : index
      %parallel_loop3A_929 = tpu.vector_load %arg29[%parallel_loop3A_927, %parallel_loop3A_928] {strides = array<i32>} : memref<64x128xf32, #tpu.memory_space<vmem>>, vector<1x16xf32>,
      %parallel_loop3A_930 = vector.shape_cast %parallel_loop3A_929 : vector<1x16xf32> to vector<16xf32>
      %parallel_loop3A_931 = arith.index_cast %parallel_loop3A_926 : i32 to index
      %parallel_loop3A_932 = arith.constant 0 : index
      %parallel_loop3A_933 = tpu.vector_load %arg25[%parallel_loop3A_931, %parallel_loop3A_932] {strides = array<i32>} : memref<64x128xf32, #tpu.memory_space<vmem>>, vector<1x16xf32>,
      %parallel_loop3A_934 = vector.shape_cast %parallel_loop3A_933 : vector<1x16xf32> to vector<16xf32>
      %parallel_loop3A_935 = vector.shape_cast %parallel_loop3A_930 : vector<16xf32> to vector<1x16xf32>
      tpu.vector_store %arg25[%parallel_loop3A_931, %parallel_loop3A_932], %parallel_loop3A_935 {add = true, strides = array<i32>} : memref<64x128xf32, #tpu.memory_space<vmem>>, vector<1x16xf32>,
      %parallel_loop3A_936 = arith.index_cast %parallel_loop3A_926 : i32 to index
      %parallel_loop3A_937 = arith.constant 16 : index
      %parallel_loop3A_938 = tpu.vector_load %arg29[%parallel_loop3A_936, %parallel_loop3A_937] {strides = array<i32>} : memref<64x128xf32, #tpu.memory_space<vmem>>, vector<1x16xf32>,
      %parallel_loop3A_939 = vector.shape_cast %parallel_loop3A_938 : vector<1x16xf32> to vector<16xf32>
      %parallel_loop3A_940 = arith.index_cast %parallel_loop3A_926 : i32 to index
      %parallel_loop3A_941 = arith.constant 16 : index
      %parallel_loop3A_942 = tpu.vector_load %arg25[%parallel_loop3A_940, %parallel_loop3A_941] {strides = array<i32>} : memref<64x128xf32, #tpu.memory_space<vmem>>, vector<1x16xf32>,
      %parallel_loop3A_943 = vector.shape_cast %parallel_loop3A_942 : vector<1x16xf32> to vector<16xf32>
      %parallel_loop3A_944 = vector.shape_cast %parallel_loop3A_939 : vector<16xf32> to vector<1x16xf32>
      tpu.vector_store %arg25[%parallel_loop3A_940, %parallel_loop3A_941], %parallel_loop3A_944 {add = true, strides = array<i32>} : memref<64x128xf32, #tpu.memory_space<vmem>>, vector<1x16xf32>,
      %parallel_loop3A_945 = arith.index_cast %parallel_loop3A_926 : i32 to index
      %parallel_loop3A_946 = arith.constant 32 : index
      %parallel_loop3A_947 = tpu.vector_load %arg29[%parallel_loop3A_945, %parallel_loop3A_946] {strides = array<i32>} : memref<64x128xf32, #tpu.memory_space<vmem>>, vector<1x16xf32>,
      %parallel_loop3A_948 = vector.shape_cast %parallel_loop3A_947 : vector<1x16xf32> to vector<16xf32>
      %parallel_loop3A_949 = arith.index_cast %parallel_loop3A_926 : i32 to index
      %parallel_loop3A_950 = arith.constant 32 : index
      %parallel_loop3A_951 = tpu.vector_load %arg25[%parallel_loop3A_949, %parallel_loop3A_950] {strides = array<i32>} : memref<64x128xf32, #tpu.memory_space<vmem>>, vector<1x16xf32>,
      %parallel_loop3A_952 = vector.shape_cast %parallel_loop3A_951 : vector<1x16xf32> to vector<16xf32>
      %parallel_loop3A_953 = vector.shape_cast %parallel_loop3A_948 : vector<16xf32> to vector<1x16xf32>
      tpu.vector_store %arg25[%parallel_loop3A_949, %parallel_loop3A_950], %parallel_loop3A_953 {add = true, strides = array<i32>} : memref<64x128xf32, #tpu.memory_space<vmem>>, vector<1x16xf32>,
      %parallel_loop3A_954 = arith.index_cast %parallel_loop3A_926 : i32 to index
      %parallel_loop3A_955 = arith.constant 48 : index
      %parallel_loop3A_956 = tpu.vector_load %arg29[%parallel_loop3A_954, %parallel_loop3A_955] {strides = array<i32>} : memref<64x128xf32, #tpu.memory_space<vmem>>, vector<1x16xf32>,
      %parallel_loop3A_957 = vector.shape_cast %parallel_loop3A_956 : vector<1x16xf32> to vector<16xf32>
      %parallel_loop3A_958 = arith.index_cast %parallel_loop3A_926 : i32 to index
      %parallel_loop3A_959 = arith.constant 48 : index
      %parallel_loop3A_960 = tpu.vector_load %arg25[%parallel_loop3A_958, %parallel_loop3A_959] {strides = array<i32>} : memref<64x128xf32, #tpu.memory_space<vmem>>, vector<1x16xf32>,
      %parallel_loop3A_961 = vector.shape_cast %parallel_loop3A_960 : vector<1x16xf32> to vector<16xf32>
      %parallel_loop3A_962 = vector.shape_cast %parallel_loop3A_957 : vector<16xf32> to vector<1x16xf32>
      tpu.vector_store %arg25[%parallel_loop3A_958, %parallel_loop3A_959], %parallel_loop3A_962 {add = true, strides = array<i32>} : memref<64x128xf32, #tpu.memory_space<vmem>>, vector<1x16xf32>,
      %parallel_loop3A_963 = arith.index_cast %parallel_loop3A_926 : i32 to index
      %parallel_loop3A_964 = arith.constant 64 : index
      %parallel_loop3A_965 = tpu.vector_load %arg29[%parallel_loop3A_963, %parallel_loop3A_964] {strides = array<i32>} : memref<64x128xf32, #tpu.memory_space<vmem>>, vector<1x16xf32>,
      %parallel_loop3A_966 = vector.shape_cast %parallel_loop3A_965 : vector<1x16xf32> to vector<16xf32>
      %parallel_loop3A_967 = arith.index_cast %parallel_loop3A_926 : i32 to index
      %parallel_loop3A_968 = arith.constant 64 : index
      %parallel_loop3A_969 = tpu.vector_load %arg25[%parallel_loop3A_967, %parallel_loop3A_968] {strides = array<i32>} : memref<64x128xf32, #tpu.memory_space<vmem>>, vector<1x16xf32>,
      %parallel_loop3A_970 = vector.shape_cast %parallel_loop3A_969 : vector<1x16xf32> to vector<16xf32>
      %parallel_loop3A_971 = vector.shape_cast %parallel_loop3A_966 : vector<16xf32> to vector<1x16xf32>
      tpu.vector_store %arg25[%parallel_loop3A_967, %parallel_loop3A_968], %parallel_loop3A_971 {add = true, strides = array<i32>} : memref<64x128xf32, #tpu.memory_space<vmem>>, vector<1x16xf32>,
      %parallel_loop3A_972 = arith.index_cast %parallel_loop3A_926 : i32 to index
      %parallel_loop3A_973 = arith.constant 80 : index
      %parallel_loop3A_974 = tpu.vector_load %arg29[%parallel_loop3A_972, %parallel_loop3A_973] {strides = array<i32>} : memref<64x128xf32, #tpu.memory_space<vmem>>, vector<1x16xf32>,
      %parallel_loop3A_975 = vector.shape_cast %parallel_loop3A_974 : vector<1x16xf32> to vector<16xf32>
      %parallel_loop3A_976 = arith.index_cast %parallel_loop3A_926 : i32 to index
      %parallel_loop3A_977 = arith.constant 80 : index
      %parallel_loop3A_978 = tpu.vector_load %arg25[%parallel_loop3A_976, %parallel_loop3A_977] {strides = array<i32>} : memref<64x128xf32, #tpu.memory_space<vmem>>, vector<1x16xf32>,
      %parallel_loop3A_979 = vector.shape_cast %parallel_loop3A_978 : vector<1x16xf32> to vector<16xf32>
      %parallel_loop3A_980 = vector.shape_cast %parallel_loop3A_975 : vector<16xf32> to vector<1x16xf32>
      tpu.vector_store %arg25[%parallel_loop3A_976, %parallel_loop3A_977], %parallel_loop3A_980 {add = true, strides = array<i32>} : memref<64x128xf32, #tpu.memory_space<vmem>>, vector<1x16xf32>,
      %parallel_loop3A_981 = arith.index_cast %parallel_loop3A_926 : i32 to index
      %parallel_loop3A_982 = arith.constant 96 : index
      %parallel_loop3A_983 = tpu.vector_load %arg29[%parallel_loop3A_981, %parallel_loop3A_982] {strides = array<i32>} : memref<64x128xf32, #tpu.memory_space<vmem>>, vector<1x16xf32>,
      %parallel_loop3A_984 = vector.shape_cast %parallel_loop3A_983 : vector<1x16xf32> to vector<16xf32>
      %parallel_loop3A_985 = arith.index_cast %parallel_loop3A_926 : i32 to index
      %parallel_loop3A_986 = arith.constant 96 : index
      %parallel_loop3A_987 = tpu.vector_load %arg25[%parallel_loop3A_985, %parallel_loop3A_986] {strides = array<i32>} : memref<64x128xf32, #tpu.memory_space<vmem>>, vector<1x16xf32>,
      %parallel_loop3A_988 = vector.shape_cast %parallel_loop3A_987 : vector<1x16xf32> to vector<16xf32>
      %parallel_loop3A_989 = vector.shape_cast %parallel_loop3A_984 : vector<16xf32> to vector<1x16xf32>
      tpu.vector_store %arg25[%parallel_loop3A_985, %parallel_loop3A_986], %parallel_loop3A_989 {add = true, strides = array<i32>} : memref<64x128xf32, #tpu.memory_space<vmem>>, vector<1x16xf32>,
      %parallel_loop3A_990 = arith.index_cast %parallel_loop3A_926 : i32 to index
      %parallel_loop3A_991 = arith.constant 112 : index
      %parallel_loop3A_992 = tpu.vector_load %arg29[%parallel_loop3A_990, %parallel_loop3A_991] {strides = array<i32>} : memref<64x128xf32, #tpu.memory_space<vmem>>, vector<1x16xf32>,
      %parallel_loop3A_993 = vector.shape_cast %parallel_loop3A_992 : vector<1x16xf32> to vector<16xf32>
      %parallel_loop3A_994 = arith.index_cast %parallel_loop3A_926 : i32 to index
      %parallel_loop3A_995 = arith.constant 112 : index
      %parallel_loop3A_996 = tpu.vector_load %arg25[%parallel_loop3A_994, %parallel_loop3A_995] {strides = array<i32>} : memref<64x128xf32, #tpu.memory_space<vmem>>, vector<1x16xf32>,
      %parallel_loop3A_997 = vector.shape_cast %parallel_loop3A_996 : vector<1x16xf32> to vector<16xf32>
      %parallel_loop3A_998 = vector.shape_cast %parallel_loop3A_993 : vector<16xf32> to vector<1x16xf32>
      tpu.vector_store %arg25[%parallel_loop3A_994, %parallel_loop3A_995], %parallel_loop3A_998 {add = true, strides = array<i32>} : memref<64x128xf32, #tpu.memory_space<vmem>>, vector<1x16xf32>,
    } {sc.loop_unroll_factor = 4 : i64, sc.parallel_access}
    %dma_start3A_868 = arith.constant 0 : i32
    %dma_start3A_869 = tpu.memref_slice %arg7[%add3A_858, %dma_start3A_868] : memref<204800x128xf32, #tpu.memory_space<hbm>> -> memref<64x128xf32, #tpu.memory_space<hbm>>
    %dma_start3A_870 = arith.constant 0 : i32
    %dma_start3A_871 = tpu.memref_slice %arg7[%add3A_858, %dma_start3A_870] : memref<204800x128xf32, #tpu.memory_space<hbm>> -> memref<64x128xf32, #tpu.memory_space<hbm>>
    tpu.enqueue_dma source(%arg25 : memref<64x128xf32, #tpu.memory_space<vmem>>) target(%dma_start3A_871 : memref<64x128xf32, #tpu.memory_space<hbm>>) target_semaphore(%arg43 : memref<!tpu.dma_semaphore, #tpu.memory_space<semaphore_mem>>)
    %add3A_872 = arith.constant 6272 : i32
    %add3A_873 = arith.addi %mul3A_2, %add3A_872 : i32
    %dma_wait3A_874 = arith.constant 0 : i32
    %dma_wait3A_875 = arith.constant 0 : i32
    %dma_wait3A_876 = tpu.memref_slice %arg4[%dma_wait3A_874, %dma_wait3A_875] : memref<100000x128xf32, #tpu.memory_space<hbm>> -> memref<100000x128xf32, #tpu.memory_space<hbm>>
    tpu.wait_indirect_dma semaphore(%arg36 : memref<!tpu.dma_semaphore, #tpu.memory_space<semaphore_mem>>) src(%dma_wait3A_876 : memref<100000x128xf32, #tpu.memory_space<hbm>>) dst(%arg26 : memref<64x128xf32, #tpu.memory_space<vmem>>)
    %dma_wait3A_877 = arith.constant 0 : i32
    %dma_wait3A_878 = arith.constant 0 : i32
    %dma_wait3A_879 = tpu.memref_slice %arg8[%dma_wait3A_877, %dma_wait3A_878] : memref<608x128xf32, #tpu.memory_space<vmem_shared>> -> memref<608x128xf32, #tpu.memory_space<vmem_shared>>
    tpu.wait_indirect_dma semaphore(%arg40 : memref<!tpu.dma_semaphore, #tpu.memory_space<semaphore_mem>>) src(%dma_wait3A_879 : memref<608x128xf32, #tpu.memory_space<vmem_shared>>) dst(%arg30 : memref<64x128xf32, #tpu.memory_space<vmem>>)
    %parallel_loop3A_880 = arith.constant 0 : i32
    %parallel_loop3A_881 = arith.constant 64 : i32
    %parallel_loop3A_882 = arith.constant 1 : i32
    scf.for %parallel_loop3A_926 = %parallel_loop3A_880 to %parallel_loop3A_881 step %parallel_loop3A_882  : i32 {
      %parallel_loop3A_927 = arith.index_cast %parallel_loop3A_926 : i32 to index
      %parallel_loop3A_928 = arith.constant 0 : index
      %parallel_loop3A_929 = tpu.vector_load %arg30[%parallel_loop3A_927, %parallel_loop3A_928] {strides = array<i32>} : memref<64x128xf32, #tpu.memory_space<vmem>>, vector<1x16xf32>,
      %parallel_loop3A_930 = vector.shape_cast %parallel_loop3A_929 : vector<1x16xf32> to vector<16xf32>
      %parallel_loop3A_931 = arith.index_cast %parallel_loop3A_926 : i32 to index
      %parallel_loop3A_932 = arith.constant 0 : index
      %parallel_loop3A_933 = tpu.vector_load %arg26[%parallel_loop3A_931, %parallel_loop3A_932] {strides = array<i32>} : memref<64x128xf32, #tpu.memory_space<vmem>>, vector<1x16xf32>,
      %parallel_loop3A_934 = vector.shape_cast %parallel_loop3A_933 : vector<1x16xf32> to vector<16xf32>
      %parallel_loop3A_935 = vector.shape_cast %parallel_loop3A_930 : vector<16xf32> to vector<1x16xf32>
      tpu.vector_store %arg26[%parallel_loop3A_931, %parallel_loop3A_932], %parallel_loop3A_935 {add = true, strides = array<i32>} : memref<64x128xf32, #tpu.memory_space<vmem>>, vector<1x16xf32>,
      %parallel_loop3A_936 = arith.index_cast %parallel_loop3A_926 : i32 to index
      %parallel_loop3A_937 = arith.constant 16 : index
      %parallel_loop3A_938 = tpu.vector_load %arg30[%parallel_loop3A_936, %parallel_loop3A_937] {strides = array<i32>} : memref<64x128xf32, #tpu.memory_space<vmem>>, vector<1x16xf32>,
      %parallel_loop3A_939 = vector.shape_cast %parallel_loop3A_938 : vector<1x16xf32> to vector<16xf32>
      %parallel_loop3A_940 = arith.index_cast %parallel_loop3A_926 : i32 to index
      %parallel_loop3A_941 = arith.constant 16 : index
      %parallel_loop3A_942 = tpu.vector_load %arg26[%parallel_loop3A_940, %parallel_loop3A_941] {strides = array<i32>} : memref<64x128xf32, #tpu.memory_space<vmem>>, vector<1x16xf32>,
      %parallel_loop3A_943 = vector.shape_cast %parallel_loop3A_942 : vector<1x16xf32> to vector<16xf32>
      %parallel_loop3A_944 = vector.shape_cast %parallel_loop3A_939 : vector<16xf32> to vector<1x16xf32>
      tpu.vector_store %arg26[%parallel_loop3A_940, %parallel_loop3A_941], %parallel_loop3A_944 {add = true, strides = array<i32>} : memref<64x128xf32, #tpu.memory_space<vmem>>, vector<1x16xf32>,
      %parallel_loop3A_945 = arith.index_cast %parallel_loop3A_926 : i32 to index
      %parallel_loop3A_946 = arith.constant 32 : index
      %parallel_loop3A_947 = tpu.vector_load %arg30[%parallel_loop3A_945, %parallel_loop3A_946] {strides = array<i32>} : memref<64x128xf32, #tpu.memory_space<vmem>>, vector<1x16xf32>,
      %parallel_loop3A_948 = vector.shape_cast %parallel_loop3A_947 : vector<1x16xf32> to vector<16xf32>
      %parallel_loop3A_949 = arith.index_cast %parallel_loop3A_926 : i32 to index
      %parallel_loop3A_950 = arith.constant 32 : index
      %parallel_loop3A_951 = tpu.vector_load %arg26[%parallel_loop3A_949, %parallel_loop3A_950] {strides = array<i32>} : memref<64x128xf32, #tpu.memory_space<vmem>>, vector<1x16xf32>,
      %parallel_loop3A_952 = vector.shape_cast %parallel_loop3A_951 : vector<1x16xf32> to vector<16xf32>
      %parallel_loop3A_953 = vector.shape_cast %parallel_loop3A_948 : vector<16xf32> to vector<1x16xf32>
      tpu.vector_store %arg26[%parallel_loop3A_949, %parallel_loop3A_950], %parallel_loop3A_953 {add = true, strides = array<i32>} : memref<64x128xf32, #tpu.memory_space<vmem>>, vector<1x16xf32>,
      %parallel_loop3A_954 = arith.index_cast %parallel_loop3A_926 : i32 to index
      %parallel_loop3A_955 = arith.constant 48 : index
      %parallel_loop3A_956 = tpu.vector_load %arg30[%parallel_loop3A_954, %parallel_loop3A_955] {strides = array<i32>} : memref<64x128xf32, #tpu.memory_space<vmem>>, vector<1x16xf32>,
      %parallel_loop3A_957 = vector.shape_cast %parallel_loop3A_956 : vector<1x16xf32> to vector<16xf32>
      %parallel_loop3A_958 = arith.index_cast %parallel_loop3A_926 : i32 to index
      %parallel_loop3A_959 = arith.constant 48 : index
      %parallel_loop3A_960 = tpu.vector_load %arg26[%parallel_loop3A_958, %parallel_loop3A_959] {strides = array<i32>} : memref<64x128xf32, #tpu.memory_space<vmem>>, vector<1x16xf32>,
      %parallel_loop3A_961 = vector.shape_cast %parallel_loop3A_960 : vector<1x16xf32> to vector<16xf32>
      %parallel_loop3A_962 = vector.shape_cast %parallel_loop3A_957 : vector<16xf32> to vector<1x16xf32>
      tpu.vector_store %arg26[%parallel_loop3A_958, %parallel_loop3A_959], %parallel_loop3A_962 {add = true, strides = array<i32>} : memref<64x128xf32, #tpu.memory_space<vmem>>, vector<1x16xf32>,
      %parallel_loop3A_963 = arith.index_cast %parallel_loop3A_926 : i32 to index
      %parallel_loop3A_964 = arith.constant 64 : index
      %parallel_loop3A_965 = tpu.vector_load %arg30[%parallel_loop3A_963, %parallel_loop3A_964] {strides = array<i32>} : memref<64x128xf32, #tpu.memory_space<vmem>>, vector<1x16xf32>,
      %parallel_loop3A_966 = vector.shape_cast %parallel_loop3A_965 : vector<1x16xf32> to vector<16xf32>
      %parallel_loop3A_967 = arith.index_cast %parallel_loop3A_926 : i32 to index
      %parallel_loop3A_968 = arith.constant 64 : index
      %parallel_loop3A_969 = tpu.vector_load %arg26[%parallel_loop3A_967, %parallel_loop3A_968] {strides = array<i32>} : memref<64x128xf32, #tpu.memory_space<vmem>>, vector<1x16xf32>,
      %parallel_loop3A_970 = vector.shape_cast %parallel_loop3A_969 : vector<1x16xf32> to vector<16xf32>
      %parallel_loop3A_971 = vector.shape_cast %parallel_loop3A_966 : vector<16xf32> to vector<1x16xf32>
      tpu.vector_store %arg26[%parallel_loop3A_967, %parallel_loop3A_968], %parallel_loop3A_971 {add = true, strides = array<i32>} : memref<64x128xf32, #tpu.memory_space<vmem>>, vector<1x16xf32>,
      %parallel_loop3A_972 = arith.index_cast %parallel_loop3A_926 : i32 to index
      %parallel_loop3A_973 = arith.constant 80 : index
      %parallel_loop3A_974 = tpu.vector_load %arg30[%parallel_loop3A_972, %parallel_loop3A_973] {strides = array<i32>} : memref<64x128xf32, #tpu.memory_space<vmem>>, vector<1x16xf32>,
      %parallel_loop3A_975 = vector.shape_cast %parallel_loop3A_974 : vector<1x16xf32> to vector<16xf32>
      %parallel_loop3A_976 = arith.index_cast %parallel_loop3A_926 : i32 to index
      %parallel_loop3A_977 = arith.constant 80 : index
      %parallel_loop3A_978 = tpu.vector_load %arg26[%parallel_loop3A_976, %parallel_loop3A_977] {strides = array<i32>} : memref<64x128xf32, #tpu.memory_space<vmem>>, vector<1x16xf32>,
      %parallel_loop3A_979 = vector.shape_cast %parallel_loop3A_978 : vector<1x16xf32> to vector<16xf32>
      %parallel_loop3A_980 = vector.shape_cast %parallel_loop3A_975 : vector<16xf32> to vector<1x16xf32>
      tpu.vector_store %arg26[%parallel_loop3A_976, %parallel_loop3A_977], %parallel_loop3A_980 {add = true, strides = array<i32>} : memref<64x128xf32, #tpu.memory_space<vmem>>, vector<1x16xf32>,
      %parallel_loop3A_981 = arith.index_cast %parallel_loop3A_926 : i32 to index
      %parallel_loop3A_982 = arith.constant 96 : index
      %parallel_loop3A_983 = tpu.vector_load %arg30[%parallel_loop3A_981, %parallel_loop3A_982] {strides = array<i32>} : memref<64x128xf32, #tpu.memory_space<vmem>>, vector<1x16xf32>,
      %parallel_loop3A_984 = vector.shape_cast %parallel_loop3A_983 : vector<1x16xf32> to vector<16xf32>
      %parallel_loop3A_985 = arith.index_cast %parallel_loop3A_926 : i32 to index
      %parallel_loop3A_986 = arith.constant 96 : index
      %parallel_loop3A_987 = tpu.vector_load %arg26[%parallel_loop3A_985, %parallel_loop3A_986] {strides = array<i32>} : memref<64x128xf32, #tpu.memory_space<vmem>>, vector<1x16xf32>,
      %parallel_loop3A_988 = vector.shape_cast %parallel_loop3A_987 : vector<1x16xf32> to vector<16xf32>
      %parallel_loop3A_989 = vector.shape_cast %parallel_loop3A_984 : vector<16xf32> to vector<1x16xf32>
      tpu.vector_store %arg26[%parallel_loop3A_985, %parallel_loop3A_986], %parallel_loop3A_989 {add = true, strides = array<i32>} : memref<64x128xf32, #tpu.memory_space<vmem>>, vector<1x16xf32>,
      %parallel_loop3A_990 = arith.index_cast %parallel_loop3A_926 : i32 to index
      %parallel_loop3A_991 = arith.constant 112 : index
      %parallel_loop3A_992 = tpu.vector_load %arg30[%parallel_loop3A_990, %parallel_loop3A_991] {strides = array<i32>} : memref<64x128xf32, #tpu.memory_space<vmem>>, vector<1x16xf32>,
      %parallel_loop3A_993 = vector.shape_cast %parallel_loop3A_992 : vector<1x16xf32> to vector<16xf32>
      %parallel_loop3A_994 = arith.index_cast %parallel_loop3A_926 : i32 to index
      %parallel_loop3A_995 = arith.constant 112 : index
      %parallel_loop3A_996 = tpu.vector_load %arg26[%parallel_loop3A_994, %parallel_loop3A_995] {strides = array<i32>} : memref<64x128xf32, #tpu.memory_space<vmem>>, vector<1x16xf32>,
      %parallel_loop3A_997 = vector.shape_cast %parallel_loop3A_996 : vector<1x16xf32> to vector<16xf32>
      %parallel_loop3A_998 = vector.shape_cast %parallel_loop3A_993 : vector<16xf32> to vector<1x16xf32>
      tpu.vector_store %arg26[%parallel_loop3A_994, %parallel_loop3A_995], %parallel_loop3A_998 {add = true, strides = array<i32>} : memref<64x128xf32, #tpu.memory_space<vmem>>, vector<1x16xf32>,
    } {sc.loop_unroll_factor = 4 : i64, sc.parallel_access}
    %dma_start3A_883 = arith.constant 0 : i32
    %dma_start3A_884 = tpu.memref_slice %arg7[%add3A_873, %dma_start3A_883] : memref<204800x128xf32, #tpu.memory_space<hbm>> -> memref<64x128xf32, #tpu.memory_space<hbm>>
    %dma_start3A_885 = arith.constant 0 : i32
    %dma_start3A_886 = tpu.memref_slice %arg7[%add3A_873, %dma_start3A_885] : memref<204800x128xf32, #tpu.memory_space<hbm>> -> memref<64x128xf32, #tpu.memory_space<hbm>>
    tpu.enqueue_dma source(%arg26 : memref<64x128xf32, #tpu.memory_space<vmem>>) target(%dma_start3A_886 : memref<64x128xf32, #tpu.memory_space<hbm>>) target_semaphore(%arg44 : memref<!tpu.dma_semaphore, #tpu.memory_space<semaphore_mem>>)
    %add3A_887 = arith.constant 6336 : i32
    %add3A_888 = arith.addi %mul3A_2, %add3A_887 : i32
    %dma_wait3A_889 = arith.constant 0 : i32
    %dma_wait3A_890 = arith.constant 0 : i32
    %dma_wait3A_891 = tpu.memref_slice %arg4[%dma_wait3A_889, %dma_wait3A_890] : memref<100000x128xf32, #tpu.memory_space<hbm>> -> memref<100000x128xf32, #tpu.memory_space<hbm>>
    tpu.wait_indirect_dma semaphore(%arg37 : memref<!tpu.dma_semaphore, #tpu.memory_space<semaphore_mem>>) src(%dma_wait3A_891 : memref<100000x128xf32, #tpu.memory_space<hbm>>) dst(%arg27 : memref<64x128xf32, #tpu.memory_space<vmem>>)
    %dma_wait3A_892 = arith.constant 0 : i32
    %dma_wait3A_893 = arith.constant 0 : i32
    %dma_wait3A_894 = tpu.memref_slice %arg8[%dma_wait3A_892, %dma_wait3A_893] : memref<608x128xf32, #tpu.memory_space<vmem_shared>> -> memref<608x128xf32, #tpu.memory_space<vmem_shared>>
    tpu.wait_indirect_dma semaphore(%arg41 : memref<!tpu.dma_semaphore, #tpu.memory_space<semaphore_mem>>) src(%dma_wait3A_894 : memref<608x128xf32, #tpu.memory_space<vmem_shared>>) dst(%arg31 : memref<64x128xf32, #tpu.memory_space<vmem>>)
    %parallel_loop3A_895 = arith.constant 0 : i32
    %parallel_loop3A_896 = arith.constant 64 : i32
    %parallel_loop3A_897 = arith.constant 1 : i32
    scf.for %parallel_loop3A_926 = %parallel_loop3A_895 to %parallel_loop3A_896 step %parallel_loop3A_897  : i32 {
      %parallel_loop3A_927 = arith.index_cast %parallel_loop3A_926 : i32 to index
      %parallel_loop3A_928 = arith.constant 0 : index
      %parallel_loop3A_929 = tpu.vector_load %arg31[%parallel_loop3A_927, %parallel_loop3A_928] {strides = array<i32>} : memref<64x128xf32, #tpu.memory_space<vmem>>, vector<1x16xf32>,
      %parallel_loop3A_930 = vector.shape_cast %parallel_loop3A_929 : vector<1x16xf32> to vector<16xf32>
      %parallel_loop3A_931 = arith.index_cast %parallel_loop3A_926 : i32 to index
      %parallel_loop3A_932 = arith.constant 0 : index
      %parallel_loop3A_933 = tpu.vector_load %arg27[%parallel_loop3A_931, %parallel_loop3A_932] {strides = array<i32>} : memref<64x128xf32, #tpu.memory_space<vmem>>, vector<1x16xf32>,
      %parallel_loop3A_934 = vector.shape_cast %parallel_loop3A_933 : vector<1x16xf32> to vector<16xf32>
      %parallel_loop3A_935 = vector.shape_cast %parallel_loop3A_930 : vector<16xf32> to vector<1x16xf32>
      tpu.vector_store %arg27[%parallel_loop3A_931, %parallel_loop3A_932], %parallel_loop3A_935 {add = true, strides = array<i32>} : memref<64x128xf32, #tpu.memory_space<vmem>>, vector<1x16xf32>,
      %parallel_loop3A_936 = arith.index_cast %parallel_loop3A_926 : i32 to index
      %parallel_loop3A_937 = arith.constant 16 : index
      %parallel_loop3A_938 = tpu.vector_load %arg31[%parallel_loop3A_936, %parallel_loop3A_937] {strides = array<i32>} : memref<64x128xf32, #tpu.memory_space<vmem>>, vector<1x16xf32>,
      %parallel_loop3A_939 = vector.shape_cast %parallel_loop3A_938 : vector<1x16xf32> to vector<16xf32>
      %parallel_loop3A_940 = arith.index_cast %parallel_loop3A_926 : i32 to index
      %parallel_loop3A_941 = arith.constant 16 : index
      %parallel_loop3A_942 = tpu.vector_load %arg27[%parallel_loop3A_940, %parallel_loop3A_941] {strides = array<i32>} : memref<64x128xf32, #tpu.memory_space<vmem>>, vector<1x16xf32>,
      %parallel_loop3A_943 = vector.shape_cast %parallel_loop3A_942 : vector<1x16xf32> to vector<16xf32>
      %parallel_loop3A_944 = vector.shape_cast %parallel_loop3A_939 : vector<16xf32> to vector<1x16xf32>
      tpu.vector_store %arg27[%parallel_loop3A_940, %parallel_loop3A_941], %parallel_loop3A_944 {add = true, strides = array<i32>} : memref<64x128xf32, #tpu.memory_space<vmem>>, vector<1x16xf32>,
      %parallel_loop3A_945 = arith.index_cast %parallel_loop3A_926 : i32 to index
      %parallel_loop3A_946 = arith.constant 32 : index
      %parallel_loop3A_947 = tpu.vector_load %arg31[%parallel_loop3A_945, %parallel_loop3A_946] {strides = array<i32>} : memref<64x128xf32, #tpu.memory_space<vmem>>, vector<1x16xf32>,
      %parallel_loop3A_948 = vector.shape_cast %parallel_loop3A_947 : vector<1x16xf32> to vector<16xf32>
      %parallel_loop3A_949 = arith.index_cast %parallel_loop3A_926 : i32 to index
      %parallel_loop3A_950 = arith.constant 32 : index
      %parallel_loop3A_951 = tpu.vector_load %arg27[%parallel_loop3A_949, %parallel_loop3A_950] {strides = array<i32>} : memref<64x128xf32, #tpu.memory_space<vmem>>, vector<1x16xf32>,
      %parallel_loop3A_952 = vector.shape_cast %parallel_loop3A_951 : vector<1x16xf32> to vector<16xf32>
      %parallel_loop3A_953 = vector.shape_cast %parallel_loop3A_948 : vector<16xf32> to vector<1x16xf32>
      tpu.vector_store %arg27[%parallel_loop3A_949, %parallel_loop3A_950], %parallel_loop3A_953 {add = true, strides = array<i32>} : memref<64x128xf32, #tpu.memory_space<vmem>>, vector<1x16xf32>,
      %parallel_loop3A_954 = arith.index_cast %parallel_loop3A_926 : i32 to index
      %parallel_loop3A_955 = arith.constant 48 : index
      %parallel_loop3A_956 = tpu.vector_load %arg31[%parallel_loop3A_954, %parallel_loop3A_955] {strides = array<i32>} : memref<64x128xf32, #tpu.memory_space<vmem>>, vector<1x16xf32>,
      %parallel_loop3A_957 = vector.shape_cast %parallel_loop3A_956 : vector<1x16xf32> to vector<16xf32>
      %parallel_loop3A_958 = arith.index_cast %parallel_loop3A_926 : i32 to index
      %parallel_loop3A_959 = arith.constant 48 : index
      %parallel_loop3A_960 = tpu.vector_load %arg27[%parallel_loop3A_958, %parallel_loop3A_959] {strides = array<i32>} : memref<64x128xf32, #tpu.memory_space<vmem>>, vector<1x16xf32>,
      %parallel_loop3A_961 = vector.shape_cast %parallel_loop3A_960 : vector<1x16xf32> to vector<16xf32>
      %parallel_loop3A_962 = vector.shape_cast %parallel_loop3A_957 : vector<16xf32> to vector<1x16xf32>
      tpu.vector_store %arg27[%parallel_loop3A_958, %parallel_loop3A_959], %parallel_loop3A_962 {add = true, strides = array<i32>} : memref<64x128xf32, #tpu.memory_space<vmem>>, vector<1x16xf32>,
      %parallel_loop3A_963 = arith.index_cast %parallel_loop3A_926 : i32 to index
      %parallel_loop3A_964 = arith.constant 64 : index
      %parallel_loop3A_965 = tpu.vector_load %arg31[%parallel_loop3A_963, %parallel_loop3A_964] {strides = array<i32>} : memref<64x128xf32, #tpu.memory_space<vmem>>, vector<1x16xf32>,
      %parallel_loop3A_966 = vector.shape_cast %parallel_loop3A_965 : vector<1x16xf32> to vector<16xf32>
      %parallel_loop3A_967 = arith.index_cast %parallel_loop3A_926 : i32 to index
      %parallel_loop3A_968 = arith.constant 64 : index
      %parallel_loop3A_969 = tpu.vector_load %arg27[%parallel_loop3A_967, %parallel_loop3A_968] {strides = array<i32>} : memref<64x128xf32, #tpu.memory_space<vmem>>, vector<1x16xf32>,
      %parallel_loop3A_970 = vector.shape_cast %parallel_loop3A_969 : vector<1x16xf32> to vector<16xf32>
      %parallel_loop3A_971 = vector.shape_cast %parallel_loop3A_966 : vector<16xf32> to vector<1x16xf32>
      tpu.vector_store %arg27[%parallel_loop3A_967, %parallel_loop3A_968], %parallel_loop3A_971 {add = true, strides = array<i32>} : memref<64x128xf32, #tpu.memory_space<vmem>>, vector<1x16xf32>,
      %parallel_loop3A_972 = arith.index_cast %parallel_loop3A_926 : i32 to index
      %parallel_loop3A_973 = arith.constant 80 : index
      %parallel_loop3A_974 = tpu.vector_load %arg31[%parallel_loop3A_972, %parallel_loop3A_973] {strides = array<i32>} : memref<64x128xf32, #tpu.memory_space<vmem>>, vector<1x16xf32>,
      %parallel_loop3A_975 = vector.shape_cast %parallel_loop3A_974 : vector<1x16xf32> to vector<16xf32>
      %parallel_loop3A_976 = arith.index_cast %parallel_loop3A_926 : i32 to index
      %parallel_loop3A_977 = arith.constant 80 : index
      %parallel_loop3A_978 = tpu.vector_load %arg27[%parallel_loop3A_976, %parallel_loop3A_977] {strides = array<i32>} : memref<64x128xf32, #tpu.memory_space<vmem>>, vector<1x16xf32>,
      %parallel_loop3A_979 = vector.shape_cast %parallel_loop3A_978 : vector<1x16xf32> to vector<16xf32>
      %parallel_loop3A_980 = vector.shape_cast %parallel_loop3A_975 : vector<16xf32> to vector<1x16xf32>
      tpu.vector_store %arg27[%parallel_loop3A_976, %parallel_loop3A_977], %parallel_loop3A_980 {add = true, strides = array<i32>} : memref<64x128xf32, #tpu.memory_space<vmem>>, vector<1x16xf32>,
      %parallel_loop3A_981 = arith.index_cast %parallel_loop3A_926 : i32 to index
      %parallel_loop3A_982 = arith.constant 96 : index
      %parallel_loop3A_983 = tpu.vector_load %arg31[%parallel_loop3A_981, %parallel_loop3A_982] {strides = array<i32>} : memref<64x128xf32, #tpu.memory_space<vmem>>, vector<1x16xf32>,
      %parallel_loop3A_984 = vector.shape_cast %parallel_loop3A_983 : vector<1x16xf32> to vector<16xf32>
      %parallel_loop3A_985 = arith.index_cast %parallel_loop3A_926 : i32 to index
      %parallel_loop3A_986 = arith.constant 96 : index
      %parallel_loop3A_987 = tpu.vector_load %arg27[%parallel_loop3A_985, %parallel_loop3A_986] {strides = array<i32>} : memref<64x128xf32, #tpu.memory_space<vmem>>, vector<1x16xf32>,
      %parallel_loop3A_988 = vector.shape_cast %parallel_loop3A_987 : vector<1x16xf32> to vector<16xf32>
      %parallel_loop3A_989 = vector.shape_cast %parallel_loop3A_984 : vector<16xf32> to vector<1x16xf32>
      tpu.vector_store %arg27[%parallel_loop3A_985, %parallel_loop3A_986], %parallel_loop3A_989 {add = true, strides = array<i32>} : memref<64x128xf32, #tpu.memory_space<vmem>>, vector<1x16xf32>,
      %parallel_loop3A_990 = arith.index_cast %parallel_loop3A_926 : i32 to index
      %parallel_loop3A_991 = arith.constant 112 : index
      %parallel_loop3A_992 = tpu.vector_load %arg31[%parallel_loop3A_990, %parallel_loop3A_991] {strides = array<i32>} : memref<64x128xf32, #tpu.memory_space<vmem>>, vector<1x16xf32>,
      %parallel_loop3A_993 = vector.shape_cast %parallel_loop3A_992 : vector<1x16xf32> to vector<16xf32>
      %parallel_loop3A_994 = arith.index_cast %parallel_loop3A_926 : i32 to index
      %parallel_loop3A_995 = arith.constant 112 : index
      %parallel_loop3A_996 = tpu.vector_load %arg27[%parallel_loop3A_994, %parallel_loop3A_995] {strides = array<i32>} : memref<64x128xf32, #tpu.memory_space<vmem>>, vector<1x16xf32>,
      %parallel_loop3A_997 = vector.shape_cast %parallel_loop3A_996 : vector<1x16xf32> to vector<16xf32>
      %parallel_loop3A_998 = vector.shape_cast %parallel_loop3A_993 : vector<16xf32> to vector<1x16xf32>
      tpu.vector_store %arg27[%parallel_loop3A_994, %parallel_loop3A_995], %parallel_loop3A_998 {add = true, strides = array<i32>} : memref<64x128xf32, #tpu.memory_space<vmem>>, vector<1x16xf32>,
    } {sc.loop_unroll_factor = 4 : i64, sc.parallel_access}
    %dma_start3A_898 = arith.constant 0 : i32
    %dma_start3A_899 = tpu.memref_slice %arg7[%add3A_888, %dma_start3A_898] : memref<204800x128xf32, #tpu.memory_space<hbm>> -> memref<64x128xf32, #tpu.memory_space<hbm>>
    %dma_start3A_900 = arith.constant 0 : i32
    %dma_start3A_901 = tpu.memref_slice %arg7[%add3A_888, %dma_start3A_900] : memref<204800x128xf32, #tpu.memory_space<hbm>> -> memref<64x128xf32, #tpu.memory_space<hbm>>
    tpu.enqueue_dma source(%arg27 : memref<64x128xf32, #tpu.memory_space<vmem>>) target(%dma_start3A_901 : memref<64x128xf32, #tpu.memory_space<hbm>>) target_semaphore(%arg45 : memref<!tpu.dma_semaphore, #tpu.memory_space<semaphore_mem>>)
    %dma_wait3A_902 = arith.constant 0 : i32
    %dma_wait3A_903 = arith.constant 0 : i32
    %dma_wait3A_904 = tpu.memref_slice %arg7[%dma_wait3A_902, %dma_wait3A_903] : memref<204800x128xf32, #tpu.memory_space<hbm>> -> memref<64x128xf32, #tpu.memory_space<hbm>>
    %dma_wait3A_905 = arith.constant 0 : i32
    %dma_wait3A_906 = arith.constant 0 : i32
    %dma_wait3A_907 = tpu.memref_slice %arg7[%dma_wait3A_905, %dma_wait3A_906] : memref<204800x128xf32, #tpu.memory_space<hbm>> -> memref<64x128xf32, #tpu.memory_space<hbm>>
    tpu.wait_dma2 semaphore(%arg42 : memref<!tpu.dma_semaphore, #tpu.memory_space<semaphore_mem>>) src(%arg24 : memref<64x128xf32, #tpu.memory_space<vmem>>) dst(%dma_wait3A_907 : memref<64x128xf32, #tpu.memory_space<hbm>>)
    %dma_wait3A_908 = arith.constant 0 : i32
    %dma_wait3A_909 = arith.constant 0 : i32
    %dma_wait3A_910 = tpu.memref_slice %arg7[%dma_wait3A_908, %dma_wait3A_909] : memref<204800x128xf32, #tpu.memory_space<hbm>> -> memref<64x128xf32, #tpu.memory_space<hbm>>
    %dma_wait3A_911 = arith.constant 0 : i32
    %dma_wait3A_912 = arith.constant 0 : i32
    %dma_wait3A_913 = tpu.memref_slice %arg7[%dma_wait3A_911, %dma_wait3A_912] : memref<204800x128xf32, #tpu.memory_space<hbm>> -> memref<64x128xf32, #tpu.memory_space<hbm>>
    tpu.wait_dma2 semaphore(%arg43 : memref<!tpu.dma_semaphore, #tpu.memory_space<semaphore_mem>>) src(%arg25 : memref<64x128xf32, #tpu.memory_space<vmem>>) dst(%dma_wait3A_913 : memref<64x128xf32, #tpu.memory_space<hbm>>)
    %dma_wait3A_914 = arith.constant 0 : i32
    %dma_wait3A_915 = arith.constant 0 : i32
    %dma_wait3A_916 = tpu.memref_slice %arg7[%dma_wait3A_914, %dma_wait3A_915] : memref<204800x128xf32, #tpu.memory_space<hbm>> -> memref<64x128xf32, #tpu.memory_space<hbm>>
    %dma_wait3A_917 = arith.constant 0 : i32
    %dma_wait3A_918 = arith.constant 0 : i32
    %dma_wait3A_919 = tpu.memref_slice %arg7[%dma_wait3A_917, %dma_wait3A_918] : memref<204800x128xf32, #tpu.memory_space<hbm>> -> memref<64x128xf32, #tpu.memory_space<hbm>>
    tpu.wait_dma2 semaphore(%arg44 : memref<!tpu.dma_semaphore, #tpu.memory_space<semaphore_mem>>) src(%arg26 : memref<64x128xf32, #tpu.memory_space<vmem>>) dst(%dma_wait3A_919 : memref<64x128xf32, #tpu.memory_space<hbm>>)
    %dma_wait3A_920 = arith.constant 0 : i32
    %dma_wait3A_921 = arith.constant 0 : i32
    %dma_wait3A_922 = tpu.memref_slice %arg7[%dma_wait3A_920, %dma_wait3A_921] : memref<204800x128xf32, #tpu.memory_space<hbm>> -> memref<64x128xf32, #tpu.memory_space<hbm>>
    %dma_wait3A_923 = arith.constant 0 : i32
    %dma_wait3A_924 = arith.constant 0 : i32
    %dma_wait3A_925 = tpu.memref_slice %arg7[%dma_wait3A_923, %dma_wait3A_924] : memref<204800x128xf32, #tpu.memory_space<hbm>> -> memref<64x128xf32, #tpu.memory_space<hbm>>
    tpu.wait_dma2 semaphore(%arg45 : memref<!tpu.dma_semaphore, #tpu.memory_space<semaphore_mem>>) src(%arg27 : memref<64x128xf32, #tpu.memory_space<vmem>>) dst(%dma_wait3A_925 : memref<64x128xf32, #tpu.memory_space<hbm>>)
    return
  }
}

</mosaic_0001>

<sc_bundles>
// kernel: kernel.3.cloned.1.call-start
scs
__scs_entry_jumppad:
0x0: {  	(pc) =	sbr.rel $0x88, $3  }
0x1: {  	(tag) =	ssettag $0x0;
	lr =	simm.s32 $0x1  }
0x2: {  	[smem:$0x3F9C] =	sst lr;
	_ =	strace $0xD0000000  }
0x3: {  	_ = 	snop  }
0x4: {  	_ = 	snop  }
0x5: {  	_ = 	snop  }
0x6: {  	_ = 	snop  }
0x7: {  	_ = 	snop  }
__scs_overlays_trampoline_lowered:
0x8: {  	[smem:$0x3FAB] =	sst s0  }
0x9: {  	[smem:$0x3FAC] =	sst s1  }
0xa: {  	[smem:$0x3FAD] =	sst s2  }
0xb: {  	[smem:$0x3FAE] =	sst s3  }
0xc: {  	[smem:$0x3FAF] =	sst s4  }
0xd: {  	[smem:$0x3FB0] =	sst s5  }
0xe: {  	[smem:$0x3FB1] =	sst s6  }
0xf: {  	[smem:$0x3FB2] =	sst s7  }
0x10: {  	[smem:$0x3FB3] =	sst s8  }
0x11: {  	[smem:$0x3FB4] =	sst s9;
	s0 =	simm.s32 @!p0 $0x0  }
0x12: {  	s1 =	sld [smem:$0x3F9A];
	s0 =	simm.s32 @p0 $0x1  }
0x13: {  	[smem:$0x3FB5] =	sst s0;
	s0 =	simm.s32 @!p1 $0x0  }
0x14: {  	s2 =	sld [smem:$0x3F99];
	s0 =	simm.s32 @p1 $0x1  }
0x15: {  	[smem:$0x3FB6] =	sst s0;
	s0 =	simm.s32 @!p2 $0x0  }
0x16: {  	s3 =	sld [smem:$0x3FDB];
	s0 =	simm.s32 @p2 $0x1  }
0x17: {  	s4 =	simm.s32 $0x1BF5;
	[smem:$0x3FB8] =	sst s0  }
0x18: {  	s0 =	sld [smem:$0x3F9B];
	_ =	swait.ge [sflag:s4], $0x0  }
0x19: {  	s7 =	sld [smem:$0x3F9C]  }
0x1a: {  	s8 =	sadd.s32 $0xFFFFE003, lr  }
0x1b: {  	s9 =	sadd.s32 $0xFFFFFEF7, lr;
	s5 =	simm.s32 $0xFFFFFFFF;
	p2 =	slt.u32 s8, $0xFFFFF086  }
0x1c: {  	p1 =	slt.u32 s9, $0xF7A;
	s5 =	simm.s32 @!p2 $0x0  }
0x1d: {  	s5 =	simm.s32 @p1 $0x1;
	p0 =	seq.s32 s7, s2  }
0x1e: {  	s7 =	smul.u32 @!p0 $0xF7A, s2;
	p2 =	seq.s32 @!p0 s5, $0x0  }
0x1f: {  	s9 =	smul.u32 $0xF7A, s1;
	s8 =	simm.s32 @!p0 $0x1BF5;
	p2 =	por !p2, p0  }
0x20: {  	[sflag:s8] =	ssyncset.s32 @!p0 $0xFFFFF086;
	s6 =	sadd.s32 @!p0 s3, s7;
	s7 =	simm.s32 @!p0 $0x108  }
0x21: {  	s3 =	sadd.s32 s3, s9;
	s6 =	sadd.s32 @!p0 $0x88, s6;
	s7 =	simm.s32 @p2 $0x1082  }
0x22: {  	[simem:s7], [sflag:s8] =	dma.local @!p0 [hbm:s6], $0xF7A  }
0x23: {  	s9 =	sor.u32 $0xD0000000, s2;
	s6 =	simm.s32 $0x108;
	_ =	swait.ge @!p0 [sflag:s8], $0x0  }
0x24: {  	s3 =	sadd.s32 $0x88, s3;
	s6 =	simm.s32 @!p1 $0x1082;
	[sflag:s4] =	ssyncset.s32 $0xFFFFF086  }
0x25: {  	[simem:s6], [sflag:s4] =	dma.local [hbm:s3], $0xF7A  }
0x26: {  	[smem:$0x3F9C] =	sst s1;
	(tag) =	ssettag s2;
	_ =	strace s9  }
0x27: {  	s1 =	sld [smem:$0x3FAC]  }
0x28: {  	s2 =	sld [smem:$0x3FAD]  }
0x29: {  	s4 =	sld [smem:$0x3FAF]  }
0x2a: {  	p0 =	seq.s32 s5, $0x0;
	s5 =	sld [smem:$0x3FB0]  }
0x2b: {  	s6 =	sld [smem:$0x3FB1]  }
0x2c: {  	s7 =	sld [smem:$0x3FB2]  }
0x2d: {  	s3 =	simm.s32 $0x108;
	s8 =	sld [smem:$0x3FB3]  }
0x2e: {  	s3 =	simm.s32 @!p0 $0x1082;
	s9 =	sld [smem:$0x3FB4]  }
0x2f: {  	lr =	sadd.s32 s0, s3;
	s0 =	sld [smem:$0x3FAB]  }
0x30: {  	s3 =	sld [smem:$0x3FAE]  }
0x31: {  	[smem:$0x3FB7] =	sst s10  }
0x32: {  	s10 =	sld [smem:$0x3FB5];
	_ =	sdelay $0x3  }
0x33: {  	p0 =	seq.s32 s10, $0x1;
	s10 =	sld [smem:$0x3FB7];
	_ =	sdelay $0x3  }
0x34: {  	[smem:$0x3FB7] =	sst s10  }
0x35: {  	s10 =	sld [smem:$0x3FB6];
	_ =	sdelay $0x3  }
0x36: {  	p1 =	seq.s32 s10, $0x1;
	s10 =	sld [smem:$0x3FB7];
	_ =	sdelay $0x3  }
0x37: {  	[smem:$0x3FB7] =	sst s10  }
0x38: {  	s10 =	sld [smem:$0x3FB8]  }
0x39: {  	_ = 	snop;
	(pc) =	sbr.ind lr, $3  }
0x3a: {  	_ = 	snop  }
0x3b: {  	_ = 	snop  }
0x3c: {  	p2 =	seq.s32 s10, $0x1;
	s10 =	sld [smem:$0x3FB7]  }
0x3d: {  	_ =	shalt  }
0x3e: {  	_ =	shalt  }
0x3f: {  	_ =	shalt  }
0x40: {  	_ =	shalt  }
0x41: {  	_ =	shalt  }
0x42: {  	_ =	shalt  }
0x43: {  	_ =	shalt  }
0x44: {  	_ =	shalt  }
0x45: {  	_ =	shalt  }
0x46: {  	_ =	shalt  }
0x47: {  	_ =	shalt  }
0x48: {  	_ =	shalt  }
0x49: {  	_ =	shalt  }
0x4a: {  	_ =	shalt  }
0x4b: {  	_ =	shalt  }
0x4c: {  	_ =	shalt  }
0x4d: {  	_ =	shalt  }
0x4e: {  	_ =	shalt  }
0x4f: {  	_ =	shalt  }
0x50: {  	_ =	shalt  }
0x51: {  	_ =	shalt  }
0x52: {  	_ =	shalt  }
0x53: {  	_ =	shalt  }
0x54: {  	_ =	shalt  }
0x55: {  	_ =	shalt  }
0x56: {  	_ =	shalt  }
0x57: {  	_ =	shalt  }
0x58: {  	_ =	shalt  }
0x59: {  	_ =	shalt  }
0x5a: {  	_ =	shalt  }
0x5b: {  	_ =	shalt  }
0x5c: {  	_ =	shalt  }
0x5d: {  	_ =	shalt  }
0x5e: {  	_ =	shalt  }
0x5f: {  	_ =	shalt  }
0x60: {  	_ =	shalt  }
0x61: {  	_ =	shalt  }
0x62: {  	_ =	shalt  }
0x63: {  	_ =	shalt  }
0x64: {  	_ =	shalt  }
0x65: {  	_ =	shalt  }
0x66: {  	_ =	shalt  }
0x67: {  	_ =	shalt  }
0x68: {  	_ =	shalt  }
0x69: {  	_ =	shalt  }
0x6a: {  	_ =	shalt  }
0x6b: {  	_ =	shalt  }
0x6c: {  	_ =	shalt  }
0x6d: {  	_ =	shalt  }
0x6e: {  	_ =	shalt  }
0x6f: {  	_ =	shalt  }
0x70: {  	_ =	shalt  }
0x71: {  	_ =	shalt  }
0x72: {  	_ =	shalt  }
0x73: {  	_ =	shalt  }
0x74: {  	_ =	shalt  }
0x75: {  	_ =	shalt  }
0x76: {  	_ =	shalt  }
0x77: {  	_ =	shalt  }
0x78: {  	_ =	shalt  }
0x79: {  	_ =	shalt  }
0x7a: {  	_ =	shalt  }
0x7b: {  	_ =	shalt  }
0x7c: {  	_ =	shalt  }
0x7d: {  	_ =	shalt  }
0x7e: {  	_ =	shalt  }
0x7f: {  	_ =	shalt  }
0x80: {  	_ =	shalt  }
0x81: {  	_ =	shalt  }
0x82: {  	_ =	shalt  }
0x83: {  	_ =	shalt  }
0x84: {  	_ =	shalt  }
0x85: {  	_ =	shalt  }
0x86: {  	_ =	shalt  }
0x87: {  	_ =	shalt  }
.Lfunc_end0:
.L_simem_size_0:
called_computation_lowered:
.L_overlay_start_0:
0x88: {  	s2 =	sld [smem:$0x3FD9]  }
0x89: {  	s3 =	sld [smem:$0x3FFE];
	_ =	sdelay $0x1  }
0x8a: {  	s1 =	srdreg.scid  }
0x8b: {  	s0 =	sand.u32 $0x1, s1  }
0x8c: {  	s17 =	sshll.u32 s0, $0xA;
	s2 =	sadd.s32 s3, s2  }
0x8d: {  	s2 =	sadd.s32 s2, s17  }
0x8e: {  	[smem:$0x3FC3] =	sst s2  }
0x8f: {  	_ = 	snop  }
0x90: {  	s2 =	sld [smem:$0x3FC7]  }
0x91: {  	s18 =	sld [smem:$0x3FC6]  }
0x92: {  	s4 =	sld [smem:$0x3FD0];
	(tm) =	ssettm $0x1  }
0x93: {  	s5 =	sld [smem:$0x3FFB];
	_ =	sdelay $0x3  }
0x94: {  	_ =	strace s5  }
0x95: {  	s5 =	sld [smem:$0x3FFC];
	_ =	sdelay $0x3  }
0x96: {  	_ =	strace s5  }
0x97: {  	s5 =	sld [smem:$0x3FFD];
	_ =	sdelay $0x3  }
0x98: {  	_ =	strace s5  }
0x99: {  	_ =	strace $0x8FFFFFFF  }
0x9a: {  	s19 =	sld [smem:$0x3FDB];
	_ =	sdelay $0x1  }
0x9b: {  	s6 =	simm.s32 $_scs_section_size  }
0x9c: {  	s7 =	simm.s32 $_size__tile_overlayer_lowered;
	s8 =	simm.s32 $_tile_overlayer_lowered  }
0x9d: {  	s22 =	simm.s32 $0x1BFF;
	s21 =	sshll.u32 s8, $0x1;
	s5 =	sadd.s32 s6, s19  }
0x9e: {  	s9 =	simm.s32 $0x0;
	s20 =	sshll.u32 s7, $0x1;
	s7 =	sadd.s32 s21, s5  }
0x9f: {  	[timem:s9], [sflag:s22] =	dma.local [hbm:s7], s20  }
0xa0: {  	_ =	swait.ge [sflag:s22], s20  }
0xa1: {  	s6 =	ssub.s32 $0x0, s20;
	[sflag:s22] =	ssyncset.done $0x0  }
0xa2: {  	[sflag:s22] =	ssyncadd.s32 s6;
	_ =	sdelay $0x1  }
0xa3: {  	s23 =	simm.s32 $0x1B8B  }
0xa4: {  	_ =	swait.ge [sflag:s23], $0x1  }
0xa5: {  	[sflag:s23] =	ssyncset.done $0x0  }
0xa6: {  	s25 =	simm.s32 $0x1B8E;
	s24 =	sld [smem:$0x3FFE];
	[sflag:s23] =	ssyncadd.s32 $0xFFFFFFFF  }
0xa7: {  	s26 =	simm.s32 $execute0_lowered;
	[smem:$0x3FD2] =	sst s25  }
0xa8: {  	s7 =	sshll.u32 s26, $0x1;
	_ =	strace $0x80000046;
	[dreg:$0x1] =	wrdreg $0xFFFFFFFF  }
0xa9: {  	s28 =	simm.s32 $_size_execute0_lowered;
	s5 =	sadd.s32 s5, s7;
	[dreg:$0x0] =	wrdreg $0x0  }
0xaa: {  	s7 =	sshll.u32 s28, $0x1;
	[dreg:$0x2] =	wrdreg s5  }
0xab: {  	[dreg:$0x3] =	wrdreg s7  }
0xac: {  	[dreg:$0x4] =	wrdreg $0xC0  }
0xad: {  	_ =	task [dreg:s9], $0x5FFFF  }
0xae: {  	[dreg:$0x1] =	wrdreg $0xFFFFFFFF  }
0xaf: {  	[dreg:$0x0] =	wrdreg $0x60  }
0xb0: {  	[dreg:$0x2] =	wrdreg s24  }
0xb1: {  	[dreg:$0x3] =	wrdreg s2  }
0xb2: {  	[dreg:$0x4] =	wrdreg s18  }
0xb3: {  	[dreg:$0x5] =	wrdreg s4  }
0xb4: {  	[dreg:$0x6] =	wrdreg $0x0  }
0xb5: {  	[dreg:$0x7] =	wrdreg $0x9  }
0xb6: {  	_ =	task.clear_ibuf [dreg:s9], $0x8FFFF;
	_ =	strace $0x90000046  }
0xb7: {  	s29 =	simm.s32 $0x9;
	_ =	strace $0x80000048  }
0xb8: {  	_ =	swait.ge [sflag:s29], $0x1  }
0xb9: {  	[sflag:s29] =	ssyncadd.s32 $0xFFFFFFFF  }
0xba: {  	_ =	strace $0x90000048  }
0xbb: {  	_ =	sfence  }
0xbc: {  	s30 =	sld [smem:$0x0];
	_ =	sdelay $0x2  }
0xbd: {  	s31 =	sshll.u32 s1, $0xD;
	s1 =	sshrl.u32 s1, $0x2  }
0xbe: {  	s3 =	sand.u32 $0x4000, s31;
	s1 =	sadd.s32 s1, s30  }
0xbf: {  	s0 =	sor.u32 s3, s0;
	s1 =	sshll.u32 s1, $0x11  }
0xc0: {  	s0 =	sor.u32 s1, s0  }
0xc1: {  	s0 =	sadd.s32 $0x8F2B, s0  }
0xc2: {  	[sflag:s0] =	ssyncadd.remote.s32 $0x1  }
0xc3: {  	_ =	sfence.sel $0xFFFF  }
0xc4: {  	[dreg:$0x0] =	wrdreg $0xFFFFFFFF;
	(pc) =	sbr.abs _section_cstart, $3  }
0xc5: {  	[dreg:$0x1] =	wrdreg $0xFFFFFFFF  }
0xc6: {  	_ =	task.clear_ibuf [dreg:s9], $0x2FFFF;
	_ =	strace $0x9FFFFFFF  }
0xc7: {  	(tm) =	ssettm $0x7FFFFFFF  }
tec
execute0_lowered:
.L_overlay_start_1:
0x0: {  	(tag) =	ssettag $0x1  }
0x1: {  	s0 =	srdreg.scid;
	s15 =	stileid.u32  }
0x2: {  	s1 =	sand.u32 $0x1, s0;
	s17 =	sshll.u32 s15, $0x1  }
0x3: {  	s0 =	sor.u32 s1, s17  }
0x4: {  	s4 =	rddreg [dreg:$0x0];
	s16 =	smul.u32 $0x1900, s0  }
0x5: {  	v0 =	vlaneseq.u32;
	s3 =	rddreg [dreg:$0x1]  }
0x6: {  	s5 =	rddreg [dreg:$0x3];
	v1 =	vor.u32 s16, v0;
	s2 =	sor.u32 $0x10, s16  }
0x7: {  	s7 =	rddreg [dreg:$0x4];
	s8 =	simm.s32 $0x0;
	s18 =	sor.u32 $0x20, s16;
	v2 =	vmulhi.u32 $0x51EB851F, v1;
	v3 =	vor.u32 s2, v0  }
0x8: {  	[smem:$0x7FF] =	sst s8;
	s9 =	sadd.s32 $0x1200, s4;
	s19 =	sor.u32 $0x30, s16;
	v5 =	vor.u32 s18, v0;
	v4 =	vmulhi.u32 $0x51EB851F, v3  }
0x9: {  	s10 =	sadd.s32 $0x7600, s4;
	s4 =	sadd.s32 $0x400, s4;
	s17 =	sor.u32 $0x40, s16;
	v7 =	vor.u32 s19, v0;
	v6 =	vmulhi.u32 $0x51EB851F, v5  }
0xa: {  	_ =	strace $0x80000047;
	s1 =	ssub.s32 $0x2, s1;
	s20 =	sor.u32 $0x50, s16;
	v9 =	vor.u32 s17, v0;
	v8 =	vmulhi.u32 $0x51EB851F, v7  }
0xb: {  	[dreg:$0x8] =	wrdreg s4;
	s25 =	sshrl.u32 s1, $0x1;
	s6 =	sor.u32 $0x90, s16;
	v11 =	vor.u32 s20, v0;
	v10 =	vmulhi.u32 $0x51EB851F, v9  }
0xc: {  	s1 =	ssub.s32 s1, s25;
	s23 =	sor.u32 $0xA0, s16;
	s4 =	sor.u32 $0xC0, s16;
	v13 =	vor.u32 s6, v0;
	v12 =	vmulhi.u32 $0x51EB851F, v11  }
0xd: {  	s11 =	sshrl.u32 s16, $0x3;
	s12 =	sor.u32 $0xD0, s16;
	s14 =	sor.u32 $0xF0, s16;
	v15 =	vor.u32 s23, v0;
	v16 =	vor.u32 s4, v0;
	v14 =	vmulhi.u32 $0x51EB851F, v13  }
0xe: {  	s25 =	sadd.s32 $0x18B0, s16;
	s26 =	sadd.s32 s9, s11;
	v18 =	vor.u32 s12, v0;
	s18 =	sadd.s32 $0x110, s16;
	v19 =	vor.u32 s14, v0;
	v17 =	vmulhi.u32 $0x51EB851F, v16  }
0xf: {  	s29 =	sshrl.u32 s17, $0x3;
	s19 =	sadd.s32 $0x130, s16;
	s20 =	sadd.s32 $0x150, s16;
	v28 =	vor.u32 s25, v0;
	v20 =	vor.u32 s18, v0;
	v33 =	vmulhi.u32 $0x51EB851F, v19  }
0x10: {  	s23 =	sadd.s32 $0x1890, s16;
	[dreg:$0x9] =	wrdreg s26;
	s31 =	sadd.s32 s9, s29;
	v22 =	vor.u32 s19, v0;
	v23 =	vor.u32 s20, v0;
	v57 =	vmulhi.u32 $0x51EB851F, v28  }
0x11: {  	s6 =	sadd.s32 s10, s29;
	v26 =	vor.u32 s23, v0;
	s26 =	sadd.s32 $0x18D0, s16;
	s29 =	sadd.s32 $0x18E0, s16;
	v2 =	vshrl.u32 v2, $0x6;
	v36 =	vmulhi.u32 $0x51EB851F, v22  }
0x12: {  	v30 =	vor.u32 s26, v0;
	v31 =	vor.u32 s29, v0;
	v50 =	vmulhi.u32 $0x51EB851F, v23  }
0x13: {  	v55 =	vmulhi.u32 $0x51EB851F, v26;
	v4 =	vshrl.u32 v4, $0x6;
	v2 =	vmul.u32 $0xC8, v2  }
0x14: {  	v6 =	vshrl.u32 v6, $0x6;
	v8 =	vshrl.u32 v8, $0x6;
	v4 =	vmul.u32 $0xC8, v4  }
0x15: {  	v59 =	vmulhi.u32 $0x51EB851F, v31;
	v6 =	vmul.u32 $0xC8, v6;
	v8 =	vmul.u32 $0xC8, v8  }
0x16: {  	v60 =	vshrl.u32 v57, $0x6;
	v1 =	vsub.s32 v1, v2;
	v2 =	vsub.s32 v3, v4  }
0x17: {  	s21 =	sor.u32 $0x60, s16;
	v3 =	vsub.s32 v5, v6;
	v4 =	vsub.s32 v7, v8;
	v5 =	vshrl.u32 v10, $0x6  }
0x18: {  	s22 =	sor.u32 $0x70, s16;
	s2 =	sor.u32 $0x80, s16;
	s11 =	sadd.s32 s10, s11;
	v6 =	vshrl.u32 v12, $0x6;
	v7 =	vor.u32 s21, v0;
	v5 =	vmul.u32 $0xC8, v5  }
0x19: {  	[dreg:$0xa] =	wrdreg s11;
	s11 =	sshrl.u32 s2, $0x3;
	s20 =	smul.u32 $0x19000, s0;
	v10 =	vor.u32 s22, v0;
	v6 =	vmul.u32 $0xC8, v6;
	v8 =	vmulhi.u32 $0x51EB851F, v7  }
0x1a: {  	s12 =	sadd.s32 s9, s11;
	s11 =	sadd.s32 s10, s11;
	v12 =	vor.u32 s2, v0;
	v5 =	vsub.s32 v9, v5;
	v9 =	vmulhi.u32 $0x51EB851F, v10  }
0x1b: {  	[dreg:$0xe] =	wrdreg s11;
	s11 =	sadd.s32 s5, s20;
	s20 =	sadd.s32 $0x18C0, s16;
	v6 =	vsub.s32 v11, v6;
	v8 =	vshrl.u32 v8, $0x6;
	v11 =	vmulhi.u32 $0x51EB851F, v12  }
0x1c: {  	v53 =	vor.u32 s20, v0;
	v8 =	vmul.u32 $0xC8, v8;
	v9 =	vshrl.u32 v9, $0x6  }
0x1d: {  	v39 =	vmulhi.u32 $0x51EB851F, v53;
	s21 =	sadd.s32 $0x160, s16;
	v11 =	vshrl.u32 v11, $0x6;
	v9 =	vmul.u32 $0xC8, v9  }
0x1e: {  	v24 =	vor.u32 s21, v0;
	v7 =	vsub.s32 v7, v8;
	v11 =	vmul.u32 $0xC8, v11  }
0x1f: {  	[dreg:$0x13] =	wrdreg s11;
	s11 =	sadd.s32 $0x140, s16;
	v8 =	vsub.s32 v10, v9;
	v10 =	vshrl.u32 v14, $0x6;
	v14 =	vmulhi.u32 $0x51EB851F, v15  }
0x20: {  	s24 =	sor.u32 $0xB0, s16;
	v37 =	vor.u32 s11, v0;
	v38 =	vmulhi.u32 $0x51EB851F, v24;
	v9 =	vsub.s32 v12, v11  }
0x21: {  	[dreg:$0x6] =	wrdreg s16;
	v12 =	vor.u32 s24, v0;
	s24 =	sadd.s32 $0x18A0, s16;
	v10 =	vmul.u32 $0xC8, v10;
	v11 =	vshrl.u32 v14, $0x6  }
0x22: {  	[dreg:$0x7] =	wrdreg s17;
	s22 =	sadd.s32 $0x170, s16;
	v27 =	vor.u32 s24, v0;
	v14 =	vmulhi.u32 $0x51EB851F, v12;
	v11 =	vmul.u32 $0xC8, v11  }
0x23: {  	s13 =	sor.u32 $0xE0, s16;
	s14 =	sshrl.u32 s4, $0x3;
	[dreg:$0xb] =	wrdreg s31;
	v25 =	vor.u32 s22, v0;
	v56 =	vmulhi.u32 $0x51EB851F, v27;
	v10 =	vsub.s32 v13, v10  }
0x24: {  	s25 =	sshll.u32 s4, $0x4;
	s18 =	sadd.s32 s9, s14;
	[dreg:$0xc] =	wrdreg s6;
	v13 =	vshrl.u32 v14, $0x6;
	v14 =	vmulhi.u32 $0x51EB851F, v18;
	v11 =	vsub.s32 v15, v11  }
0x25: {  	s19 =	sadd.s32 s10, s14;
	[dreg:$0xf] =	wrdreg s18;
	v13 =	vmul.u32 $0xC8, v13;
	v15 =	vshrl.u32 v17, $0x6;
	v17 =	vor.u32 s13, v0;
	s13 =	sadd.s32 $0x120, s16  }
0x26: {  	s4 =	sadd.s32 s5, s25;
	[dreg:$0x11] =	wrdreg s19;
	v15 =	vmul.u32 $0xC8, v15;
	v21 =	vor.u32 s13, v0;
	s13 =	sadd.s32 $0x18F0, s16;
	v29 =	vmulhi.u32 $0x51EB851F, v17  }
0x27: {  	s14 =	smul.u32 $0xC8000, s0;
	[dreg:$0x1d] =	wrdreg s4;
	v14 =	vshrl.u32 v14, $0x6;
	v32 =	vor.u32 s13, v0;
	v12 =	vsub.s32 v12, v13  }
0x28: {  	s31 =	smul.u32 $0x4C00, s15;
	[dreg:$0xd] =	wrdreg s12;
	s13 =	sadd.s32 $0x100, s16;
	v13 =	vsub.s32 v16, v15;
	v16 =	vshrl.u32 v29, $0x6;
	v29 =	vmulhi.u32 $0x51EB851F, v20  }
0x29: {  	s18 =	sadd.s32 $0x180, s16;
	[dreg:$0x19] =	wrdreg s14;
	v14 =	vmul.u32 $0xC8, v14;
	v34 =	vor.u32 s13, v0;
	v62 =	vmulhi.u32 $0x51EB851F, v32  }
0x2a: {  	s30 =	simm.s32 $0x9280;
	[dreg:$0x1b] =	wrdreg s18;
	s6 =	sshrl.u32 s31, $0x2;
	v61 =	vshrl.u32 v39, $0x6;
	v58 =	vshrl.u32 v56, $0x6;
	v15 =	vmulhi.u32 $0x51EB851F, v34  }
0x2b: {  	s6 =	sadd.s32 s6, s7;
	[dreg:$0x17] =	wrdreg s11;
	s22 =	sshrl.u32 s13, $0x3;
	v14 =	vsub.s32 v18, v14;
	v18 =	vshrl.u32 v33, $0x6;
	v16 =	vmul.u32 $0xC8, v16  }
0x2c: {  	s26 =	sshrl.u32 s11, $0x3;
	[dreg:$0x12] =	wrdreg s6;
	s24 =	sadd.s32 s10, s22;
	v33 =	vshrl.u32 v50, $0x6;
	v18 =	vmul.u32 $0xC8, v18;
	v15 =	vshrl.u32 v15, $0x6  }
0x2d: {  	s29 =	sadd.s32 s9, s26;
	[dreg:$0x16] =	wrdreg s24;
	s24 =	sadd.s32 $0x1880, s16;
	v33 =	vmul.u32 $0xC8, v33;
	v49 =	vmul.u32 $0xC8, v15;
	v15 =	vshrl.u32 v29, $0x6  }
0x2e: {  	s2 =	sshll.u32 s2, $0x4;
	s31 =	sadd.s32 s10, s26;
	[dreg:$0x1a] =	wrdreg s29;
	v52 =	vor.u32 s24, v0;
	v29 =	vmulhi.u32 $0x51EB851F, v21;
	v35 =	vmul.u32 $0xC8, v15  }
0x2f: {  	s4 =	sshll.u32 s20, $0x4;
	s2 =	sadd.s32 s5, s2;
	[dreg:$0x1c] =	wrdreg s31;
	v15 =	vsub.s32 v17, v16;
	v16 =	vsub.s32 v19, v18;
	v19 =	vmulhi.u32 $0x51EB851F, v37  }
0x30: {  	s19 =	sshrl.u32 s14, $0x3;
	s29 =	sadd.s32 s5, s4;
	[dreg:$0x18] =	wrdreg s2;
	v18 =	vsub.s32 v20, v35;
	v20 =	vshrl.u32 v29, $0x6;
	v29 =	vshrl.u32 v36, $0x6  }
0x31: {  	s21 =	sshll.u32 s17, $0x4;
	s31 =	smax.u32 s1, $0x1;
	[smem:$0x7FC] =	sst s29;
	v19 =	vshrl.u32 v19, $0x6;
	v20 =	vmul.u32 $0xC8, v20;
	v29 =	vmul.u32 $0xC8, v29  }
0x32: {  	s6 =	sadd.s32 s5, s21;
	s21 =	sadd.s32 s5, s19;
	[smem:$0x7FD] =	sst s31;
	v17 =	vsub.s32 v34, v49;
	v34 =	vshrl.u32 v55, $0x6;
	v51 =	vmul.u32 $0xC8, v19  }
0x33: {  	[dreg:$0x14] =	wrdreg s6;
	s6 =	sshrl.u32 s18, $0x3;
	s25 =	sadd.s32 $0x18000, s21;
	v19 =	vsub.s32 v21, v20;
	v20 =	vsub.s32 v22, v29;
	v29 =	vmulhi.u32 $0x51EB851F, v25  }
0x34: {  	s28 =	simm.s32 $0xF280;
	s12 =	sadd.s32 s9, s6;
	[smem:$0x7F9] =	sst s25;
	v54 =	vmulhi.u32 $0x51EB851F, v52;
	v34 =	vmul.u32 $0xC8, v34;
	v35 =	vmul.u32 $0xC8, v60  }
0x35: {  	s1 =	simm.s32 $0x0;
	s0 =	sadd.s32 s10, s6;
	[dreg:$0x1e] =	wrdreg s12;
	v22 =	vsub.s32 v23, v33;
	v23 =	vshrl.u32 v38, $0x6;
	v29 =	vshrl.u32 v29, $0x6  }
0x36: {  	s19 =	simm.s32 $0xD;
	[dreg:$0x1f] =	wrdreg s0;
	s0 =	sadd.s32 $0x18400, s21;
	v26 =	vsub.s32 v26, v34;
	v23 =	vmul.u32 $0xC8, v23;
	v29 =	vmul.u32 $0xC8, v29  }
0x37: {  	s25 =	simm.s32 $0x40;
	s21 =	simm.s32 $0x8C80;
	[smem:$0x7FA] =	sst s0;
	v34 =	vshrl.u32 v59, $0x6;
	v21 =	vsub.s32 v37, v51;
	v33 =	vshrl.u32 v54, $0x6  }
0x38: {  	[dreg:$0x10] =	wrdreg s13;
	s23 =	sadd.s32 s9, s22;
	s22 =	sshrl.u32 s20, $0x3;
	v23 =	vsub.s32 v24, v23;
	v24 =	vsub.s32 v25, v29;
	v29 =	vmulhi.u32 $0x51EB851F, v30  }
0x39: {  	s12 =	simm.s32 $0xB280;
	[dreg:$0x15] =	wrdreg s23;
	s23 =	sadd.s32 s9, s22;
	v37 =	vmul.u32 $0xC8, v61;
	v38 =	vshrl.u32 v62, $0x6;
	v33 =	vmul.u32 $0xC8, v33  }
0x3a: {  	s20 =	smul.u32 $0x26, s15;
	s2 =	sadd.s32 s10, s22;
	[smem:$0x7F7] =	sst s23;
	v34 =	vmul.u32 $0xC8, v34;
	v38 =	vmul.u32 $0xC8, v38;
	v29 =	vshrl.u32 v29, $0x6  }
0x3b: {  	s22 =	simm.s32 $0x8D80;
	[smem:$0x7F8] =	sst s2;
	s2 =	sshll.u32 s24, $0x4;
	v25 =	vsub.s32 v52, v33;
	v33 =	vmul.u32 $0xC8, v58;
	v63 =	vmul.u32 $0xC8, v29  }
0x3c: {  	s23 =	simm.s32 $0x8E80;
	s24 =	simm.s32 $0x2;
	s26 =	sadd.s32 s5, s2;
	v28 =	vsub.s32 v28, v35;
	v31 =	vsub.s32 v31, v34;
	v32 =	vsub.s32 v32, v38  }
0x3d: {  	s2 =	simm.s32 $0xF;
	[smem:$0x7FB] =	sst s26;
	s26 =	simm.s32 $0xE;
	v27 =	vsub.s32 v27, v33;
	v29 =	vsub.s32 v53, v37;
	v30 =	vsub.s32 v30, v63  }
.LBB2_1:
0x3e: {  	[smem:$0x7F6] =	sst s1  }
0x3f: {  	s0 =	rddreg [dreg:$0x8];
	s11 =	simm.s32 $0x1480  }
0x40: {  	[tilespmem:s11], [sflag:$0x1] =	stream.linear.gather [hbm4b:s0+s8], $0x6400, $0x38;
	[tilespmem:$0x19280] =	vst v63  }
0x41: {  	s13 =	rddreg [dreg:$0x2];
	s14 =	simm.s32 $0x1300  }
0x42: {  	[tilespmem:s14], [sflag:$0xF] =	stream.linear.gather [hbm4b:s13+s8], $0x180, $0x38;
	[tilespmem:$0x19280] =	vst v63  }
0x43: {  	_ =	swait.ge [sflag:s2], $0x180  }
0x44: {  	[sflag:s2] =	ssyncset.done $0x0  }
0x45: {  	s15 =	rddreg [dreg:$0x9];
	[sflag:s2] =	ssyncadd.s32 $0xFFFFFE80  }
0x46: {  	[tilespmem:s21], [sflag:$0x2] =	stream.linear.gather [hbm4b:s15+s8], $0x40, $0x38;
	[tilespmem:$0x19280] =	vst v63  }
0x47: {  	s16 =	rddreg [dreg:$0xa]  }
0x48: {  	[tilespmem:s23], [sflag:$0x2] =	stream.linear.gather [hbm4b:s16+s8], $0x40, $0x38;
	[tilespmem:$0x19280] =	vst v63  }
0x49: {  	_ =	swait.ge [sflag:s24], $0x40  }
0x4a: {  	[sflag:s24] =	ssyncset.done $0x0  }
0x4b: {  	[sflag:s24] =	ssyncadd.s32 $0xFFFFFFC0  }
0x4c: {  	_ =	swait.ge [sflag:s24], $0x40  }
0x4d: {  	[sflag:s24] =	ssyncset.done $0x0  }
0x4e: {  	[sflag:s24] =	ssyncadd.s32 $0xFFFFFFC0  }
0x4f: {  	v33 =	vld [tilespmem:$0x8E80]  }
0x50: {  	v34 =	vld [tilespmem:$0x8E90]  }
0x51: {  	v35 =	vld [tilespmem:$0x8EA0]  }
0x52: {  	v36 =	vld [tilespmem:$0x8EB0];
	_ =	sdelay $0x1  }
0x53: {  	v33 =	vmul.u32 $0xC8, v33  }
0x54: {  	v34 =	vmul.u32 $0xC8, v34  }
0x55: {  	v35 =	vmul.u32 $0xC8, v35;
	v33 =	vadd.s32 v1, v33  }
0x56: {  	v49 =	vmul.u32 $0xC8, v36;
	v48 =	vadd.s32 v2, v34;
	[tilespmem:$0x9080] =	vst v33  }
0x57: {  	v50 =	vadd.s32 v3, v35;
	[tilespmem:$0x9090] =	vst v48  }
0x58: {  	v51 =	vadd.s32 v4, v49;
	[tilespmem:$0x90A0] =	vst v50  }
0x59: {  	[tilespmem:$0x90B0] =	vst v51  }
0x5a: {  	[tilespmem:s30], [sflag:$0x3] =	stream.indirect.gather [hbm4b:s3+s25], $0x80, s21, s25, $0xb8;
	[tilespmem:$0x19280] =	vst v63  }
0x5b: {  	s18 =	simm.s32 $0x8D00;
	s17 =	rddreg [dreg:$0xb]  }
0x5c: {  	[tilespmem:s18], [sflag:$0x2] =	stream.linear.gather [hbm4b:s17+s8], $0x40, $0x38;
	[tilespmem:$0x19280] =	vst v63  }
0x5d: {  	s23 =	simm.s32 $0x8F00;
	s21 =	rddreg [dreg:$0xc]  }
0x5e: {  	[tilespmem:s23], [sflag:$0x2] =	stream.linear.gather [hbm4b:s21+s8], $0x40, $0x38;
	[tilespmem:$0x19280] =	vst v63  }
0x5f: {  	_ =	swait.ge [sflag:s24], $0x40  }
0x60: {  	[sflag:s24] =	ssyncset.done $0x0  }
0x61: {  	[sflag:s24] =	ssyncadd.s32 $0xFFFFFFC0  }
0x62: {  	_ =	swait.ge [sflag:s24], $0x40  }
0x63: {  	[sflag:s24] =	ssyncset.done $0x0  }
0x64: {  	[sflag:s24] =	ssyncadd.s32 $0xFFFFFFC0  }
0x65: {  	v52 =	vld [tilespmem:$0x8F00]  }
0x66: {  	v53 =	vld [tilespmem:$0x8F10]  }
0x67: {  	v54 =	vld [tilespmem:$0x8F20]  }
0x68: {  	v55 =	vld [tilespmem:$0x8F30];
	_ =	sdelay $0x1  }
0x69: {  	v33 =	vmul.u32 $0xC8, v52  }
0x6a: {  	v34 =	vmul.u32 $0xC8, v53  }
0x6b: {  	v35 =	vmul.u32 $0xC8, v54;
	v33 =	vadd.s32 v5, v33  }
0x6c: {  	v57 =	vmul.u32 $0xC8, v55;
	v56 =	vadd.s32 v6, v34;
	[tilespmem:$0x9100] =	vst v33  }
0x6d: {  	v58 =	vadd.s32 v7, v35;
	[tilespmem:$0x9110] =	vst v56  }
0x6e: {  	v59 =	vadd.s32 v8, v57;
	[tilespmem:$0x9120] =	vst v58  }
0x6f: {  	[tilespmem:$0x9130] =	vst v59  }
0x70: {  	[tilespmem:s12], [sflag:$0x4] =	stream.indirect.gather [hbm4b:s3+s25], $0x80, s18, s25, $0xb8;
	[tilespmem:$0x19280] =	vst v63  }
0x71: {  	s1 =	rddreg [dreg:$0xd]  }
0x72: {  	[tilespmem:s22], [sflag:$0x2] =	stream.linear.gather [hbm4b:s1+s8], $0x40, $0x38;
	[tilespmem:$0x19280] =	vst v63  }
0x73: {  	s4 =	simm.s32 $0x8F80;
	s2 =	rddreg [dreg:$0xe]  }
0x74: {  	[tilespmem:s4], [sflag:$0x2] =	stream.linear.gather [hbm4b:s2+s8], $0x40, $0x38;
	[tilespmem:$0x19280] =	vst v63  }
0x75: {  	_ =	swait.ge [sflag:s24], $0x40  }
0x76: {  	[sflag:s24] =	ssyncset.done $0x0  }
0x77: {  	[sflag:s24] =	ssyncadd.s32 $0xFFFFFFC0  }
0x78: {  	_ =	swait.ge [sflag:s24], $0x40  }
0x79: {  	[sflag:s24] =	ssyncset.done $0x0  }
0x7a: {  	[sflag:s24] =	ssyncadd.s32 $0xFFFFFFC0  }
0x7b: {  	v60 =	vld [tilespmem:$0x8F80]  }
0x7c: {  	v61 =	vld [tilespmem:$0x8F90]  }
0x7d: {  	v62 =	vld [tilespmem:$0x8FA0]  }
0x7e: {  	v63 =	vld [tilespmem:$0x8FB0];
	_ =	sdelay $0x1  }
0x7f: {  	v33 =	vmul.u32 $0xC8, v60  }
0x80: {  	v34 =	vmul.u32 $0xC8, v61  }
0x81: {  	v35 =	vmul.u32 $0xC8, v62;
	v33 =	vadd.s32 v9, v33  }
0x82: {  	v38 =	vmul.u32 $0xC8, v63;
	v37 =	vadd.s32 v10, v34;
	[tilespmem:$0x9180] =	vst v33  }
0x83: {  	v39 =	vadd.s32 v11, v35;
	[tilespmem:$0x9190] =	vst v37  }
0x84: {  	v40 =	vadd.s32 v12, v38;
	[tilespmem:$0x91A0] =	vst v39  }
0x85: {  	s6 =	simm.s32 $0xD280;
	[tilespmem:$0x91B0] =	vst v40  }
0x86: {  	[tilespmem:s6], [sflag:$0x5] =	stream.indirect.gather [hbm4b:s3+s25], $0x80, s22, s25, $0xb8;
	[tilespmem:$0x19280] =	vst v63  }
0x87: {  	s12 =	simm.s32 $0x8E00;
	s11 =	rddreg [dreg:$0xf]  }
0x88: {  	[tilespmem:s12], [sflag:$0x2] =	stream.linear.gather [hbm4b:s11+s8], $0x40, $0x38;
	[tilespmem:$0x19280] =	vst v63  }
0x89: {  	s14 =	simm.s32 $0x9000;
	s13 =	rddreg [dreg:$0x11]  }
0x8a: {  	[tilespmem:s14], [sflag:$0x2] =	stream.linear.gather [hbm4b:s13+s8], $0x40, $0x38;
	[tilespmem:$0x19280] =	vst v63  }
0x8b: {  	_ =	swait.ge [sflag:s24], $0x40  }
0x8c: {  	[sflag:s24] =	ssyncset.done $0x0  }
0x8d: {  	[sflag:s24] =	ssyncadd.s32 $0xFFFFFFC0  }
0x8e: {  	_ =	swait.ge [sflag:s24], $0x40  }
0x8f: {  	[sflag:s24] =	ssyncset.done $0x0  }
0x90: {  	[sflag:s24] =	ssyncadd.s32 $0xFFFFFFC0  }
0x91: {  	v41 =	vld [tilespmem:$0x9000]  }
0x92: {  	v42 =	vld [tilespmem:$0x9010]  }
0x93: {  	v43 =	vld [tilespmem:$0x9020]  }
0x94: {  	s15 =	smulhi.u32 $0x51EB851F, s20;
	v44 =	vld [tilespmem:$0x9030];
	_ =	sdelay $0x1  }
0x95: {  	s0 =	sshrl.u32 s15, $0x6;
	v33 =	vmul.u32 $0xC8, v41  }
0x96: {  	s0 =	smin.u32 s0, $0x2;
	v34 =	vmul.u32 $0xC8, v42  }
0x97: {  	s0 =	smul.u32 $0xC8, s0;
	v35 =	vmul.u32 $0xC8, v43;
	v33 =	vadd.s32 v13, v33  }
0x98: {  	v46 =	vmul.u32 $0xC8, v44;
	v45 =	vadd.s32 v14, v34;
	[tilespmem:$0x9200] =	vst v33  }
0x99: {  	s0 =	ssub.s32 s20, s0;
	s4 =	sadd.s32 $0x0, s20;
	v47 =	vadd.s32 v15, v35;
	[tilespmem:$0x9210] =	vst v45  }
0x9a: {  	s0 =	sadd.s32 $0x0, s0;
	s6 =	smulhi.u32 $0x51EB851F, s4;
	s4 =	sadd.s32 $0x1, s4;
	v48 =	vadd.s32 v16, v46;
	[tilespmem:$0x9220] =	vst v47  }
0x9b: {  	s16 =	simm.s32 $0x1;
	p0 =	slt.s32 s0, $0xC7;
	s4 =	smulhi.u32 $0x51EB851F, s4;
	[tilespmem:$0x9230] =	vst v48  }
0x9c: {  	[tilespmem:s28], [sflag:$0x6] =	stream.indirect.gather [hbm4b:s3+s25], $0x80, s12, s25, $0xb8;
	[tilespmem:$0x19280] =	vst v63  }
0x9d: {  	s11 =	sadd.s32 $0x1, s0;
	s0 =	simm.s32 @!p0 $0xC7;
	_ =	swait.ge [sflag:s16], $0x6400  }
0x9e: {  	s6 =	sshrl.u32 s6, $0x6;
	s0 =	sshll.u32 s0, $0x9;
	[sflag:s16] =	ssyncset.done $0x0  }
0x9f: {  	s6 =	smin.u32 s6, $0x2;
	s23 =	sshra.s32 s0, $0x2;
	[sflag:s16] =	ssyncadd.s32 $0xFFFF9C00  }
0xa0: {  	s17 =	sshrl.u32 s4, $0x6;
	p0 =	slt.s32 s11, $0xC7;
	s29 =	sshll.u32 s6, $0x7;
	v49 =	vld [tilespmem:s23+$0x1480]  }
0xa1: {  	s0 =	smin.u32 s17, $0x2;
	s11 =	simm.s32 @!p0 $0xC7;
	v50 =	vld [tilespmem:s29+$0x1300]  }
0xa2: {  	s18 =	sshll.u32 s11, $0x9;
	s28 =	sshll.u32 s0, $0x7  }
0xa3: {  	s21 =	sadd.s32 $0x2, s20;
	s31 =	sshra.s32 s18, $0x2;
	v51 =	vld [tilespmem:s28+$0x1300]  }
0xa4: {  	s1 =	smulhi.u32 $0x51EB851F, s21;
	v52 =	vld [tilespmem:s31+$0x1480];
	_ =	sdelay $0x1  }
0xa5: {  	s0 =	sshrl.u32 s1, $0x6;
	v33 =	vadd.f32 v50, v49  }
0xa6: {  	s22 =	simm.s32 $0x7900;
	s0 =	smin.u32 s0, $0x2  }
0xa7: {  	s0 =	smul.u32 $0xC8, s0;
	[tilespmem:s22+$0xFFFFFF80] =	vst v33  }
0xa8: {  	s2 =	sadd.s32 $0x2, s20;
	v53 =	vadd.f32 v51, v52;
	v33 =	vld [tilespmem:s23+$0x1490]  }
0xa9: {  	s13 =	sadd.s32 $0x1, s2;
	s0 =	ssub.s32 s20, s0;
	v54 =	vld [tilespmem:s29+$0x1310]  }
0xaa: {  	s4 =	smulhi.u32 $0x51EB851F, s13;
	s0 =	sadd.s32 $0x2, s0;
	[tilespmem:s22+$0x0] =	vst v53  }
0xab: {  	s12 =	sadd.s32 $0x1, s0;
	v34 =	vld [tilespmem:s31+$0x1490]  }
0xac: {  	s4 =	sshrl.u32 s4, $0x6;
	p0 =	slt.s32 s12, $0xC7;
	v55 =	vld [tilespmem:s28+$0x1310]  }
0xad: {  	s4 =	smin.u32 s4, $0x2;
	s12 =	simm.s32 @!p0 $0xC7  }
0xae: {  	s11 =	smulhi.u32 $0x51EB851F, s2;
	s30 =	sshll.u32 s4, $0x7;
	s14 =	sshll.u32 s12, $0x9;
	v33 =	vadd.f32 v54, v33  }
0xaf: {  	s6 =	sadd.s32 $0x2, s21;
	v37 =	vld [tilespmem:s30+$0x1300];
	s4 =	sshra.s32 s14, $0x2  }
0xb0: {  	s15 =	smulhi.u32 $0x51EB851F, s6;
	s11 =	sshrl.u32 s11, $0x6;
	v58 =	vld [tilespmem:s4+$0x1480];
	[tilespmem:s22+$0xFFFFFF90] =	vst v33  }
0xb1: {  	s11 =	smin.u32 s11, $0x2;
	s16 =	sadd.s32 $0x4, s20;
	v34 =	vadd.f32 v55, v34;
	v33 =	vld [tilespmem:s29+$0x1320]  }
0xb2: {  	s12 =	sshll.u32 s11, $0x7;
	s11 =	sshrl.u32 s15, $0x6;
	s15 =	sadd.s32 $0x1, s16;
	v56 =	vld [tilespmem:s23+$0x14A0]  }
0xb3: {  	p0 =	slt.s32 s0, $0xC7;
	s15 =	smulhi.u32 $0x51EB851F, s15;
	[tilespmem:s22+$0x10] =	vst v34  }
0xb4: {  	s0 =	simm.s32 @!p0 $0xC7;
	v34 =	vld [tilespmem:s31+$0x14A0]  }
0xb5: {  	s0 =	sshll.u32 s0, $0x9;
	s15 =	sshrl.u32 s15, $0x6;
	v57 =	vld [tilespmem:s28+$0x1320]  }
0xb6: {  	v60 =	vld [tilespmem:s12+$0x1300];
	s11 =	smin.u32 s11, $0x2;
	s13 =	sshra.s32 s0, $0x2;
	s15 =	smin.u32 s15, $0x2;
	v35 =	vadd.f32 v37, v58  }
0xb7: {  	s0 =	simm.s32 $0x7A00;
	s11 =	smul.u32 $0xC8, s11;
	v38 =	vld [tilespmem:s13+$0x1480];
	s18 =	sshll.u32 s15, $0x7;
	v33 =	vadd.f32 v33, v56  }
0xb8: {  	v49 =	vld [tilespmem:s18+$0x1300];
	[tilespmem:s0+$0x0] =	vst v35  }
0xb9: {  	s11 =	ssub.s32 s20, s11;
	v35 =	vld [tilespmem:s4+$0x1490];
	[tilespmem:s22+$0xFFFFFFA0] =	vst v33  }
0xba: {  	s11 =	sadd.s32 $0x4, s11;
	v34 =	vadd.f32 v57, v34;
	v33 =	vld [tilespmem:s23+$0x14B0]  }
0xbb: {  	p0 =	slt.s32 s11, $0xC7;
	s17 =	sadd.s32 $0x1, s11;
	v59 =	vld [tilespmem:s29+$0x1330]  }
0xbc: {  	s11 =	simm.s32 @!p0 $0xC7;
	p0 =	slt.s32 s17, $0xC7;
	v62 =	vld [tilespmem:s30+$0x1310];
	[tilespmem:s22+$0x20] =	vst v34  }
0xbd: {  	s11 =	sshll.u32 s11, $0x9;
	s17 =	simm.s32 @!p0 $0xC7;
	v61 =	vld [tilespmem:s31+$0x14B0]  }
0xbe: {  	s15 =	sshra.s32 s11, $0x2;
	s21 =	sshll.u32 s17, $0x9;
	v34 =	vadd.f32 v60, v38;
	v39 =	vld [tilespmem:s28+$0x1330]  }
0xbf: {  	v50 =	vld [tilespmem:s15+$0x1480];
	s21 =	sshra.s32 s21, $0x2  }
0xc0: {  	s16 =	smulhi.u32 $0x51EB851F, s16;
	v53 =	vld [tilespmem:s21+$0x1480];
	[tilespmem:s0+$0xFFFFFF80] =	vst v34;
	v33 =	vadd.f32 v59, v33  }
0xc1: {  	v42 =	vld [tilespmem:s13+$0x1490]  }
0xc2: {  	s11 =	sshrl.u32 s16, $0x6;
	v43 =	vld [tilespmem:s12+$0x1310];
	[tilespmem:s22+$0xFFFFFFB0] =	vst v33  }
0xc3: {  	s11 =	smin.u32 s11, $0x2;
	v37 =	vadd.f32 v39, v61;
	v33 =	vld [tilespmem:s23+$0x14C0]  }
0xc4: {  	s16 =	sshll.u32 s11, $0x7;
	v63 =	vld [tilespmem:s29+$0x1340]  }
0xc5: {  	v55 =	vld [tilespmem:s16+$0x1300];
	v35 =	vadd.f32 v62, v35;
	[tilespmem:s22+$0x30] =	vst v37  }
0xc6: {  	v44 =	vld [tilespmem:s31+$0x14C0]  }
0xc7: {  	[tilespmem:s0+$0x10] =	vst v35;
	v38 =	vadd.f32 v43, v42;
	v37 =	vld [tilespmem:s28+$0x1340]  }
0xc8: {  	v45 =	vld [tilespmem:s4+$0x14A0]  }
0xc9: {  	v46 =	vld [tilespmem:s30+$0x1320];
	[tilespmem:s0+$0xFFFFFF90] =	vst v38;
	v33 =	vadd.f32 v63, v33  }
0xca: {  	v48 =	vld [tilespmem:s12+$0x1320]  }
0xcb: {  	v56 =	vadd.f32 v49, v53;
	v40 =	vld [tilespmem:s13+$0x14A0];
	[tilespmem:s22+$0xFFFFFFC0] =	vst v33  }
0xcc: {  	s17 =	simm.s32 $0x7B00;
	v35 =	vadd.f32 v37, v44;
	v33 =	vld [tilespmem:s23+$0x14D0]  }
0xcd: {  	[tilespmem:s17+$0x0] =	vst v56;
	v47 =	vld [tilespmem:s29+$0x1350]  }
0xce: {  	v60 =	vld [tilespmem:s21+$0x1490];
	[tilespmem:s22+$0x40] =	vst v35  }
0xcf: {  	v34 =	vadd.f32 v46, v45;
	v51 =	vld [tilespmem:s31+$0x14D0]  }
0xd0: {  	v52 =	vadd.f32 v48, v40;
	v35 =	vld [tilespmem:s28+$0x1350]  }
0xd1: {  	v61 =	vld [tilespmem:s18+$0x1310];
	[tilespmem:s0+$0x20] =	vst v34  }
0xd2: {  	v41 =	vld [tilespmem:s4+$0x14B0];
	[tilespmem:s0+$0xFFFFFFA0] =	vst v52;
	v33 =	vadd.f32 v47, v33  }
0xd3: {  	v42 =	vld [tilespmem:s12+$0x1330]  }
0xd4: {  	[tilespmem:s22+$0xFFFFFFD0] =	vst v33;
	v33 =	vld [tilespmem:s13+$0x14B0]  }
0xd5: {  	v34 =	vadd.f32 v35, v51;
	v54 =	vld [tilespmem:s23+$0x14E0]  }
0xd6: {  	v58 =	vld [tilespmem:s29+$0x1360]  }
0xd7: {  	v59 =	vadd.f32 v55, v50;
	v57 =	vld [tilespmem:s30+$0x1330];
	[tilespmem:s22+$0x50] =	vst v34  }
0xd8: {  	v43 =	vld [tilespmem:s28+$0x1360]  }
0xd9: {  	[tilespmem:s17+$0xFFFFFF80] =	vst v59;
	v62 =	vld [tilespmem:s31+$0x14E0];
	v33 =	vadd.f32 v42, v33  }
0xda: {  	v38 =	vld [tilespmem:s16+$0x1310]  }
0xdb: {  	v35 =	vld [tilespmem:s15+$0x1490];
	v63 =	vadd.f32 v58, v54;
	[tilespmem:s0+$0xFFFFFFB0] =	vst v33  }
0xdc: {  	v36 =	vadd.f32 v57, v41;
	v34 =	vld [tilespmem:s13+$0x14C0]  }
0xdd: {  	[tilespmem:s22+$0xFFFFFFE0] =	vst v63;
	v37 =	vld [tilespmem:s12+$0x1340]  }
0xde: {  	s6 =	sadd.s32 $0x2, s6;
	v39 =	vadd.f32 v61, v60;
	[tilespmem:s0+$0x30] =	vst v36;
	v36 =	vadd.f32 v43, v62;
	v33 =	vld [tilespmem:s23+$0x14F0];
	s23 =	simm.s32 $0x6  }
.LBB2_2:
0xdf: {  	s11 =	smulhi.u32 $0x51EB851F, s6  }
0xe0: {  	p0 =	slt.u32 s23, $0x24;
	[tilespmem:s17+$0x10] =	vst v39;
	v39 =	vld [tilespmem:s4+$0x14C0];
	s14 =	smov.u32 s23;
	s23 =	sadd.s32 $0x2, s23  }
0xe1: {  	v40 =	vld [tilespmem:s21+$0x14A0];
	[tilespmem:s22+$0x60] =	vst v36  }
0xe2: {  	s11 =	sshrl.u32 s11, $0x6;
	v36 =	vld [tilespmem:s30+$0x1340]  }
0xe3: {  	s2 =	sadd.s32 s14, s20;
	s11 =	smin.u32 s11, $0x2;
	v34 =	vadd.f32 v37, v34;
	v37 =	vld [tilespmem:s31+$0x14F0];
	s31 =	smov.u32 s4  }
0xe4: {  	s4 =	sadd.s32 $0x1, s2;
	s11 =	smul.u32 $0xC8, s11;
	v41 =	vld [tilespmem:s28+$0x1370];
	s28 =	smov.u32 s30  }
0xe5: {  	v35 =	vadd.f32 v38, v35;
	s1 =	smulhi.u32 $0x51EB851F, s4;
	s30 =	smov.u32 s18;
	s4 =	smov.u32 s21;
	v38 =	vld [tilespmem:s18+$0x1320];
	[tilespmem:s0+$0xFFFFFFC0] =	vst v34  }
0xe6: {  	s2 =	smulhi.u32 $0x51EB851F, s2;
	s11 =	ssub.s32 s20, s11;
	v34 =	vld [tilespmem:s13+$0x14D0]  }
0xe7: {  	s1 =	sshrl.u32 s1, $0x6;
	s11 =	sadd.s32 s11, s14;
	[tilespmem:s17+$0xFFFFFF90] =	vst v35;
	v35 =	vld [tilespmem:s12+$0x1350];
	v36 =	vadd.f32 v36, v39  }
0xe8: {  	s1 =	smin.u32 s1, $0x2;
	p1 =	slt.s32 s11, $0xC7;
	s14 =	sadd.s32 $0x1, s11;
	v39 =	vld [tilespmem:s29+$0x1370]  }
0xe9: {  	s18 =	sshll.u32 s1, $0x7;
	s11 =	simm.s32 @!p1 $0xC7;
	p1 =	slt.s32 s14, $0xC7;
	v42 =	vld [tilespmem:s16+$0x1320];
	[tilespmem:s0+$0x40] =	vst v36;
	v36 =	vadd.f32 v41, v37  }
0xea: {  	s1 =	sshrl.u32 s2, $0x6;
	s2 =	sshll.u32 s11, $0x9;
	s14 =	simm.s32 @!p1 $0xC7;
	v37 =	vld [tilespmem:s15+$0x14A0];
	v38 =	vadd.f32 v38, v40  }
0xeb: {  	s1 =	smin.u32 s1, $0x2;
	s11 =	sshra.s32 s2, $0x2;
	s2 =	sshll.u32 s14, $0x9;
	v40 =	vld [tilespmem:s18+$0x1300];
	[tilespmem:s22+$0x70] =	vst v36  }
0xec: {  	s29 =	smov.u32 s12;
	s12 =	smov.u32 s16;
	v36 =	vld [tilespmem:s11+$0x1480];
	s21 =	sshra.s32 s2, $0x2;
	[tilespmem:s17+$0x20] =	vst v38;
	v34 =	vadd.f32 v35, v34  }
0xed: {  	v35 =	vld [tilespmem:s4+$0x14B0];
	v33 =	vadd.f32 v39, v33  }
0xee: {  	s16 =	sshll.u32 s1, $0x7;
	[tilespmem:s0+$0xFFFFFFD0] =	vst v34;
	v34 =	vld [tilespmem:s31+$0x14D0]  }
0xef: {  	v37 =	vadd.f32 v42, v37;
	v38 =	vld [tilespmem:s28+$0x1350];
	[tilespmem:s22+$0xFFFFFFF0] =	vst v33;
	s22 =	smov.u32 s0;
	s0 =	smov.u32 s17  }
0xf0: {  	v33 =	vld [tilespmem:s21+$0x1480]  }
0xf1: {  	v39 =	vld [tilespmem:s13+$0x14E0]  }
0xf2: {  	s17 =	sadd.s32 $0x100, s17;
	v41 =	vld [tilespmem:s16+$0x1300];
	[tilespmem:s0+$0xFFFFFFA0] =	vst v37  }
0xf3: {  	v37 =	vld [tilespmem:s15+$0x14B0]  }
0xf4: {  	v42 =	vld [tilespmem:s12+$0x1330];
	v34 =	vadd.f32 v38, v34  }
0xf5: {  	v33 =	vadd.f32 v40, v33;
	v38 =	vld [tilespmem:s30+$0x1330]  }
0xf6: {  	v40 =	vld [tilespmem:s29+$0x1360];
	[tilespmem:s22+$0x50] =	vst v34  }
0xf7: {  	[tilespmem:s17+$0x0] =	vst v33;
	v43 =	vld [tilespmem:s28+$0x1360]  }
0xf8: {  	v33 =	vadd.f32 v41, v36;
	v36 =	vld [tilespmem:s21+$0x1490]  }
0xf9: {  	v41 =	vld [tilespmem:s18+$0x1310];
	v34 =	vadd.f32 v42, v37  }
0xfa: {  	[tilespmem:s17+$0xFFFFFF80] =	vst v33;
	v33 =	vadd.f32 v38, v35;
	v42 =	vld [tilespmem:s31+$0x14E0]  }
.Ltmp0:
0xfb: {  	v35 =	vld [tilespmem:s11+$0x1490];
	[tilespmem:s0+$0xFFFFFFB0] =	vst v34;
	v40 =	vadd.f32 v40, v39;
	(pc) =	sbr.rel @p0 .LBB2_2-.Ltmp0, $4  }
0xfc: {  	v34 =	vld [tilespmem:s15+$0x14C0]  }
0xfd: {  	v38 =	vld [tilespmem:s16+$0x1310];
	[tilespmem:s0+$0x30] =	vst v33  }
0xfe: {  	v39 =	vadd.f32 v41, v36;
	v37 =	vld [tilespmem:s12+$0x1340];
	[tilespmem:s22+$0xFFFFFFE0] =	vst v40  }
0xff: {  	s6 =	sadd.s32 $0x2, s6;
	v33 =	vld [tilespmem:s13+$0x14F0];
	v36 =	vadd.f32 v43, v42;
	s13 =	smov.u32 s15;
	s15 =	smov.u32 s11  }
0x100: {  	_ =	sdelay $0x1  }
0x101: {  	[tilespmem:s17+$0x10] =	vst v39;
	v35 =	vadd.f32 v38, v35  }
0x102: {  	v39 =	vld [tilespmem:s21+$0x14A0]  }
0x103: {  	v40 =	vld [tilespmem:s18+$0x1320];
	[tilespmem:s17+$0xFFFFFF90] =	vst v35  }
0x104: {  	v35 =	vld [tilespmem:s16+$0x1320]  }
0x105: {  	v63 =	vld [tilespmem:s15+$0x14A0];
	_ =	sdelay $0x2  }
0x106: {  	v43 =	vadd.f32 v40, v39;
	_ =	sdelay $0x1  }
0x107: {  	[tilespmem:s17+$0x20] =	vst v43;
	v35 =	vadd.f32 v35, v63  }
0x108: {  	v45 =	vld [tilespmem:s21+$0x14B0]  }
0x109: {  	v46 =	vld [tilespmem:s18+$0x1330];
	[tilespmem:s17+$0xFFFFFFA0] =	vst v35  }
0x10a: {  	v35 =	vld [tilespmem:s15+$0x14B0]  }
0x10b: {  	v44 =	vld [tilespmem:s16+$0x1330];
	_ =	sdelay $0x2  }
0x10c: {  	v39 =	vadd.f32 v46, v45  }
0x10d: {  	v47 =	vld [tilespmem:s4+$0x14C0]  }
0x10e: {  	v41 =	vld [tilespmem:s30+$0x1340];
	[tilespmem:s17+$0x30] =	vst v39;
	v35 =	vadd.f32 v44, v35  }
0x10f: {  	v49 =	vld [tilespmem:s21+$0x14C0]  }
0x110: {  	v34 =	vadd.f32 v37, v34;
	v50 =	vld [tilespmem:s18+$0x1340];
	[tilespmem:s17+$0xFFFFFFB0] =	vst v35  }
0x111: {  	v35 =	vld [tilespmem:s15+$0x14C0]  }
0x112: {  	[tilespmem:s0+$0xFFFFFFC0] =	vst v34;
	v48 =	vld [tilespmem:s16+$0x1340]  }
0x113: {  	v51 =	vadd.f32 v41, v47;
	v52 =	vld [tilespmem:s13+$0x14D0]  }
0x114: {  	[tilespmem:s22+$0x60] =	vst v36;
	v53 =	vld [tilespmem:s12+$0x1350]  }
0x115: {  	v42 =	vld [tilespmem:s28+$0x1370];
	[tilespmem:s0+$0x40] =	vst v51;
	v57 =	vadd.f32 v50, v49  }
0x116: {  	v55 =	vld [tilespmem:s4+$0x14D0]  }
0x117: {  	v56 =	vld [tilespmem:s30+$0x1350];
	[tilespmem:s17+$0x40] =	vst v57;
	v54 =	vadd.f32 v48, v35  }
0x118: {  	v61 =	vld [tilespmem:s21+$0x14D0]  }
0x119: {  	v60 =	vadd.f32 v53, v52;
	v62 =	vld [tilespmem:s18+$0x1350];
	[tilespmem:s17+$0xFFFFFFC0] =	vst v54  }
0x11a: {  	v58 =	vld [tilespmem:s15+$0x14D0]  }
0x11b: {  	[tilespmem:s0+$0xFFFFFFD0] =	vst v60;
	v59 =	vld [tilespmem:s16+$0x1350]  }
0x11c: {  	v49 =	vld [tilespmem:s13+$0x14E0];
	v48 =	vadd.f32 v56, v55  }
0x11d: {  	v50 =	vld [tilespmem:s12+$0x1360]  }
0x11e: {  	v63 =	vld [tilespmem:s31+$0x14F0];
	[tilespmem:s0+$0x50] =	vst v48;
	v54 =	vadd.f32 v62, v61  }
0x11f: {  	v52 =	vld [tilespmem:s30+$0x1360]  }
0x120: {  	v53 =	vld [tilespmem:s4+$0x14E0];
	[tilespmem:s17+$0x50] =	vst v54;
	v51 =	vadd.f32 v59, v58  }
0x121: {  	v34 =	vld [tilespmem:s18+$0x1360]  }
0x122: {  	v35 =	vadd.f32 v50, v49;
	v57 =	vld [tilespmem:s21+$0x14E0];
	[tilespmem:s17+$0xFFFFFFD0] =	vst v51  }
0x123: {  	v55 =	vld [tilespmem:s15+$0x14E0]  }
0x124: {  	[tilespmem:s0+$0xFFFFFFE0] =	vst v35;
	v56 =	vld [tilespmem:s16+$0x1360]  }
0x125: {  	v35 =	vld [tilespmem:s13+$0x14F0];
	v37 =	vadd.f32 v52, v53  }
0x126: {  	v60 =	vld [tilespmem:s12+$0x1370]  }
0x127: {  	v58 =	vld [tilespmem:s29+$0x1370];
	[tilespmem:s0+$0x60] =	vst v37;
	v34 =	vadd.f32 v34, v57  }
0x128: {  	v37 =	vld [tilespmem:s4+$0x14F0]  }
0x129: {  	v59 =	vld [tilespmem:s30+$0x1370];
	[tilespmem:s17+$0x60] =	vst v34;
	v36 =	vadd.f32 v56, v55  }
0x12a: {  	v34 =	vld [tilespmem:s21+$0x14F0]  }
0x12b: {  	v43 =	vld [tilespmem:s18+$0x1370];
	[tilespmem:s17+$0xFFFFFFE0] =	vst v36  }
0x12c: {  	v36 =	vld [tilespmem:s15+$0x14F0]  }
0x12d: {  	v41 =	vadd.f32 v42, v63;
	v44 =	vld [tilespmem:s16+$0x1370]  }
0x12e: {  	v61 =	vadd.f32 v60, v35  }
0x12f: {  	[tilespmem:s22+$0x70] =	vst v41;
	v33 =	vadd.f32 v58, v33  }
0x130: {  	[tilespmem:s0+$0xFFFFFFF0] =	vst v61;
	v37 =	vadd.f32 v59, v37  }
0x131: {  	[tilespmem:s22+$0xFFFFFFF0] =	vst v33;
	v34 =	vadd.f32 v43, v34  }
0x132: {  	[tilespmem:s0+$0x70] =	vst v37;
	v62 =	vadd.f32 v44, v36  }
0x133: {  	[tilespmem:s17+$0x70] =	vst v34  }
0x134: {  	[tilespmem:s17+$0xFFFFFFF0] =	vst v62  }
0x135: {  	s1 =	simm.s32 $0x7880;
	s15 =	simm.s32 $0xF;
	s0 =	rddreg [dreg:$0x12]  }
0x136: {  	[spmem:s0] =	stream.linear.scatter [tilespmem:s1], [sflag:$0xF], $0x1300, $0x38;
	[tilespmem:$0x19280] =	vst v63  }
0x137: {  	_ =	swait.ge [sflag:s15], $0x1300  }
0x138: {  	[sflag:s15] =	ssyncset.done $0x0  }
0x139: {  	[sflag:s15] =	ssyncadd.s32 $0xFFFFED00  }
0x13a: {  	s16 =	simm.s32 $0x9080;
	s17 =	simm.s32 $0x11280;
	[bflag:$0x0] =	sbarrier.arrive $0xFFFF  }
0x13b: {  	[tilespmem:s17], [sflag:$0x7] =	stream.indirect.gather [spmem:s7], $0x80, s16, s25, $0xb8;
	[tilespmem:$0x19280] =	vst v63  }
0x13c: {  	s18 =	simm.s32 $0x9100;
	s21 =	simm.s32 $0x13280  }
0x13d: {  	[tilespmem:s21], [sflag:$0x8] =	stream.indirect.gather [spmem:s7], $0x80, s18, s25, $0xb8;
	[tilespmem:$0x19280] =	vst v63  }
0x13e: {  	s23 =	simm.s32 $0x15280;
	s22 =	simm.s32 $0x9180  }
0x13f: {  	[tilespmem:s23], [sflag:$0x9] =	stream.indirect.gather [spmem:s7], $0x80, s22, s25, $0xb8;
	[tilespmem:$0x19280] =	vst v63  }
0x140: {  	s28 =	simm.s32 $0x9200;
	s29 =	simm.s32 $0x17280;
	s30 =	simm.s32 $0x3  }
0x141: {  	[tilespmem:s29], [sflag:$0xA] =	stream.indirect.gather [spmem:s7], $0x80, s28, s25, $0xb8;
	[tilespmem:$0x19280] =	vst v63  }
0x142: {  	_ =	swait.ge [sflag:s30], $0x2000  }
0x143: {  	[sflag:s30] =	ssyncset.done $0x0  }
0x144: {  	s31 =	simm.s32 $0x7;
	[sflag:s30] =	ssyncadd.s32 $0xFFFFE000  }
0x145: {  	_ =	swait.ge [sflag:s31], $0x2000  }
0x146: {  	[sflag:s31] =	ssyncset.done $0x0  }
0x147: {  	s0 =	simm.s32 $0x0;
	[sflag:s31] =	ssyncadd.s32 $0xFFFFE000  }
0x148: {  	v63 =	vld [tilespmem:s0+$0x11470]  }
0x149: {  	v34 =	vld [tilespmem:s0+$0x11280]  }
0x14a: {  	v35 =	vld [tilespmem:s0+$0x11290]  }
0x14b: {  	v36 =	vld [tilespmem:s0+$0x112A0]  }
0x14c: {  	v37 =	vld [tilespmem:s0+$0x112B0]  }
0x14d: {  	v38 =	vld [tilespmem:s0+$0x112C0]  }
0x14e: {  	v39 =	vld [tilespmem:s0+$0x112D0]  }
0x14f: {  	v40 =	vld [tilespmem:s0+$0x112E0]  }
0x150: {  	v41 =	vld [tilespmem:s0+$0x112F0]  }
0x151: {  	v42 =	vld [tilespmem:s0+$0x11300]  }
0x152: {  	v43 =	vld [tilespmem:s0+$0x11310]  }
0x153: {  	v44 =	vld [tilespmem:s0+$0x11320]  }
0x154: {  	v45 =	vld [tilespmem:s0+$0x11330]  }
0x155: {  	v46 =	vld [tilespmem:s0+$0x11340]  }
0x156: {  	v47 =	vld [tilespmem:s0+$0x11350]  }
0x157: {  	v48 =	vld [tilespmem:s0+$0x11360]  }
0x158: {  	v49 =	vld [tilespmem:s0+$0x11370]  }
0x159: {  	v50 =	vld [tilespmem:s0+$0x11380]  }
0x15a: {  	v51 =	vld [tilespmem:s0+$0x11390]  }
0x15b: {  	v52 =	vld [tilespmem:s0+$0x113A0]  }
0x15c: {  	v53 =	vld [tilespmem:s0+$0x113B0]  }
0x15d: {  	v54 =	vld [tilespmem:s0+$0x113C0]  }
0x15e: {  	v55 =	vld [tilespmem:s0+$0x113D0]  }
0x15f: {  	v56 =	vld [tilespmem:s0+$0x113E0]  }
0x160: {  	v57 =	vld [tilespmem:s0+$0x113F0]  }
0x161: {  	v58 =	vld [tilespmem:s0+$0x11400]  }
0x162: {  	v59 =	vld [tilespmem:s0+$0x11410]  }
0x163: {  	v60 =	vld [tilespmem:s0+$0x11420]  }
0x164: {  	v61 =	vld [tilespmem:s0+$0x11430]  }
0x165: {  	v62 =	vld [tilespmem:s0+$0x11440]  }
0x166: {  	v33 =	vld [tilespmem:s0+$0x11460]  }
0x167: {  	[tilespmem:s0+$0x9470] =	vst.add.f32.msk $0xffff, v63  }
0x168: {  	v63 =	vld [tilespmem:s0+$0x11450]  }
0x169: {  	[tilespmem:s0+$0x9280] =	vst.add.f32.msk $0xffff, v34  }
0x16a: {  	[tilespmem:s0+$0x9290] =	vst.add.f32.msk $0xffff, v35  }
0x16b: {  	[tilespmem:s0+$0x92A0] =	vst.add.f32.msk $0xffff, v36  }
0x16c: {  	[tilespmem:s0+$0x92B0] =	vst.add.f32.msk $0xffff, v37  }
0x16d: {  	[tilespmem:s0+$0x92C0] =	vst.add.f32.msk $0xffff, v38  }
0x16e: {  	[tilespmem:s0+$0x92D0] =	vst.add.f32.msk $0xffff, v39  }
0x16f: {  	[tilespmem:s0+$0x92E0] =	vst.add.f32.msk $0xffff, v40  }
0x170: {  	[tilespmem:s0+$0x92F0] =	vst.add.f32.msk $0xffff, v41  }
0x171: {  	[tilespmem:s0+$0x9300] =	vst.add.f32.msk $0xffff, v42  }
0x172: {  	[tilespmem:s0+$0x9310] =	vst.add.f32.msk $0xffff, v43  }
0x173: {  	[tilespmem:s0+$0x9320] =	vst.add.f32.msk $0xffff, v44  }
0x174: {  	[tilespmem:s0+$0x9330] =	vst.add.f32.msk $0xffff, v45  }
0x175: {  	[tilespmem:s0+$0x9340] =	vst.add.f32.msk $0xffff, v46  }
0x176: {  	[tilespmem:s0+$0x9350] =	vst.add.f32.msk $0xffff, v47  }
0x177: {  	[tilespmem:s0+$0x9360] =	vst.add.f32.msk $0xffff, v48  }
0x178: {  	[tilespmem:s0+$0x9370] =	vst.add.f32.msk $0xffff, v49  }
0x179: {  	[tilespmem:s0+$0x9380] =	vst.add.f32.msk $0xffff, v50  }
0x17a: {  	[tilespmem:s0+$0x9390] =	vst.add.f32.msk $0xffff, v51  }
0x17b: {  	[tilespmem:s0+$0x93A0] =	vst.add.f32.msk $0xffff, v52  }
0x17c: {  	[tilespmem:s0+$0x93B0] =	vst.add.f32.msk $0xffff, v53  }
0x17d: {  	[tilespmem:s0+$0x93C0] =	vst.add.f32.msk $0xffff, v54  }
0x17e: {  	[tilespmem:s0+$0x93D0] =	vst.add.f32.msk $0xffff, v55  }
0x17f: {  	[tilespmem:s0+$0x93E0] =	vst.add.f32.msk $0xffff, v56  }
0x180: {  	[tilespmem:s0+$0x93F0] =	vst.add.f32.msk $0xffff, v57  }
0x181: {  	[tilespmem:s0+$0x9400] =	vst.add.f32.msk $0xffff, v58  }
0x182: {  	[tilespmem:s0+$0x9410] =	vst.add.f32.msk $0xffff, v59  }
0x183: {  	[tilespmem:s0+$0x9420] =	vst.add.f32.msk $0xffff, v60  }
0x184: {  	[tilespmem:s0+$0x9430] =	vst.add.f32.msk $0xffff, v61  }
0x185: {  	[tilespmem:s0+$0x9440] =	vst.add.f32.msk $0xffff, v62  }
0x186: {  	s6 =	simm.s32 $0x800;
	s4 =	simm.s32 $0x0;
	[tilespmem:s0+$0x9450] =	vst.add.f32.msk $0xffff, v63  }
.LBB2_4:
0x187: {  	s4 =	sadd.s32 $0x4, s4;
	[tilespmem:s0+$0x9460] =	vst.add.f32.msk $0xffff, v33;
	s0 =	sshra.s32 s6, $0x2  }
0x188: {  	v33 =	vld [tilespmem:s0+$0x11470];
	p0 =	slt.u32 s4, $0x3C  }
0x189: {  	v34 =	vld [tilespmem:s0+$0x11280]  }
0x18a: {  	v35 =	vld [tilespmem:s0+$0x11290]  }
0x18b: {  	v36 =	vld [tilespmem:s0+$0x112A0]  }
0x18c: {  	v37 =	vld [tilespmem:s0+$0x112B0]  }
0x18d: {  	[tilespmem:s0+$0x9470] =	vst.add.f32.msk $0xffff, v33  }
0x18e: {  	v38 =	vld [tilespmem:s0+$0x112C0]  }
0x18f: {  	v39 =	vld [tilespmem:s0+$0x112D0]  }
0x190: {  	v40 =	vld [tilespmem:s0+$0x112E0]  }
0x191: {  	v41 =	vld [tilespmem:s0+$0x112F0]  }
0x192: {  	v42 =	vld [tilespmem:s0+$0x11300]  }
0x193: {  	v43 =	vld [tilespmem:s0+$0x11310]  }
0x194: {  	v44 =	vld [tilespmem:s0+$0x11320]  }
0x195: {  	v45 =	vld [tilespmem:s0+$0x11330]  }
0x196: {  	v46 =	vld [tilespmem:s0+$0x11340]  }
0x197: {  	v47 =	vld [tilespmem:s0+$0x11350]  }
0x198: {  	v48 =	vld [tilespmem:s0+$0x11360]  }
0x199: {  	v49 =	vld [tilespmem:s0+$0x11370]  }
0x19a: {  	v50 =	vld [tilespmem:s0+$0x11380]  }
0x19b: {  	v51 =	vld [tilespmem:s0+$0x11390]  }
0x19c: {  	v52 =	vld [tilespmem:s0+$0x113A0]  }
0x19d: {  	v53 =	vld [tilespmem:s0+$0x113B0]  }
0x19e: {  	v54 =	vld [tilespmem:s0+$0x113C0]  }
0x19f: {  	v55 =	vld [tilespmem:s0+$0x113D0]  }
0x1a0: {  	v56 =	vld [tilespmem:s0+$0x113E0]  }
0x1a1: {  	v57 =	vld [tilespmem:s0+$0x113F0]  }
0x1a2: {  	v58 =	vld [tilespmem:s0+$0x11400]  }
0x1a3: {  	v59 =	vld [tilespmem:s0+$0x11410]  }
0x1a4: {  	v60 =	vld [tilespmem:s0+$0x11420]  }
0x1a5: {  	v61 =	vld [tilespmem:s0+$0x11430]  }
0x1a6: {  	v62 =	vld [tilespmem:s0+$0x11440]  }
0x1a7: {  	v63 =	vld [tilespmem:s0+$0x11450]  }
0x1a8: {  	v33 =	vld [tilespmem:s0+$0x11460]  }
0x1a9: {  	[tilespmem:s0+$0x9280] =	vst.add.f32.msk $0xffff, v34  }
0x1aa: {  	[tilespmem:s0+$0x9290] =	vst.add.f32.msk $0xffff, v35  }
0x1ab: {  	[tilespmem:s0+$0x92A0] =	vst.add.f32.msk $0xffff, v36  }
0x1ac: {  	[tilespmem:s0+$0x92B0] =	vst.add.f32.msk $0xffff, v37  }
0x1ad: {  	[tilespmem:s0+$0x92C0] =	vst.add.f32.msk $0xffff, v38  }
0x1ae: {  	[tilespmem:s0+$0x92D0] =	vst.add.f32.msk $0xffff, v39  }
0x1af: {  	[tilespmem:s0+$0x92E0] =	vst.add.f32.msk $0xffff, v40  }
0x1b0: {  	[tilespmem:s0+$0x92F0] =	vst.add.f32.msk $0xffff, v41  }
0x1b1: {  	[tilespmem:s0+$0x9300] =	vst.add.f32.msk $0xffff, v42  }
0x1b2: {  	[tilespmem:s0+$0x9310] =	vst.add.f32.msk $0xffff, v43  }
0x1b3: {  	[tilespmem:s0+$0x9320] =	vst.add.f32.msk $0xffff, v44  }
0x1b4: {  	[tilespmem:s0+$0x9330] =	vst.add.f32.msk $0xffff, v45  }
0x1b5: {  	[tilespmem:s0+$0x9340] =	vst.add.f32.msk $0xffff, v46  }
0x1b6: {  	[tilespmem:s0+$0x9350] =	vst.add.f32.msk $0xffff, v47  }
0x1b7: {  	[tilespmem:s0+$0x9360] =	vst.add.f32.msk $0xffff, v48  }
0x1b8: {  	[tilespmem:s0+$0x9370] =	vst.add.f32.msk $0xffff, v49  }
0x1b9: {  	[tilespmem:s0+$0x9380] =	vst.add.f32.msk $0xffff, v50  }
0x1ba: {  	[tilespmem:s0+$0x9390] =	vst.add.f32.msk $0xffff, v51  }
0x1bb: {  	[tilespmem:s0+$0x93A0] =	vst.add.f32.msk $0xffff, v52  }
0x1bc: {  	[tilespmem:s0+$0x93B0] =	vst.add.f32.msk $0xffff, v53  }
0x1bd: {  	[tilespmem:s0+$0x93C0] =	vst.add.f32.msk $0xffff, v54  }
0x1be: {  	[tilespmem:s0+$0x93D0] =	vst.add.f32.msk $0xffff, v55  }
0x1bf: {  	[tilespmem:s0+$0x93E0] =	vst.add.f32.msk $0xffff, v56  }
0x1c0: {  	[tilespmem:s0+$0x93F0] =	vst.add.f32.msk $0xffff, v57  }
0x1c1: {  	[tilespmem:s0+$0x9400] =	vst.add.f32.msk $0xffff, v58  }
.Ltmp1:
0x1c2: {  	[tilespmem:s0+$0x9410] =	vst.add.f32.msk $0xffff, v59;
	(pc) =	sbr.rel @p0 .LBB2_4-.Ltmp1, $4  }
0x1c3: {  	[tilespmem:s0+$0x9420] =	vst.add.f32.msk $0xffff, v60  }
0x1c4: {  	[tilespmem:s0+$0x9430] =	vst.add.f32.msk $0xffff, v61  }
0x1c5: {  	[tilespmem:s0+$0x9440] =	vst.add.f32.msk $0xffff, v62  }
0x1c6: {  	s6 =	sadd.s32 $0x800, s6;
	[tilespmem:s0+$0x9450] =	vst.add.f32.msk $0xffff, v63  }
0x1c7: {  	[tilespmem:s0+$0x9460] =	vst.add.f32.msk $0xffff, v33;
	s23 =	simm.s32 $0x0  }
0x1c8: {  	s30 =	simm.s32 $0x9280;
	s29 =	simm.s32 $0x4;
	s1 =	rddreg [dreg:$0x13]  }
0x1c9: {  	[hbm4b:s1+s23] =	stream.linear.scatter [tilespmem:s30], [sflag:$0xB], $0x2000, $0x38;
	[tilespmem:$0x19280] =	vst v63  }
0x1ca: {  	_ =	swait.ge [sflag:s29], $0x2000  }
0x1cb: {  	[sflag:s29] =	ssyncset.done $0x0  }
0x1cc: {  	s31 =	simm.s32 $0x8;
	[sflag:s29] =	ssyncadd.s32 $0xFFFFE000  }
0x1cd: {  	_ =	swait.ge [sflag:s31], $0x2000  }
0x1ce: {  	[sflag:s31] =	ssyncset.done $0x0  }
0x1cf: {  	s0 =	simm.s32 $0x0;
	[sflag:s31] =	ssyncadd.s32 $0xFFFFE000  }
0x1d0: {  	v63 =	vld [tilespmem:s0+$0x13470]  }
0x1d1: {  	v34 =	vld [tilespmem:s0+$0x13280]  }
0x1d2: {  	v35 =	vld [tilespmem:s0+$0x13290]  }
0x1d3: {  	v36 =	vld [tilespmem:s0+$0x132A0]  }
0x1d4: {  	v37 =	vld [tilespmem:s0+$0x132B0]  }
0x1d5: {  	v38 =	vld [tilespmem:s0+$0x132C0]  }
0x1d6: {  	v39 =	vld [tilespmem:s0+$0x132D0]  }
0x1d7: {  	v40 =	vld [tilespmem:s0+$0x132E0]  }
0x1d8: {  	v41 =	vld [tilespmem:s0+$0x132F0]  }
0x1d9: {  	v42 =	vld [tilespmem:s0+$0x13300]  }
0x1da: {  	v43 =	vld [tilespmem:s0+$0x13310]  }
0x1db: {  	v44 =	vld [tilespmem:s0+$0x13320]  }
0x1dc: {  	v45 =	vld [tilespmem:s0+$0x13330]  }
0x1dd: {  	v46 =	vld [tilespmem:s0+$0x13340]  }
0x1de: {  	v47 =	vld [tilespmem:s0+$0x13350]  }
0x1df: {  	v48 =	vld [tilespmem:s0+$0x13360]  }
0x1e0: {  	v49 =	vld [tilespmem:s0+$0x13370]  }
0x1e1: {  	v50 =	vld [tilespmem:s0+$0x13380]  }
0x1e2: {  	v51 =	vld [tilespmem:s0+$0x13390]  }
0x1e3: {  	v52 =	vld [tilespmem:s0+$0x133A0]  }
0x1e4: {  	v53 =	vld [tilespmem:s0+$0x133B0]  }
0x1e5: {  	v54 =	vld [tilespmem:s0+$0x133C0]  }
0x1e6: {  	v55 =	vld [tilespmem:s0+$0x133D0]  }
0x1e7: {  	v56 =	vld [tilespmem:s0+$0x133E0]  }
0x1e8: {  	v57 =	vld [tilespmem:s0+$0x133F0]  }
0x1e9: {  	v58 =	vld [tilespmem:s0+$0x13400]  }
0x1ea: {  	v59 =	vld [tilespmem:s0+$0x13410]  }
0x1eb: {  	v60 =	vld [tilespmem:s0+$0x13420]  }
0x1ec: {  	v61 =	vld [tilespmem:s0+$0x13430]  }
0x1ed: {  	v62 =	vld [tilespmem:s0+$0x13440]  }
0x1ee: {  	[tilespmem:s0+$0xB470] =	vst.add.f32.msk $0xffff, v63  }
0x1ef: {  	v63 =	vld [tilespmem:s0+$0x13450]  }
0x1f0: {  	[tilespmem:s0+$0xB280] =	vst.add.f32.msk $0xffff, v34  }
0x1f1: {  	[tilespmem:s0+$0xB290] =	vst.add.f32.msk $0xffff, v35  }
0x1f2: {  	[tilespmem:s0+$0xB2A0] =	vst.add.f32.msk $0xffff, v36  }
0x1f3: {  	[tilespmem:s0+$0xB2B0] =	vst.add.f32.msk $0xffff, v37  }
0x1f4: {  	[tilespmem:s0+$0xB2C0] =	vst.add.f32.msk $0xffff, v38  }
0x1f5: {  	[tilespmem:s0+$0xB2D0] =	vst.add.f32.msk $0xffff, v39  }
0x1f6: {  	[tilespmem:s0+$0xB2E0] =	vst.add.f32.msk $0xffff, v40  }
0x1f7: {  	[tilespmem:s0+$0xB2F0] =	vst.add.f32.msk $0xffff, v41  }
0x1f8: {  	[tilespmem:s0+$0xB300] =	vst.add.f32.msk $0xffff, v42  }
0x1f9: {  	[tilespmem:s0+$0xB310] =	vst.add.f32.msk $0xffff, v43  }
0x1fa: {  	[tilespmem:s0+$0xB320] =	vst.add.f32.msk $0xffff, v44  }
0x1fb: {  	[tilespmem:s0+$0xB330] =	vst.add.f32.msk $0xffff, v45  }
0x1fc: {  	[tilespmem:s0+$0xB340] =	vst.add.f32.msk $0xffff, v46  }
0x1fd: {  	[tilespmem:s0+$0xB350] =	vst.add.f32.msk $0xffff, v47  }
0x1fe: {  	[tilespmem:s0+$0xB360] =	vst.add.f32.msk $0xffff, v48  }
0x1ff: {  	[tilespmem:s0+$0xB370] =	vst.add.f32.msk $0xffff, v49  }
0x200: {  	[tilespmem:s0+$0xB380] =	vst.add.f32.msk $0xffff, v50  }
0x201: {  	[tilespmem:s0+$0xB390] =	vst.add.f32.msk $0xffff, v51  }
0x202: {  	[tilespmem:s0+$0xB3A0] =	vst.add.f32.msk $0xffff, v52  }
0x203: {  	[tilespmem:s0+$0xB3B0] =	vst.add.f32.msk $0xffff, v53  }
0x204: {  	[tilespmem:s0+$0xB3C0] =	vst.add.f32.msk $0xffff, v54  }
0x205: {  	[tilespmem:s0+$0xB3D0] =	vst.add.f32.msk $0xffff, v55  }
0x206: {  	[tilespmem:s0+$0xB3E0] =	vst.add.f32.msk $0xffff, v56  }
0x207: {  	[tilespmem:s0+$0xB3F0] =	vst.add.f32.msk $0xffff, v57  }
0x208: {  	[tilespmem:s0+$0xB400] =	vst.add.f32.msk $0xffff, v58  }
0x209: {  	[tilespmem:s0+$0xB410] =	vst.add.f32.msk $0xffff, v59  }
0x20a: {  	[tilespmem:s0+$0xB420] =	vst.add.f32.msk $0xffff, v60  }
0x20b: {  	[tilespmem:s0+$0xB430] =	vst.add.f32.msk $0xffff, v61  }
0x20c: {  	[tilespmem:s0+$0xB440] =	vst.add.f32.msk $0xffff, v62  }
0x20d: {  	[tilespmem:s0+$0xB450] =	vst.add.f32.msk $0xffff, v63  }
0x20e: {  	v33 =	vld [tilespmem:s0+$0x13460];
	s16 =	rddreg [dreg:$0x6]  }
0x20f: {  	s4 =	simm.s32 $0x0;
	s17 =	rddreg [dreg:$0x7]  }
0x210: {  	s6 =	simm.s32 $0x800;
	s21 =	simm.s32 $0x8C80;
	s13 =	rddreg [dreg:$0x10]  }
0x211: {  	s12 =	simm.s32 $0xB280;
	s22 =	simm.s32 $0x8D80;
	s11 =	rddreg [dreg:$0x17]  }
0x212: {  	s28 =	simm.s32 $0xF280;
	s23 =	simm.s32 $0x8E80;
	s18 =	rddreg [dreg:$0x1b]  }
.LBB2_6:
0x213: {  	s4 =	sadd.s32 $0x4, s4;
	[tilespmem:s0+$0xB460] =	vst.add.f32.msk $0xffff, v33;
	s0 =	sshra.s32 s6, $0x2  }
0x214: {  	v33 =	vld [tilespmem:s0+$0x13470];
	p0 =	slt.u32 s4, $0x3C  }
0x215: {  	v34 =	vld [tilespmem:s0+$0x13280]  }
0x216: {  	v35 =	vld [tilespmem:s0+$0x13290]  }
0x217: {  	v36 =	vld [tilespmem:s0+$0x132A0]  }
0x218: {  	v37 =	vld [tilespmem:s0+$0x132B0]  }
0x219: {  	[tilespmem:s0+$0xB470] =	vst.add.f32.msk $0xffff, v33  }
0x21a: {  	v38 =	vld [tilespmem:s0+$0x132C0]  }
0x21b: {  	v39 =	vld [tilespmem:s0+$0x132D0]  }
0x21c: {  	v40 =	vld [tilespmem:s0+$0x132E0]  }
0x21d: {  	v41 =	vld [tilespmem:s0+$0x132F0]  }
0x21e: {  	v42 =	vld [tilespmem:s0+$0x13300]  }
0x21f: {  	v43 =	vld [tilespmem:s0+$0x13310]  }
0x220: {  	v44 =	vld [tilespmem:s0+$0x13320]  }
0x221: {  	v45 =	vld [tilespmem:s0+$0x13330]  }
0x222: {  	v46 =	vld [tilespmem:s0+$0x13340]  }
0x223: {  	v47 =	vld [tilespmem:s0+$0x13350]  }
0x224: {  	v48 =	vld [tilespmem:s0+$0x13360]  }
0x225: {  	v49 =	vld [tilespmem:s0+$0x13370]  }
0x226: {  	v50 =	vld [tilespmem:s0+$0x13380]  }
0x227: {  	v51 =	vld [tilespmem:s0+$0x13390]  }
0x228: {  	v52 =	vld [tilespmem:s0+$0x133A0]  }
0x229: {  	v53 =	vld [tilespmem:s0+$0x133B0]  }
0x22a: {  	v54 =	vld [tilespmem:s0+$0x133C0]  }
0x22b: {  	v55 =	vld [tilespmem:s0+$0x133D0]  }
0x22c: {  	v56 =	vld [tilespmem:s0+$0x133E0]  }
0x22d: {  	v57 =	vld [tilespmem:s0+$0x133F0]  }
0x22e: {  	v58 =	vld [tilespmem:s0+$0x13400]  }
0x22f: {  	v59 =	vld [tilespmem:s0+$0x13410]  }
0x230: {  	v60 =	vld [tilespmem:s0+$0x13420]  }
0x231: {  	v61 =	vld [tilespmem:s0+$0x13430]  }
0x232: {  	v62 =	vld [tilespmem:s0+$0x13440]  }
0x233: {  	v63 =	vld [tilespmem:s0+$0x13450]  }
0x234: {  	v33 =	vld [tilespmem:s0+$0x13460]  }
0x235: {  	[tilespmem:s0+$0xB280] =	vst.add.f32.msk $0xffff, v34  }
0x236: {  	[tilespmem:s0+$0xB290] =	vst.add.f32.msk $0xffff, v35  }
0x237: {  	[tilespmem:s0+$0xB2A0] =	vst.add.f32.msk $0xffff, v36  }
0x238: {  	[tilespmem:s0+$0xB2B0] =	vst.add.f32.msk $0xffff, v37  }
0x239: {  	[tilespmem:s0+$0xB2C0] =	vst.add.f32.msk $0xffff, v38  }
0x23a: {  	[tilespmem:s0+$0xB2D0] =	vst.add.f32.msk $0xffff, v39  }
0x23b: {  	[tilespmem:s0+$0xB2E0] =	vst.add.f32.msk $0xffff, v40  }
0x23c: {  	[tilespmem:s0+$0xB2F0] =	vst.add.f32.msk $0xffff, v41  }
0x23d: {  	[tilespmem:s0+$0xB300] =	vst.add.f32.msk $0xffff, v42  }
0x23e: {  	[tilespmem:s0+$0xB310] =	vst.add.f32.msk $0xffff, v43  }
0x23f: {  	[tilespmem:s0+$0xB320] =	vst.add.f32.msk $0xffff, v44  }
0x240: {  	[tilespmem:s0+$0xB330] =	vst.add.f32.msk $0xffff, v45  }
0x241: {  	[tilespmem:s0+$0xB340] =	vst.add.f32.msk $0xffff, v46  }
0x242: {  	[tilespmem:s0+$0xB350] =	vst.add.f32.msk $0xffff, v47  }
0x243: {  	[tilespmem:s0+$0xB360] =	vst.add.f32.msk $0xffff, v48  }
0x244: {  	[tilespmem:s0+$0xB370] =	vst.add.f32.msk $0xffff, v49  }
0x245: {  	[tilespmem:s0+$0xB380] =	vst.add.f32.msk $0xffff, v50  }
0x246: {  	[tilespmem:s0+$0xB390] =	vst.add.f32.msk $0xffff, v51  }
0x247: {  	[tilespmem:s0+$0xB3A0] =	vst.add.f32.msk $0xffff, v52  }
0x248: {  	[tilespmem:s0+$0xB3B0] =	vst.add.f32.msk $0xffff, v53  }
0x249: {  	[tilespmem:s0+$0xB3C0] =	vst.add.f32.msk $0xffff, v54  }
0x24a: {  	[tilespmem:s0+$0xB3D0] =	vst.add.f32.msk $0xffff, v55  }
0x24b: {  	[tilespmem:s0+$0xB3E0] =	vst.add.f32.msk $0xffff, v56  }
0x24c: {  	[tilespmem:s0+$0xB3F0] =	vst.add.f32.msk $0xffff, v57  }
0x24d: {  	[tilespmem:s0+$0xB400] =	vst.add.f32.msk $0xffff, v58  }
.Ltmp2:
0x24e: {  	[tilespmem:s0+$0xB410] =	vst.add.f32.msk $0xffff, v59;
	(pc) =	sbr.rel @p0 .LBB2_6-.Ltmp2, $4  }
0x24f: {  	[tilespmem:s0+$0xB420] =	vst.add.f32.msk $0xffff, v60  }
0x250: {  	[tilespmem:s0+$0xB430] =	vst.add.f32.msk $0xffff, v61  }
0x251: {  	[tilespmem:s0+$0xB440] =	vst.add.f32.msk $0xffff, v62  }
0x252: {  	s6 =	sadd.s32 $0x800, s6;
	[tilespmem:s0+$0xB450] =	vst.add.f32.msk $0xffff, v63  }
0x253: {  	[tilespmem:s0+$0xB460] =	vst.add.f32.msk $0xffff, v33  }
0x254: {  	s31 =	simm.s32 $0x0;
	s1 =	rddreg [dreg:$0x14]  }
0x255: {  	[hbm4b:s1+s31] =	stream.linear.scatter [tilespmem:s12], [sflag:$0xC], $0x2000, $0x38;
	[tilespmem:$0x19280] =	vst v63  }
0x256: {  	s2 =	rddreg [dreg:$0x15]  }
0x257: {  	[tilespmem:s21], [sflag:$0x2] =	stream.linear.gather [hbm4b:s2+s31], $0x40, $0x38;
	[tilespmem:$0x19280] =	vst v63  }
0x258: {  	s4 =	rddreg [dreg:$0x16]  }
0x259: {  	[tilespmem:s23], [sflag:$0x2] =	stream.linear.gather [hbm4b:s4+s31], $0x40, $0x38;
	[tilespmem:$0x19280] =	vst v63  }
0x25a: {  	_ =	swait.ge [sflag:s24], $0x40  }
0x25b: {  	[sflag:s24] =	ssyncset.done $0x0  }
0x25c: {  	[sflag:s24] =	ssyncadd.s32 $0xFFFFFFC0  }
0x25d: {  	_ =	swait.ge [sflag:s24], $0x40  }
0x25e: {  	[sflag:s24] =	ssyncset.done $0x0  }
0x25f: {  	s6 =	simm.s32 $0xB;
	[sflag:s24] =	ssyncadd.s32 $0xFFFFFFC0  }
0x260: {  	_ =	swait.ge [sflag:s6], $0x2000  }
0x261: {  	[sflag:s6] =	ssyncset.done $0x0  }
0x262: {  	[sflag:s6] =	ssyncadd.s32 $0xFFFFE000  }
0x263: {  	v58 =	vld [tilespmem:$0x8E80]  }
0x264: {  	v34 =	vld [tilespmem:$0x8E90]  }
0x265: {  	v35 =	vld [tilespmem:$0x8EA0]  }
0x266: {  	v36 =	vld [tilespmem:$0x8EB0];
	_ =	sdelay $0x1  }
0x267: {  	v33 =	vmul.u32 $0xC8, v58  }
0x268: {  	v34 =	vmul.u32 $0xC8, v34  }
0x269: {  	v35 =	vmul.u32 $0xC8, v35;
	v33 =	vadd.s32 v17, v33  }
0x26a: {  	v60 =	vmul.u32 $0xC8, v36;
	v59 =	vadd.s32 v18, v34;
	[tilespmem:$0x9080] =	vst v33  }
0x26b: {  	v61 =	vadd.s32 v19, v35;
	[tilespmem:$0x9090] =	vst v59  }
0x26c: {  	v62 =	vadd.s32 v20, v60;
	[tilespmem:$0x90A0] =	vst v61  }
0x26d: {  	[tilespmem:$0x90B0] =	vst v62  }
0x26e: {  	[tilespmem:s30], [sflag:$0x3] =	stream.indirect.gather [hbm4b:s3+s25], $0x80, s21, s25, $0xb8;
	[tilespmem:$0x19280] =	vst v63  }
0x26f: {  	s14 =	simm.s32 $0x9080;
	s15 =	simm.s32 $0x11280;
	s29 =	simm.s32 $0x5  }
0x270: {  	[tilespmem:s15], [sflag:$0x7] =	stream.indirect.gather [spmem:s7], $0x80, s14, s25, $0xb8;
	[tilespmem:$0x19280] =	vst v63  }
0x271: {  	_ =	swait.ge [sflag:s29], $0x2000  }
0x272: {  	[sflag:s29] =	ssyncset.done $0x0  }
0x273: {  	s31 =	simm.s32 $0x9;
	[sflag:s29] =	ssyncadd.s32 $0xFFFFE000  }
0x274: {  	_ =	swait.ge [sflag:s31], $0x2000  }
0x275: {  	[sflag:s31] =	ssyncset.done $0x0  }
0x276: {  	s0 =	simm.s32 $0x0;
	[sflag:s31] =	ssyncadd.s32 $0xFFFFE000  }
0x277: {  	v63 =	vld [tilespmem:s0+$0x15470]  }
0x278: {  	v34 =	vld [tilespmem:s0+$0x15280]  }
0x279: {  	v35 =	vld [tilespmem:s0+$0x15290]  }
0x27a: {  	v36 =	vld [tilespmem:s0+$0x152A0]  }
0x27b: {  	v37 =	vld [tilespmem:s0+$0x152B0]  }
0x27c: {  	v38 =	vld [tilespmem:s0+$0x152C0]  }
0x27d: {  	v39 =	vld [tilespmem:s0+$0x152D0]  }
0x27e: {  	v40 =	vld [tilespmem:s0+$0x152E0]  }
0x27f: {  	v41 =	vld [tilespmem:s0+$0x152F0]  }
0x280: {  	v42 =	vld [tilespmem:s0+$0x15300]  }
0x281: {  	v43 =	vld [tilespmem:s0+$0x15310]  }
0x282: {  	v44 =	vld [tilespmem:s0+$0x15320]  }
0x283: {  	v45 =	vld [tilespmem:s0+$0x15330]  }
0x284: {  	v46 =	vld [tilespmem:s0+$0x15340]  }
0x285: {  	v47 =	vld [tilespmem:s0+$0x15350]  }
0x286: {  	v48 =	vld [tilespmem:s0+$0x15360]  }
0x287: {  	v49 =	vld [tilespmem:s0+$0x15370]  }
0x288: {  	v50 =	vld [tilespmem:s0+$0x15380]  }
0x289: {  	v51 =	vld [tilespmem:s0+$0x15390]  }
0x28a: {  	v52 =	vld [tilespmem:s0+$0x153A0]  }
0x28b: {  	v53 =	vld [tilespmem:s0+$0x153B0]  }
0x28c: {  	v54 =	vld [tilespmem:s0+$0x153C0]  }
0x28d: {  	v55 =	vld [tilespmem:s0+$0x153D0]  }
0x28e: {  	v56 =	vld [tilespmem:s0+$0x153E0]  }
0x28f: {  	v57 =	vld [tilespmem:s0+$0x153F0]  }
0x290: {  	v58 =	vld [tilespmem:s0+$0x15400]  }
0x291: {  	v59 =	vld [tilespmem:s0+$0x15410]  }
0x292: {  	v60 =	vld [tilespmem:s0+$0x15420]  }
0x293: {  	v61 =	vld [tilespmem:s0+$0x15430]  }
0x294: {  	v62 =	vld [tilespmem:s0+$0x15440]  }
0x295: {  	v33 =	vld [tilespmem:s0+$0x15460]  }
0x296: {  	[tilespmem:s0+$0xD470] =	vst.add.f32.msk $0xffff, v63  }
0x297: {  	v63 =	vld [tilespmem:s0+$0x15450]  }
0x298: {  	[tilespmem:s0+$0xD280] =	vst.add.f32.msk $0xffff, v34  }
0x299: {  	[tilespmem:s0+$0xD290] =	vst.add.f32.msk $0xffff, v35  }
0x29a: {  	[tilespmem:s0+$0xD2A0] =	vst.add.f32.msk $0xffff, v36  }
0x29b: {  	[tilespmem:s0+$0xD2B0] =	vst.add.f32.msk $0xffff, v37  }
0x29c: {  	[tilespmem:s0+$0xD2C0] =	vst.add.f32.msk $0xffff, v38  }
0x29d: {  	[tilespmem:s0+$0xD2D0] =	vst.add.f32.msk $0xffff, v39  }
0x29e: {  	[tilespmem:s0+$0xD2E0] =	vst.add.f32.msk $0xffff, v40  }
0x29f: {  	[tilespmem:s0+$0xD2F0] =	vst.add.f32.msk $0xffff, v41  }
0x2a0: {  	[tilespmem:s0+$0xD300] =	vst.add.f32.msk $0xffff, v42  }
0x2a1: {  	[tilespmem:s0+$0xD310] =	vst.add.f32.msk $0xffff, v43  }
0x2a2: {  	[tilespmem:s0+$0xD320] =	vst.add.f32.msk $0xffff, v44  }
0x2a3: {  	[tilespmem:s0+$0xD330] =	vst.add.f32.msk $0xffff, v45  }
0x2a4: {  	[tilespmem:s0+$0xD340] =	vst.add.f32.msk $0xffff, v46  }
0x2a5: {  	[tilespmem:s0+$0xD350] =	vst.add.f32.msk $0xffff, v47  }
0x2a6: {  	[tilespmem:s0+$0xD360] =	vst.add.f32.msk $0xffff, v48  }
0x2a7: {  	[tilespmem:s0+$0xD370] =	vst.add.f32.msk $0xffff, v49  }
0x2a8: {  	[tilespmem:s0+$0xD380] =	vst.add.f32.msk $0xffff, v50  }
0x2a9: {  	[tilespmem:s0+$0xD390] =	vst.add.f32.msk $0xffff, v51  }
0x2aa: {  	[tilespmem:s0+$0xD3A0] =	vst.add.f32.msk $0xffff, v52  }
0x2ab: {  	[tilespmem:s0+$0xD3B0] =	vst.add.f32.msk $0xffff, v53  }
0x2ac: {  	[tilespmem:s0+$0xD3C0] =	vst.add.f32.msk $0xffff, v54  }
0x2ad: {  	[tilespmem:s0+$0xD3D0] =	vst.add.f32.msk $0xffff, v55  }
0x2ae: {  	[tilespmem:s0+$0xD3E0] =	vst.add.f32.msk $0xffff, v56  }
0x2af: {  	[tilespmem:s0+$0xD3F0] =	vst.add.f32.msk $0xffff, v57  }
0x2b0: {  	[tilespmem:s0+$0xD400] =	vst.add.f32.msk $0xffff, v58  }
0x2b1: {  	[tilespmem:s0+$0xD410] =	vst.add.f32.msk $0xffff, v59  }
0x2b2: {  	[tilespmem:s0+$0xD420] =	vst.add.f32.msk $0xffff, v60  }
0x2b3: {  	[tilespmem:s0+$0xD430] =	vst.add.f32.msk $0xffff, v61  }
0x2b4: {  	[tilespmem:s0+$0xD440] =	vst.add.f32.msk $0xffff, v62  }
0x2b5: {  	s4 =	simm.s32 $0x0;
	s6 =	simm.s32 $0x800;
	[tilespmem:s0+$0xD450] =	vst.add.f32.msk $0xffff, v63  }
.LBB2_8:
0x2b6: {  	s4 =	sadd.s32 $0x4, s4;
	[tilespmem:s0+$0xD460] =	vst.add.f32.msk $0xffff, v33;
	s0 =	sshra.s32 s6, $0x2  }
0x2b7: {  	v33 =	vld [tilespmem:s0+$0x15470];
	p0 =	slt.u32 s4, $0x3C  }
0x2b8: {  	v34 =	vld [tilespmem:s0+$0x15280]  }
0x2b9: {  	v35 =	vld [tilespmem:s0+$0x15290]  }
0x2ba: {  	v36 =	vld [tilespmem:s0+$0x152A0]  }
0x2bb: {  	v37 =	vld [tilespmem:s0+$0x152B0]  }
0x2bc: {  	[tilespmem:s0+$0xD470] =	vst.add.f32.msk $0xffff, v33  }
0x2bd: {  	v38 =	vld [tilespmem:s0+$0x152C0]  }
0x2be: {  	v39 =	vld [tilespmem:s0+$0x152D0]  }
0x2bf: {  	v40 =	vld [tilespmem:s0+$0x152E0]  }
0x2c0: {  	v41 =	vld [tilespmem:s0+$0x152F0]  }
0x2c1: {  	v42 =	vld [tilespmem:s0+$0x15300]  }
0x2c2: {  	v43 =	vld [tilespmem:s0+$0x15310]  }
0x2c3: {  	v44 =	vld [tilespmem:s0+$0x15320]  }
0x2c4: {  	v45 =	vld [tilespmem:s0+$0x15330]  }
0x2c5: {  	v46 =	vld [tilespmem:s0+$0x15340]  }
0x2c6: {  	v47 =	vld [tilespmem:s0+$0x15350]  }
0x2c7: {  	v48 =	vld [tilespmem:s0+$0x15360]  }
0x2c8: {  	v49 =	vld [tilespmem:s0+$0x15370]  }
0x2c9: {  	v50 =	vld [tilespmem:s0+$0x15380]  }
0x2ca: {  	v51 =	vld [tilespmem:s0+$0x15390]  }
0x2cb: {  	v52 =	vld [tilespmem:s0+$0x153A0]  }
0x2cc: {  	v53 =	vld [tilespmem:s0+$0x153B0]  }
0x2cd: {  	v54 =	vld [tilespmem:s0+$0x153C0]  }
0x2ce: {  	v55 =	vld [tilespmem:s0+$0x153D0]  }
0x2cf: {  	v56 =	vld [tilespmem:s0+$0x153E0]  }
0x2d0: {  	v57 =	vld [tilespmem:s0+$0x153F0]  }
0x2d1: {  	v58 =	vld [tilespmem:s0+$0x15400]  }
0x2d2: {  	v59 =	vld [tilespmem:s0+$0x15410]  }
0x2d3: {  	v60 =	vld [tilespmem:s0+$0x15420]  }
0x2d4: {  	v61 =	vld [tilespmem:s0+$0x15430]  }
0x2d5: {  	v62 =	vld [tilespmem:s0+$0x15440]  }
0x2d6: {  	v63 =	vld [tilespmem:s0+$0x15450]  }
0x2d7: {  	v33 =	vld [tilespmem:s0+$0x15460]  }
0x2d8: {  	[tilespmem:s0+$0xD280] =	vst.add.f32.msk $0xffff, v34  }
0x2d9: {  	[tilespmem:s0+$0xD290] =	vst.add.f32.msk $0xffff, v35  }
0x2da: {  	[tilespmem:s0+$0xD2A0] =	vst.add.f32.msk $0xffff, v36  }
0x2db: {  	[tilespmem:s0+$0xD2B0] =	vst.add.f32.msk $0xffff, v37  }
0x2dc: {  	[tilespmem:s0+$0xD2C0] =	vst.add.f32.msk $0xffff, v38  }
0x2dd: {  	[tilespmem:s0+$0xD2D0] =	vst.add.f32.msk $0xffff, v39  }
0x2de: {  	[tilespmem:s0+$0xD2E0] =	vst.add.f32.msk $0xffff, v40  }
0x2df: {  	[tilespmem:s0+$0xD2F0] =	vst.add.f32.msk $0xffff, v41  }
0x2e0: {  	[tilespmem:s0+$0xD300] =	vst.add.f32.msk $0xffff, v42  }
0x2e1: {  	[tilespmem:s0+$0xD310] =	vst.add.f32.msk $0xffff, v43  }
0x2e2: {  	[tilespmem:s0+$0xD320] =	vst.add.f32.msk $0xffff, v44  }
0x2e3: {  	[tilespmem:s0+$0xD330] =	vst.add.f32.msk $0xffff, v45  }
0x2e4: {  	[tilespmem:s0+$0xD340] =	vst.add.f32.msk $0xffff, v46  }
0x2e5: {  	[tilespmem:s0+$0xD350] =	vst.add.f32.msk $0xffff, v47  }
0x2e6: {  	[tilespmem:s0+$0xD360] =	vst.add.f32.msk $0xffff, v48  }
0x2e7: {  	[tilespmem:s0+$0xD370] =	vst.add.f32.msk $0xffff, v49  }
0x2e8: {  	[tilespmem:s0+$0xD380] =	vst.add.f32.msk $0xffff, v50  }
0x2e9: {  	[tilespmem:s0+$0xD390] =	vst.add.f32.msk $0xffff, v51  }
0x2ea: {  	[tilespmem:s0+$0xD3A0] =	vst.add.f32.msk $0xffff, v52  }
0x2eb: {  	[tilespmem:s0+$0xD3B0] =	vst.add.f32.msk $0xffff, v53  }
0x2ec: {  	[tilespmem:s0+$0xD3C0] =	vst.add.f32.msk $0xffff, v54  }
0x2ed: {  	[tilespmem:s0+$0xD3D0] =	vst.add.f32.msk $0xffff, v55  }
0x2ee: {  	[tilespmem:s0+$0xD3E0] =	vst.add.f32.msk $0xffff, v56  }
0x2ef: {  	[tilespmem:s0+$0xD3F0] =	vst.add.f32.msk $0xffff, v57  }
0x2f0: {  	[tilespmem:s0+$0xD400] =	vst.add.f32.msk $0xffff, v58  }
.Ltmp3:
0x2f1: {  	[tilespmem:s0+$0xD410] =	vst.add.f32.msk $0xffff, v59;
	(pc) =	sbr.rel @p0 .LBB2_8-.Ltmp3, $4  }
0x2f2: {  	[tilespmem:s0+$0xD420] =	vst.add.f32.msk $0xffff, v60  }
0x2f3: {  	[tilespmem:s0+$0xD430] =	vst.add.f32.msk $0xffff, v61  }
0x2f4: {  	[tilespmem:s0+$0xD440] =	vst.add.f32.msk $0xffff, v62  }
0x2f5: {  	s6 =	sadd.s32 $0x800, s6;
	[tilespmem:s0+$0xD450] =	vst.add.f32.msk $0xffff, v63  }
0x2f6: {  	[tilespmem:s0+$0xD460] =	vst.add.f32.msk $0xffff, v33  }
0x2f7: {  	s14 =	simm.s32 $0x0;
	s2 =	simm.s32 $0xD280;
	s1 =	rddreg [dreg:$0x18]  }
0x2f8: {  	[hbm4b:s1+s14] =	stream.linear.scatter [tilespmem:s2], [sflag:$0xD], $0x2000, $0x38;
	[tilespmem:$0x19280] =	vst v63  }
0x2f9: {  	s29 =	simm.s32 $0x8D00;
	s15 =	rddreg [dreg:$0x1a]  }
0x2fa: {  	[tilespmem:s29], [sflag:$0x2] =	stream.linear.gather [hbm4b:s15+s14], $0x40, $0x38;
	[tilespmem:$0x19280] =	vst v63  }
0x2fb: {  	s4 =	simm.s32 $0x8F00;
	s31 =	rddreg [dreg:$0x1c]  }
0x2fc: {  	[tilespmem:s4], [sflag:$0x2] =	stream.linear.gather [hbm4b:s31+s14], $0x40, $0x38;
	[tilespmem:$0x19280] =	vst v63  }
0x2fd: {  	_ =	swait.ge [sflag:s24], $0x40  }
0x2fe: {  	[sflag:s24] =	ssyncset.done $0x0  }
0x2ff: {  	[sflag:s24] =	ssyncadd.s32 $0xFFFFFFC0  }
0x300: {  	_ =	swait.ge [sflag:s24], $0x40  }
0x301: {  	[sflag:s24] =	ssyncset.done $0x0  }
0x302: {  	s6 =	simm.s32 $0xC;
	[sflag:s24] =	ssyncadd.s32 $0xFFFFFFC0  }
0x303: {  	_ =	swait.ge [sflag:s6], $0x2000  }
0x304: {  	[sflag:s6] =	ssyncset.done $0x0  }
0x305: {  	[sflag:s6] =	ssyncadd.s32 $0xFFFFE000  }
0x306: {  	v58 =	vld [tilespmem:$0x8F00]  }
0x307: {  	v34 =	vld [tilespmem:$0x8F10]  }
0x308: {  	v35 =	vld [tilespmem:$0x8F20]  }
0x309: {  	v36 =	vld [tilespmem:$0x8F30];
	_ =	sdelay $0x1  }
0x30a: {  	v33 =	vmul.u32 $0xC8, v58  }
0x30b: {  	v34 =	vmul.u32 $0xC8, v34  }
0x30c: {  	v35 =	vmul.u32 $0xC8, v35;
	v33 =	vadd.s32 v21, v33  }
0x30d: {  	v60 =	vmul.u32 $0xC8, v36;
	v59 =	vadd.s32 v22, v34;
	[tilespmem:$0x9100] =	vst v33  }
0x30e: {  	v61 =	vadd.s32 v23, v35;
	[tilespmem:$0x9110] =	vst v59  }
0x30f: {  	v62 =	vadd.s32 v24, v60;
	[tilespmem:$0x9120] =	vst v61  }
0x310: {  	[tilespmem:$0x9130] =	vst v62  }
0x311: {  	[tilespmem:s12], [sflag:$0x4] =	stream.indirect.gather [hbm4b:s3+s25], $0x80, s29, s25, $0xb8;
	[tilespmem:$0x19280] =	vst v63  }
0x312: {  	s15 =	simm.s32 $0x13280;
	s14 =	simm.s32 $0x9100;
	s29 =	simm.s32 $0x6  }
0x313: {  	[tilespmem:s15], [sflag:$0x8] =	stream.indirect.gather [spmem:s7], $0x80, s14, s25, $0xb8;
	[tilespmem:$0x19280] =	vst v63  }
0x314: {  	_ =	swait.ge [sflag:s29], $0x2000  }
0x315: {  	[sflag:s29] =	ssyncset.done $0x0  }
0x316: {  	s31 =	simm.s32 $0xA;
	[sflag:s29] =	ssyncadd.s32 $0xFFFFE000  }
0x317: {  	_ =	swait.ge [sflag:s31], $0x2000  }
0x318: {  	[sflag:s31] =	ssyncset.done $0x0  }
0x319: {  	s0 =	simm.s32 $0x0;
	[sflag:s31] =	ssyncadd.s32 $0xFFFFE000  }
0x31a: {  	v63 =	vld [tilespmem:s0+$0x17470]  }
0x31b: {  	v34 =	vld [tilespmem:s0+$0x17280]  }
0x31c: {  	v35 =	vld [tilespmem:s0+$0x17290]  }
0x31d: {  	v36 =	vld [tilespmem:s0+$0x172A0]  }
0x31e: {  	v37 =	vld [tilespmem:s0+$0x172B0]  }
0x31f: {  	v38 =	vld [tilespmem:s0+$0x172C0]  }
0x320: {  	v39 =	vld [tilespmem:s0+$0x172D0]  }
0x321: {  	v40 =	vld [tilespmem:s0+$0x172E0]  }
0x322: {  	v41 =	vld [tilespmem:s0+$0x172F0]  }
0x323: {  	v42 =	vld [tilespmem:s0+$0x17300]  }
0x324: {  	v43 =	vld [tilespmem:s0+$0x17310]  }
0x325: {  	v44 =	vld [tilespmem:s0+$0x17320]  }
0x326: {  	v45 =	vld [tilespmem:s0+$0x17330]  }
0x327: {  	v46 =	vld [tilespmem:s0+$0x17340]  }
0x328: {  	v47 =	vld [tilespmem:s0+$0x17350]  }
0x329: {  	v48 =	vld [tilespmem:s0+$0x17360]  }
0x32a: {  	v49 =	vld [tilespmem:s0+$0x17370]  }
0x32b: {  	v50 =	vld [tilespmem:s0+$0x17380]  }
0x32c: {  	v51 =	vld [tilespmem:s0+$0x17390]  }
0x32d: {  	v52 =	vld [tilespmem:s0+$0x173A0]  }
0x32e: {  	v53 =	vld [tilespmem:s0+$0x173B0]  }
0x32f: {  	v54 =	vld [tilespmem:s0+$0x173C0]  }
0x330: {  	v55 =	vld [tilespmem:s0+$0x173D0]  }
0x331: {  	v56 =	vld [tilespmem:s0+$0x173E0]  }
0x332: {  	v57 =	vld [tilespmem:s0+$0x173F0]  }
0x333: {  	v58 =	vld [tilespmem:s0+$0x17400]  }
0x334: {  	v59 =	vld [tilespmem:s0+$0x17410]  }
0x335: {  	v60 =	vld [tilespmem:s0+$0x17420]  }
0x336: {  	v61 =	vld [tilespmem:s0+$0x17430]  }
0x337: {  	v62 =	vld [tilespmem:s0+$0x17440]  }
0x338: {  	v33 =	vld [tilespmem:s0+$0x17460]  }
0x339: {  	[tilespmem:s0+$0xF470] =	vst.add.f32.msk $0xffff, v63  }
0x33a: {  	v63 =	vld [tilespmem:s0+$0x17450]  }
0x33b: {  	[tilespmem:s0+$0xF280] =	vst.add.f32.msk $0xffff, v34  }
0x33c: {  	[tilespmem:s0+$0xF290] =	vst.add.f32.msk $0xffff, v35  }
0x33d: {  	[tilespmem:s0+$0xF2A0] =	vst.add.f32.msk $0xffff, v36  }
0x33e: {  	[tilespmem:s0+$0xF2B0] =	vst.add.f32.msk $0xffff, v37  }
0x33f: {  	[tilespmem:s0+$0xF2C0] =	vst.add.f32.msk $0xffff, v38  }
0x340: {  	[tilespmem:s0+$0xF2D0] =	vst.add.f32.msk $0xffff, v39  }
0x341: {  	[tilespmem:s0+$0xF2E0] =	vst.add.f32.msk $0xffff, v40  }
0x342: {  	[tilespmem:s0+$0xF2F0] =	vst.add.f32.msk $0xffff, v41  }
0x343: {  	[tilespmem:s0+$0xF300] =	vst.add.f32.msk $0xffff, v42  }
0x344: {  	[tilespmem:s0+$0xF310] =	vst.add.f32.msk $0xffff, v43  }
0x345: {  	[tilespmem:s0+$0xF320] =	vst.add.f32.msk $0xffff, v44  }
0x346: {  	[tilespmem:s0+$0xF330] =	vst.add.f32.msk $0xffff, v45  }
0x347: {  	[tilespmem:s0+$0xF340] =	vst.add.f32.msk $0xffff, v46  }
0x348: {  	[tilespmem:s0+$0xF350] =	vst.add.f32.msk $0xffff, v47  }
0x349: {  	[tilespmem:s0+$0xF360] =	vst.add.f32.msk $0xffff, v48  }
0x34a: {  	[tilespmem:s0+$0xF370] =	vst.add.f32.msk $0xffff, v49  }
0x34b: {  	[tilespmem:s0+$0xF380] =	vst.add.f32.msk $0xffff, v50  }
0x34c: {  	[tilespmem:s0+$0xF390] =	vst.add.f32.msk $0xffff, v51  }
0x34d: {  	[tilespmem:s0+$0xF3A0] =	vst.add.f32.msk $0xffff, v52  }
0x34e: {  	[tilespmem:s0+$0xF3B0] =	vst.add.f32.msk $0xffff, v53  }
0x34f: {  	[tilespmem:s0+$0xF3C0] =	vst.add.f32.msk $0xffff, v54  }
0x350: {  	[tilespmem:s0+$0xF3D0] =	vst.add.f32.msk $0xffff, v55  }
0x351: {  	[tilespmem:s0+$0xF3E0] =	vst.add.f32.msk $0xffff, v56  }
0x352: {  	[tilespmem:s0+$0xF3F0] =	vst.add.f32.msk $0xffff, v57  }
0x353: {  	[tilespmem:s0+$0xF400] =	vst.add.f32.msk $0xffff, v58  }
0x354: {  	[tilespmem:s0+$0xF410] =	vst.add.f32.msk $0xffff, v59  }
0x355: {  	[tilespmem:s0+$0xF420] =	vst.add.f32.msk $0xffff, v60  }
0x356: {  	[tilespmem:s0+$0xF430] =	vst.add.f32.msk $0xffff, v61  }
0x357: {  	[tilespmem:s0+$0xF440] =	vst.add.f32.msk $0xffff, v62  }
0x358: {  	[tilespmem:s0+$0xF450] =	vst.add.f32.msk $0xffff, v63  }
0x359: {  	s4 =	simm.s32 $0x0;
	s6 =	simm.s32 $0x800;
	s14 =	rddreg [dreg:$0x19]  }
.LBB2_10:
0x35a: {  	s4 =	sadd.s32 $0x4, s4;
	[tilespmem:s0+$0xF460] =	vst.add.f32.msk $0xffff, v33;
	s0 =	sshra.s32 s6, $0x2  }
0x35b: {  	v33 =	vld [tilespmem:s0+$0x17470];
	p0 =	slt.u32 s4, $0x3C  }
0x35c: {  	v34 =	vld [tilespmem:s0+$0x17280]  }
0x35d: {  	v35 =	vld [tilespmem:s0+$0x17290]  }
0x35e: {  	v36 =	vld [tilespmem:s0+$0x172A0]  }
0x35f: {  	v37 =	vld [tilespmem:s0+$0x172B0]  }
0x360: {  	[tilespmem:s0+$0xF470] =	vst.add.f32.msk $0xffff, v33  }
0x361: {  	v38 =	vld [tilespmem:s0+$0x172C0]  }
0x362: {  	v39 =	vld [tilespmem:s0+$0x172D0]  }
0x363: {  	v40 =	vld [tilespmem:s0+$0x172E0]  }
0x364: {  	v41 =	vld [tilespmem:s0+$0x172F0]  }
0x365: {  	v42 =	vld [tilespmem:s0+$0x17300]  }
0x366: {  	v43 =	vld [tilespmem:s0+$0x17310]  }
0x367: {  	v44 =	vld [tilespmem:s0+$0x17320]  }
0x368: {  	v45 =	vld [tilespmem:s0+$0x17330]  }
0x369: {  	v46 =	vld [tilespmem:s0+$0x17340]  }
0x36a: {  	v47 =	vld [tilespmem:s0+$0x17350]  }
0x36b: {  	v48 =	vld [tilespmem:s0+$0x17360]  }
0x36c: {  	v49 =	vld [tilespmem:s0+$0x17370]  }
0x36d: {  	v50 =	vld [tilespmem:s0+$0x17380]  }
0x36e: {  	v51 =	vld [tilespmem:s0+$0x17390]  }
0x36f: {  	v52 =	vld [tilespmem:s0+$0x173A0]  }
0x370: {  	v53 =	vld [tilespmem:s0+$0x173B0]  }
0x371: {  	v54 =	vld [tilespmem:s0+$0x173C0]  }
0x372: {  	v55 =	vld [tilespmem:s0+$0x173D0]  }
0x373: {  	v56 =	vld [tilespmem:s0+$0x173E0]  }
0x374: {  	v57 =	vld [tilespmem:s0+$0x173F0]  }
0x375: {  	v58 =	vld [tilespmem:s0+$0x17400]  }
0x376: {  	v59 =	vld [tilespmem:s0+$0x17410]  }
0x377: {  	v60 =	vld [tilespmem:s0+$0x17420]  }
0x378: {  	v61 =	vld [tilespmem:s0+$0x17430]  }
0x379: {  	v62 =	vld [tilespmem:s0+$0x17440]  }
0x37a: {  	v63 =	vld [tilespmem:s0+$0x17450]  }
0x37b: {  	v33 =	vld [tilespmem:s0+$0x17460]  }
0x37c: {  	[tilespmem:s0+$0xF280] =	vst.add.f32.msk $0xffff, v34  }
0x37d: {  	[tilespmem:s0+$0xF290] =	vst.add.f32.msk $0xffff, v35  }
0x37e: {  	[tilespmem:s0+$0xF2A0] =	vst.add.f32.msk $0xffff, v36  }
0x37f: {  	[tilespmem:s0+$0xF2B0] =	vst.add.f32.msk $0xffff, v37  }
0x380: {  	[tilespmem:s0+$0xF2C0] =	vst.add.f32.msk $0xffff, v38  }
0x381: {  	[tilespmem:s0+$0xF2D0] =	vst.add.f32.msk $0xffff, v39  }
0x382: {  	[tilespmem:s0+$0xF2E0] =	vst.add.f32.msk $0xffff, v40  }
0x383: {  	[tilespmem:s0+$0xF2F0] =	vst.add.f32.msk $0xffff, v41  }
0x384: {  	[tilespmem:s0+$0xF300] =	vst.add.f32.msk $0xffff, v42  }
0x385: {  	[tilespmem:s0+$0xF310] =	vst.add.f32.msk $0xffff, v43  }
0x386: {  	[tilespmem:s0+$0xF320] =	vst.add.f32.msk $0xffff, v44  }
0x387: {  	[tilespmem:s0+$0xF330] =	vst.add.f32.msk $0xffff, v45  }
0x388: {  	[tilespmem:s0+$0xF340] =	vst.add.f32.msk $0xffff, v46  }
0x389: {  	[tilespmem:s0+$0xF350] =	vst.add.f32.msk $0xffff, v47  }
0x38a: {  	[tilespmem:s0+$0xF360] =	vst.add.f32.msk $0xffff, v48  }
0x38b: {  	[tilespmem:s0+$0xF370] =	vst.add.f32.msk $0xffff, v49  }
0x38c: {  	[tilespmem:s0+$0xF380] =	vst.add.f32.msk $0xffff, v50  }
0x38d: {  	[tilespmem:s0+$0xF390] =	vst.add.f32.msk $0xffff, v51  }
0x38e: {  	[tilespmem:s0+$0xF3A0] =	vst.add.f32.msk $0xffff, v52  }
0x38f: {  	[tilespmem:s0+$0xF3B0] =	vst.add.f32.msk $0xffff, v53  }
0x390: {  	[tilespmem:s0+$0xF3C0] =	vst.add.f32.msk $0xffff, v54  }
0x391: {  	[tilespmem:s0+$0xF3D0] =	vst.add.f32.msk $0xffff, v55  }
0x392: {  	[tilespmem:s0+$0xF3E0] =	vst.add.f32.msk $0xffff, v56  }
0x393: {  	[tilespmem:s0+$0xF3F0] =	vst.add.f32.msk $0xffff, v57  }
0x394: {  	[tilespmem:s0+$0xF400] =	vst.add.f32.msk $0xffff, v58  }
.Ltmp4:
0x395: {  	[tilespmem:s0+$0xF410] =	vst.add.f32.msk $0xffff, v59;
	(pc) =	sbr.rel @p0 .LBB2_10-.Ltmp4, $4  }
0x396: {  	[tilespmem:s0+$0xF420] =	vst.add.f32.msk $0xffff, v60  }
0x397: {  	[tilespmem:s0+$0xF430] =	vst.add.f32.msk $0xffff, v61  }
0x398: {  	[tilespmem:s0+$0xF440] =	vst.add.f32.msk $0xffff, v62  }
0x399: {  	s6 =	sadd.s32 $0x800, s6;
	[tilespmem:s0+$0xF450] =	vst.add.f32.msk $0xffff, v63  }
0x39a: {  	[tilespmem:s0+$0xF460] =	vst.add.f32.msk $0xffff, v33  }
0x39b: {  	s0 =	rddreg [dreg:$0x1d]  }
0x39c: {  	[hbm4b:s0+s8] =	stream.linear.scatter [tilespmem:s28], [sflag:$0xE], $0x2000, $0x38;
	[tilespmem:$0x19280] =	vst v63  }
0x39d: {  	s28 =	rddreg [dreg:$0x1e]  }
0x39e: {  	[tilespmem:s22], [sflag:$0x2] =	stream.linear.gather [hbm4b:s28+s8], $0x40, $0x38;
	[tilespmem:$0x19280] =	vst v63  }
0x39f: {  	s1 =	simm.s32 $0x8F80;
	s29 =	simm.s32 $0x1;
	s31 =	rddreg [dreg:$0x1f]  }
0x3a0: {  	[tilespmem:s1], [sflag:$0x2] =	stream.linear.gather [hbm4b:s31+s8], $0x40, $0x38;
	[tilespmem:$0x19280] =	vst v63  }
.LBB2_12:
0x3a1: {  	_ =	swait.ge [sflag:s24], $0x40  }
0x3a2: {  	[sflag:s24] =	ssyncset.done $0x0  }
0x3a3: {  	[sflag:s24] =	ssyncadd.s32 $0xFFFFFFC0  }
0x3a4: {  	_ =	swait.ge [sflag:s24], $0x40  }
0x3a5: {  	s31 =	sshll.u32 s29, $0x8;
	[sflag:s24] =	ssyncset.done $0x0  }
0x3a6: {  	s0 =	sadd.s32 s31, s16;
	[sflag:s24] =	ssyncadd.s32 $0xFFFFFFC0  }
0x3a7: {  	s28 =	sadd.s32 $0x80, s0;
	_ =	swait.ge [sflag:s19], $0x2000  }
0x3a8: {  	s1 =	sadd.s32 $0x90, s0;
	v33 =	vor.u32 s28, v0;
	[sflag:s19] =	ssyncset.done $0x0  }
0x3a9: {  	s12 =	sadd.s32 $0xA0, s0;
	v36 =	vor.u32 s1, v0;
	v35 =	vmulhi.u32 $0x51EB851F, v33;
	[sflag:s19] =	ssyncadd.s32 $0xFFFFE000  }
0x3aa: {  	s2 =	sadd.s32 $0xB0, s0;
	v39 =	vor.u32 s12, v0;
	v38 =	vmulhi.u32 $0x51EB851F, v36;
	v34 =	vld [tilespmem:$0x8F80]  }
0x3ab: {  	v42 =	vor.u32 s2, v0;
	v41 =	vmulhi.u32 $0x51EB851F, v39;
	v40 =	vld [tilespmem:$0x8FA0]  }
0x3ac: {  	v53 =	vmulhi.u32 $0x51EB851F, v42;
	v35 =	vshrl.u32 v35, $0x6;
	v43 =	vld [tilespmem:$0x8FB0]  }
0x3ad: {  	v35 =	vmul.u32 $0xC8, v35;
	v37 =	vld [tilespmem:$0x8F90]  }
0x3ae: {  	v52 =	vshrl.u32 v38, $0x6;
	v55 =	vshrl.u32 v41, $0x6;
	v38 =	vshrl.u32 v53, $0x6  }
0x3af: {  	v33 =	vsub.s32 v33, v35;
	v35 =	vmul.u32 $0xC8, v55;
	v34 =	vmul.u32 $0xC8, v34  }
0x3b0: {  	v54 =	vmul.u32 $0xC8, v52;
	v38 =	vmul.u32 $0xC8, v38;
	v56 =	vmul.u32 $0xC8, v40  }
0x3b1: {  	v58 =	vsub.s32 v39, v35;
	v59 =	vmul.u32 $0xC8, v43;
	v33 =	vadd.s32 v33, v34  }
0x3b2: {  	v61 =	vsub.s32 v42, v38;
	v37 =	vmul.u32 $0xC8, v37;
	v60 =	vadd.s32 v58, v56;
	[tilespmem:$0x9180] =	vst v33  }
0x3b3: {  	v34 =	vsub.s32 v36, v54;
	v62 =	vadd.s32 v61, v59;
	[tilespmem:$0x91A0] =	vst v60  }
0x3b4: {  	v57 =	vadd.s32 v34, v37;
	[tilespmem:$0x91B0] =	vst v62  }
0x3b5: {  	s4 =	simm.s32 $0xD280;
	[tilespmem:$0x9190] =	vst v57  }
0x3b6: {  	[tilespmem:s4], [sflag:$0x5] =	stream.indirect.gather [hbm4b:s3+s25], $0x80, s22, s25, $0xb8;
	[tilespmem:$0x19280] =	vst v63  }
0x3b7: {  	s6 =	simm.s32 $0x9180;
	s2 =	simm.s32 $0x15280;
	s12 =	simm.s32 $0x3  }
0x3b8: {  	[tilespmem:s2], [sflag:$0x9] =	stream.indirect.gather [spmem:s7], $0x80, s6, s25, $0xb8;
	[tilespmem:$0x19280] =	vst v63  }
0x3b9: {  	_ =	swait.ge [sflag:s12], $0x2000  }
0x3ba: {  	[sflag:s12] =	ssyncset.done $0x0  }
0x3bb: {  	s22 =	simm.s32 $0x7;
	[sflag:s12] =	ssyncadd.s32 $0xFFFFE000  }
0x3bc: {  	_ =	swait.ge [sflag:s22], $0x2000  }
0x3bd: {  	[sflag:s22] =	ssyncset.done $0x0  }
0x3be: {  	s4 =	simm.s32 $0x0;
	[sflag:s22] =	ssyncadd.s32 $0xFFFFE000  }
0x3bf: {  	v63 =	vld [tilespmem:s4+$0x11470]  }
0x3c0: {  	v34 =	vld [tilespmem:s4+$0x11280]  }
0x3c1: {  	v35 =	vld [tilespmem:s4+$0x11290]  }
0x3c2: {  	v36 =	vld [tilespmem:s4+$0x112A0]  }
0x3c3: {  	v37 =	vld [tilespmem:s4+$0x112B0]  }
0x3c4: {  	v38 =	vld [tilespmem:s4+$0x112C0]  }
0x3c5: {  	v39 =	vld [tilespmem:s4+$0x112D0]  }
0x3c6: {  	v40 =	vld [tilespmem:s4+$0x112E0]  }
0x3c7: {  	v41 =	vld [tilespmem:s4+$0x112F0]  }
0x3c8: {  	v42 =	vld [tilespmem:s4+$0x11300]  }
0x3c9: {  	v43 =	vld [tilespmem:s4+$0x11310]  }
0x3ca: {  	v44 =	vld [tilespmem:s4+$0x11320]  }
0x3cb: {  	v45 =	vld [tilespmem:s4+$0x11330]  }
0x3cc: {  	v46 =	vld [tilespmem:s4+$0x11340]  }
0x3cd: {  	v47 =	vld [tilespmem:s4+$0x11350]  }
0x3ce: {  	v48 =	vld [tilespmem:s4+$0x11360]  }
0x3cf: {  	v49 =	vld [tilespmem:s4+$0x11370]  }
0x3d0: {  	v50 =	vld [tilespmem:s4+$0x11380]  }
0x3d1: {  	v51 =	vld [tilespmem:s4+$0x11390]  }
0x3d2: {  	v52 =	vld [tilespmem:s4+$0x113A0]  }
0x3d3: {  	v53 =	vld [tilespmem:s4+$0x113B0]  }
0x3d4: {  	v54 =	vld [tilespmem:s4+$0x113C0]  }
0x3d5: {  	v55 =	vld [tilespmem:s4+$0x113D0]  }
0x3d6: {  	v56 =	vld [tilespmem:s4+$0x113E0]  }
0x3d7: {  	v57 =	vld [tilespmem:s4+$0x113F0]  }
0x3d8: {  	v58 =	vld [tilespmem:s4+$0x11400]  }
0x3d9: {  	v59 =	vld [tilespmem:s4+$0x11410]  }
0x3da: {  	v60 =	vld [tilespmem:s4+$0x11420]  }
0x3db: {  	v61 =	vld [tilespmem:s4+$0x11430]  }
0x3dc: {  	v62 =	vld [tilespmem:s4+$0x11440]  }
0x3dd: {  	v33 =	vld [tilespmem:s4+$0x11460]  }
0x3de: {  	[tilespmem:s4+$0x9470] =	vst.add.f32.msk $0xffff, v63  }
0x3df: {  	v63 =	vld [tilespmem:s4+$0x11450]  }
0x3e0: {  	[tilespmem:s4+$0x9280] =	vst.add.f32.msk $0xffff, v34  }
0x3e1: {  	[tilespmem:s4+$0x9290] =	vst.add.f32.msk $0xffff, v35  }
0x3e2: {  	[tilespmem:s4+$0x92A0] =	vst.add.f32.msk $0xffff, v36  }
0x3e3: {  	[tilespmem:s4+$0x92B0] =	vst.add.f32.msk $0xffff, v37  }
0x3e4: {  	[tilespmem:s4+$0x92C0] =	vst.add.f32.msk $0xffff, v38  }
0x3e5: {  	[tilespmem:s4+$0x92D0] =	vst.add.f32.msk $0xffff, v39  }
0x3e6: {  	[tilespmem:s4+$0x92E0] =	vst.add.f32.msk $0xffff, v40  }
0x3e7: {  	[tilespmem:s4+$0x92F0] =	vst.add.f32.msk $0xffff, v41  }
0x3e8: {  	[tilespmem:s4+$0x9300] =	vst.add.f32.msk $0xffff, v42  }
0x3e9: {  	[tilespmem:s4+$0x9310] =	vst.add.f32.msk $0xffff, v43  }
0x3ea: {  	[tilespmem:s4+$0x9320] =	vst.add.f32.msk $0xffff, v44  }
0x3eb: {  	[tilespmem:s4+$0x9330] =	vst.add.f32.msk $0xffff, v45  }
0x3ec: {  	[tilespmem:s4+$0x9340] =	vst.add.f32.msk $0xffff, v46  }
0x3ed: {  	[tilespmem:s4+$0x9350] =	vst.add.f32.msk $0xffff, v47  }
0x3ee: {  	[tilespmem:s4+$0x9360] =	vst.add.f32.msk $0xffff, v48  }
0x3ef: {  	[tilespmem:s4+$0x9370] =	vst.add.f32.msk $0xffff, v49  }
0x3f0: {  	[tilespmem:s4+$0x9380] =	vst.add.f32.msk $0xffff, v50  }
0x3f1: {  	[tilespmem:s4+$0x9390] =	vst.add.f32.msk $0xffff, v51  }
0x3f2: {  	[tilespmem:s4+$0x93A0] =	vst.add.f32.msk $0xffff, v52  }
0x3f3: {  	[tilespmem:s4+$0x93B0] =	vst.add.f32.msk $0xffff, v53  }
0x3f4: {  	[tilespmem:s4+$0x93C0] =	vst.add.f32.msk $0xffff, v54  }
0x3f5: {  	[tilespmem:s4+$0x93D0] =	vst.add.f32.msk $0xffff, v55  }
0x3f6: {  	[tilespmem:s4+$0x93E0] =	vst.add.f32.msk $0xffff, v56  }
0x3f7: {  	[tilespmem:s4+$0x93F0] =	vst.add.f32.msk $0xffff, v57  }
0x3f8: {  	[tilespmem:s4+$0x9400] =	vst.add.f32.msk $0xffff, v58  }
0x3f9: {  	[tilespmem:s4+$0x9410] =	vst.add.f32.msk $0xffff, v59  }
0x3fa: {  	[tilespmem:s4+$0x9420] =	vst.add.f32.msk $0xffff, v60  }
0x3fb: {  	[tilespmem:s4+$0x9430] =	vst.add.f32.msk $0xffff, v61  }
0x3fc: {  	[tilespmem:s4+$0x9440] =	vst.add.f32.msk $0xffff, v62  }
0x3fd: {  	s15 =	simm.s32 $0xF280;
	s6 =	simm.s32 $0x0;
	s12 =	simm.s32 $0x800;
	[tilespmem:s4+$0x9450] =	vst.add.f32.msk $0xffff, v63  }
.LBB2_13:
0x3fe: {  	s6 =	sadd.s32 $0x4, s6;
	[tilespmem:s4+$0x9460] =	vst.add.f32.msk $0xffff, v33;
	s4 =	sshra.s32 s12, $0x2  }
0x3ff: {  	v33 =	vld [tilespmem:s4+$0x11470];
	p0 =	slt.u32 s6, $0x3C  }
0x400: {  	v34 =	vld [tilespmem:s4+$0x11280]  }
0x401: {  	v35 =	vld [tilespmem:s4+$0x11290]  }
0x402: {  	v36 =	vld [tilespmem:s4+$0x112A0]  }
0x403: {  	v37 =	vld [tilespmem:s4+$0x112B0]  }
0x404: {  	[tilespmem:s4+$0x9470] =	vst.add.f32.msk $0xffff, v33  }
0x405: {  	v38 =	vld [tilespmem:s4+$0x112C0]  }
0x406: {  	v39 =	vld [tilespmem:s4+$0x112D0]  }
0x407: {  	v40 =	vld [tilespmem:s4+$0x112E0]  }
0x408: {  	v41 =	vld [tilespmem:s4+$0x112F0]  }
0x409: {  	v42 =	vld [tilespmem:s4+$0x11300]  }
0x40a: {  	v43 =	vld [tilespmem:s4+$0x11310]  }
0x40b: {  	v44 =	vld [tilespmem:s4+$0x11320]  }
0x40c: {  	v45 =	vld [tilespmem:s4+$0x11330]  }
0x40d: {  	v46 =	vld [tilespmem:s4+$0x11340]  }
0x40e: {  	v47 =	vld [tilespmem:s4+$0x11350]  }
0x40f: {  	v48 =	vld [tilespmem:s4+$0x11360]  }
0x410: {  	v49 =	vld [tilespmem:s4+$0x11370]  }
0x411: {  	v50 =	vld [tilespmem:s4+$0x11380]  }
0x412: {  	v51 =	vld [tilespmem:s4+$0x11390]  }
0x413: {  	v52 =	vld [tilespmem:s4+$0x113A0]  }
0x414: {  	v53 =	vld [tilespmem:s4+$0x113B0]  }
0x415: {  	v54 =	vld [tilespmem:s4+$0x113C0]  }
0x416: {  	v55 =	vld [tilespmem:s4+$0x113D0]  }
0x417: {  	v56 =	vld [tilespmem:s4+$0x113E0]  }
0x418: {  	v57 =	vld [tilespmem:s4+$0x113F0]  }
0x419: {  	v58 =	vld [tilespmem:s4+$0x11400]  }
0x41a: {  	v59 =	vld [tilespmem:s4+$0x11410]  }
0x41b: {  	v60 =	vld [tilespmem:s4+$0x11420]  }
0x41c: {  	v61 =	vld [tilespmem:s4+$0x11430]  }
0x41d: {  	v62 =	vld [tilespmem:s4+$0x11440]  }
0x41e: {  	v63 =	vld [tilespmem:s4+$0x11450]  }
0x41f: {  	v33 =	vld [tilespmem:s4+$0x11460]  }
0x420: {  	[tilespmem:s4+$0x9280] =	vst.add.f32.msk $0xffff, v34  }
0x421: {  	[tilespmem:s4+$0x9290] =	vst.add.f32.msk $0xffff, v35  }
0x422: {  	[tilespmem:s4+$0x92A0] =	vst.add.f32.msk $0xffff, v36  }
0x423: {  	[tilespmem:s4+$0x92B0] =	vst.add.f32.msk $0xffff, v37  }
0x424: {  	[tilespmem:s4+$0x92C0] =	vst.add.f32.msk $0xffff, v38  }
0x425: {  	[tilespmem:s4+$0x92D0] =	vst.add.f32.msk $0xffff, v39  }
0x426: {  	[tilespmem:s4+$0x92E0] =	vst.add.f32.msk $0xffff, v40  }
0x427: {  	[tilespmem:s4+$0x92F0] =	vst.add.f32.msk $0xffff, v41  }
0x428: {  	[tilespmem:s4+$0x9300] =	vst.add.f32.msk $0xffff, v42  }
0x429: {  	[tilespmem:s4+$0x9310] =	vst.add.f32.msk $0xffff, v43  }
0x42a: {  	[tilespmem:s4+$0x9320] =	vst.add.f32.msk $0xffff, v44  }
0x42b: {  	[tilespmem:s4+$0x9330] =	vst.add.f32.msk $0xffff, v45  }
0x42c: {  	[tilespmem:s4+$0x9340] =	vst.add.f32.msk $0xffff, v46  }
0x42d: {  	[tilespmem:s4+$0x9350] =	vst.add.f32.msk $0xffff, v47  }
0x42e: {  	[tilespmem:s4+$0x9360] =	vst.add.f32.msk $0xffff, v48  }
0x42f: {  	[tilespmem:s4+$0x9370] =	vst.add.f32.msk $0xffff, v49  }
0x430: {  	[tilespmem:s4+$0x9380] =	vst.add.f32.msk $0xffff, v50  }
0x431: {  	[tilespmem:s4+$0x9390] =	vst.add.f32.msk $0xffff, v51  }
0x432: {  	[tilespmem:s4+$0x93A0] =	vst.add.f32.msk $0xffff, v52  }
0x433: {  	[tilespmem:s4+$0x93B0] =	vst.add.f32.msk $0xffff, v53  }
0x434: {  	[tilespmem:s4+$0x93C0] =	vst.add.f32.msk $0xffff, v54  }
0x435: {  	[tilespmem:s4+$0x93D0] =	vst.add.f32.msk $0xffff, v55  }
0x436: {  	[tilespmem:s4+$0x93E0] =	vst.add.f32.msk $0xffff, v56  }
0x437: {  	[tilespmem:s4+$0x93F0] =	vst.add.f32.msk $0xffff, v57  }
0x438: {  	[tilespmem:s4+$0x9400] =	vst.add.f32.msk $0xffff, v58  }
.Ltmp5:
0x439: {  	[tilespmem:s4+$0x9410] =	vst.add.f32.msk $0xffff, v59;
	(pc) =	sbr.rel @p0 .LBB2_13-.Ltmp5, $4  }
0x43a: {  	[tilespmem:s4+$0x9420] =	vst.add.f32.msk $0xffff, v60  }
0x43b: {  	[tilespmem:s4+$0x9430] =	vst.add.f32.msk $0xffff, v61  }
0x43c: {  	[tilespmem:s4+$0x9440] =	vst.add.f32.msk $0xffff, v62  }
0x43d: {  	s12 =	sadd.s32 $0x800, s12;
	[tilespmem:s4+$0x9450] =	vst.add.f32.msk $0xffff, v63  }
0x43e: {  	s1 =	sshll.u32 s29, $0xF  }
0x43f: {  	s1 =	sadd.s32 s14, s1  }
0x440: {  	s1 =	sshrl.u32 s1, $0x3  }
0x441: {  	[tilespmem:s4+$0x9460] =	vst.add.f32.msk $0xffff, v33;
	s2 =	simm.s32 $0x0;
	s22 =	sadd.s32 $0xC0, s0;
	s1 =	sadd.s32 s5, s1  }
0x442: {  	[hbm4b:s1+s2] =	stream.linear.scatter [tilespmem:s30], [sflag:$0xB], $0x2000, $0x38;
	[tilespmem:$0x19280] =	vst v63  }
0x443: {  	s1 =	sshrl.u32 s22, $0x3  }
0x444: {  	s6 =	simm.s32 $0x8E00;
	s12 =	sadd.s32 s9, s1  }
0x445: {  	[tilespmem:s6], [sflag:$0x2] =	stream.linear.gather [hbm4b:s12+s2], $0x40, $0x38;
	[tilespmem:$0x19280] =	vst v63  }
0x446: {  	s1 =	sadd.s32 s10, s1;
	s12 =	simm.s32 $0x9000  }
0x447: {  	[tilespmem:s12], [sflag:$0x2] =	stream.linear.gather [hbm4b:s1+s2], $0x40, $0x38;
	[tilespmem:$0x19280] =	vst v63  }
0x448: {  	_ =	swait.ge [sflag:s24], $0x40  }
0x449: {  	[sflag:s24] =	ssyncset.done $0x0  }
0x44a: {  	[sflag:s24] =	ssyncadd.s32 $0xFFFFFFC0  }
0x44b: {  	_ =	swait.ge [sflag:s24], $0x40  }
0x44c: {  	[sflag:s24] =	ssyncset.done $0x0  }
0x44d: {  	[sflag:s24] =	ssyncadd.s32 $0xFFFFFFC0  }
0x44e: {  	_ =	swait.ge [sflag:s26], $0x2000  }
0x44f: {  	v51 =	vor.u32 s22, v0;
	[sflag:s26] =	ssyncset.done $0x0  }
0x450: {  	s4 =	sadd.s32 $0xD0, s0;
	v35 =	vmulhi.u32 $0x51EB851F, v51;
	[sflag:s26] =	ssyncadd.s32 $0xFFFFE000  }
0x451: {  	v36 =	vor.u32 s4, v0;
	s12 =	sadd.s32 $0xE0, s0;
	v34 =	vld [tilespmem:$0x9000]  }
0x452: {  	v38 =	vmulhi.u32 $0x51EB851F, v36;
	v35 =	vshrl.u32 v35, $0x6;
	s2 =	sadd.s32 $0xF0, s0;
	v39 =	vor.u32 s12, v0;
	v40 =	vld [tilespmem:$0x9020]  }
0x453: {  	v35 =	vmul.u32 $0xC8, v35;
	v42 =	vor.u32 s2, v0;
	v41 =	vmulhi.u32 $0x51EB851F, v39;
	v43 =	vld [tilespmem:$0x9030]  }
0x454: {  	v53 =	vmulhi.u32 $0x51EB851F, v42;
	v37 =	vld [tilespmem:$0x9010]  }
0x455: {  	v52 =	vshrl.u32 v38, $0x6;
	v33 =	vsub.s32 v51, v35;
	v55 =	vshrl.u32 v41, $0x6  }
0x456: {  	v38 =	vshrl.u32 v53, $0x6;
	v35 =	vmul.u32 $0xC8, v55;
	v34 =	vmul.u32 $0xC8, v34  }
0x457: {  	v54 =	vmul.u32 $0xC8, v52;
	v38 =	vmul.u32 $0xC8, v38;
	v56 =	vmul.u32 $0xC8, v40  }
0x458: {  	v58 =	vsub.s32 v39, v35;
	v59 =	vmul.u32 $0xC8, v43;
	v33 =	vadd.s32 v33, v34  }
0x459: {  	v61 =	vsub.s32 v42, v38;
	v37 =	vmul.u32 $0xC8, v37;
	v60 =	vadd.s32 v58, v56;
	[tilespmem:$0x9200] =	vst v33  }
0x45a: {  	v34 =	vsub.s32 v36, v54;
	v62 =	vadd.s32 v61, v59;
	[tilespmem:$0x9220] =	vst v60  }
0x45b: {  	v57 =	vadd.s32 v34, v37;
	[tilespmem:$0x9230] =	vst v62  }
0x45c: {  	[tilespmem:$0x9210] =	vst v57  }
0x45d: {  	[tilespmem:s15], [sflag:$0x6] =	stream.indirect.gather [hbm4b:s3+s25], $0x80, s6, s25, $0xb8;
	[tilespmem:$0x19280] =	vst v63  }
0x45e: {  	s4 =	simm.s32 $0x9200;
	s12 =	simm.s32 $0x4;
	s6 =	simm.s32 $0x17280  }
0x45f: {  	[tilespmem:s6], [sflag:$0xA] =	stream.indirect.gather [spmem:s7], $0x80, s4, s25, $0xb8;
	[tilespmem:$0x19280] =	vst v63  }
0x460: {  	_ =	swait.ge [sflag:s12], $0x2000  }
0x461: {  	[sflag:s12] =	ssyncset.done $0x0  }
0x462: {  	s15 =	simm.s32 $0x8;
	[sflag:s12] =	ssyncadd.s32 $0xFFFFE000  }
0x463: {  	_ =	swait.ge [sflag:s15], $0x2000  }
0x464: {  	[sflag:s15] =	ssyncset.done $0x0  }
0x465: {  	s0 =	simm.s32 $0x0;
	[sflag:s15] =	ssyncadd.s32 $0xFFFFE000  }
0x466: {  	v63 =	vld [tilespmem:s0+$0x13470]  }
0x467: {  	v34 =	vld [tilespmem:s0+$0x13280]  }
0x468: {  	v35 =	vld [tilespmem:s0+$0x13290]  }
0x469: {  	v36 =	vld [tilespmem:s0+$0x132A0]  }
0x46a: {  	v37 =	vld [tilespmem:s0+$0x132B0]  }
0x46b: {  	v38 =	vld [tilespmem:s0+$0x132C0]  }
0x46c: {  	v39 =	vld [tilespmem:s0+$0x132D0]  }
0x46d: {  	v40 =	vld [tilespmem:s0+$0x132E0]  }
0x46e: {  	v41 =	vld [tilespmem:s0+$0x132F0]  }
0x46f: {  	v42 =	vld [tilespmem:s0+$0x13300]  }
0x470: {  	v43 =	vld [tilespmem:s0+$0x13310]  }
0x471: {  	v44 =	vld [tilespmem:s0+$0x13320]  }
0x472: {  	v45 =	vld [tilespmem:s0+$0x13330]  }
0x473: {  	v46 =	vld [tilespmem:s0+$0x13340]  }
0x474: {  	v47 =	vld [tilespmem:s0+$0x13350]  }
0x475: {  	v48 =	vld [tilespmem:s0+$0x13360]  }
0x476: {  	v49 =	vld [tilespmem:s0+$0x13370]  }
0x477: {  	v50 =	vld [tilespmem:s0+$0x13380]  }
0x478: {  	v51 =	vld [tilespmem:s0+$0x13390]  }
0x479: {  	v52 =	vld [tilespmem:s0+$0x133A0]  }
0x47a: {  	v53 =	vld [tilespmem:s0+$0x133B0]  }
0x47b: {  	v54 =	vld [tilespmem:s0+$0x133C0]  }
0x47c: {  	v55 =	vld [tilespmem:s0+$0x133D0]  }
0x47d: {  	v56 =	vld [tilespmem:s0+$0x133E0]  }
0x47e: {  	v57 =	vld [tilespmem:s0+$0x133F0]  }
0x47f: {  	v58 =	vld [tilespmem:s0+$0x13400]  }
0x480: {  	v59 =	vld [tilespmem:s0+$0x13410]  }
0x481: {  	v60 =	vld [tilespmem:s0+$0x13420]  }
0x482: {  	v61 =	vld [tilespmem:s0+$0x13430]  }
0x483: {  	v62 =	vld [tilespmem:s0+$0x13440]  }
0x484: {  	v33 =	vld [tilespmem:s0+$0x13460]  }
0x485: {  	[tilespmem:s0+$0xB470] =	vst.add.f32.msk $0xffff, v63  }
0x486: {  	v63 =	vld [tilespmem:s0+$0x13450]  }
0x487: {  	[tilespmem:s0+$0xB280] =	vst.add.f32.msk $0xffff, v34  }
0x488: {  	[tilespmem:s0+$0xB290] =	vst.add.f32.msk $0xffff, v35  }
0x489: {  	[tilespmem:s0+$0xB2A0] =	vst.add.f32.msk $0xffff, v36  }
0x48a: {  	[tilespmem:s0+$0xB2B0] =	vst.add.f32.msk $0xffff, v37  }
0x48b: {  	[tilespmem:s0+$0xB2C0] =	vst.add.f32.msk $0xffff, v38  }
0x48c: {  	[tilespmem:s0+$0xB2D0] =	vst.add.f32.msk $0xffff, v39  }
0x48d: {  	[tilespmem:s0+$0xB2E0] =	vst.add.f32.msk $0xffff, v40  }
0x48e: {  	[tilespmem:s0+$0xB2F0] =	vst.add.f32.msk $0xffff, v41  }
0x48f: {  	[tilespmem:s0+$0xB300] =	vst.add.f32.msk $0xffff, v42  }
0x490: {  	[tilespmem:s0+$0xB310] =	vst.add.f32.msk $0xffff, v43  }
0x491: {  	[tilespmem:s0+$0xB320] =	vst.add.f32.msk $0xffff, v44  }
0x492: {  	[tilespmem:s0+$0xB330] =	vst.add.f32.msk $0xffff, v45  }
0x493: {  	[tilespmem:s0+$0xB340] =	vst.add.f32.msk $0xffff, v46  }
0x494: {  	[tilespmem:s0+$0xB350] =	vst.add.f32.msk $0xffff, v47  }
0x495: {  	[tilespmem:s0+$0xB360] =	vst.add.f32.msk $0xffff, v48  }
0x496: {  	[tilespmem:s0+$0xB370] =	vst.add.f32.msk $0xffff, v49  }
0x497: {  	[tilespmem:s0+$0xB380] =	vst.add.f32.msk $0xffff, v50  }
0x498: {  	[tilespmem:s0+$0xB390] =	vst.add.f32.msk $0xffff, v51  }
0x499: {  	[tilespmem:s0+$0xB3A0] =	vst.add.f32.msk $0xffff, v52  }
0x49a: {  	[tilespmem:s0+$0xB3B0] =	vst.add.f32.msk $0xffff, v53  }
0x49b: {  	[tilespmem:s0+$0xB3C0] =	vst.add.f32.msk $0xffff, v54  }
0x49c: {  	[tilespmem:s0+$0xB3D0] =	vst.add.f32.msk $0xffff, v55  }
0x49d: {  	[tilespmem:s0+$0xB3E0] =	vst.add.f32.msk $0xffff, v56  }
0x49e: {  	[tilespmem:s0+$0xB3F0] =	vst.add.f32.msk $0xffff, v57  }
0x49f: {  	[tilespmem:s0+$0xB400] =	vst.add.f32.msk $0xffff, v58  }
0x4a0: {  	[tilespmem:s0+$0xB410] =	vst.add.f32.msk $0xffff, v59  }
0x4a1: {  	[tilespmem:s0+$0xB420] =	vst.add.f32.msk $0xffff, v60  }
0x4a2: {  	[tilespmem:s0+$0xB430] =	vst.add.f32.msk $0xffff, v61  }
0x4a3: {  	[tilespmem:s0+$0xB440] =	vst.add.f32.msk $0xffff, v62  }
0x4a4: {  	s4 =	simm.s32 $0x0;
	s6 =	simm.s32 $0x800;
	[tilespmem:s0+$0xB450] =	vst.add.f32.msk $0xffff, v63  }
.LBB2_15:
0x4a5: {  	s4 =	sadd.s32 $0x4, s4;
	[tilespmem:s0+$0xB460] =	vst.add.f32.msk $0xffff, v33;
	s0 =	sshra.s32 s6, $0x2  }
0x4a6: {  	v33 =	vld [tilespmem:s0+$0x13470];
	p0 =	slt.u32 s4, $0x3C  }
0x4a7: {  	v34 =	vld [tilespmem:s0+$0x13280]  }
0x4a8: {  	v35 =	vld [tilespmem:s0+$0x13290]  }
0x4a9: {  	v36 =	vld [tilespmem:s0+$0x132A0]  }
0x4aa: {  	v37 =	vld [tilespmem:s0+$0x132B0]  }
0x4ab: {  	[tilespmem:s0+$0xB470] =	vst.add.f32.msk $0xffff, v33  }
0x4ac: {  	v38 =	vld [tilespmem:s0+$0x132C0]  }
0x4ad: {  	v39 =	vld [tilespmem:s0+$0x132D0]  }
0x4ae: {  	v40 =	vld [tilespmem:s0+$0x132E0]  }
0x4af: {  	v41 =	vld [tilespmem:s0+$0x132F0]  }
0x4b0: {  	v42 =	vld [tilespmem:s0+$0x13300]  }
0x4b1: {  	v43 =	vld [tilespmem:s0+$0x13310]  }
0x4b2: {  	v44 =	vld [tilespmem:s0+$0x13320]  }
0x4b3: {  	v45 =	vld [tilespmem:s0+$0x13330]  }
0x4b4: {  	v46 =	vld [tilespmem:s0+$0x13340]  }
0x4b5: {  	v47 =	vld [tilespmem:s0+$0x13350]  }
0x4b6: {  	v48 =	vld [tilespmem:s0+$0x13360]  }
0x4b7: {  	v49 =	vld [tilespmem:s0+$0x13370]  }
0x4b8: {  	v50 =	vld [tilespmem:s0+$0x13380]  }
0x4b9: {  	v51 =	vld [tilespmem:s0+$0x13390]  }
0x4ba: {  	v52 =	vld [tilespmem:s0+$0x133A0]  }
0x4bb: {  	v53 =	vld [tilespmem:s0+$0x133B0]  }
0x4bc: {  	v54 =	vld [tilespmem:s0+$0x133C0]  }
0x4bd: {  	v55 =	vld [tilespmem:s0+$0x133D0]  }
0x4be: {  	v56 =	vld [tilespmem:s0+$0x133E0]  }
0x4bf: {  	v57 =	vld [tilespmem:s0+$0x133F0]  }
0x4c0: {  	v58 =	vld [tilespmem:s0+$0x13400]  }
0x4c1: {  	v59 =	vld [tilespmem:s0+$0x13410]  }
0x4c2: {  	v60 =	vld [tilespmem:s0+$0x13420]  }
0x4c3: {  	v61 =	vld [tilespmem:s0+$0x13430]  }
0x4c4: {  	v62 =	vld [tilespmem:s0+$0x13440]  }
0x4c5: {  	v63 =	vld [tilespmem:s0+$0x13450]  }
0x4c6: {  	v33 =	vld [tilespmem:s0+$0x13460]  }
0x4c7: {  	[tilespmem:s0+$0xB280] =	vst.add.f32.msk $0xffff, v34  }
0x4c8: {  	[tilespmem:s0+$0xB290] =	vst.add.f32.msk $0xffff, v35  }
0x4c9: {  	[tilespmem:s0+$0xB2A0] =	vst.add.f32.msk $0xffff, v36  }
0x4ca: {  	[tilespmem:s0+$0xB2B0] =	vst.add.f32.msk $0xffff, v37  }
0x4cb: {  	[tilespmem:s0+$0xB2C0] =	vst.add.f32.msk $0xffff, v38  }
0x4cc: {  	[tilespmem:s0+$0xB2D0] =	vst.add.f32.msk $0xffff, v39  }
0x4cd: {  	[tilespmem:s0+$0xB2E0] =	vst.add.f32.msk $0xffff, v40  }
0x4ce: {  	[tilespmem:s0+$0xB2F0] =	vst.add.f32.msk $0xffff, v41  }
0x4cf: {  	[tilespmem:s0+$0xB300] =	vst.add.f32.msk $0xffff, v42  }
0x4d0: {  	[tilespmem:s0+$0xB310] =	vst.add.f32.msk $0xffff, v43  }
0x4d1: {  	[tilespmem:s0+$0xB320] =	vst.add.f32.msk $0xffff, v44  }
0x4d2: {  	[tilespmem:s0+$0xB330] =	vst.add.f32.msk $0xffff, v45  }
0x4d3: {  	[tilespmem:s0+$0xB340] =	vst.add.f32.msk $0xffff, v46  }
0x4d4: {  	[tilespmem:s0+$0xB350] =	vst.add.f32.msk $0xffff, v47  }
0x4d5: {  	[tilespmem:s0+$0xB360] =	vst.add.f32.msk $0xffff, v48  }
0x4d6: {  	[tilespmem:s0+$0xB370] =	vst.add.f32.msk $0xffff, v49  }
0x4d7: {  	[tilespmem:s0+$0xB380] =	vst.add.f32.msk $0xffff, v50  }
0x4d8: {  	[tilespmem:s0+$0xB390] =	vst.add.f32.msk $0xffff, v51  }
0x4d9: {  	[tilespmem:s0+$0xB3A0] =	vst.add.f32.msk $0xffff, v52  }
0x4da: {  	[tilespmem:s0+$0xB3B0] =	vst.add.f32.msk $0xffff, v53  }
0x4db: {  	[tilespmem:s0+$0xB3C0] =	vst.add.f32.msk $0xffff, v54  }
0x4dc: {  	[tilespmem:s0+$0xB3D0] =	vst.add.f32.msk $0xffff, v55  }
0x4dd: {  	[tilespmem:s0+$0xB3E0] =	vst.add.f32.msk $0xffff, v56  }
0x4de: {  	[tilespmem:s0+$0xB3F0] =	vst.add.f32.msk $0xffff, v57  }
0x4df: {  	[tilespmem:s0+$0xB400] =	vst.add.f32.msk $0xffff, v58  }
.Ltmp6:
0x4e0: {  	[tilespmem:s0+$0xB410] =	vst.add.f32.msk $0xffff, v59;
	(pc) =	sbr.rel @p0 .LBB2_15-.Ltmp6, $4  }
0x4e1: {  	[tilespmem:s0+$0xB420] =	vst.add.f32.msk $0xffff, v60  }
0x4e2: {  	[tilespmem:s0+$0xB430] =	vst.add.f32.msk $0xffff, v61  }
0x4e3: {  	[tilespmem:s0+$0xB440] =	vst.add.f32.msk $0xffff, v62  }
0x4e4: {  	s6 =	sadd.s32 $0x800, s6;
	[tilespmem:s0+$0xB450] =	vst.add.f32.msk $0xffff, v63  }
0x4e5: {  	s1 =	sadd.s32 s31, s17  }
0x4e6: {  	[tilespmem:s0+$0xB460] =	vst.add.f32.msk $0xffff, v33;
	s15 =	simm.s32 $0x0;
	s0 =	sadd.s32 s31, s13;
	s1 =	sshll.u32 s1, $0x4  }
0x4e7: {  	s12 =	simm.s32 $0xB280;
	s2 =	sshrl.u32 s0, $0x3;
	s6 =	sadd.s32 s5, s1  }
0x4e8: {  	[hbm4b:s6+s15] =	stream.linear.scatter [tilespmem:s12], [sflag:$0xC], $0x2000, $0x38;
	[tilespmem:$0x19280] =	vst v63  }
0x4e9: {  	s4 =	sadd.s32 s9, s2  }
0x4ea: {  	[tilespmem:s21], [sflag:$0x2] =	stream.linear.gather [hbm4b:s4+s15], $0x40, $0x38;
	[tilespmem:$0x19280] =	vst v63  }
0x4eb: {  	s2 =	sadd.s32 s10, s2  }
0x4ec: {  	[tilespmem:s23], [sflag:$0x2] =	stream.linear.gather [hbm4b:s2+s15], $0x40, $0x38;
	[tilespmem:$0x19280] =	vst v63  }
0x4ed: {  	_ =	swait.ge [sflag:s24], $0x40  }
0x4ee: {  	[sflag:s24] =	ssyncset.done $0x0  }
0x4ef: {  	[sflag:s24] =	ssyncadd.s32 $0xFFFFFFC0  }
0x4f0: {  	_ =	swait.ge [sflag:s24], $0x40  }
0x4f1: {  	[sflag:s24] =	ssyncset.done $0x0  }
0x4f2: {  	s4 =	simm.s32 $0xB;
	[sflag:s24] =	ssyncadd.s32 $0xFFFFFFC0  }
0x4f3: {  	_ =	swait.ge [sflag:s4], $0x2000  }
0x4f4: {  	v51 =	vor.u32 s0, v0;
	[sflag:s4] =	ssyncset.done $0x0  }
0x4f5: {  	v35 =	vmulhi.u32 $0x51EB851F, v51;
	s6 =	sor.u32 $0x10, s0;
	[sflag:s4] =	ssyncadd.s32 $0xFFFFE000  }
0x4f6: {  	v36 =	vor.u32 s6, v0;
	s15 =	sor.u32 $0x20, s0;
	v34 =	vld [tilespmem:$0x8E80]  }
0x4f7: {  	v35 =	vshrl.u32 v35, $0x6;
	v38 =	vmulhi.u32 $0x51EB851F, v36;
	s0 =	sor.u32 $0x30, s0;
	v39 =	vor.u32 s15, v0;
	v40 =	vld [tilespmem:$0x8EA0]  }
0x4f8: {  	v35 =	vmul.u32 $0xC8, v35;
	v42 =	vor.u32 s0, v0;
	v41 =	vmulhi.u32 $0x51EB851F, v39;
	v43 =	vld [tilespmem:$0x8EB0]  }
0x4f9: {  	v53 =	vmulhi.u32 $0x51EB851F, v42;
	v37 =	vld [tilespmem:$0x8E90]  }
0x4fa: {  	v33 =	vsub.s32 v51, v35;
	v52 =	vshrl.u32 v38, $0x6;
	v55 =	vshrl.u32 v41, $0x6  }
0x4fb: {  	v38 =	vshrl.u32 v53, $0x6;
	v35 =	vmul.u32 $0xC8, v55;
	v34 =	vmul.u32 $0xC8, v34  }
0x4fc: {  	v54 =	vmul.u32 $0xC8, v52;
	v38 =	vmul.u32 $0xC8, v38;
	v56 =	vmul.u32 $0xC8, v40  }
0x4fd: {  	v58 =	vsub.s32 v39, v35;
	v59 =	vmul.u32 $0xC8, v43;
	v33 =	vadd.s32 v33, v34  }
0x4fe: {  	v61 =	vsub.s32 v42, v38;
	v37 =	vmul.u32 $0xC8, v37;
	v60 =	vadd.s32 v58, v56;
	[tilespmem:$0x9080] =	vst v33  }
0x4ff: {  	v34 =	vsub.s32 v36, v54;
	v62 =	vadd.s32 v61, v59;
	[tilespmem:$0x90A0] =	vst v60  }
0x500: {  	v57 =	vadd.s32 v34, v37;
	[tilespmem:$0x90B0] =	vst v62  }
0x501: {  	[tilespmem:$0x9090] =	vst v57  }
0x502: {  	[tilespmem:s30], [sflag:$0x3] =	stream.indirect.gather [hbm4b:s3+s25], $0x80, s21, s25, $0xb8;
	[tilespmem:$0x19280] =	vst v63  }
0x503: {  	s6 =	simm.s32 $0x5;
	s2 =	simm.s32 $0x9080;
	s4 =	simm.s32 $0x11280  }
0x504: {  	[tilespmem:s4], [sflag:$0x7] =	stream.indirect.gather [spmem:s7], $0x80, s2, s25, $0xb8;
	[tilespmem:$0x19280] =	vst v63  }
0x505: {  	_ =	swait.ge [sflag:s6], $0x2000  }
0x506: {  	[sflag:s6] =	ssyncset.done $0x0  }
0x507: {  	s15 =	simm.s32 $0x9;
	[sflag:s6] =	ssyncadd.s32 $0xFFFFE000  }
0x508: {  	_ =	swait.ge [sflag:s15], $0x2000  }
0x509: {  	[sflag:s15] =	ssyncset.done $0x0  }
0x50a: {  	s0 =	simm.s32 $0x0;
	[sflag:s15] =	ssyncadd.s32 $0xFFFFE000  }
0x50b: {  	v63 =	vld [tilespmem:s0+$0x15470]  }
0x50c: {  	v34 =	vld [tilespmem:s0+$0x15280]  }
0x50d: {  	v35 =	vld [tilespmem:s0+$0x15290]  }
0x50e: {  	v36 =	vld [tilespmem:s0+$0x152A0]  }
0x50f: {  	v37 =	vld [tilespmem:s0+$0x152B0]  }
0x510: {  	v38 =	vld [tilespmem:s0+$0x152C0]  }
0x511: {  	v39 =	vld [tilespmem:s0+$0x152D0]  }
0x512: {  	v40 =	vld [tilespmem:s0+$0x152E0]  }
0x513: {  	v41 =	vld [tilespmem:s0+$0x152F0]  }
0x514: {  	v42 =	vld [tilespmem:s0+$0x15300]  }
0x515: {  	v43 =	vld [tilespmem:s0+$0x15310]  }
0x516: {  	v44 =	vld [tilespmem:s0+$0x15320]  }
0x517: {  	v45 =	vld [tilespmem:s0+$0x15330]  }
0x518: {  	v46 =	vld [tilespmem:s0+$0x15340]  }
0x519: {  	v47 =	vld [tilespmem:s0+$0x15350]  }
0x51a: {  	v48 =	vld [tilespmem:s0+$0x15360]  }
0x51b: {  	v49 =	vld [tilespmem:s0+$0x15370]  }
0x51c: {  	v50 =	vld [tilespmem:s0+$0x15380]  }
0x51d: {  	v51 =	vld [tilespmem:s0+$0x15390]  }
0x51e: {  	v52 =	vld [tilespmem:s0+$0x153A0]  }
0x51f: {  	v53 =	vld [tilespmem:s0+$0x153B0]  }
0x520: {  	v54 =	vld [tilespmem:s0+$0x153C0]  }
0x521: {  	v55 =	vld [tilespmem:s0+$0x153D0]  }
0x522: {  	v56 =	vld [tilespmem:s0+$0x153E0]  }
0x523: {  	v57 =	vld [tilespmem:s0+$0x153F0]  }
0x524: {  	v58 =	vld [tilespmem:s0+$0x15400]  }
0x525: {  	v59 =	vld [tilespmem:s0+$0x15410]  }
0x526: {  	v60 =	vld [tilespmem:s0+$0x15420]  }
0x527: {  	v61 =	vld [tilespmem:s0+$0x15430]  }
0x528: {  	v62 =	vld [tilespmem:s0+$0x15440]  }
0x529: {  	v33 =	vld [tilespmem:s0+$0x15460]  }
0x52a: {  	[tilespmem:s0+$0xD470] =	vst.add.f32.msk $0xffff, v63  }
0x52b: {  	v63 =	vld [tilespmem:s0+$0x15450]  }
0x52c: {  	[tilespmem:s0+$0xD280] =	vst.add.f32.msk $0xffff, v34  }
0x52d: {  	[tilespmem:s0+$0xD290] =	vst.add.f32.msk $0xffff, v35  }
0x52e: {  	[tilespmem:s0+$0xD2A0] =	vst.add.f32.msk $0xffff, v36  }
0x52f: {  	[tilespmem:s0+$0xD2B0] =	vst.add.f32.msk $0xffff, v37  }
0x530: {  	[tilespmem:s0+$0xD2C0] =	vst.add.f32.msk $0xffff, v38  }
0x531: {  	[tilespmem:s0+$0xD2D0] =	vst.add.f32.msk $0xffff, v39  }
0x532: {  	[tilespmem:s0+$0xD2E0] =	vst.add.f32.msk $0xffff, v40  }
0x533: {  	[tilespmem:s0+$0xD2F0] =	vst.add.f32.msk $0xffff, v41  }
0x534: {  	[tilespmem:s0+$0xD300] =	vst.add.f32.msk $0xffff, v42  }
0x535: {  	[tilespmem:s0+$0xD310] =	vst.add.f32.msk $0xffff, v43  }
0x536: {  	[tilespmem:s0+$0xD320] =	vst.add.f32.msk $0xffff, v44  }
0x537: {  	[tilespmem:s0+$0xD330] =	vst.add.f32.msk $0xffff, v45  }
0x538: {  	[tilespmem:s0+$0xD340] =	vst.add.f32.msk $0xffff, v46  }
0x539: {  	[tilespmem:s0+$0xD350] =	vst.add.f32.msk $0xffff, v47  }
0x53a: {  	[tilespmem:s0+$0xD360] =	vst.add.f32.msk $0xffff, v48  }
0x53b: {  	[tilespmem:s0+$0xD370] =	vst.add.f32.msk $0xffff, v49  }
0x53c: {  	[tilespmem:s0+$0xD380] =	vst.add.f32.msk $0xffff, v50  }
0x53d: {  	[tilespmem:s0+$0xD390] =	vst.add.f32.msk $0xffff, v51  }
0x53e: {  	[tilespmem:s0+$0xD3A0] =	vst.add.f32.msk $0xffff, v52  }
0x53f: {  	[tilespmem:s0+$0xD3B0] =	vst.add.f32.msk $0xffff, v53  }
0x540: {  	[tilespmem:s0+$0xD3C0] =	vst.add.f32.msk $0xffff, v54  }
0x541: {  	[tilespmem:s0+$0xD3D0] =	vst.add.f32.msk $0xffff, v55  }
0x542: {  	[tilespmem:s0+$0xD3E0] =	vst.add.f32.msk $0xffff, v56  }
0x543: {  	[tilespmem:s0+$0xD3F0] =	vst.add.f32.msk $0xffff, v57  }
0x544: {  	[tilespmem:s0+$0xD400] =	vst.add.f32.msk $0xffff, v58  }
0x545: {  	[tilespmem:s0+$0xD410] =	vst.add.f32.msk $0xffff, v59  }
0x546: {  	[tilespmem:s0+$0xD420] =	vst.add.f32.msk $0xffff, v60  }
0x547: {  	[tilespmem:s0+$0xD430] =	vst.add.f32.msk $0xffff, v61  }
0x548: {  	[tilespmem:s0+$0xD440] =	vst.add.f32.msk $0xffff, v62  }
0x549: {  	s4 =	simm.s32 $0x0;
	s6 =	simm.s32 $0x800;
	[tilespmem:s0+$0xD450] =	vst.add.f32.msk $0xffff, v63  }
.LBB2_17:
0x54a: {  	s4 =	sadd.s32 $0x4, s4;
	[tilespmem:s0+$0xD460] =	vst.add.f32.msk $0xffff, v33;
	s0 =	sshra.s32 s6, $0x2  }
0x54b: {  	v33 =	vld [tilespmem:s0+$0x15470];
	p0 =	slt.u32 s4, $0x3C  }
0x54c: {  	v34 =	vld [tilespmem:s0+$0x15280]  }
0x54d: {  	v35 =	vld [tilespmem:s0+$0x15290]  }
0x54e: {  	v36 =	vld [tilespmem:s0+$0x152A0]  }
0x54f: {  	v37 =	vld [tilespmem:s0+$0x152B0]  }
0x550: {  	[tilespmem:s0+$0xD470] =	vst.add.f32.msk $0xffff, v33  }
0x551: {  	v38 =	vld [tilespmem:s0+$0x152C0]  }
0x552: {  	v39 =	vld [tilespmem:s0+$0x152D0]  }
0x553: {  	v40 =	vld [tilespmem:s0+$0x152E0]  }
0x554: {  	v41 =	vld [tilespmem:s0+$0x152F0]  }
0x555: {  	v42 =	vld [tilespmem:s0+$0x15300]  }
0x556: {  	v43 =	vld [tilespmem:s0+$0x15310]  }
0x557: {  	v44 =	vld [tilespmem:s0+$0x15320]  }
0x558: {  	v45 =	vld [tilespmem:s0+$0x15330]  }
0x559: {  	v46 =	vld [tilespmem:s0+$0x15340]  }
0x55a: {  	v47 =	vld [tilespmem:s0+$0x15350]  }
0x55b: {  	v48 =	vld [tilespmem:s0+$0x15360]  }
0x55c: {  	v49 =	vld [tilespmem:s0+$0x15370]  }
0x55d: {  	v50 =	vld [tilespmem:s0+$0x15380]  }
0x55e: {  	v51 =	vld [tilespmem:s0+$0x15390]  }
0x55f: {  	v52 =	vld [tilespmem:s0+$0x153A0]  }
0x560: {  	v53 =	vld [tilespmem:s0+$0x153B0]  }
0x561: {  	v54 =	vld [tilespmem:s0+$0x153C0]  }
0x562: {  	v55 =	vld [tilespmem:s0+$0x153D0]  }
0x563: {  	v56 =	vld [tilespmem:s0+$0x153E0]  }
0x564: {  	v57 =	vld [tilespmem:s0+$0x153F0]  }
0x565: {  	v58 =	vld [tilespmem:s0+$0x15400]  }
0x566: {  	v59 =	vld [tilespmem:s0+$0x15410]  }
0x567: {  	v60 =	vld [tilespmem:s0+$0x15420]  }
0x568: {  	v61 =	vld [tilespmem:s0+$0x15430]  }
0x569: {  	v62 =	vld [tilespmem:s0+$0x15440]  }
0x56a: {  	v63 =	vld [tilespmem:s0+$0x15450]  }
0x56b: {  	v33 =	vld [tilespmem:s0+$0x15460]  }
0x56c: {  	[tilespmem:s0+$0xD280] =	vst.add.f32.msk $0xffff, v34  }
0x56d: {  	[tilespmem:s0+$0xD290] =	vst.add.f32.msk $0xffff, v35  }
0x56e: {  	[tilespmem:s0+$0xD2A0] =	vst.add.f32.msk $0xffff, v36  }
0x56f: {  	[tilespmem:s0+$0xD2B0] =	vst.add.f32.msk $0xffff, v37  }
0x570: {  	[tilespmem:s0+$0xD2C0] =	vst.add.f32.msk $0xffff, v38  }
0x571: {  	[tilespmem:s0+$0xD2D0] =	vst.add.f32.msk $0xffff, v39  }
0x572: {  	[tilespmem:s0+$0xD2E0] =	vst.add.f32.msk $0xffff, v40  }
0x573: {  	[tilespmem:s0+$0xD2F0] =	vst.add.f32.msk $0xffff, v41  }
0x574: {  	[tilespmem:s0+$0xD300] =	vst.add.f32.msk $0xffff, v42  }
0x575: {  	[tilespmem:s0+$0xD310] =	vst.add.f32.msk $0xffff, v43  }
0x576: {  	[tilespmem:s0+$0xD320] =	vst.add.f32.msk $0xffff, v44  }
0x577: {  	[tilespmem:s0+$0xD330] =	vst.add.f32.msk $0xffff, v45  }
0x578: {  	[tilespmem:s0+$0xD340] =	vst.add.f32.msk $0xffff, v46  }
0x579: {  	[tilespmem:s0+$0xD350] =	vst.add.f32.msk $0xffff, v47  }
0x57a: {  	[tilespmem:s0+$0xD360] =	vst.add.f32.msk $0xffff, v48  }
0x57b: {  	[tilespmem:s0+$0xD370] =	vst.add.f32.msk $0xffff, v49  }
0x57c: {  	[tilespmem:s0+$0xD380] =	vst.add.f32.msk $0xffff, v50  }
0x57d: {  	[tilespmem:s0+$0xD390] =	vst.add.f32.msk $0xffff, v51  }
0x57e: {  	[tilespmem:s0+$0xD3A0] =	vst.add.f32.msk $0xffff, v52  }
0x57f: {  	[tilespmem:s0+$0xD3B0] =	vst.add.f32.msk $0xffff, v53  }
0x580: {  	[tilespmem:s0+$0xD3C0] =	vst.add.f32.msk $0xffff, v54  }
0x581: {  	[tilespmem:s0+$0xD3D0] =	vst.add.f32.msk $0xffff, v55  }
0x582: {  	[tilespmem:s0+$0xD3E0] =	vst.add.f32.msk $0xffff, v56  }
0x583: {  	[tilespmem:s0+$0xD3F0] =	vst.add.f32.msk $0xffff, v57  }
0x584: {  	[tilespmem:s0+$0xD400] =	vst.add.f32.msk $0xffff, v58  }
.Ltmp7:
0x585: {  	[tilespmem:s0+$0xD410] =	vst.add.f32.msk $0xffff, v59;
	(pc) =	sbr.rel @p0 .LBB2_17-.Ltmp7, $4  }
0x586: {  	[tilespmem:s0+$0xD420] =	vst.add.f32.msk $0xffff, v60  }
0x587: {  	[tilespmem:s0+$0xD430] =	vst.add.f32.msk $0xffff, v61  }
0x588: {  	[tilespmem:s0+$0xD440] =	vst.add.f32.msk $0xffff, v62  }
0x589: {  	s6 =	sadd.s32 $0x800, s6;
	[tilespmem:s0+$0xD450] =	vst.add.f32.msk $0xffff, v63  }
0x58a: {  	s1 =	sshll.u32 s28, $0x4;
	[tilespmem:s0+$0xD460] =	vst.add.f32.msk $0xffff, v33;
	s2 =	simm.s32 $0xD280;
	s0 =	sadd.s32 s31, s11  }
0x58b: {  	s6 =	sadd.s32 s5, s1;
	s1 =	simm.s32 $0x0;
	s15 =	sshrl.u32 s0, $0x3  }
0x58c: {  	[hbm4b:s6+s1] =	stream.linear.scatter [tilespmem:s2], [sflag:$0xD], $0x2000, $0x38;
	[tilespmem:$0x19280] =	vst v63  }
0x58d: {  	s4 =	sadd.s32 s9, s15;
	s6 =	simm.s32 $0x8D00  }
0x58e: {  	[tilespmem:s6], [sflag:$0x2] =	stream.linear.gather [hbm4b:s4+s1], $0x40, $0x38;
	[tilespmem:$0x19280] =	vst v63  }
0x58f: {  	s28 =	simm.s32 $0x8F00;
	s2 =	sadd.s32 s10, s15  }
0x590: {  	[tilespmem:s28], [sflag:$0x2] =	stream.linear.gather [hbm4b:s2+s1], $0x40, $0x38;
	[tilespmem:$0x19280] =	vst v63  }
0x591: {  	_ =	swait.ge [sflag:s24], $0x40  }
0x592: {  	[sflag:s24] =	ssyncset.done $0x0  }
0x593: {  	[sflag:s24] =	ssyncadd.s32 $0xFFFFFFC0  }
0x594: {  	_ =	swait.ge [sflag:s24], $0x40  }
0x595: {  	[sflag:s24] =	ssyncset.done $0x0  }
0x596: {  	s15 =	simm.s32 $0xC;
	[sflag:s24] =	ssyncadd.s32 $0xFFFFFFC0  }
0x597: {  	_ =	swait.ge [sflag:s15], $0x2000  }
0x598: {  	v51 =	vor.u32 s0, v0;
	[sflag:s15] =	ssyncset.done $0x0  }
0x599: {  	v35 =	vmulhi.u32 $0x51EB851F, v51;
	s28 =	sor.u32 $0x10, s0;
	[sflag:s15] =	ssyncadd.s32 $0xFFFFE000  }
0x59a: {  	s2 =	sor.u32 $0x20, s0;
	v36 =	vor.u32 s28, v0;
	v34 =	vld [tilespmem:$0x8F00]  }
0x59b: {  	v35 =	vshrl.u32 v35, $0x6;
	s0 =	sor.u32 $0x30, s0;
	v39 =	vor.u32 s2, v0;
	v38 =	vmulhi.u32 $0x51EB851F, v36;
	v40 =	vld [tilespmem:$0x8F20]  }
0x59c: {  	v35 =	vmul.u32 $0xC8, v35;
	v42 =	vor.u32 s0, v0;
	v41 =	vmulhi.u32 $0x51EB851F, v39;
	v43 =	vld [tilespmem:$0x8F30]  }
0x59d: {  	v53 =	vmulhi.u32 $0x51EB851F, v42;
	v37 =	vld [tilespmem:$0x8F10]  }
0x59e: {  	v33 =	vsub.s32 v51, v35;
	v52 =	vshrl.u32 v38, $0x6;
	v55 =	vshrl.u32 v41, $0x6  }
0x59f: {  	v38 =	vshrl.u32 v53, $0x6;
	v35 =	vmul.u32 $0xC8, v55;
	v34 =	vmul.u32 $0xC8, v34  }
0x5a0: {  	v54 =	vmul.u32 $0xC8, v52;
	v38 =	vmul.u32 $0xC8, v38;
	v56 =	vmul.u32 $0xC8, v40  }
0x5a1: {  	v58 =	vsub.s32 v39, v35;
	v59 =	vmul.u32 $0xC8, v43;
	v33 =	vadd.s32 v33, v34  }
0x5a2: {  	v61 =	vsub.s32 v42, v38;
	v37 =	vmul.u32 $0xC8, v37;
	v60 =	vadd.s32 v58, v56;
	[tilespmem:$0x9100] =	vst v33  }
0x5a3: {  	v34 =	vsub.s32 v36, v54;
	v62 =	vadd.s32 v61, v59;
	[tilespmem:$0x9120] =	vst v60  }
0x5a4: {  	v57 =	vadd.s32 v34, v37;
	[tilespmem:$0x9130] =	vst v62  }
0x5a5: {  	[tilespmem:$0x9110] =	vst v57  }
0x5a6: {  	[tilespmem:s12], [sflag:$0x4] =	stream.indirect.gather [hbm4b:s3+s25], $0x80, s6, s25, $0xb8;
	[tilespmem:$0x19280] =	vst v63  }
0x5a7: {  	s4 =	simm.s32 $0x9100;
	s15 =	simm.s32 $0x6;
	s6 =	simm.s32 $0x13280  }
0x5a8: {  	[tilespmem:s6], [sflag:$0x8] =	stream.indirect.gather [spmem:s7], $0x80, s4, s25, $0xb8;
	[tilespmem:$0x19280] =	vst v63  }
0x5a9: {  	_ =	swait.ge [sflag:s15], $0x2000  }
0x5aa: {  	[sflag:s15] =	ssyncset.done $0x0  }
0x5ab: {  	s28 =	simm.s32 $0xA;
	[sflag:s15] =	ssyncadd.s32 $0xFFFFE000  }
0x5ac: {  	_ =	swait.ge [sflag:s28], $0x2000  }
0x5ad: {  	[sflag:s28] =	ssyncset.done $0x0  }
0x5ae: {  	s0 =	simm.s32 $0x0;
	[sflag:s28] =	ssyncadd.s32 $0xFFFFE000  }
0x5af: {  	v63 =	vld [tilespmem:s0+$0x17470]  }
0x5b0: {  	v34 =	vld [tilespmem:s0+$0x17280]  }
0x5b1: {  	v35 =	vld [tilespmem:s0+$0x17290]  }
0x5b2: {  	v36 =	vld [tilespmem:s0+$0x172A0]  }
0x5b3: {  	v37 =	vld [tilespmem:s0+$0x172B0]  }
0x5b4: {  	v38 =	vld [tilespmem:s0+$0x172C0]  }
0x5b5: {  	v39 =	vld [tilespmem:s0+$0x172D0]  }
0x5b6: {  	v40 =	vld [tilespmem:s0+$0x172E0]  }
0x5b7: {  	v41 =	vld [tilespmem:s0+$0x172F0]  }
0x5b8: {  	v42 =	vld [tilespmem:s0+$0x17300]  }
0x5b9: {  	v43 =	vld [tilespmem:s0+$0x17310]  }
0x5ba: {  	v44 =	vld [tilespmem:s0+$0x17320]  }
0x5bb: {  	v45 =	vld [tilespmem:s0+$0x17330]  }
0x5bc: {  	v46 =	vld [tilespmem:s0+$0x17340]  }
0x5bd: {  	v47 =	vld [tilespmem:s0+$0x17350]  }
0x5be: {  	v48 =	vld [tilespmem:s0+$0x17360]  }
0x5bf: {  	v49 =	vld [tilespmem:s0+$0x17370]  }
0x5c0: {  	v50 =	vld [tilespmem:s0+$0x17380]  }
0x5c1: {  	v51 =	vld [tilespmem:s0+$0x17390]  }
0x5c2: {  	v52 =	vld [tilespmem:s0+$0x173A0]  }
0x5c3: {  	v53 =	vld [tilespmem:s0+$0x173B0]  }
0x5c4: {  	v54 =	vld [tilespmem:s0+$0x173C0]  }
0x5c5: {  	v55 =	vld [tilespmem:s0+$0x173D0]  }
0x5c6: {  	v56 =	vld [tilespmem:s0+$0x173E0]  }
0x5c7: {  	v57 =	vld [tilespmem:s0+$0x173F0]  }
0x5c8: {  	v58 =	vld [tilespmem:s0+$0x17400]  }
0x5c9: {  	v59 =	vld [tilespmem:s0+$0x17410]  }
0x5ca: {  	v60 =	vld [tilespmem:s0+$0x17420]  }
0x5cb: {  	v61 =	vld [tilespmem:s0+$0x17430]  }
0x5cc: {  	v62 =	vld [tilespmem:s0+$0x17440]  }
0x5cd: {  	v33 =	vld [tilespmem:s0+$0x17460]  }
0x5ce: {  	[tilespmem:s0+$0xF470] =	vst.add.f32.msk $0xffff, v63  }
0x5cf: {  	v63 =	vld [tilespmem:s0+$0x17450]  }
0x5d0: {  	[tilespmem:s0+$0xF280] =	vst.add.f32.msk $0xffff, v34  }
0x5d1: {  	[tilespmem:s0+$0xF290] =	vst.add.f32.msk $0xffff, v35  }
0x5d2: {  	[tilespmem:s0+$0xF2A0] =	vst.add.f32.msk $0xffff, v36  }
0x5d3: {  	[tilespmem:s0+$0xF2B0] =	vst.add.f32.msk $0xffff, v37  }
0x5d4: {  	[tilespmem:s0+$0xF2C0] =	vst.add.f32.msk $0xffff, v38  }
0x5d5: {  	[tilespmem:s0+$0xF2D0] =	vst.add.f32.msk $0xffff, v39  }
0x5d6: {  	[tilespmem:s0+$0xF2E0] =	vst.add.f32.msk $0xffff, v40  }
0x5d7: {  	[tilespmem:s0+$0xF2F0] =	vst.add.f32.msk $0xffff, v41  }
0x5d8: {  	[tilespmem:s0+$0xF300] =	vst.add.f32.msk $0xffff, v42  }
0x5d9: {  	[tilespmem:s0+$0xF310] =	vst.add.f32.msk $0xffff, v43  }
0x5da: {  	[tilespmem:s0+$0xF320] =	vst.add.f32.msk $0xffff, v44  }
0x5db: {  	[tilespmem:s0+$0xF330] =	vst.add.f32.msk $0xffff, v45  }
0x5dc: {  	[tilespmem:s0+$0xF340] =	vst.add.f32.msk $0xffff, v46  }
0x5dd: {  	[tilespmem:s0+$0xF350] =	vst.add.f32.msk $0xffff, v47  }
0x5de: {  	[tilespmem:s0+$0xF360] =	vst.add.f32.msk $0xffff, v48  }
0x5df: {  	[tilespmem:s0+$0xF370] =	vst.add.f32.msk $0xffff, v49  }
0x5e0: {  	[tilespmem:s0+$0xF380] =	vst.add.f32.msk $0xffff, v50  }
0x5e1: {  	[tilespmem:s0+$0xF390] =	vst.add.f32.msk $0xffff, v51  }
0x5e2: {  	[tilespmem:s0+$0xF3A0] =	vst.add.f32.msk $0xffff, v52  }
0x5e3: {  	[tilespmem:s0+$0xF3B0] =	vst.add.f32.msk $0xffff, v53  }
0x5e4: {  	[tilespmem:s0+$0xF3C0] =	vst.add.f32.msk $0xffff, v54  }
0x5e5: {  	[tilespmem:s0+$0xF3D0] =	vst.add.f32.msk $0xffff, v55  }
0x5e6: {  	[tilespmem:s0+$0xF3E0] =	vst.add.f32.msk $0xffff, v56  }
0x5e7: {  	[tilespmem:s0+$0xF3F0] =	vst.add.f32.msk $0xffff, v57  }
0x5e8: {  	[tilespmem:s0+$0xF400] =	vst.add.f32.msk $0xffff, v58  }
0x5e9: {  	[tilespmem:s0+$0xF410] =	vst.add.f32.msk $0xffff, v59  }
0x5ea: {  	[tilespmem:s0+$0xF420] =	vst.add.f32.msk $0xffff, v60  }
0x5eb: {  	[tilespmem:s0+$0xF430] =	vst.add.f32.msk $0xffff, v61  }
0x5ec: {  	[tilespmem:s0+$0xF440] =	vst.add.f32.msk $0xffff, v62  }
0x5ed: {  	s4 =	simm.s32 $0x0;
	s6 =	simm.s32 $0x800;
	[tilespmem:s0+$0xF450] =	vst.add.f32.msk $0xffff, v63  }
.LBB2_19:
0x5ee: {  	s4 =	sadd.s32 $0x4, s4;
	[tilespmem:s0+$0xF460] =	vst.add.f32.msk $0xffff, v33;
	s0 =	sshra.s32 s6, $0x2  }
0x5ef: {  	v33 =	vld [tilespmem:s0+$0x17470];
	p0 =	slt.u32 s4, $0x3C  }
0x5f0: {  	v34 =	vld [tilespmem:s0+$0x17280]  }
0x5f1: {  	v35 =	vld [tilespmem:s0+$0x17290]  }
0x5f2: {  	v36 =	vld [tilespmem:s0+$0x172A0]  }
0x5f3: {  	v37 =	vld [tilespmem:s0+$0x172B0]  }
0x5f4: {  	[tilespmem:s0+$0xF470] =	vst.add.f32.msk $0xffff, v33  }
0x5f5: {  	v38 =	vld [tilespmem:s0+$0x172C0]  }
0x5f6: {  	v39 =	vld [tilespmem:s0+$0x172D0]  }
0x5f7: {  	v40 =	vld [tilespmem:s0+$0x172E0]  }
0x5f8: {  	v41 =	vld [tilespmem:s0+$0x172F0]  }
0x5f9: {  	v42 =	vld [tilespmem:s0+$0x17300]  }
0x5fa: {  	v43 =	vld [tilespmem:s0+$0x17310]  }
0x5fb: {  	v44 =	vld [tilespmem:s0+$0x17320]  }
0x5fc: {  	v45 =	vld [tilespmem:s0+$0x17330]  }
0x5fd: {  	v46 =	vld [tilespmem:s0+$0x17340]  }
0x5fe: {  	v47 =	vld [tilespmem:s0+$0x17350]  }
0x5ff: {  	v48 =	vld [tilespmem:s0+$0x17360]  }
0x600: {  	v49 =	vld [tilespmem:s0+$0x17370]  }
0x601: {  	v50 =	vld [tilespmem:s0+$0x17380]  }
0x602: {  	v51 =	vld [tilespmem:s0+$0x17390]  }
0x603: {  	v52 =	vld [tilespmem:s0+$0x173A0]  }
0x604: {  	v53 =	vld [tilespmem:s0+$0x173B0]  }
0x605: {  	v54 =	vld [tilespmem:s0+$0x173C0]  }
0x606: {  	v55 =	vld [tilespmem:s0+$0x173D0]  }
0x607: {  	v56 =	vld [tilespmem:s0+$0x173E0]  }
0x608: {  	v57 =	vld [tilespmem:s0+$0x173F0]  }
0x609: {  	v58 =	vld [tilespmem:s0+$0x17400]  }
0x60a: {  	v59 =	vld [tilespmem:s0+$0x17410]  }
0x60b: {  	v60 =	vld [tilespmem:s0+$0x17420]  }
0x60c: {  	v61 =	vld [tilespmem:s0+$0x17430]  }
0x60d: {  	v62 =	vld [tilespmem:s0+$0x17440]  }
0x60e: {  	v63 =	vld [tilespmem:s0+$0x17450]  }
0x60f: {  	v33 =	vld [tilespmem:s0+$0x17460]  }
0x610: {  	[tilespmem:s0+$0xF280] =	vst.add.f32.msk $0xffff, v34  }
0x611: {  	[tilespmem:s0+$0xF290] =	vst.add.f32.msk $0xffff, v35  }
0x612: {  	[tilespmem:s0+$0xF2A0] =	vst.add.f32.msk $0xffff, v36  }
0x613: {  	[tilespmem:s0+$0xF2B0] =	vst.add.f32.msk $0xffff, v37  }
0x614: {  	[tilespmem:s0+$0xF2C0] =	vst.add.f32.msk $0xffff, v38  }
0x615: {  	[tilespmem:s0+$0xF2D0] =	vst.add.f32.msk $0xffff, v39  }
0x616: {  	[tilespmem:s0+$0xF2E0] =	vst.add.f32.msk $0xffff, v40  }
0x617: {  	[tilespmem:s0+$0xF2F0] =	vst.add.f32.msk $0xffff, v41  }
0x618: {  	[tilespmem:s0+$0xF300] =	vst.add.f32.msk $0xffff, v42  }
0x619: {  	[tilespmem:s0+$0xF310] =	vst.add.f32.msk $0xffff, v43  }
0x61a: {  	[tilespmem:s0+$0xF320] =	vst.add.f32.msk $0xffff, v44  }
0x61b: {  	[tilespmem:s0+$0xF330] =	vst.add.f32.msk $0xffff, v45  }
0x61c: {  	[tilespmem:s0+$0xF340] =	vst.add.f32.msk $0xffff, v46  }
0x61d: {  	[tilespmem:s0+$0xF350] =	vst.add.f32.msk $0xffff, v47  }
0x61e: {  	[tilespmem:s0+$0xF360] =	vst.add.f32.msk $0xffff, v48  }
0x61f: {  	[tilespmem:s0+$0xF370] =	vst.add.f32.msk $0xffff, v49  }
0x620: {  	[tilespmem:s0+$0xF380] =	vst.add.f32.msk $0xffff, v50  }
0x621: {  	[tilespmem:s0+$0xF390] =	vst.add.f32.msk $0xffff, v51  }
0x622: {  	[tilespmem:s0+$0xF3A0] =	vst.add.f32.msk $0xffff, v52  }
0x623: {  	[tilespmem:s0+$0xF3B0] =	vst.add.f32.msk $0xffff, v53  }
0x624: {  	[tilespmem:s0+$0xF3C0] =	vst.add.f32.msk $0xffff, v54  }
0x625: {  	[tilespmem:s0+$0xF3D0] =	vst.add.f32.msk $0xffff, v55  }
0x626: {  	[tilespmem:s0+$0xF3E0] =	vst.add.f32.msk $0xffff, v56  }
0x627: {  	[tilespmem:s0+$0xF3F0] =	vst.add.f32.msk $0xffff, v57  }
0x628: {  	[tilespmem:s0+$0xF400] =	vst.add.f32.msk $0xffff, v58  }
.Ltmp8:
0x629: {  	[tilespmem:s0+$0xF410] =	vst.add.f32.msk $0xffff, v59;
	(pc) =	sbr.rel @p0 .LBB2_19-.Ltmp8, $4  }
0x62a: {  	[tilespmem:s0+$0xF420] =	vst.add.f32.msk $0xffff, v60  }
0x62b: {  	[tilespmem:s0+$0xF430] =	vst.add.f32.msk $0xffff, v61  }
0x62c: {  	[tilespmem:s0+$0xF440] =	vst.add.f32.msk $0xffff, v62  }
0x62d: {  	s6 =	sadd.s32 $0x800, s6;
	[tilespmem:s0+$0xF450] =	vst.add.f32.msk $0xffff, v63  }
0x62e: {  	s1 =	sshll.u32 s22, $0x4;
	s28 =	simm.s32 $0xF280;
	s29 =	sadd.s32 $0x1, s29  }
0x62f: {  	[tilespmem:s0+$0xF460] =	vst.add.f32.msk $0xffff, v33;
	s6 =	sadd.s32 s31, s18;
	s4 =	sadd.s32 s5, s1;
	p0 =	sne.s32 s29, $0x18  }
0x630: {  	[hbm4b:s4+s8] =	stream.linear.scatter [tilespmem:s28], [sflag:$0xE], $0x2000, $0x38;
	[tilespmem:$0x19280] =	vst v63  }
.Ltmp9:
0x631: {  	s0 =	sshrl.u32 s6, $0x3;
	(pc) =	sbr.rel @p0 .LBB2_12-.Ltmp9, $4  }
0x632: {  	s22 =	simm.s32 $0x8D80;
	s15 =	sadd.s32 s9, s0  }
0x633: {  	[tilespmem:s22], [sflag:$0x2] =	stream.linear.gather [hbm4b:s15+s8], $0x40, $0x38;
	[tilespmem:$0x19280] =	vst v63  }
0x634: {  	s31 =	simm.s32 $0x8F80;
	s0 =	sadd.s32 s10, s0  }
0x635: {  	[tilespmem:s31], [sflag:$0x2] =	stream.linear.gather [hbm4b:s0+s8], $0x40, $0x38;
	[tilespmem:$0x19280] =	vst v63  }
0x636: {  	_ =	swait.ge [sflag:s24], $0x40  }
0x637: {  	[sflag:s24] =	ssyncset.done $0x0  }
0x638: {  	[sflag:s24] =	ssyncadd.s32 $0xFFFFFFC0  }
0x639: {  	_ =	swait.ge [sflag:s24], $0x40  }
0x63a: {  	[sflag:s24] =	ssyncset.done $0x0  }
0x63b: {  	[sflag:s24] =	ssyncadd.s32 $0xFFFFFFC0  }
0x63c: {  	_ =	swait.ge [sflag:s19], $0x2000  }
0x63d: {  	[sflag:s19] =	ssyncset.done $0x0  }
0x63e: {  	[sflag:s19] =	ssyncadd.s32 $0xFFFFE000  }
0x63f: {  	v33 =	vld [tilespmem:$0x8F80]  }
0x640: {  	v34 =	vld [tilespmem:$0x8F90]  }
0x641: {  	v35 =	vld [tilespmem:$0x8FA0]  }
0x642: {  	v36 =	vld [tilespmem:$0x8FB0];
	_ =	sdelay $0x1  }
0x643: {  	v33 =	vmul.u32 $0xC8, v33  }
0x644: {  	v34 =	vmul.u32 $0xC8, v34  }
0x645: {  	v35 =	vmul.u32 $0xC8, v35;
	v33 =	vadd.s32 v25, v33  }
0x646: {  	v60 =	vmul.u32 $0xC8, v36;
	v59 =	vadd.s32 v26, v34;
	[tilespmem:$0x9180] =	vst v33  }
0x647: {  	v61 =	vadd.s32 v27, v35;
	[tilespmem:$0x9190] =	vst v59  }
0x648: {  	v62 =	vadd.s32 v28, v60;
	[tilespmem:$0x91A0] =	vst v61  }
0x649: {  	s0 =	simm.s32 $0xD280;
	[tilespmem:$0x91B0] =	vst v62  }
0x64a: {  	[tilespmem:s0], [sflag:$0x5] =	stream.indirect.gather [hbm4b:s3+s25], $0x80, s22, s25, $0xb8;
	[tilespmem:$0x19280] =	vst v63  }
0x64b: {  	s18 =	simm.s32 $0x9180;
	s1 =	simm.s32 $0x15280;
	s29 =	simm.s32 $0x3  }
0x64c: {  	[tilespmem:s1], [sflag:$0x9] =	stream.indirect.gather [spmem:s7], $0x80, s18, s25, $0xb8;
	[tilespmem:$0x19280] =	vst v63  }
0x64d: {  	_ =	swait.ge [sflag:s29], $0x2000  }
0x64e: {  	[sflag:s29] =	ssyncset.done $0x0  }
0x64f: {  	s31 =	simm.s32 $0x7;
	[sflag:s29] =	ssyncadd.s32 $0xFFFFE000  }
0x650: {  	_ =	swait.ge [sflag:s31], $0x2000  }
0x651: {  	[sflag:s31] =	ssyncset.done $0x0  }
0x652: {  	s0 =	simm.s32 $0x0;
	[sflag:s31] =	ssyncadd.s32 $0xFFFFE000  }
0x653: {  	v63 =	vld [tilespmem:s0+$0x11470]  }
0x654: {  	v34 =	vld [tilespmem:s0+$0x11280]  }
0x655: {  	v35 =	vld [tilespmem:s0+$0x11290]  }
0x656: {  	v36 =	vld [tilespmem:s0+$0x112A0]  }
0x657: {  	v37 =	vld [tilespmem:s0+$0x112B0]  }
0x658: {  	v38 =	vld [tilespmem:s0+$0x112C0]  }
0x659: {  	v39 =	vld [tilespmem:s0+$0x112D0]  }
0x65a: {  	v40 =	vld [tilespmem:s0+$0x112E0]  }
0x65b: {  	v41 =	vld [tilespmem:s0+$0x112F0]  }
0x65c: {  	v42 =	vld [tilespmem:s0+$0x11300]  }
0x65d: {  	v43 =	vld [tilespmem:s0+$0x11310]  }
0x65e: {  	v44 =	vld [tilespmem:s0+$0x11320]  }
0x65f: {  	v45 =	vld [tilespmem:s0+$0x11330]  }
0x660: {  	v46 =	vld [tilespmem:s0+$0x11340]  }
0x661: {  	v47 =	vld [tilespmem:s0+$0x11350]  }
0x662: {  	v48 =	vld [tilespmem:s0+$0x11360]  }
0x663: {  	v49 =	vld [tilespmem:s0+$0x11370]  }
0x664: {  	v50 =	vld [tilespmem:s0+$0x11380]  }
0x665: {  	v51 =	vld [tilespmem:s0+$0x11390]  }
0x666: {  	v52 =	vld [tilespmem:s0+$0x113A0]  }
0x667: {  	v53 =	vld [tilespmem:s0+$0x113B0]  }
0x668: {  	v54 =	vld [tilespmem:s0+$0x113C0]  }
0x669: {  	v55 =	vld [tilespmem:s0+$0x113D0]  }
0x66a: {  	v56 =	vld [tilespmem:s0+$0x113E0]  }
0x66b: {  	v57 =	vld [tilespmem:s0+$0x113F0]  }
0x66c: {  	v58 =	vld [tilespmem:s0+$0x11400]  }
0x66d: {  	v59 =	vld [tilespmem:s0+$0x11410]  }
0x66e: {  	v60 =	vld [tilespmem:s0+$0x11420]  }
0x66f: {  	v61 =	vld [tilespmem:s0+$0x11430]  }
0x670: {  	v62 =	vld [tilespmem:s0+$0x11440]  }
0x671: {  	v33 =	vld [tilespmem:s0+$0x11460]  }
0x672: {  	[tilespmem:s0+$0x9470] =	vst.add.f32.msk $0xffff, v63  }
0x673: {  	v63 =	vld [tilespmem:s0+$0x11450]  }
0x674: {  	[tilespmem:s0+$0x9280] =	vst.add.f32.msk $0xffff, v34  }
0x675: {  	[tilespmem:s0+$0x9290] =	vst.add.f32.msk $0xffff, v35  }
0x676: {  	[tilespmem:s0+$0x92A0] =	vst.add.f32.msk $0xffff, v36  }
0x677: {  	[tilespmem:s0+$0x92B0] =	vst.add.f32.msk $0xffff, v37  }
0x678: {  	[tilespmem:s0+$0x92C0] =	vst.add.f32.msk $0xffff, v38  }
0x679: {  	[tilespmem:s0+$0x92D0] =	vst.add.f32.msk $0xffff, v39  }
0x67a: {  	[tilespmem:s0+$0x92E0] =	vst.add.f32.msk $0xffff, v40  }
0x67b: {  	[tilespmem:s0+$0x92F0] =	vst.add.f32.msk $0xffff, v41  }
0x67c: {  	[tilespmem:s0+$0x9300] =	vst.add.f32.msk $0xffff, v42  }
0x67d: {  	[tilespmem:s0+$0x9310] =	vst.add.f32.msk $0xffff, v43  }
0x67e: {  	[tilespmem:s0+$0x9320] =	vst.add.f32.msk $0xffff, v44  }
0x67f: {  	[tilespmem:s0+$0x9330] =	vst.add.f32.msk $0xffff, v45  }
0x680: {  	[tilespmem:s0+$0x9340] =	vst.add.f32.msk $0xffff, v46  }
0x681: {  	[tilespmem:s0+$0x9350] =	vst.add.f32.msk $0xffff, v47  }
0x682: {  	[tilespmem:s0+$0x9360] =	vst.add.f32.msk $0xffff, v48  }
0x683: {  	[tilespmem:s0+$0x9370] =	vst.add.f32.msk $0xffff, v49  }
0x684: {  	[tilespmem:s0+$0x9380] =	vst.add.f32.msk $0xffff, v50  }
0x685: {  	[tilespmem:s0+$0x9390] =	vst.add.f32.msk $0xffff, v51  }
0x686: {  	[tilespmem:s0+$0x93A0] =	vst.add.f32.msk $0xffff, v52  }
0x687: {  	[tilespmem:s0+$0x93B0] =	vst.add.f32.msk $0xffff, v53  }
0x688: {  	[tilespmem:s0+$0x93C0] =	vst.add.f32.msk $0xffff, v54  }
0x689: {  	[tilespmem:s0+$0x93D0] =	vst.add.f32.msk $0xffff, v55  }
0x68a: {  	[tilespmem:s0+$0x93E0] =	vst.add.f32.msk $0xffff, v56  }
0x68b: {  	[tilespmem:s0+$0x93F0] =	vst.add.f32.msk $0xffff, v57  }
0x68c: {  	[tilespmem:s0+$0x9400] =	vst.add.f32.msk $0xffff, v58  }
0x68d: {  	[tilespmem:s0+$0x9410] =	vst.add.f32.msk $0xffff, v59  }
0x68e: {  	[tilespmem:s0+$0x9420] =	vst.add.f32.msk $0xffff, v60  }
0x68f: {  	[tilespmem:s0+$0x9430] =	vst.add.f32.msk $0xffff, v61  }
0x690: {  	[tilespmem:s0+$0x9440] =	vst.add.f32.msk $0xffff, v62  }
0x691: {  	s4 =	simm.s32 $0x0;
	s6 =	simm.s32 $0x800;
	[tilespmem:s0+$0x9450] =	vst.add.f32.msk $0xffff, v63  }
.LBB2_22:
0x692: {  	s4 =	sadd.s32 $0x4, s4;
	[tilespmem:s0+$0x9460] =	vst.add.f32.msk $0xffff, v33;
	s0 =	sshra.s32 s6, $0x2  }
0x693: {  	v33 =	vld [tilespmem:s0+$0x11470];
	p0 =	slt.u32 s4, $0x3C  }
0x694: {  	v34 =	vld [tilespmem:s0+$0x11280]  }
0x695: {  	v35 =	vld [tilespmem:s0+$0x11290]  }
0x696: {  	v36 =	vld [tilespmem:s0+$0x112A0]  }
0x697: {  	v37 =	vld [tilespmem:s0+$0x112B0]  }
0x698: {  	[tilespmem:s0+$0x9470] =	vst.add.f32.msk $0xffff, v33  }
0x699: {  	v38 =	vld [tilespmem:s0+$0x112C0]  }
0x69a: {  	v39 =	vld [tilespmem:s0+$0x112D0]  }
0x69b: {  	v40 =	vld [tilespmem:s0+$0x112E0]  }
0x69c: {  	v41 =	vld [tilespmem:s0+$0x112F0]  }
0x69d: {  	v42 =	vld [tilespmem:s0+$0x11300]  }
0x69e: {  	v43 =	vld [tilespmem:s0+$0x11310]  }
0x69f: {  	v44 =	vld [tilespmem:s0+$0x11320]  }
0x6a0: {  	v45 =	vld [tilespmem:s0+$0x11330]  }
0x6a1: {  	v46 =	vld [tilespmem:s0+$0x11340]  }
0x6a2: {  	v47 =	vld [tilespmem:s0+$0x11350]  }
0x6a3: {  	v48 =	vld [tilespmem:s0+$0x11360]  }
0x6a4: {  	v49 =	vld [tilespmem:s0+$0x11370]  }
0x6a5: {  	v50 =	vld [tilespmem:s0+$0x11380]  }
0x6a6: {  	v51 =	vld [tilespmem:s0+$0x11390]  }
0x6a7: {  	v52 =	vld [tilespmem:s0+$0x113A0]  }
0x6a8: {  	v53 =	vld [tilespmem:s0+$0x113B0]  }
0x6a9: {  	v54 =	vld [tilespmem:s0+$0x113C0]  }
0x6aa: {  	v55 =	vld [tilespmem:s0+$0x113D0]  }
0x6ab: {  	v56 =	vld [tilespmem:s0+$0x113E0]  }
0x6ac: {  	v57 =	vld [tilespmem:s0+$0x113F0]  }
0x6ad: {  	v58 =	vld [tilespmem:s0+$0x11400]  }
0x6ae: {  	v59 =	vld [tilespmem:s0+$0x11410]  }
0x6af: {  	v60 =	vld [tilespmem:s0+$0x11420]  }
0x6b0: {  	v61 =	vld [tilespmem:s0+$0x11430]  }
0x6b1: {  	v62 =	vld [tilespmem:s0+$0x11440]  }
0x6b2: {  	v63 =	vld [tilespmem:s0+$0x11450]  }
0x6b3: {  	v33 =	vld [tilespmem:s0+$0x11460]  }
0x6b4: {  	[tilespmem:s0+$0x9280] =	vst.add.f32.msk $0xffff, v34  }
0x6b5: {  	[tilespmem:s0+$0x9290] =	vst.add.f32.msk $0xffff, v35  }
0x6b6: {  	[tilespmem:s0+$0x92A0] =	vst.add.f32.msk $0xffff, v36  }
0x6b7: {  	[tilespmem:s0+$0x92B0] =	vst.add.f32.msk $0xffff, v37  }
0x6b8: {  	[tilespmem:s0+$0x92C0] =	vst.add.f32.msk $0xffff, v38  }
0x6b9: {  	[tilespmem:s0+$0x92D0] =	vst.add.f32.msk $0xffff, v39  }
0x6ba: {  	[tilespmem:s0+$0x92E0] =	vst.add.f32.msk $0xffff, v40  }
0x6bb: {  	[tilespmem:s0+$0x92F0] =	vst.add.f32.msk $0xffff, v41  }
0x6bc: {  	[tilespmem:s0+$0x9300] =	vst.add.f32.msk $0xffff, v42  }
0x6bd: {  	[tilespmem:s0+$0x9310] =	vst.add.f32.msk $0xffff, v43  }
0x6be: {  	[tilespmem:s0+$0x9320] =	vst.add.f32.msk $0xffff, v44  }
0x6bf: {  	[tilespmem:s0+$0x9330] =	vst.add.f32.msk $0xffff, v45  }
0x6c0: {  	[tilespmem:s0+$0x9340] =	vst.add.f32.msk $0xffff, v46  }
0x6c1: {  	[tilespmem:s0+$0x9350] =	vst.add.f32.msk $0xffff, v47  }
0x6c2: {  	[tilespmem:s0+$0x9360] =	vst.add.f32.msk $0xffff, v48  }
0x6c3: {  	[tilespmem:s0+$0x9370] =	vst.add.f32.msk $0xffff, v49  }
0x6c4: {  	[tilespmem:s0+$0x9380] =	vst.add.f32.msk $0xffff, v50  }
0x6c5: {  	[tilespmem:s0+$0x9390] =	vst.add.f32.msk $0xffff, v51  }
0x6c6: {  	[tilespmem:s0+$0x93A0] =	vst.add.f32.msk $0xffff, v52  }
0x6c7: {  	[tilespmem:s0+$0x93B0] =	vst.add.f32.msk $0xffff, v53  }
0x6c8: {  	[tilespmem:s0+$0x93C0] =	vst.add.f32.msk $0xffff, v54  }
0x6c9: {  	[tilespmem:s0+$0x93D0] =	vst.add.f32.msk $0xffff, v55  }
0x6ca: {  	[tilespmem:s0+$0x93E0] =	vst.add.f32.msk $0xffff, v56  }
0x6cb: {  	[tilespmem:s0+$0x93F0] =	vst.add.f32.msk $0xffff, v57  }
0x6cc: {  	[tilespmem:s0+$0x9400] =	vst.add.f32.msk $0xffff, v58  }
.Ltmp10:
0x6cd: {  	[tilespmem:s0+$0x9410] =	vst.add.f32.msk $0xffff, v59;
	(pc) =	sbr.rel @p0 .LBB2_22-.Ltmp10, $4  }
0x6ce: {  	[tilespmem:s0+$0x9420] =	vst.add.f32.msk $0xffff, v60  }
0x6cf: {  	[tilespmem:s0+$0x9430] =	vst.add.f32.msk $0xffff, v61  }
0x6d0: {  	[tilespmem:s0+$0x9440] =	vst.add.f32.msk $0xffff, v62  }
0x6d1: {  	s6 =	sadd.s32 $0x800, s6;
	[tilespmem:s0+$0x9450] =	vst.add.f32.msk $0xffff, v63  }
0x6d2: {  	[tilespmem:s0+$0x9460] =	vst.add.f32.msk $0xffff, v33  }
0x6d3: {  	s1 =	sld [smem:$0x7F9];
	_ =	sdelay $0x1  }
0x6d4: {  	s14 =	simm.s32 $0x0;
	s15 =	sld [smem:$0x7F7]  }
0x6d5: {  	[hbm4b:s1+s14] =	stream.linear.scatter [tilespmem:s30], [sflag:$0xB], $0x2000, $0x38;
	[tilespmem:$0x19280] =	vst v63  }
0x6d6: {  	s2 =	simm.s32 $0x8E00;
	s16 =	sld [smem:$0x7F8]  }
0x6d7: {  	[tilespmem:s2], [sflag:$0x2] =	stream.linear.gather [hbm4b:s15+s14], $0x40, $0x38;
	[tilespmem:$0x19280] =	vst v63  }
0x6d8: {  	s4 =	simm.s32 $0x9000  }
0x6d9: {  	[tilespmem:s4], [sflag:$0x2] =	stream.linear.gather [hbm4b:s16+s14], $0x40, $0x38;
	[tilespmem:$0x19280] =	vst v63  }
0x6da: {  	_ =	swait.ge [sflag:s24], $0x40  }
0x6db: {  	[sflag:s24] =	ssyncset.done $0x0  }
0x6dc: {  	[sflag:s24] =	ssyncadd.s32 $0xFFFFFFC0  }
0x6dd: {  	_ =	swait.ge [sflag:s24], $0x40  }
0x6de: {  	[sflag:s24] =	ssyncset.done $0x0  }
0x6df: {  	[sflag:s24] =	ssyncadd.s32 $0xFFFFFFC0  }
0x6e0: {  	_ =	swait.ge [sflag:s26], $0x2000  }
0x6e1: {  	[sflag:s26] =	ssyncset.done $0x0  }
0x6e2: {  	[sflag:s26] =	ssyncadd.s32 $0xFFFFE000  }
0x6e3: {  	v58 =	vld [tilespmem:$0x9000]  }
0x6e4: {  	v34 =	vld [tilespmem:$0x9010]  }
0x6e5: {  	v35 =	vld [tilespmem:$0x9020]  }
0x6e6: {  	v36 =	vld [tilespmem:$0x9030];
	_ =	sdelay $0x1  }
0x6e7: {  	v33 =	vmul.u32 $0xC8, v58  }
0x6e8: {  	v34 =	vmul.u32 $0xC8, v34  }
0x6e9: {  	v35 =	vmul.u32 $0xC8, v35;
	v33 =	vadd.s32 v29, v33  }
0x6ea: {  	v60 =	vmul.u32 $0xC8, v36;
	v59 =	vadd.s32 v30, v34;
	[tilespmem:$0x9200] =	vst v33  }
0x6eb: {  	v61 =	vadd.s32 v31, v35;
	[tilespmem:$0x9210] =	vst v59  }
0x6ec: {  	v62 =	vadd.s32 v32, v60;
	[tilespmem:$0x9220] =	vst v61  }
0x6ed: {  	[tilespmem:$0x9230] =	vst v62  }
0x6ee: {  	[tilespmem:s28], [sflag:$0x6] =	stream.indirect.gather [hbm4b:s3+s25], $0x80, s2, s25, $0xb8;
	[tilespmem:$0x19280] =	vst v63  }
0x6ef: {  	s17 =	simm.s32 $0x9200;
	s18 =	simm.s32 $0x17280;
	s29 =	simm.s32 $0x4  }
0x6f0: {  	[tilespmem:s18], [sflag:$0xA] =	stream.indirect.gather [spmem:s7], $0x80, s17, s25, $0xb8;
	[tilespmem:$0x19280] =	vst v63  }
0x6f1: {  	_ =	swait.ge [sflag:s29], $0x2000  }
0x6f2: {  	[sflag:s29] =	ssyncset.done $0x0  }
0x6f3: {  	s31 =	simm.s32 $0x8;
	[sflag:s29] =	ssyncadd.s32 $0xFFFFE000  }
0x6f4: {  	_ =	swait.ge [sflag:s31], $0x2000  }
0x6f5: {  	[sflag:s31] =	ssyncset.done $0x0  }
0x6f6: {  	s0 =	simm.s32 $0x0;
	[sflag:s31] =	ssyncadd.s32 $0xFFFFE000  }
0x6f7: {  	v63 =	vld [tilespmem:s0+$0x13470]  }
0x6f8: {  	v34 =	vld [tilespmem:s0+$0x13280]  }
0x6f9: {  	v35 =	vld [tilespmem:s0+$0x13290]  }
0x6fa: {  	v36 =	vld [tilespmem:s0+$0x132A0]  }
0x6fb: {  	v37 =	vld [tilespmem:s0+$0x132B0]  }
0x6fc: {  	v38 =	vld [tilespmem:s0+$0x132C0]  }
0x6fd: {  	v39 =	vld [tilespmem:s0+$0x132D0]  }
0x6fe: {  	v40 =	vld [tilespmem:s0+$0x132E0]  }
0x6ff: {  	v41 =	vld [tilespmem:s0+$0x132F0]  }
0x700: {  	v42 =	vld [tilespmem:s0+$0x13300]  }
0x701: {  	v43 =	vld [tilespmem:s0+$0x13310]  }
0x702: {  	v44 =	vld [tilespmem:s0+$0x13320]  }
0x703: {  	v45 =	vld [tilespmem:s0+$0x13330]  }
0x704: {  	v46 =	vld [tilespmem:s0+$0x13340]  }
0x705: {  	v47 =	vld [tilespmem:s0+$0x13350]  }
0x706: {  	v48 =	vld [tilespmem:s0+$0x13360]  }
0x707: {  	v49 =	vld [tilespmem:s0+$0x13370]  }
0x708: {  	v50 =	vld [tilespmem:s0+$0x13380]  }
0x709: {  	v51 =	vld [tilespmem:s0+$0x13390]  }
0x70a: {  	v52 =	vld [tilespmem:s0+$0x133A0]  }
0x70b: {  	v53 =	vld [tilespmem:s0+$0x133B0]  }
0x70c: {  	v54 =	vld [tilespmem:s0+$0x133C0]  }
0x70d: {  	v55 =	vld [tilespmem:s0+$0x133D0]  }
0x70e: {  	v56 =	vld [tilespmem:s0+$0x133E0]  }
0x70f: {  	v57 =	vld [tilespmem:s0+$0x133F0]  }
0x710: {  	v58 =	vld [tilespmem:s0+$0x13400]  }
0x711: {  	v59 =	vld [tilespmem:s0+$0x13410]  }
0x712: {  	v60 =	vld [tilespmem:s0+$0x13420]  }
0x713: {  	v61 =	vld [tilespmem:s0+$0x13430]  }
0x714: {  	v62 =	vld [tilespmem:s0+$0x13440]  }
0x715: {  	v33 =	vld [tilespmem:s0+$0x13460]  }
0x716: {  	[tilespmem:s0+$0xB470] =	vst.add.f32.msk $0xffff, v63  }
0x717: {  	v63 =	vld [tilespmem:s0+$0x13450]  }
0x718: {  	[tilespmem:s0+$0xB280] =	vst.add.f32.msk $0xffff, v34  }
0x719: {  	[tilespmem:s0+$0xB290] =	vst.add.f32.msk $0xffff, v35  }
0x71a: {  	[tilespmem:s0+$0xB2A0] =	vst.add.f32.msk $0xffff, v36  }
0x71b: {  	[tilespmem:s0+$0xB2B0] =	vst.add.f32.msk $0xffff, v37  }
0x71c: {  	[tilespmem:s0+$0xB2C0] =	vst.add.f32.msk $0xffff, v38  }
0x71d: {  	[tilespmem:s0+$0xB2D0] =	vst.add.f32.msk $0xffff, v39  }
0x71e: {  	[tilespmem:s0+$0xB2E0] =	vst.add.f32.msk $0xffff, v40  }
0x71f: {  	[tilespmem:s0+$0xB2F0] =	vst.add.f32.msk $0xffff, v41  }
0x720: {  	[tilespmem:s0+$0xB300] =	vst.add.f32.msk $0xffff, v42  }
0x721: {  	[tilespmem:s0+$0xB310] =	vst.add.f32.msk $0xffff, v43  }
0x722: {  	[tilespmem:s0+$0xB320] =	vst.add.f32.msk $0xffff, v44  }
0x723: {  	[tilespmem:s0+$0xB330] =	vst.add.f32.msk $0xffff, v45  }
0x724: {  	[tilespmem:s0+$0xB340] =	vst.add.f32.msk $0xffff, v46  }
0x725: {  	[tilespmem:s0+$0xB350] =	vst.add.f32.msk $0xffff, v47  }
0x726: {  	[tilespmem:s0+$0xB360] =	vst.add.f32.msk $0xffff, v48  }
0x727: {  	[tilespmem:s0+$0xB370] =	vst.add.f32.msk $0xffff, v49  }
0x728: {  	[tilespmem:s0+$0xB380] =	vst.add.f32.msk $0xffff, v50  }
0x729: {  	[tilespmem:s0+$0xB390] =	vst.add.f32.msk $0xffff, v51  }
0x72a: {  	[tilespmem:s0+$0xB3A0] =	vst.add.f32.msk $0xffff, v52  }
0x72b: {  	[tilespmem:s0+$0xB3B0] =	vst.add.f32.msk $0xffff, v53  }
0x72c: {  	[tilespmem:s0+$0xB3C0] =	vst.add.f32.msk $0xffff, v54  }
0x72d: {  	[tilespmem:s0+$0xB3D0] =	vst.add.f32.msk $0xffff, v55  }
0x72e: {  	[tilespmem:s0+$0xB3E0] =	vst.add.f32.msk $0xffff, v56  }
0x72f: {  	[tilespmem:s0+$0xB3F0] =	vst.add.f32.msk $0xffff, v57  }
0x730: {  	[tilespmem:s0+$0xB400] =	vst.add.f32.msk $0xffff, v58  }
0x731: {  	[tilespmem:s0+$0xB410] =	vst.add.f32.msk $0xffff, v59  }
0x732: {  	[tilespmem:s0+$0xB420] =	vst.add.f32.msk $0xffff, v60  }
0x733: {  	[tilespmem:s0+$0xB430] =	vst.add.f32.msk $0xffff, v61  }
0x734: {  	[tilespmem:s0+$0xB440] =	vst.add.f32.msk $0xffff, v62  }
0x735: {  	s6 =	simm.s32 $0x800;
	s4 =	simm.s32 $0x0;
	[tilespmem:s0+$0xB450] =	vst.add.f32.msk $0xffff, v63  }
.LBB2_24:
0x736: {  	s4 =	sadd.s32 $0x4, s4;
	[tilespmem:s0+$0xB460] =	vst.add.f32.msk $0xffff, v33;
	s0 =	sshra.s32 s6, $0x2  }
0x737: {  	v33 =	vld [tilespmem:s0+$0x13470];
	p0 =	slt.u32 s4, $0x3C  }
0x738: {  	v34 =	vld [tilespmem:s0+$0x13280]  }
0x739: {  	v35 =	vld [tilespmem:s0+$0x13290]  }
0x73a: {  	v36 =	vld [tilespmem:s0+$0x132A0]  }
0x73b: {  	v37 =	vld [tilespmem:s0+$0x132B0]  }
0x73c: {  	[tilespmem:s0+$0xB470] =	vst.add.f32.msk $0xffff, v33  }
0x73d: {  	v38 =	vld [tilespmem:s0+$0x132C0]  }
0x73e: {  	v39 =	vld [tilespmem:s0+$0x132D0]  }
0x73f: {  	v40 =	vld [tilespmem:s0+$0x132E0]  }
0x740: {  	v41 =	vld [tilespmem:s0+$0x132F0]  }
0x741: {  	v42 =	vld [tilespmem:s0+$0x13300]  }
0x742: {  	v43 =	vld [tilespmem:s0+$0x13310]  }
0x743: {  	v44 =	vld [tilespmem:s0+$0x13320]  }
0x744: {  	v45 =	vld [tilespmem:s0+$0x13330]  }
0x745: {  	v46 =	vld [tilespmem:s0+$0x13340]  }
0x746: {  	v47 =	vld [tilespmem:s0+$0x13350]  }
0x747: {  	v48 =	vld [tilespmem:s0+$0x13360]  }
0x748: {  	v49 =	vld [tilespmem:s0+$0x13370]  }
0x749: {  	v50 =	vld [tilespmem:s0+$0x13380]  }
0x74a: {  	v51 =	vld [tilespmem:s0+$0x13390]  }
0x74b: {  	v52 =	vld [tilespmem:s0+$0x133A0]  }
0x74c: {  	v53 =	vld [tilespmem:s0+$0x133B0]  }
0x74d: {  	v54 =	vld [tilespmem:s0+$0x133C0]  }
0x74e: {  	v55 =	vld [tilespmem:s0+$0x133D0]  }
0x74f: {  	v56 =	vld [tilespmem:s0+$0x133E0]  }
0x750: {  	v57 =	vld [tilespmem:s0+$0x133F0]  }
0x751: {  	v58 =	vld [tilespmem:s0+$0x13400]  }
0x752: {  	v59 =	vld [tilespmem:s0+$0x13410]  }
0x753: {  	v60 =	vld [tilespmem:s0+$0x13420]  }
0x754: {  	v61 =	vld [tilespmem:s0+$0x13430]  }
0x755: {  	v62 =	vld [tilespmem:s0+$0x13440]  }
0x756: {  	v63 =	vld [tilespmem:s0+$0x13450]  }
0x757: {  	v33 =	vld [tilespmem:s0+$0x13460]  }
0x758: {  	[tilespmem:s0+$0xB280] =	vst.add.f32.msk $0xffff, v34  }
0x759: {  	[tilespmem:s0+$0xB290] =	vst.add.f32.msk $0xffff, v35  }
0x75a: {  	[tilespmem:s0+$0xB2A0] =	vst.add.f32.msk $0xffff, v36  }
0x75b: {  	[tilespmem:s0+$0xB2B0] =	vst.add.f32.msk $0xffff, v37  }
0x75c: {  	[tilespmem:s0+$0xB2C0] =	vst.add.f32.msk $0xffff, v38  }
0x75d: {  	[tilespmem:s0+$0xB2D0] =	vst.add.f32.msk $0xffff, v39  }
0x75e: {  	[tilespmem:s0+$0xB2E0] =	vst.add.f32.msk $0xffff, v40  }
0x75f: {  	[tilespmem:s0+$0xB2F0] =	vst.add.f32.msk $0xffff, v41  }
0x760: {  	[tilespmem:s0+$0xB300] =	vst.add.f32.msk $0xffff, v42  }
0x761: {  	[tilespmem:s0+$0xB310] =	vst.add.f32.msk $0xffff, v43  }
0x762: {  	[tilespmem:s0+$0xB320] =	vst.add.f32.msk $0xffff, v44  }
0x763: {  	[tilespmem:s0+$0xB330] =	vst.add.f32.msk $0xffff, v45  }
0x764: {  	[tilespmem:s0+$0xB340] =	vst.add.f32.msk $0xffff, v46  }
0x765: {  	[tilespmem:s0+$0xB350] =	vst.add.f32.msk $0xffff, v47  }
0x766: {  	[tilespmem:s0+$0xB360] =	vst.add.f32.msk $0xffff, v48  }
0x767: {  	[tilespmem:s0+$0xB370] =	vst.add.f32.msk $0xffff, v49  }
0x768: {  	[tilespmem:s0+$0xB380] =	vst.add.f32.msk $0xffff, v50  }
0x769: {  	[tilespmem:s0+$0xB390] =	vst.add.f32.msk $0xffff, v51  }
0x76a: {  	[tilespmem:s0+$0xB3A0] =	vst.add.f32.msk $0xffff, v52  }
0x76b: {  	[tilespmem:s0+$0xB3B0] =	vst.add.f32.msk $0xffff, v53  }
0x76c: {  	[tilespmem:s0+$0xB3C0] =	vst.add.f32.msk $0xffff, v54  }
0x76d: {  	[tilespmem:s0+$0xB3D0] =	vst.add.f32.msk $0xffff, v55  }
0x76e: {  	[tilespmem:s0+$0xB3E0] =	vst.add.f32.msk $0xffff, v56  }
0x76f: {  	[tilespmem:s0+$0xB3F0] =	vst.add.f32.msk $0xffff, v57  }
0x770: {  	[tilespmem:s0+$0xB400] =	vst.add.f32.msk $0xffff, v58  }
.Ltmp11:
0x771: {  	[tilespmem:s0+$0xB410] =	vst.add.f32.msk $0xffff, v59;
	(pc) =	sbr.rel @p0 .LBB2_24-.Ltmp11, $4  }
0x772: {  	[tilespmem:s0+$0xB420] =	vst.add.f32.msk $0xffff, v60  }
0x773: {  	[tilespmem:s0+$0xB430] =	vst.add.f32.msk $0xffff, v61  }
0x774: {  	[tilespmem:s0+$0xB440] =	vst.add.f32.msk $0xffff, v62  }
0x775: {  	s6 =	sadd.s32 $0x800, s6;
	[tilespmem:s0+$0xB450] =	vst.add.f32.msk $0xffff, v63  }
0x776: {  	[tilespmem:s0+$0xB460] =	vst.add.f32.msk $0xffff, v33  }
0x777: {  	s1 =	sld [smem:$0x7FA];
	_ =	sdelay $0x1  }
0x778: {  	s18 =	simm.s32 $0x0;
	s29 =	simm.s32 $0x5  }
0x779: {  	[hbm4b:s1+s18] =	stream.linear.scatter [tilespmem:s12], [sflag:$0xC], $0x2000, $0x38;
	[tilespmem:$0x19280] =	vst v63  }
0x77a: {  	_ =	swait.ge [sflag:s29], $0x2000  }
0x77b: {  	[sflag:s29] =	ssyncset.done $0x0  }
0x77c: {  	s31 =	simm.s32 $0x9;
	[sflag:s29] =	ssyncadd.s32 $0xFFFFE000  }
0x77d: {  	_ =	swait.ge [sflag:s31], $0x2000  }
0x77e: {  	[sflag:s31] =	ssyncset.done $0x0  }
0x77f: {  	s0 =	simm.s32 $0x0;
	[sflag:s31] =	ssyncadd.s32 $0xFFFFE000  }
0x780: {  	v63 =	vld [tilespmem:s0+$0x15470]  }
0x781: {  	v34 =	vld [tilespmem:s0+$0x15280]  }
0x782: {  	v35 =	vld [tilespmem:s0+$0x15290]  }
0x783: {  	v36 =	vld [tilespmem:s0+$0x152A0]  }
0x784: {  	v37 =	vld [tilespmem:s0+$0x152B0]  }
0x785: {  	v38 =	vld [tilespmem:s0+$0x152C0]  }
0x786: {  	v39 =	vld [tilespmem:s0+$0x152D0]  }
0x787: {  	v40 =	vld [tilespmem:s0+$0x152E0]  }
0x788: {  	v41 =	vld [tilespmem:s0+$0x152F0]  }
0x789: {  	v42 =	vld [tilespmem:s0+$0x15300]  }
0x78a: {  	v43 =	vld [tilespmem:s0+$0x15310]  }
0x78b: {  	v44 =	vld [tilespmem:s0+$0x15320]  }
0x78c: {  	v45 =	vld [tilespmem:s0+$0x15330]  }
0x78d: {  	v46 =	vld [tilespmem:s0+$0x15340]  }
0x78e: {  	v47 =	vld [tilespmem:s0+$0x15350]  }
0x78f: {  	v48 =	vld [tilespmem:s0+$0x15360]  }
0x790: {  	v49 =	vld [tilespmem:s0+$0x15370]  }
0x791: {  	v50 =	vld [tilespmem:s0+$0x15380]  }
0x792: {  	v51 =	vld [tilespmem:s0+$0x15390]  }
0x793: {  	v52 =	vld [tilespmem:s0+$0x153A0]  }
0x794: {  	v53 =	vld [tilespmem:s0+$0x153B0]  }
0x795: {  	v54 =	vld [tilespmem:s0+$0x153C0]  }
0x796: {  	v55 =	vld [tilespmem:s0+$0x153D0]  }
0x797: {  	v56 =	vld [tilespmem:s0+$0x153E0]  }
0x798: {  	v57 =	vld [tilespmem:s0+$0x153F0]  }
0x799: {  	v58 =	vld [tilespmem:s0+$0x15400]  }
0x79a: {  	v59 =	vld [tilespmem:s0+$0x15410]  }
0x79b: {  	v60 =	vld [tilespmem:s0+$0x15420]  }
0x79c: {  	v61 =	vld [tilespmem:s0+$0x15430]  }
0x79d: {  	v62 =	vld [tilespmem:s0+$0x15440]  }
0x79e: {  	v33 =	vld [tilespmem:s0+$0x15460]  }
0x79f: {  	[tilespmem:s0+$0xD470] =	vst.add.f32.msk $0xffff, v63  }
0x7a0: {  	v63 =	vld [tilespmem:s0+$0x15450]  }
0x7a1: {  	[tilespmem:s0+$0xD280] =	vst.add.f32.msk $0xffff, v34  }
0x7a2: {  	[tilespmem:s0+$0xD290] =	vst.add.f32.msk $0xffff, v35  }
0x7a3: {  	[tilespmem:s0+$0xD2A0] =	vst.add.f32.msk $0xffff, v36  }
0x7a4: {  	[tilespmem:s0+$0xD2B0] =	vst.add.f32.msk $0xffff, v37  }
0x7a5: {  	[tilespmem:s0+$0xD2C0] =	vst.add.f32.msk $0xffff, v38  }
0x7a6: {  	[tilespmem:s0+$0xD2D0] =	vst.add.f32.msk $0xffff, v39  }
0x7a7: {  	[tilespmem:s0+$0xD2E0] =	vst.add.f32.msk $0xffff, v40  }
0x7a8: {  	[tilespmem:s0+$0xD2F0] =	vst.add.f32.msk $0xffff, v41  }
0x7a9: {  	[tilespmem:s0+$0xD300] =	vst.add.f32.msk $0xffff, v42  }
0x7aa: {  	[tilespmem:s0+$0xD310] =	vst.add.f32.msk $0xffff, v43  }
0x7ab: {  	[tilespmem:s0+$0xD320] =	vst.add.f32.msk $0xffff, v44  }
0x7ac: {  	[tilespmem:s0+$0xD330] =	vst.add.f32.msk $0xffff, v45  }
0x7ad: {  	[tilespmem:s0+$0xD340] =	vst.add.f32.msk $0xffff, v46  }
0x7ae: {  	[tilespmem:s0+$0xD350] =	vst.add.f32.msk $0xffff, v47  }
0x7af: {  	[tilespmem:s0+$0xD360] =	vst.add.f32.msk $0xffff, v48  }
0x7b0: {  	[tilespmem:s0+$0xD370] =	vst.add.f32.msk $0xffff, v49  }
0x7b1: {  	[tilespmem:s0+$0xD380] =	vst.add.f32.msk $0xffff, v50  }
0x7b2: {  	[tilespmem:s0+$0xD390] =	vst.add.f32.msk $0xffff, v51  }
0x7b3: {  	[tilespmem:s0+$0xD3A0] =	vst.add.f32.msk $0xffff, v52  }
0x7b4: {  	[tilespmem:s0+$0xD3B0] =	vst.add.f32.msk $0xffff, v53  }
0x7b5: {  	[tilespmem:s0+$0xD3C0] =	vst.add.f32.msk $0xffff, v54  }
0x7b6: {  	[tilespmem:s0+$0xD3D0] =	vst.add.f32.msk $0xffff, v55  }
0x7b7: {  	[tilespmem:s0+$0xD3E0] =	vst.add.f32.msk $0xffff, v56  }
0x7b8: {  	[tilespmem:s0+$0xD3F0] =	vst.add.f32.msk $0xffff, v57  }
0x7b9: {  	[tilespmem:s0+$0xD400] =	vst.add.f32.msk $0xffff, v58  }
0x7ba: {  	[tilespmem:s0+$0xD410] =	vst.add.f32.msk $0xffff, v59  }
0x7bb: {  	[tilespmem:s0+$0xD420] =	vst.add.f32.msk $0xffff, v60  }
0x7bc: {  	[tilespmem:s0+$0xD430] =	vst.add.f32.msk $0xffff, v61  }
0x7bd: {  	[tilespmem:s0+$0xD440] =	vst.add.f32.msk $0xffff, v62  }
0x7be: {  	s4 =	simm.s32 $0x0;
	s6 =	simm.s32 $0x800;
	[tilespmem:s0+$0xD450] =	vst.add.f32.msk $0xffff, v63  }
.LBB2_26:
0x7bf: {  	s4 =	sadd.s32 $0x4, s4;
	[tilespmem:s0+$0xD460] =	vst.add.f32.msk $0xffff, v33;
	s0 =	sshra.s32 s6, $0x2  }
0x7c0: {  	v33 =	vld [tilespmem:s0+$0x15470];
	p0 =	slt.u32 s4, $0x3C  }
0x7c1: {  	v34 =	vld [tilespmem:s0+$0x15280]  }
0x7c2: {  	v35 =	vld [tilespmem:s0+$0x15290]  }
0x7c3: {  	v36 =	vld [tilespmem:s0+$0x152A0]  }
0x7c4: {  	v37 =	vld [tilespmem:s0+$0x152B0]  }
0x7c5: {  	[tilespmem:s0+$0xD470] =	vst.add.f32.msk $0xffff, v33  }
0x7c6: {  	v38 =	vld [tilespmem:s0+$0x152C0]  }
0x7c7: {  	v39 =	vld [tilespmem:s0+$0x152D0]  }
0x7c8: {  	v40 =	vld [tilespmem:s0+$0x152E0]  }
0x7c9: {  	v41 =	vld [tilespmem:s0+$0x152F0]  }
0x7ca: {  	v42 =	vld [tilespmem:s0+$0x15300]  }
0x7cb: {  	v43 =	vld [tilespmem:s0+$0x15310]  }
0x7cc: {  	v44 =	vld [tilespmem:s0+$0x15320]  }
0x7cd: {  	v45 =	vld [tilespmem:s0+$0x15330]  }
0x7ce: {  	v46 =	vld [tilespmem:s0+$0x15340]  }
0x7cf: {  	v47 =	vld [tilespmem:s0+$0x15350]  }
0x7d0: {  	v48 =	vld [tilespmem:s0+$0x15360]  }
0x7d1: {  	v49 =	vld [tilespmem:s0+$0x15370]  }
0x7d2: {  	v50 =	vld [tilespmem:s0+$0x15380]  }
0x7d3: {  	v51 =	vld [tilespmem:s0+$0x15390]  }
0x7d4: {  	v52 =	vld [tilespmem:s0+$0x153A0]  }
0x7d5: {  	v53 =	vld [tilespmem:s0+$0x153B0]  }
0x7d6: {  	v54 =	vld [tilespmem:s0+$0x153C0]  }
0x7d7: {  	v55 =	vld [tilespmem:s0+$0x153D0]  }
0x7d8: {  	v56 =	vld [tilespmem:s0+$0x153E0]  }
0x7d9: {  	v57 =	vld [tilespmem:s0+$0x153F0]  }
0x7da: {  	v58 =	vld [tilespmem:s0+$0x15400]  }
0x7db: {  	v59 =	vld [tilespmem:s0+$0x15410]  }
0x7dc: {  	v60 =	vld [tilespmem:s0+$0x15420]  }
0x7dd: {  	v61 =	vld [tilespmem:s0+$0x15430]  }
0x7de: {  	v62 =	vld [tilespmem:s0+$0x15440]  }
0x7df: {  	v63 =	vld [tilespmem:s0+$0x15450]  }
0x7e0: {  	v33 =	vld [tilespmem:s0+$0x15460]  }
0x7e1: {  	[tilespmem:s0+$0xD280] =	vst.add.f32.msk $0xffff, v34  }
0x7e2: {  	[tilespmem:s0+$0xD290] =	vst.add.f32.msk $0xffff, v35  }
0x7e3: {  	[tilespmem:s0+$0xD2A0] =	vst.add.f32.msk $0xffff, v36  }
0x7e4: {  	[tilespmem:s0+$0xD2B0] =	vst.add.f32.msk $0xffff, v37  }
0x7e5: {  	[tilespmem:s0+$0xD2C0] =	vst.add.f32.msk $0xffff, v38  }
0x7e6: {  	[tilespmem:s0+$0xD2D0] =	vst.add.f32.msk $0xffff, v39  }
0x7e7: {  	[tilespmem:s0+$0xD2E0] =	vst.add.f32.msk $0xffff, v40  }
0x7e8: {  	[tilespmem:s0+$0xD2F0] =	vst.add.f32.msk $0xffff, v41  }
0x7e9: {  	[tilespmem:s0+$0xD300] =	vst.add.f32.msk $0xffff, v42  }
0x7ea: {  	[tilespmem:s0+$0xD310] =	vst.add.f32.msk $0xffff, v43  }
0x7eb: {  	[tilespmem:s0+$0xD320] =	vst.add.f32.msk $0xffff, v44  }
0x7ec: {  	[tilespmem:s0+$0xD330] =	vst.add.f32.msk $0xffff, v45  }
0x7ed: {  	[tilespmem:s0+$0xD340] =	vst.add.f32.msk $0xffff, v46  }
0x7ee: {  	[tilespmem:s0+$0xD350] =	vst.add.f32.msk $0xffff, v47  }
0x7ef: {  	[tilespmem:s0+$0xD360] =	vst.add.f32.msk $0xffff, v48  }
0x7f0: {  	[tilespmem:s0+$0xD370] =	vst.add.f32.msk $0xffff, v49  }
0x7f1: {  	[tilespmem:s0+$0xD380] =	vst.add.f32.msk $0xffff, v50  }
0x7f2: {  	[tilespmem:s0+$0xD390] =	vst.add.f32.msk $0xffff, v51  }
0x7f3: {  	[tilespmem:s0+$0xD3A0] =	vst.add.f32.msk $0xffff, v52  }
0x7f4: {  	[tilespmem:s0+$0xD3B0] =	vst.add.f32.msk $0xffff, v53  }
0x7f5: {  	[tilespmem:s0+$0xD3C0] =	vst.add.f32.msk $0xffff, v54  }
0x7f6: {  	[tilespmem:s0+$0xD3D0] =	vst.add.f32.msk $0xffff, v55  }
0x7f7: {  	[tilespmem:s0+$0xD3E0] =	vst.add.f32.msk $0xffff, v56  }
0x7f8: {  	[tilespmem:s0+$0xD3F0] =	vst.add.f32.msk $0xffff, v57  }
0x7f9: {  	[tilespmem:s0+$0xD400] =	vst.add.f32.msk $0xffff, v58  }
.Ltmp12:
0x7fa: {  	[tilespmem:s0+$0xD410] =	vst.add.f32.msk $0xffff, v59;
	(pc) =	sbr.rel @p0 .LBB2_26-.Ltmp12, $4  }
0x7fb: {  	[tilespmem:s0+$0xD420] =	vst.add.f32.msk $0xffff, v60  }
0x7fc: {  	[tilespmem:s0+$0xD430] =	vst.add.f32.msk $0xffff, v61  }
0x7fd: {  	[tilespmem:s0+$0xD440] =	vst.add.f32.msk $0xffff, v62  }
0x7fe: {  	s6 =	sadd.s32 $0x800, s6;
	[tilespmem:s0+$0xD450] =	vst.add.f32.msk $0xffff, v63  }
0x7ff: {  	[tilespmem:s0+$0xD460] =	vst.add.f32.msk $0xffff, v33  }
0x800: {  	s1 =	sld [smem:$0x7FB];
	_ =	sdelay $0x1  }
0x801: {  	s18 =	simm.s32 $0x0;
	s2 =	simm.s32 $0xD280;
	s29 =	simm.s32 $0x6  }
0x802: {  	[hbm4b:s1+s18] =	stream.linear.scatter [tilespmem:s2], [sflag:$0xD], $0x2000, $0x38;
	[tilespmem:$0x19280] =	vst v63  }
0x803: {  	_ =	swait.ge [sflag:s29], $0x2000  }
0x804: {  	[sflag:s29] =	ssyncset.done $0x0  }
0x805: {  	s31 =	simm.s32 $0xA;
	[sflag:s29] =	ssyncadd.s32 $0xFFFFE000  }
0x806: {  	_ =	swait.ge [sflag:s31], $0x2000  }
0x807: {  	[sflag:s31] =	ssyncset.done $0x0  }
0x808: {  	s0 =	simm.s32 $0x0;
	[sflag:s31] =	ssyncadd.s32 $0xFFFFE000  }
0x809: {  	v63 =	vld [tilespmem:s0+$0x17470]  }
0x80a: {  	v34 =	vld [tilespmem:s0+$0x17280]  }
0x80b: {  	v35 =	vld [tilespmem:s0+$0x17290]  }
0x80c: {  	v36 =	vld [tilespmem:s0+$0x172A0]  }
0x80d: {  	v37 =	vld [tilespmem:s0+$0x172B0]  }
0x80e: {  	v38 =	vld [tilespmem:s0+$0x172C0]  }
0x80f: {  	v39 =	vld [tilespmem:s0+$0x172D0]  }
0x810: {  	v40 =	vld [tilespmem:s0+$0x172E0]  }
0x811: {  	v41 =	vld [tilespmem:s0+$0x172F0]  }
0x812: {  	v42 =	vld [tilespmem:s0+$0x17300]  }
0x813: {  	v43 =	vld [tilespmem:s0+$0x17310]  }
0x814: {  	v44 =	vld [tilespmem:s0+$0x17320]  }
0x815: {  	v45 =	vld [tilespmem:s0+$0x17330]  }
0x816: {  	v46 =	vld [tilespmem:s0+$0x17340]  }
0x817: {  	v47 =	vld [tilespmem:s0+$0x17350]  }
0x818: {  	v48 =	vld [tilespmem:s0+$0x17360]  }
0x819: {  	v49 =	vld [tilespmem:s0+$0x17370]  }
0x81a: {  	v50 =	vld [tilespmem:s0+$0x17380]  }
0x81b: {  	v51 =	vld [tilespmem:s0+$0x17390]  }
0x81c: {  	v52 =	vld [tilespmem:s0+$0x173A0]  }
0x81d: {  	v53 =	vld [tilespmem:s0+$0x173B0]  }
0x81e: {  	v54 =	vld [tilespmem:s0+$0x173C0]  }
0x81f: {  	v55 =	vld [tilespmem:s0+$0x173D0]  }
0x820: {  	v56 =	vld [tilespmem:s0+$0x173E0]  }
0x821: {  	v57 =	vld [tilespmem:s0+$0x173F0]  }
0x822: {  	v58 =	vld [tilespmem:s0+$0x17400]  }
0x823: {  	v59 =	vld [tilespmem:s0+$0x17410]  }
0x824: {  	v60 =	vld [tilespmem:s0+$0x17420]  }
0x825: {  	v61 =	vld [tilespmem:s0+$0x17430]  }
0x826: {  	v62 =	vld [tilespmem:s0+$0x17440]  }
0x827: {  	v33 =	vld [tilespmem:s0+$0x17460]  }
0x828: {  	[tilespmem:s0+$0xF470] =	vst.add.f32.msk $0xffff, v63  }
0x829: {  	v63 =	vld [tilespmem:s0+$0x17450]  }
0x82a: {  	[tilespmem:s0+$0xF280] =	vst.add.f32.msk $0xffff, v34  }
0x82b: {  	[tilespmem:s0+$0xF290] =	vst.add.f32.msk $0xffff, v35  }
0x82c: {  	[tilespmem:s0+$0xF2A0] =	vst.add.f32.msk $0xffff, v36  }
0x82d: {  	[tilespmem:s0+$0xF2B0] =	vst.add.f32.msk $0xffff, v37  }
0x82e: {  	[tilespmem:s0+$0xF2C0] =	vst.add.f32.msk $0xffff, v38  }
0x82f: {  	[tilespmem:s0+$0xF2D0] =	vst.add.f32.msk $0xffff, v39  }
0x830: {  	[tilespmem:s0+$0xF2E0] =	vst.add.f32.msk $0xffff, v40  }
0x831: {  	[tilespmem:s0+$0xF2F0] =	vst.add.f32.msk $0xffff, v41  }
0x832: {  	[tilespmem:s0+$0xF300] =	vst.add.f32.msk $0xffff, v42  }
0x833: {  	[tilespmem:s0+$0xF310] =	vst.add.f32.msk $0xffff, v43  }
0x834: {  	[tilespmem:s0+$0xF320] =	vst.add.f32.msk $0xffff, v44  }
0x835: {  	[tilespmem:s0+$0xF330] =	vst.add.f32.msk $0xffff, v45  }
0x836: {  	[tilespmem:s0+$0xF340] =	vst.add.f32.msk $0xffff, v46  }
0x837: {  	[tilespmem:s0+$0xF350] =	vst.add.f32.msk $0xffff, v47  }
0x838: {  	[tilespmem:s0+$0xF360] =	vst.add.f32.msk $0xffff, v48  }
0x839: {  	[tilespmem:s0+$0xF370] =	vst.add.f32.msk $0xffff, v49  }
0x83a: {  	[tilespmem:s0+$0xF380] =	vst.add.f32.msk $0xffff, v50  }
0x83b: {  	[tilespmem:s0+$0xF390] =	vst.add.f32.msk $0xffff, v51  }
0x83c: {  	[tilespmem:s0+$0xF3A0] =	vst.add.f32.msk $0xffff, v52  }
0x83d: {  	[tilespmem:s0+$0xF3B0] =	vst.add.f32.msk $0xffff, v53  }
0x83e: {  	[tilespmem:s0+$0xF3C0] =	vst.add.f32.msk $0xffff, v54  }
0x83f: {  	[tilespmem:s0+$0xF3D0] =	vst.add.f32.msk $0xffff, v55  }
0x840: {  	[tilespmem:s0+$0xF3E0] =	vst.add.f32.msk $0xffff, v56  }
0x841: {  	[tilespmem:s0+$0xF3F0] =	vst.add.f32.msk $0xffff, v57  }
0x842: {  	[tilespmem:s0+$0xF400] =	vst.add.f32.msk $0xffff, v58  }
0x843: {  	[tilespmem:s0+$0xF410] =	vst.add.f32.msk $0xffff, v59  }
0x844: {  	[tilespmem:s0+$0xF420] =	vst.add.f32.msk $0xffff, v60  }
0x845: {  	[tilespmem:s0+$0xF430] =	vst.add.f32.msk $0xffff, v61  }
0x846: {  	[tilespmem:s0+$0xF440] =	vst.add.f32.msk $0xffff, v62  }
0x847: {  	s4 =	simm.s32 $0x0;
	s6 =	simm.s32 $0x800;
	[tilespmem:s0+$0xF450] =	vst.add.f32.msk $0xffff, v63  }
.LBB2_28:
0x848: {  	s4 =	sadd.s32 $0x4, s4;
	[tilespmem:s0+$0xF460] =	vst.add.f32.msk $0xffff, v33;
	s0 =	sshra.s32 s6, $0x2  }
0x849: {  	v33 =	vld [tilespmem:s0+$0x17470];
	p0 =	slt.u32 s4, $0x3C  }
0x84a: {  	v34 =	vld [tilespmem:s0+$0x17280]  }
0x84b: {  	v35 =	vld [tilespmem:s0+$0x17290]  }
0x84c: {  	v36 =	vld [tilespmem:s0+$0x172A0]  }
0x84d: {  	v37 =	vld [tilespmem:s0+$0x172B0]  }
0x84e: {  	[tilespmem:s0+$0xF470] =	vst.add.f32.msk $0xffff, v33  }
0x84f: {  	v38 =	vld [tilespmem:s0+$0x172C0]  }
0x850: {  	v39 =	vld [tilespmem:s0+$0x172D0]  }
0x851: {  	v40 =	vld [tilespmem:s0+$0x172E0]  }
0x852: {  	v41 =	vld [tilespmem:s0+$0x172F0]  }
0x853: {  	v42 =	vld [tilespmem:s0+$0x17300]  }
0x854: {  	v43 =	vld [tilespmem:s0+$0x17310]  }
0x855: {  	v44 =	vld [tilespmem:s0+$0x17320]  }
0x856: {  	v45 =	vld [tilespmem:s0+$0x17330]  }
0x857: {  	v46 =	vld [tilespmem:s0+$0x17340]  }
0x858: {  	v47 =	vld [tilespmem:s0+$0x17350]  }
0x859: {  	v48 =	vld [tilespmem:s0+$0x17360]  }
0x85a: {  	v49 =	vld [tilespmem:s0+$0x17370]  }
0x85b: {  	v50 =	vld [tilespmem:s0+$0x17380]  }
0x85c: {  	v51 =	vld [tilespmem:s0+$0x17390]  }
0x85d: {  	v52 =	vld [tilespmem:s0+$0x173A0]  }
0x85e: {  	v53 =	vld [tilespmem:s0+$0x173B0]  }
0x85f: {  	v54 =	vld [tilespmem:s0+$0x173C0]  }
0x860: {  	v55 =	vld [tilespmem:s0+$0x173D0]  }
0x861: {  	v56 =	vld [tilespmem:s0+$0x173E0]  }
0x862: {  	v57 =	vld [tilespmem:s0+$0x173F0]  }
0x863: {  	v58 =	vld [tilespmem:s0+$0x17400]  }
0x864: {  	v59 =	vld [tilespmem:s0+$0x17410]  }
0x865: {  	v60 =	vld [tilespmem:s0+$0x17420]  }
0x866: {  	v61 =	vld [tilespmem:s0+$0x17430]  }
0x867: {  	v62 =	vld [tilespmem:s0+$0x17440]  }
0x868: {  	v63 =	vld [tilespmem:s0+$0x17450]  }
0x869: {  	v33 =	vld [tilespmem:s0+$0x17460]  }
0x86a: {  	[tilespmem:s0+$0xF280] =	vst.add.f32.msk $0xffff, v34  }
0x86b: {  	[tilespmem:s0+$0xF290] =	vst.add.f32.msk $0xffff, v35  }
0x86c: {  	[tilespmem:s0+$0xF2A0] =	vst.add.f32.msk $0xffff, v36  }
0x86d: {  	[tilespmem:s0+$0xF2B0] =	vst.add.f32.msk $0xffff, v37  }
0x86e: {  	[tilespmem:s0+$0xF2C0] =	vst.add.f32.msk $0xffff, v38  }
0x86f: {  	[tilespmem:s0+$0xF2D0] =	vst.add.f32.msk $0xffff, v39  }
0x870: {  	[tilespmem:s0+$0xF2E0] =	vst.add.f32.msk $0xffff, v40  }
0x871: {  	[tilespmem:s0+$0xF2F0] =	vst.add.f32.msk $0xffff, v41  }
0x872: {  	[tilespmem:s0+$0xF300] =	vst.add.f32.msk $0xffff, v42  }
0x873: {  	[tilespmem:s0+$0xF310] =	vst.add.f32.msk $0xffff, v43  }
0x874: {  	[tilespmem:s0+$0xF320] =	vst.add.f32.msk $0xffff, v44  }
0x875: {  	[tilespmem:s0+$0xF330] =	vst.add.f32.msk $0xffff, v45  }
0x876: {  	[tilespmem:s0+$0xF340] =	vst.add.f32.msk $0xffff, v46  }
0x877: {  	[tilespmem:s0+$0xF350] =	vst.add.f32.msk $0xffff, v47  }
0x878: {  	[tilespmem:s0+$0xF360] =	vst.add.f32.msk $0xffff, v48  }
0x879: {  	[tilespmem:s0+$0xF370] =	vst.add.f32.msk $0xffff, v49  }
0x87a: {  	[tilespmem:s0+$0xF380] =	vst.add.f32.msk $0xffff, v50  }
0x87b: {  	[tilespmem:s0+$0xF390] =	vst.add.f32.msk $0xffff, v51  }
0x87c: {  	[tilespmem:s0+$0xF3A0] =	vst.add.f32.msk $0xffff, v52  }
0x87d: {  	[tilespmem:s0+$0xF3B0] =	vst.add.f32.msk $0xffff, v53  }
0x87e: {  	[tilespmem:s0+$0xF3C0] =	vst.add.f32.msk $0xffff, v54  }
0x87f: {  	[tilespmem:s0+$0xF3D0] =	vst.add.f32.msk $0xffff, v55  }
0x880: {  	[tilespmem:s0+$0xF3E0] =	vst.add.f32.msk $0xffff, v56  }
0x881: {  	[tilespmem:s0+$0xF3F0] =	vst.add.f32.msk $0xffff, v57  }
0x882: {  	[tilespmem:s0+$0xF400] =	vst.add.f32.msk $0xffff, v58  }
.Ltmp13:
0x883: {  	[tilespmem:s0+$0xF410] =	vst.add.f32.msk $0xffff, v59;
	(pc) =	sbr.rel @p0 .LBB2_28-.Ltmp13, $4  }
0x884: {  	[tilespmem:s0+$0xF420] =	vst.add.f32.msk $0xffff, v60  }
0x885: {  	[tilespmem:s0+$0xF430] =	vst.add.f32.msk $0xffff, v61  }
0x886: {  	[tilespmem:s0+$0xF440] =	vst.add.f32.msk $0xffff, v62  }
0x887: {  	s6 =	sadd.s32 $0x800, s6;
	[tilespmem:s0+$0xF450] =	vst.add.f32.msk $0xffff, v63  }
0x888: {  	[tilespmem:s0+$0xF460] =	vst.add.f32.msk $0xffff, v33  }
0x889: {  	s0 =	sld [smem:$0x7FC];
	_ =	sdelay $0x1  }
0x88a: {  	s18 =	simm.s32 $0xB  }
0x88b: {  	[hbm4b:s0+s8] =	stream.linear.scatter [tilespmem:s28], [sflag:$0xE], $0x2000, $0x38;
	[tilespmem:$0x19280] =	vst v63  }
0x88c: {  	_ =	swait.ge [sflag:s18], $0x2000  }
0x88d: {  	[sflag:s18] =	ssyncset.done $0x0  }
0x88e: {  	s29 =	simm.s32 $0xC;
	[sflag:s18] =	ssyncadd.s32 $0xFFFFE000  }
0x88f: {  	_ =	swait.ge [sflag:s29], $0x2000  }
0x890: {  	[sflag:s29] =	ssyncset.done $0x0  }
0x891: {  	[sflag:s29] =	ssyncadd.s32 $0xFFFFE000  }
0x892: {  	_ =	swait.ge [sflag:s19], $0x2000  }
0x893: {  	[sflag:s19] =	ssyncset.done $0x0  }
0x894: {  	[sflag:s19] =	ssyncadd.s32 $0xFFFFE000  }
0x895: {  	_ =	swait.ge [sflag:s26], $0x2000  }
0x896: {  	s1 =	sld [smem:$0x7F6]  }
0x897: {  	s31 =	sld [smem:$0x7FD];
	_ =	sdelay $0x1  }
0x898: {  	s1 =	sadd.s32 $0x1, s1  }
0x899: {  	p0 =	sne.s32 s1, s31  }
.Ltmp14:
0x89a: {  	_ = 	snop;
	(pc) =	sbr.rel @p0 .LBB2_1-.Ltmp14, $3  }
0x89b: {  	_ =	sdelay $0x1  }
0x89c: {  	[sflag:s26] =	ssyncset.done $0x0  }
0x89d: {  	s2 =	simm.s32 $0xF;
	[sflag:s26] =	ssyncadd.s32 $0xFFFFE000  }
0x89e: {  	_ =	sfence.sel $0x180000  }
0x89f: {  	[bflag:$0x0] =	sbarrier.arrive $0xFFFF  }
0x8a0: {  	_ =	strace $0x90000047  }
0x8a1: {  	s0 =	stileid.u32;
	[bflag:$0x2] =	sbarrier.arrive $0xFFFF  }
0x8a2: {  	p0 =	sne.s32 s0, $0x0;
	s0 =	rddreg [dreg:$0x5]  }
0x8a3: {  	s0 =	sadd.s32 @!p0 $0x100000, s0  }
0x8a4: {  	[sflag:s0] =	ssyncadd.tile.s32 @!p0 $0x1;
	_ =	shalt  }
.Lfunc_end2:
_tile_overlayer_lowered:
.L_overlay_start_2:
0x8a5: {  	(tag) =	ssettag $0x2  }
0x8a6: {  	s0 =	rddreg [dreg:$0x0];
	s2 =	stileid.u32  }
0x8a7: {  	s1 =	rddreg [dreg:$0x1];
	p0 =	sne.s32 s2, $0x0  }
0x8a8: {  	s3 =	rddreg [dreg:$0x2];
	[bflag:$0x3] =	sbarrier.arrive $0xFFFF;
	s2 =	simm.s32 @!p0 $0x1C0F  }
0x8a9: {  	[timem:s3], [sflag:s2] =	dma.local @!p0 [hbm:s0], s1  }
0x8aa: {  	s0 =	simm.s32 @!p0 $0xF  }
0x8ab: {  	_ =	swait.ge @!p0 [sflag:s0], s1  }
0x8ac: {  	s1 =	ssub.s32 @!p0 $0x0, s1;
	[sflag:s0] =	ssyncset.done @!p0 $0x0  }
0x8ad: {  	[sflag:s0] =	ssyncadd.s32 @!p0 s1  }
0x8ae: {  	[bflag:$0x3] =	sbarrier.arrive $0xFFFF  }
0x8af: {  	_ =	shalt  }

</sc_bundles>
